<compile_context>
chip_gen: v7x
topology: tpu7x:2x2x1
jax: 0.10.2.dev20260603
libtpu: 0.0.44.dev20260713+nightly
codegen_flags: <defaults>
</compile_context>

<pallas_src>
import functools

import jax
import jax.numpy as jnp
from jax import lax
from jax.experimental import pallas as pl
from jax.experimental.pallas import tpu as pltpu
from jax.experimental.pallas import tpu_sc as plsc

N_NODES = 10000
N_INC = 160000
M = 10240
D = 512
CH = 128
NCH = D // CH
NC = 2
NS = 16
B = 128
SB = 64
N_INC_PAD = 163840
SEG_STEPS = N_INC_PAD // NS // B
DEG_STEPS = N_INC_PAD // (NC * NS) // B
STRIPE = M // NS

@functools.cache
def _deg_kernel_fn():
    mesh = plsc.VectorSubcoreMesh(core_axis_name="c", subcore_axis_name="s",
                                  num_cores=NC, num_subcores=NS)
    return pl.kernel(
        _deg_body,
        out_type=jax.ShapeDtypeStruct((NC, 2, M, CH), jnp.float32),
        mesh=mesh,
        scratch_types=[
            pltpu.VMEM((2, DEG_STEPS, B), jnp.int32),
            pltpu.VMEM((B, CH), jnp.float32),
            pltpu.VMEM_SHARED((M, CH), jnp.float32),
        ],
    )


def _deg_body(nidx32, eidx32, ones, zeros, out, i_v, ones_v, acc_sh):
    c = lax.axis_index("c")
    s = lax.axis_index("s")
    wid = c * NS + s
    pltpu.sync_copy(nidx32.at[wid], i_v.at[0])
    pltpu.sync_copy(eidx32.at[wid], i_v.at[1])
    pltpu.sync_copy(ones, ones_v)
    for d in range(2):
        pltpu.sync_copy(zeros.at[pl.ds(s * STRIPE, STRIPE)],
                        acc_sh.at[pl.ds(s * STRIPE, STRIPE)])
        plsc.subcore_barrier()

        def body(j, carry):
            pltpu.sync_copy(ones_v, acc_sh.at[i_v.at[d, j]], add=True)
            return carry

        lax.fori_loop(0, DEG_STEPS, body, 0)
        plsc.subcore_barrier()
        pltpu.sync_copy(acc_sh.at[pl.ds(s * STRIPE, STRIPE)],
                        out.at[c, d, pl.ds(s * STRIPE, STRIPE)])
        plsc.subcore_barrier()


@functools.cache
def _seg_kernel_fn():
    mesh = plsc.VectorSubcoreMesh(core_axis_name="c", subcore_axis_name="s",
                                  num_cores=NC, num_subcores=NS)
    return pl.kernel(
        _seg_body,
        out_type=jax.ShapeDtypeStruct((NCH, M, CH), jnp.float32),
        mesh=mesh,
        scratch_types=[
            pltpu.VMEM((SEG_STEPS + 2, B), jnp.int32),
            pltpu.VMEM((2 * SEG_STEPS, SB), jnp.int32),
            pltpu.VMEM((SB, CH), jnp.float32),
            pltpu.VMEM((SB, CH), jnp.float32),
            pltpu.VMEM_SHARED((M, CH), jnp.float32),
            pltpu.SemaphoreType.DMA,
            pltpu.SemaphoreType.DMA,
        ],
    )


def _seg_body(table, src16, dst16, zeros, out,
              src_v, dst_v, rows0_v, rows1_v, acc_sh, sem0, sem1):
    c = lax.axis_index("c")
    s = lax.axis_index("s")
    pltpu.sync_copy(src16.at[s], src_v)
    pltpu.sync_copy(dst16.at[s], dst_v)
    for ci in range(NCH // NC):
        chunk = c * (NCH // NC) + ci

        def gat(jj, h, rows, sem):
            return pltpu.make_async_copy(
                table.at[chunk].at[src_v.at[jj, pl.ds(h * SB, SB)]],
                rows, sem)

        pltpu.sync_copy(zeros.at[pl.ds(s * STRIPE, STRIPE)],
                        acc_sh.at[pl.ds(s * STRIPE, STRIPE)])
        plsc.subcore_barrier()

        gat(0, 0, rows0_v, sem0).start()
        gat(0, 1, rows1_v, sem1).start()

        def body(jj, carry):
            for h, (rows, sem) in enumerate(
                    ((rows0_v, sem0), (rows1_v, sem1))):
                gat(jj, h, rows, sem).wait()
                pltpu.sync_copy(rows, acc_sh.at[dst_v.at[jj * 2 + h]],
                                add=True)
                gat(jj + 1, h, rows, sem).start()
            return carry

        lax.fori_loop(0, SEG_STEPS, body, 0)
        gat(0, 0, rows0_v, sem0).wait()
        gat(0, 1, rows1_v, sem1).wait()
        plsc.subcore_barrier()
        pltpu.sync_copy(acc_sh.at[pl.ds(s * STRIPE, STRIPE)],
                        out.at[chunk, pl.ds(s * STRIPE, STRIPE)])
        plsc.subcore_barrier()


def _mm(cin, apply_scale, mb=1280):

    def body(dinv_ref, x_ref, w_ref, out_ref):
        blks = []
        for ci in range(cin):
            blk = x_ref[ci]
            if apply_scale:
                blk = jnp.maximum(blk * dinv_ref[...], 0.0)
            blks.append(blk)
        xfull = jnp.concatenate(blks, axis=1)
        acc = jnp.dot(xfull, w_ref[...], preferred_element_type=jnp.float32)
        for co in range(NCH):
            out_ref[co] = acc[:, co * CH:(co + 1) * CH]

    return pl.pallas_call(
        body,
        grid=(M // mb,),
        in_specs=[
            pl.BlockSpec((mb, 1), lambda i: (i, 0)),
            pl.BlockSpec((cin, mb, CH), lambda i: (0, i, 0)),
            pl.BlockSpec((cin * CH, D), lambda i: (0, 0)),
        ],
        out_specs=pl.BlockSpec((NCH, mb, CH), lambda i: (0, i, 0)),
        out_shape=jax.ShapeDtypeStruct((NCH, M, CH), jnp.float32),
    )


def _final_scale(mb=1000):

    def body(dinv_ref, s_ref, out_ref):
        for co in range(NCH):
            out_ref[:, co * CH:(co + 1) * CH] = s_ref[co] * dinv_ref[...]

    return pl.pallas_call(
        body,
        grid=(N_NODES // mb,),
        in_specs=[
            pl.BlockSpec((mb, 1), lambda i: (i, 0)),
            pl.BlockSpec((NCH, mb, CH), lambda i: (0, i, 0)),
        ],
        out_specs=pl.BlockSpec((mb, D), lambda i: (i, 0)),
        out_shape=jax.ShapeDtypeStruct((N_NODES, D), jnp.float32),
    )


def kernel(x, hyperedge_index, W0_n2e, W0_e2n, W1_n2e, W1_e2n):
    node_idx = hyperedge_index[0]
    edge_idx = hyperedge_index[1]
    pad = N_INC_PAD - N_INC
    src_pad = jnp.zeros((pad,), jnp.int32)
    dst_pad = jnp.full((pad,), N_NODES, jnp.int32)
    src_n2e = jnp.concatenate([node_idx, src_pad])
    dst_n2e = jnp.concatenate([edge_idx, dst_pad])
    src_e2n = jnp.concatenate([edge_idx, src_pad])
    dst_e2n = jnp.concatenate([node_idx, dst_pad])

    def _src16(a):
        return jnp.pad(a.reshape(NS, SEG_STEPS, B), ((0, 0), (0, 2), (0, 0)))

    src_n2e16 = _src16(src_n2e)
    dst_n2e16 = dst_n2e.reshape(NS, 2 * SEG_STEPS, SB)
    src_e2n16 = _src16(src_e2n)
    dst_e2n16 = dst_e2n.reshape(NS, 2 * SEG_STEPS, SB)
    nidx32 = dst_e2n.reshape(NC * NS, DEG_STEPS, B)
    eidx32 = dst_n2e.reshape(NC * NS, DEG_STEPS, B)

    zeros = jnp.zeros((M, CH), jnp.float32)
    ones_row = jnp.zeros((B, CH), jnp.float32).at[:, 0].set(1.0)

    deg = _deg_kernel_fn()(nidx32, eidx32, ones_row, zeros)
    Dn = deg[0, 0, :, 0] + deg[1, 0, :, 0]
    De = deg[0, 1, :, 0] + deg[1, 1, :, 0]
    dn_inv = jnp.where(Dn > 0, 1.0 / Dn, 0.0).reshape(M, 1)
    de_inv = jnp.where(De > 0, 1.0 / De, 0.0).reshape(M, 1)
    ones_col = jnp.ones((M, 1), jnp.float32)

    x_pad = jnp.pad(x, ((0, M - N_NODES), (0, 0)))
    xc = x_pad.reshape(M, 2, CH).transpose(1, 0, 2)

    t0 = _mm(2, False)(ones_col, xc, W0_n2e)
    s_e0 = _seg_kernel_fn()(t0, src_n2e16, dst_n2e16, zeros)
    t1 = _mm(4, True)(de_inv, s_e0, W0_e2n)
    s_n0 = _seg_kernel_fn()(t1, src_e2n16, dst_e2n16, zeros)
    t2 = _mm(4, True)(dn_inv, s_n0, W1_n2e)
    s_e1 = _seg_kernel_fn()(t2, src_n2e16, dst_n2e16, zeros)
    t3 = _mm(4, True)(de_inv, s_e1, W1_e2n)
    s_n1 = _seg_kernel_fn()(t3, src_e2n16, dst_e2n16, zeros)
    return _final_scale()(dn_inv, s_n1)

# --- scband reference (transcript-rebuilt; emitter-appended) ---
"""Pipeline reference for scband-hypergraph-encoder-39951785788085 (READ-ONLY COPY).

The authoritative reference and input builder live on the scoring server;
editing this copy changes nothing except your own understanding.
"""

import jax, jax.numpy as jnp
import numpy as np

N_NODES = 10000
N_HEDGES = 10000
N_INC = 160000
IN_DIM = 256
EDGE_DIM = 512
NODE_DIM = 512


def setup_inputs(seed: int = 0) -> dict:
    key = jax.random.key(seed)
    ks = jax.random.split(key, 6)
    x = jax.random.normal(ks[0], (N_NODES, IN_DIM), dtype=jnp.float32)
    hyperedge_index = jax.random.randint(ks[1], (2, N_INC), 0, N_NODES, dtype=jnp.int32)
    W0_n2e = jax.random.normal(ks[2], (IN_DIM, EDGE_DIM), dtype=jnp.float32) * (1.0 / np.sqrt(IN_DIM))
    W0_e2n = jax.random.normal(ks[3], (EDGE_DIM, NODE_DIM), dtype=jnp.float32) * (1.0 / np.sqrt(EDGE_DIM))
    W1_n2e = jax.random.normal(ks[4], (NODE_DIM, EDGE_DIM), dtype=jnp.float32) * (1.0 / np.sqrt(NODE_DIM))
    W1_e2n = jax.random.normal(ks[5], (EDGE_DIM, NODE_DIM), dtype=jnp.float32) * (1.0 / np.sqrt(EDGE_DIM))
    return {"x": x, "hyperedge_index": hyperedge_index, "W0_n2e": W0_n2e, "W0_e2n": W0_e2n, "W1_n2e": W1_n2e, "W1_e2n": W1_e2n}


def _conv(x, node_idx, edge_idx, W_n2e, W_e2n):
    ones_inc = jnp.ones((node_idx.shape[0],), dtype=jnp.float32)
    Dn = jax.ops.segment_sum(ones_inc, node_idx, num_segments=N_NODES)
    De = jax.ops.segment_sum(ones_inc, edge_idx, num_segments=N_HEDGES)
    Dn_inv = jnp.where(Dn > 0, 1.0 / Dn, 0.0)
    De_inv = jnp.where(De > 0, 1.0 / De, 0.0)
    norm_n2e = De_inv[edge_idx]
    norm_e2n = Dn_inv[node_idx]
    xt = x @ W_n2e
    # node -> hyperedge aggregation (aggr='add')
    e = jax.ops.segment_sum(norm_n2e[:, None] * xt[node_idx], edge_idx, num_segments=N_HEDGES)
    e = jax.nn.relu(e)
    x2 = e @ W_e2n
    # hyperedge -> node aggregation
    n = jax.ops.segment_sum(norm_e2n[:, None] * x2[edge_idx], node_idx, num_segments=N_NODES)
    return n, e


def reference(x, hyperedge_index, W0_n2e, W0_e2n, W1_n2e, W1_e2n):
    node_idx = hyperedge_index[0]
    edge_idx = hyperedge_index[1]
    # layer 0 (dropout p=0.0 -> identity)
    x, e = _conv(x, node_idx, edge_idx, W0_n2e, W0_e2n)
    x = jax.nn.relu(x)
    # layer 1 (last layer: no activation after)
    x, e = _conv(x, node_idx, edge_idx, W1_n2e, W1_e2n)
    return x

if __name__ == "__main__":
    import jax
    _d = setup_inputs()
    print(jax.jit(kernel)(*tuple(_d.values())))

</pallas_src>

<mosaic_0001>
#map = affine_map<(d0, d1) -> (0, 0, 0)>
#map1 = affine_map<(d0, d1) -> (0, 0)>
#map2 = affine_map<(d0, d1) -> (0, 0, 0, 0)>
module attributes {stable_mosaic.version = 14 : i64} {
  func.func @_deg_body(%arg0: i32, %arg1: i32, %arg2: memref<32x40x128xi32, #tpu.memory_space<hbm>>, %arg3: memref<32x40x128xi32, #tpu.memory_space<hbm>>, %arg4: memref<128x128xf32, #tpu.memory_space<hbm>>, %arg5: memref<10240x128xf32, #tpu.memory_space<hbm>>, %arg6: memref<2x2x10240x128xf32, #tpu.memory_space<hbm>>, %arg7: memref<2x40x128xi32, #tpu.memory_space<vmem>>, %arg8: memref<128x128xf32, #tpu.memory_space<vmem>>, %arg9: memref<10240x128xf32, #tpu.memory_space<vmem_shared>>) attributes {dimension_semantics = [#tpu.dimension_semantics<core_parallel>, #tpu.dimension_semantics<subcore_parallel>], iteration_bounds = array<i64: 2, 16>, scalar_prefetch = 0 : i64, scratch_operands = 3 : i64, tpu.core_type = #tpu.core_type<sc_vector_subcore>, window_params = [{transform_indices = #map}, {transform_indices = #map}, {transform_indices = #map1}, {transform_indices = #map1}, {transform_indices = #map2}]} {
    %mul3A = arith.constant 16 : i32
    %mul3A_0 = arith.muli %arg0, %mul3A : i32
    %add3A = arith.addi %mul3A_0, %arg1 : i32
    %run_scoped3A = arith.constant 0 : i32
    "tpu.region"() ({
      %run_scoped3A_36 = tpu.sem_alloc : memref<!tpu.dma_semaphore, #tpu.memory_space<semaphore_mem>>
      %dma_start3A = arith.constant 0 : i32
      %dma_start3A_37 = arith.constant 0 : i32
      %dma_start3A_38 = tpu.memref_slice %arg7[%run_scoped3A, %dma_start3A, %dma_start3A_37] : memref<2x40x128xi32, #tpu.memory_space<vmem>> -> memref<1x40x128xi32, #tpu.memory_space<vmem>>
      %dma_start3A_39 = tpu.memref_squeeze %dma_start3A_38 : memref<1x40x128xi32, #tpu.memory_space<vmem>> -> memref<40x128xi32, #tpu.memory_space<vmem>>
      %dma_start3A_40 = arith.constant 0 : i32
      %dma_start3A_41 = arith.constant 0 : i32
      %dma_start3A_42 = tpu.memref_slice %arg2[%add3A, %dma_start3A_40, %dma_start3A_41] : memref<32x40x128xi32, #tpu.memory_space<hbm>> -> memref<1x40x128xi32, #tpu.memory_space<hbm>>
      %dma_start3A_43 = tpu.memref_squeeze %dma_start3A_42 : memref<1x40x128xi32, #tpu.memory_space<hbm>> -> memref<40x128xi32, #tpu.memory_space<hbm>>
      %dma_start3A_44 = arith.constant 0 : i32
      %dma_start3A_45 = arith.constant 0 : i32
      %dma_start3A_46 = tpu.memref_slice %arg7[%run_scoped3A, %dma_start3A_44, %dma_start3A_45] : memref<2x40x128xi32, #tpu.memory_space<vmem>> -> memref<1x40x128xi32, #tpu.memory_space<vmem>>
      %dma_start3A_47 = tpu.memref_squeeze %dma_start3A_46 : memref<1x40x128xi32, #tpu.memory_space<vmem>> -> memref<40x128xi32, #tpu.memory_space<vmem>>
      %dma_start3A_48 = arith.constant 0 : i32
      %dma_start3A_49 = arith.constant 0 : i32
      %dma_start3A_50 = tpu.memref_slice %arg2[%add3A, %dma_start3A_48, %dma_start3A_49] : memref<32x40x128xi32, #tpu.memory_space<hbm>> -> memref<1x40x128xi32, #tpu.memory_space<hbm>>
      %dma_start3A_51 = tpu.memref_squeeze %dma_start3A_50 : memref<1x40x128xi32, #tpu.memory_space<hbm>> -> memref<40x128xi32, #tpu.memory_space<hbm>>
      tpu.enqueue_dma source(%dma_start3A_51 : memref<40x128xi32, #tpu.memory_space<hbm>>) target(%dma_start3A_47 : memref<40x128xi32, #tpu.memory_space<vmem>>) target_semaphore(%run_scoped3A_36 : memref<!tpu.dma_semaphore, #tpu.memory_space<semaphore_mem>>)
      %dma_wait3A = arith.constant 0 : i32
      %dma_wait3A_52 = arith.constant 0 : i32
      %dma_wait3A_53 = tpu.memref_slice %arg7[%run_scoped3A, %dma_wait3A, %dma_wait3A_52] : memref<2x40x128xi32, #tpu.memory_space<vmem>> -> memref<1x40x128xi32, #tpu.memory_space<vmem>>
      %dma_wait3A_54 = tpu.memref_squeeze %dma_wait3A_53 : memref<1x40x128xi32, #tpu.memory_space<vmem>> -> memref<40x128xi32, #tpu.memory_space<vmem>>
      %dma_wait3A_55 = arith.constant 0 : i32
      %dma_wait3A_56 = arith.constant 0 : i32
      %dma_wait3A_57 = tpu.memref_slice %arg2[%add3A, %dma_wait3A_55, %dma_wait3A_56] : memref<32x40x128xi32, #tpu.memory_space<hbm>> -> memref<1x40x128xi32, #tpu.memory_space<hbm>>
      %dma_wait3A_58 = tpu.memref_squeeze %dma_wait3A_57 : memref<1x40x128xi32, #tpu.memory_space<hbm>> -> memref<40x128xi32, #tpu.memory_space<hbm>>
      %dma_wait3A_59 = arith.constant 0 : i32
      %dma_wait3A_60 = arith.constant 0 : i32
      %dma_wait3A_61 = tpu.memref_slice %arg7[%run_scoped3A, %dma_wait3A_59, %dma_wait3A_60] : memref<2x40x128xi32, #tpu.memory_space<vmem>> -> memref<1x40x128xi32, #tpu.memory_space<vmem>>
      %dma_wait3A_62 = tpu.memref_squeeze %dma_wait3A_61 : memref<1x40x128xi32, #tpu.memory_space<vmem>> -> memref<40x128xi32, #tpu.memory_space<vmem>>
      %dma_wait3A_63 = arith.constant 0 : i32
      %dma_wait3A_64 = arith.constant 0 : i32
      %dma_wait3A_65 = tpu.memref_slice %arg2[%add3A, %dma_wait3A_63, %dma_wait3A_64] : memref<32x40x128xi32, #tpu.memory_space<hbm>> -> memref<1x40x128xi32, #tpu.memory_space<hbm>>
      %dma_wait3A_66 = tpu.memref_squeeze %dma_wait3A_65 : memref<1x40x128xi32, #tpu.memory_space<hbm>> -> memref<40x128xi32, #tpu.memory_space<hbm>>
      tpu.wait_dma2 semaphore(%run_scoped3A_36 : memref<!tpu.dma_semaphore, #tpu.memory_space<semaphore_mem>>) src(%dma_wait3A_66 : memref<40x128xi32, #tpu.memory_space<hbm>>) dst(%dma_wait3A_62 : memref<40x128xi32, #tpu.memory_space<vmem>>)
      tpu.yield
    }) : () -> ()
    %run_scoped3A_1 = arith.constant 1 : i32
    "tpu.region"() ({
      %run_scoped3A_36 = tpu.sem_alloc : memref<!tpu.dma_semaphore, #tpu.memory_space<semaphore_mem>>
      %dma_start3A = arith.constant 0 : i32
      %dma_start3A_37 = arith.constant 0 : i32
      %dma_start3A_38 = tpu.memref_slice %arg7[%run_scoped3A_1, %dma_start3A, %dma_start3A_37] : memref<2x40x128xi32, #tpu.memory_space<vmem>> -> memref<1x40x128xi32, #tpu.memory_space<vmem>>
      %dma_start3A_39 = tpu.memref_squeeze %dma_start3A_38 : memref<1x40x128xi32, #tpu.memory_space<vmem>> -> memref<40x128xi32, #tpu.memory_space<vmem>>
      %dma_start3A_40 = arith.constant 0 : i32
      %dma_start3A_41 = arith.constant 0 : i32
      %dma_start3A_42 = tpu.memref_slice %arg3[%add3A, %dma_start3A_40, %dma_start3A_41] : memref<32x40x128xi32, #tpu.memory_space<hbm>> -> memref<1x40x128xi32, #tpu.memory_space<hbm>>
      %dma_start3A_43 = tpu.memref_squeeze %dma_start3A_42 : memref<1x40x128xi32, #tpu.memory_space<hbm>> -> memref<40x128xi32, #tpu.memory_space<hbm>>
      %dma_start3A_44 = arith.constant 0 : i32
      %dma_start3A_45 = arith.constant 0 : i32
      %dma_start3A_46 = tpu.memref_slice %arg7[%run_scoped3A_1, %dma_start3A_44, %dma_start3A_45] : memref<2x40x128xi32, #tpu.memory_space<vmem>> -> memref<1x40x128xi32, #tpu.memory_space<vmem>>
      %dma_start3A_47 = tpu.memref_squeeze %dma_start3A_46 : memref<1x40x128xi32, #tpu.memory_space<vmem>> -> memref<40x128xi32, #tpu.memory_space<vmem>>
      %dma_start3A_48 = arith.constant 0 : i32
      %dma_start3A_49 = arith.constant 0 : i32
      %dma_start3A_50 = tpu.memref_slice %arg3[%add3A, %dma_start3A_48, %dma_start3A_49] : memref<32x40x128xi32, #tpu.memory_space<hbm>> -> memref<1x40x128xi32, #tpu.memory_space<hbm>>
      %dma_start3A_51 = tpu.memref_squeeze %dma_start3A_50 : memref<1x40x128xi32, #tpu.memory_space<hbm>> -> memref<40x128xi32, #tpu.memory_space<hbm>>
      tpu.enqueue_dma source(%dma_start3A_51 : memref<40x128xi32, #tpu.memory_space<hbm>>) target(%dma_start3A_47 : memref<40x128xi32, #tpu.memory_space<vmem>>) target_semaphore(%run_scoped3A_36 : memref<!tpu.dma_semaphore, #tpu.memory_space<semaphore_mem>>)
      %dma_wait3A = arith.constant 0 : i32
      %dma_wait3A_52 = arith.constant 0 : i32
      %dma_wait3A_53 = tpu.memref_slice %arg7[%run_scoped3A_1, %dma_wait3A, %dma_wait3A_52] : memref<2x40x128xi32, #tpu.memory_space<vmem>> -> memref<1x40x128xi32, #tpu.memory_space<vmem>>
      %dma_wait3A_54 = tpu.memref_squeeze %dma_wait3A_53 : memref<1x40x128xi32, #tpu.memory_space<vmem>> -> memref<40x128xi32, #tpu.memory_space<vmem>>
      %dma_wait3A_55 = arith.constant 0 : i32
      %dma_wait3A_56 = arith.constant 0 : i32
      %dma_wait3A_57 = tpu.memref_slice %arg3[%add3A, %dma_wait3A_55, %dma_wait3A_56] : memref<32x40x128xi32, #tpu.memory_space<hbm>> -> memref<1x40x128xi32, #tpu.memory_space<hbm>>
      %dma_wait3A_58 = tpu.memref_squeeze %dma_wait3A_57 : memref<1x40x128xi32, #tpu.memory_space<hbm>> -> memref<40x128xi32, #tpu.memory_space<hbm>>
      %dma_wait3A_59 = arith.constant 0 : i32
      %dma_wait3A_60 = arith.constant 0 : i32
      %dma_wait3A_61 = tpu.memref_slice %arg7[%run_scoped3A_1, %dma_wait3A_59, %dma_wait3A_60] : memref<2x40x128xi32, #tpu.memory_space<vmem>> -> memref<1x40x128xi32, #tpu.memory_space<vmem>>
      %dma_wait3A_62 = tpu.memref_squeeze %dma_wait3A_61 : memref<1x40x128xi32, #tpu.memory_space<vmem>> -> memref<40x128xi32, #tpu.memory_space<vmem>>
      %dma_wait3A_63 = arith.constant 0 : i32
      %dma_wait3A_64 = arith.constant 0 : i32
      %dma_wait3A_65 = tpu.memref_slice %arg3[%add3A, %dma_wait3A_63, %dma_wait3A_64] : memref<32x40x128xi32, #tpu.memory_space<hbm>> -> memref<1x40x128xi32, #tpu.memory_space<hbm>>
      %dma_wait3A_66 = tpu.memref_squeeze %dma_wait3A_65 : memref<1x40x128xi32, #tpu.memory_space<hbm>> -> memref<40x128xi32, #tpu.memory_space<hbm>>
      tpu.wait_dma2 semaphore(%run_scoped3A_36 : memref<!tpu.dma_semaphore, #tpu.memory_space<semaphore_mem>>) src(%dma_wait3A_66 : memref<40x128xi32, #tpu.memory_space<hbm>>) dst(%dma_wait3A_62 : memref<40x128xi32, #tpu.memory_space<vmem>>)
      tpu.yield
    }) : () -> ()
    "tpu.region"() ({
      %run_scoped3A_36 = tpu.sem_alloc : memref<!tpu.dma_semaphore, #tpu.memory_space<semaphore_mem>>
      tpu.enqueue_dma source(%arg4 : memref<128x128xf32, #tpu.memory_space<hbm>>) target(%arg8 : memref<128x128xf32, #tpu.memory_space<vmem>>) target_semaphore(%run_scoped3A_36 : memref<!tpu.dma_semaphore, #tpu.memory_space<semaphore_mem>>)
      tpu.wait_dma2 semaphore(%run_scoped3A_36 : memref<!tpu.dma_semaphore, #tpu.memory_space<semaphore_mem>>) src(%arg4 : memref<128x128xf32, #tpu.memory_space<hbm>>) dst(%arg8 : memref<128x128xf32, #tpu.memory_space<vmem>>)
      tpu.yield
    }) : () -> ()
    %mul3A_2 = arith.constant 640 : i32
    %mul3A_3 = arith.muli %arg1, %mul3A_2 : i32
    %mul3A_4 = arith.constant 640 : i32
    %mul3A_5 = arith.muli %arg1, %mul3A_4 : i32
    "tpu.region"() ({
      %run_scoped3A_36 = tpu.sem_alloc : memref<!tpu.dma_semaphore, #tpu.memory_space<semaphore_mem>>
      %dma_start3A = arith.constant 0 : i32
      %dma_start3A_37 = tpu.memref_slice %arg9[%mul3A_5, %dma_start3A] : memref<10240x128xf32, #tpu.memory_space<vmem_shared>> -> memref<640x128xf32, #tpu.memory_space<vmem_shared>>
      %dma_start3A_38 = arith.constant 0 : i32
      %dma_start3A_39 = tpu.memref_slice %arg5[%mul3A_3, %dma_start3A_38] : memref<10240x128xf32, #tpu.memory_space<hbm>> -> memref<640x128xf32, #tpu.memory_space<hbm>>
      tpu.enqueue_dma source(%dma_start3A_39 : memref<640x128xf32, #tpu.memory_space<hbm>>) target(%dma_start3A_37 : memref<640x128xf32, #tpu.memory_space<vmem_shared>>) target_semaphore(%run_scoped3A_36 : memref<!tpu.dma_semaphore, #tpu.memory_space<semaphore_mem>>)
      %dma_wait3A = arith.constant 0 : i32
      %dma_wait3A_40 = tpu.memref_slice %arg9[%mul3A_5, %dma_wait3A] : memref<10240x128xf32, #tpu.memory_space<vmem_shared>> -> memref<640x128xf32, #tpu.memory_space<vmem_shared>>
      %dma_wait3A_41 = arith.constant 0 : i32
      %dma_wait3A_42 = tpu.memref_slice %arg5[%mul3A_3, %dma_wait3A_41] : memref<10240x128xf32, #tpu.memory_space<hbm>> -> memref<640x128xf32, #tpu.memory_space<hbm>>
      tpu.wait_dma2 semaphore(%run_scoped3A_36 : memref<!tpu.dma_semaphore, #tpu.memory_space<semaphore_mem>>) src(%dma_wait3A_42 : memref<640x128xf32, #tpu.memory_space<hbm>>) dst(%dma_wait3A_40 : memref<640x128xf32, #tpu.memory_space<vmem_shared>>)
      tpu.yield
    }) : () -> ()
    %barrier3A = arith.constant 0 : index
    tpu.barrier barrier_id(%barrier3A)
    %scan3A = arith.constant 0 : i32
    %scan3A_6 = arith.constant 0 : i32
    %scan3A_7 = arith.constant 40 : i32
    %scan3A_8 = arith.addi %scan3A_6, %scan3A_7 : i32
    %scan3A_9 = arith.constant 1 : i32
    scf.for %scan3A_36 = %scan3A_6 to %scan3A_8 step %scan3A_9  : i32 {
      %run_scoped3A_37 = arith.constant 0 : i32
      "tpu.region"() ({
        %run_scoped3A_38 = tpu.sem_alloc : memref<!tpu.dma_semaphore, #tpu.memory_space<semaphore_mem>>
        %dma_start3A = arith.constant 0 : i32
        %dma_start3A_39 = tpu.memref_slice %arg7[%run_scoped3A_37, %scan3A_36, %dma_start3A] : memref<2x40x128xi32, #tpu.memory_space<vmem>> -> memref<1x1x128xi32, #tpu.memory_space<vmem>>
        %dma_start3A_40 = tpu.memref_squeeze %dma_start3A_39 : memref<1x1x128xi32, #tpu.memory_space<vmem>> -> memref<128xi32, #tpu.memory_space<vmem>>
        %dma_start3A_41 = arith.constant 0 : i32
        %dma_start3A_42 = arith.constant 0 : i32
        %dma_start3A_43 = tpu.memref_slice %arg9[%dma_start3A_41, %dma_start3A_42] : memref<10240x128xf32, #tpu.memory_space<vmem_shared>> -> memref<10240x128xf32, #tpu.memory_space<vmem_shared>>
        tpu.enqueue_indirect_dma source(%arg8 : memref<128x128xf32, #tpu.memory_space<vmem>>) target(%dma_start3A_43 : memref<10240x128xf32, #tpu.memory_space<vmem_shared>>) offsets(%dma_start3A_40 : memref<128xi32, #tpu.memory_space<vmem>>) semaphore(%run_scoped3A_38 : memref<!tpu.dma_semaphore, #tpu.memory_space<semaphore_mem>>) {add = true}
        %dma_wait3A = arith.constant 0 : i32
        %dma_wait3A_44 = tpu.memref_slice %arg7[%run_scoped3A_37, %scan3A_36, %dma_wait3A] : memref<2x40x128xi32, #tpu.memory_space<vmem>> -> memref<1x1x128xi32, #tpu.memory_space<vmem>>
        %dma_wait3A_45 = tpu.memref_squeeze %dma_wait3A_44 : memref<1x1x128xi32, #tpu.memory_space<vmem>> -> memref<128xi32, #tpu.memory_space<vmem>>
        %dma_wait3A_46 = arith.constant 0 : i32
        %dma_wait3A_47 = arith.constant 0 : i32
        %dma_wait3A_48 = tpu.memref_slice %arg9[%dma_wait3A_46, %dma_wait3A_47] : memref<10240x128xf32, #tpu.memory_space<vmem_shared>> -> memref<10240x128xf32, #tpu.memory_space<vmem_shared>>
        tpu.wait_indirect_dma semaphore(%run_scoped3A_38 : memref<!tpu.dma_semaphore, #tpu.memory_space<semaphore_mem>>) src(%arg8 : memref<128x128xf32, #tpu.memory_space<vmem>>) dst(%dma_wait3A_48 : memref<10240x128xf32, #tpu.memory_space<vmem_shared>>)
        tpu.yield
      }) : () -> ()
    }
    %scan3A_10 = arith.constant 40 : i32
    %barrier3A_11 = arith.constant 0 : index
    tpu.barrier barrier_id(%barrier3A_11)
    %mul3A_12 = arith.constant 640 : i32
    %mul3A_13 = arith.muli %arg1, %mul3A_12 : i32
    %mul3A_14 = arith.constant 640 : i32
    %mul3A_15 = arith.muli %arg1, %mul3A_14 : i32
    %run_scoped3A_16 = arith.constant 0 : i32
    "tpu.region"() ({
      %run_scoped3A_36 = tpu.sem_alloc : memref<!tpu.dma_semaphore, #tpu.memory_space<semaphore_mem>>
      %dma_start3A = arith.constant 0 : i32
      %dma_start3A_37 = tpu.memref_slice %arg6[%arg0, %run_scoped3A_16, %mul3A_15, %dma_start3A] : memref<2x2x10240x128xf32, #tpu.memory_space<hbm>> -> memref<1x1x640x128xf32, #tpu.memory_space<hbm>>
      %dma_start3A_38 = tpu.memref_squeeze %dma_start3A_37 : memref<1x1x640x128xf32, #tpu.memory_space<hbm>> -> memref<640x128xf32, #tpu.memory_space<hbm>>
      %dma_start3A_39 = arith.constant 0 : i32
      %dma_start3A_40 = tpu.memref_slice %arg9[%mul3A_13, %dma_start3A_39] : memref<10240x128xf32, #tpu.memory_space<vmem_shared>> -> memref<640x128xf32, #tpu.memory_space<vmem_shared>>
      tpu.enqueue_dma source(%dma_start3A_40 : memref<640x128xf32, #tpu.memory_space<vmem_shared>>) target(%dma_start3A_38 : memref<640x128xf32, #tpu.memory_space<hbm>>) target_semaphore(%run_scoped3A_36 : memref<!tpu.dma_semaphore, #tpu.memory_space<semaphore_mem>>)
      %dma_wait3A = arith.constant 0 : i32
      %dma_wait3A_41 = tpu.memref_slice %arg6[%arg0, %run_scoped3A_16, %mul3A_15, %dma_wait3A] : memref<2x2x10240x128xf32, #tpu.memory_space<hbm>> -> memref<1x1x640x128xf32, #tpu.memory_space<hbm>>
      %dma_wait3A_42 = tpu.memref_squeeze %dma_wait3A_41 : memref<1x1x640x128xf32, #tpu.memory_space<hbm>> -> memref<640x128xf32, #tpu.memory_space<hbm>>
      %dma_wait3A_43 = arith.constant 0 : i32
      %dma_wait3A_44 = tpu.memref_slice %arg9[%mul3A_13, %dma_wait3A_43] : memref<10240x128xf32, #tpu.memory_space<vmem_shared>> -> memref<640x128xf32, #tpu.memory_space<vmem_shared>>
      tpu.wait_dma2 semaphore(%run_scoped3A_36 : memref<!tpu.dma_semaphore, #tpu.memory_space<semaphore_mem>>) src(%dma_wait3A_44 : memref<640x128xf32, #tpu.memory_space<vmem_shared>>) dst(%dma_wait3A_42 : memref<640x128xf32, #tpu.memory_space<hbm>>)
      tpu.yield
    }) : () -> ()
    %barrier3A_17 = arith.constant 0 : index
    tpu.barrier barrier_id(%barrier3A_17)
    %mul3A_18 = arith.constant 640 : i32
    %mul3A_19 = arith.muli %arg1, %mul3A_18 : i32
    %mul3A_20 = arith.constant 640 : i32
    %mul3A_21 = arith.muli %arg1, %mul3A_20 : i32
    "tpu.region"() ({
      %run_scoped3A_36 = tpu.sem_alloc : memref<!tpu.dma_semaphore, #tpu.memory_space<semaphore_mem>>
      %dma_start3A = arith.constant 0 : i32
      %dma_start3A_37 = tpu.memref_slice %arg9[%mul3A_21, %dma_start3A] : memref<10240x128xf32, #tpu.memory_space<vmem_shared>> -> memref<640x128xf32, #tpu.memory_space<vmem_shared>>
      %dma_start3A_38 = arith.constant 0 : i32
      %dma_start3A_39 = tpu.memref_slice %arg5[%mul3A_19, %dma_start3A_38] : memref<10240x128xf32, #tpu.memory_space<hbm>> -> memref<640x128xf32, #tpu.memory_space<hbm>>
      tpu.enqueue_dma source(%dma_start3A_39 : memref<640x128xf32, #tpu.memory_space<hbm>>) target(%dma_start3A_37 : memref<640x128xf32, #tpu.memory_space<vmem_shared>>) target_semaphore(%run_scoped3A_36 : memref<!tpu.dma_semaphore, #tpu.memory_space<semaphore_mem>>)
      %dma_wait3A = arith.constant 0 : i32
      %dma_wait3A_40 = tpu.memref_slice %arg9[%mul3A_21, %dma_wait3A] : memref<10240x128xf32, #tpu.memory_space<vmem_shared>> -> memref<640x128xf32, #tpu.memory_space<vmem_shared>>
      %dma_wait3A_41 = arith.constant 0 : i32
      %dma_wait3A_42 = tpu.memref_slice %arg5[%mul3A_19, %dma_wait3A_41] : memref<10240x128xf32, #tpu.memory_space<hbm>> -> memref<640x128xf32, #tpu.memory_space<hbm>>
      tpu.wait_dma2 semaphore(%run_scoped3A_36 : memref<!tpu.dma_semaphore, #tpu.memory_space<semaphore_mem>>) src(%dma_wait3A_42 : memref<640x128xf32, #tpu.memory_space<hbm>>) dst(%dma_wait3A_40 : memref<640x128xf32, #tpu.memory_space<vmem_shared>>)
      tpu.yield
    }) : () -> ()
    %barrier3A_22 = arith.constant 0 : index
    tpu.barrier barrier_id(%barrier3A_22)
    %scan3A_23 = arith.constant 0 : i32
    %scan3A_24 = arith.constant 0 : i32
    %scan3A_25 = arith.constant 40 : i32
    %scan3A_26 = arith.addi %scan3A_24, %scan3A_25 : i32
    %scan3A_27 = arith.constant 1 : i32
    scf.for %scan3A_36 = %scan3A_24 to %scan3A_26 step %scan3A_27  : i32 {
      %run_scoped3A_37 = arith.constant 1 : i32
      "tpu.region"() ({
        %run_scoped3A_38 = tpu.sem_alloc : memref<!tpu.dma_semaphore, #tpu.memory_space<semaphore_mem>>
        %dma_start3A = arith.constant 0 : i32
        %dma_start3A_39 = tpu.memref_slice %arg7[%run_scoped3A_37, %scan3A_36, %dma_start3A] : memref<2x40x128xi32, #tpu.memory_space<vmem>> -> memref<1x1x128xi32, #tpu.memory_space<vmem>>
        %dma_start3A_40 = tpu.memref_squeeze %dma_start3A_39 : memref<1x1x128xi32, #tpu.memory_space<vmem>> -> memref<128xi32, #tpu.memory_space<vmem>>
        %dma_start3A_41 = arith.constant 0 : i32
        %dma_start3A_42 = arith.constant 0 : i32
        %dma_start3A_43 = tpu.memref_slice %arg9[%dma_start3A_41, %dma_start3A_42] : memref<10240x128xf32, #tpu.memory_space<vmem_shared>> -> memref<10240x128xf32, #tpu.memory_space<vmem_shared>>
        tpu.enqueue_indirect_dma source(%arg8 : memref<128x128xf32, #tpu.memory_space<vmem>>) target(%dma_start3A_43 : memref<10240x128xf32, #tpu.memory_space<vmem_shared>>) offsets(%dma_start3A_40 : memref<128xi32, #tpu.memory_space<vmem>>) semaphore(%run_scoped3A_38 : memref<!tpu.dma_semaphore, #tpu.memory_space<semaphore_mem>>) {add = true}
        %dma_wait3A = arith.constant 0 : i32
        %dma_wait3A_44 = tpu.memref_slice %arg7[%run_scoped3A_37, %scan3A_36, %dma_wait3A] : memref<2x40x128xi32, #tpu.memory_space<vmem>> -> memref<1x1x128xi32, #tpu.memory_space<vmem>>
        %dma_wait3A_45 = tpu.memref_squeeze %dma_wait3A_44 : memref<1x1x128xi32, #tpu.memory_space<vmem>> -> memref<128xi32, #tpu.memory_space<vmem>>
        %dma_wait3A_46 = arith.constant 0 : i32
        %dma_wait3A_47 = arith.constant 0 : i32
        %dma_wait3A_48 = tpu.memref_slice %arg9[%dma_wait3A_46, %dma_wait3A_47] : memref<10240x128xf32, #tpu.memory_space<vmem_shared>> -> memref<10240x128xf32, #tpu.memory_space<vmem_shared>>
        tpu.wait_indirect_dma semaphore(%run_scoped3A_38 : memref<!tpu.dma_semaphore, #tpu.memory_space<semaphore_mem>>) src(%arg8 : memref<128x128xf32, #tpu.memory_space<vmem>>) dst(%dma_wait3A_48 : memref<10240x128xf32, #tpu.memory_space<vmem_shared>>)
        tpu.yield
      }) : () -> ()
    }
    %scan3A_28 = arith.constant 40 : i32
    %barrier3A_29 = arith.constant 0 : index
    tpu.barrier barrier_id(%barrier3A_29)
    %mul3A_30 = arith.constant 640 : i32
    %mul3A_31 = arith.muli %arg1, %mul3A_30 : i32
    %mul3A_32 = arith.constant 640 : i32
    %mul3A_33 = arith.muli %arg1, %mul3A_32 : i32
    %run_scoped3A_34 = arith.constant 1 : i32
    "tpu.region"() ({
      %run_scoped3A_36 = tpu.sem_alloc : memref<!tpu.dma_semaphore, #tpu.memory_space<semaphore_mem>>
      %dma_start3A = arith.constant 0 : i32
      %dma_start3A_37 = tpu.memref_slice %arg6[%arg0, %run_scoped3A_34, %mul3A_33, %dma_start3A] : memref<2x2x10240x128xf32, #tpu.memory_space<hbm>> -> memref<1x1x640x128xf32, #tpu.memory_space<hbm>>
      %dma_start3A_38 = tpu.memref_squeeze %dma_start3A_37 : memref<1x1x640x128xf32, #tpu.memory_space<hbm>> -> memref<640x128xf32, #tpu.memory_space<hbm>>
      %dma_start3A_39 = arith.constant 0 : i32
      %dma_start3A_40 = tpu.memref_slice %arg9[%mul3A_31, %dma_start3A_39] : memref<10240x128xf32, #tpu.memory_space<vmem_shared>> -> memref<640x128xf32, #tpu.memory_space<vmem_shared>>
      tpu.enqueue_dma source(%dma_start3A_40 : memref<640x128xf32, #tpu.memory_space<vmem_shared>>) target(%dma_start3A_38 : memref<640x128xf32, #tpu.memory_space<hbm>>) target_semaphore(%run_scoped3A_36 : memref<!tpu.dma_semaphore, #tpu.memory_space<semaphore_mem>>)
      %dma_wait3A = arith.constant 0 : i32
      %dma_wait3A_41 = tpu.memref_slice %arg6[%arg0, %run_scoped3A_34, %mul3A_33, %dma_wait3A] : memref<2x2x10240x128xf32, #tpu.memory_space<hbm>> -> memref<1x1x640x128xf32, #tpu.memory_space<hbm>>
      %dma_wait3A_42 = tpu.memref_squeeze %dma_wait3A_41 : memref<1x1x640x128xf32, #tpu.memory_space<hbm>> -> memref<640x128xf32, #tpu.memory_space<hbm>>
      %dma_wait3A_43 = arith.constant 0 : i32
      %dma_wait3A_44 = tpu.memref_slice %arg9[%mul3A_31, %dma_wait3A_43] : memref<10240x128xf32, #tpu.memory_space<vmem_shared>> -> memref<640x128xf32, #tpu.memory_space<vmem_shared>>
      tpu.wait_dma2 semaphore(%run_scoped3A_36 : memref<!tpu.dma_semaphore, #tpu.memory_space<semaphore_mem>>) src(%dma_wait3A_44 : memref<640x128xf32, #tpu.memory_space<vmem_shared>>) dst(%dma_wait3A_42 : memref<640x128xf32, #tpu.memory_space<hbm>>)
      tpu.yield
    }) : () -> ()
    %barrier3A_35 = arith.constant 0 : index
    tpu.barrier barrier_id(%barrier3A_35)
    return
  }
}

#map = affine_map<(d0, d1) -> (0, 0, 0)>
#map1 = affine_map<(d0, d1) -> (0, 0)>
module attributes {stable_mosaic.version = 14 : i64} {
  func.func @_seg_body(%arg0: i32, %arg1: i32, %arg2: memref<4x10240x128xf32, #tpu.memory_space<hbm>>, %arg3: memref<16x82x128xi32, #tpu.memory_space<hbm>>, %arg4: memref<16x160x64xi32, #tpu.memory_space<hbm>>, %arg5: memref<10240x128xf32, #tpu.memory_space<hbm>>, %arg6: memref<4x10240x128xf32, #tpu.memory_space<hbm>>, %arg7: memref<82x128xi32, #tpu.memory_space<vmem>>, %arg8: memref<160x64xi32, #tpu.memory_space<vmem>>, %arg9: memref<64x128xf32, #tpu.memory_space<vmem>>, %arg10: memref<64x128xf32, #tpu.memory_space<vmem>>, %arg11: memref<10240x128xf32, #tpu.memory_space<vmem_shared>>, %arg12: memref<!tpu.dma_semaphore, #tpu.memory_space<semaphore_mem>>, %arg13: memref<!tpu.dma_semaphore, #tpu.memory_space<semaphore_mem>>) attributes {dimension_semantics = [#tpu.dimension_semantics<core_parallel>, #tpu.dimension_semantics<subcore_parallel>], iteration_bounds = array<i64: 2, 16>, scalar_prefetch = 0 : i64, scratch_operands = 7 : i64, tpu.core_type = #tpu.core_type<sc_vector_subcore>, window_params = [{transform_indices = #map}, {transform_indices = #map}, {transform_indices = #map}, {transform_indices = #map1}, {transform_indices = #map}]} {
    "tpu.region"() ({
      %run_scoped3A = tpu.sem_alloc : memref<!tpu.dma_semaphore, #tpu.memory_space<semaphore_mem>>
      %dma_start3A_124 = arith.constant 0 : i32
      %dma_start3A_125 = arith.constant 0 : i32
      %dma_start3A_126 = tpu.memref_slice %arg3[%arg1, %dma_start3A_124, %dma_start3A_125] : memref<16x82x128xi32, #tpu.memory_space<hbm>> -> memref<1x82x128xi32, #tpu.memory_space<hbm>>
      %dma_start3A_127 = tpu.memref_squeeze %dma_start3A_126 : memref<1x82x128xi32, #tpu.memory_space<hbm>> -> memref<82x128xi32, #tpu.memory_space<hbm>>
      %dma_start3A_128 = arith.constant 0 : i32
      %dma_start3A_129 = arith.constant 0 : i32
      %dma_start3A_130 = tpu.memref_slice %arg3[%arg1, %dma_start3A_128, %dma_start3A_129] : memref<16x82x128xi32, #tpu.memory_space<hbm>> -> memref<1x82x128xi32, #tpu.memory_space<hbm>>
      %dma_start3A_131 = tpu.memref_squeeze %dma_start3A_130 : memref<1x82x128xi32, #tpu.memory_space<hbm>> -> memref<82x128xi32, #tpu.memory_space<hbm>>
      tpu.enqueue_dma source(%dma_start3A_131 : memref<82x128xi32, #tpu.memory_space<hbm>>) target(%arg7 : memref<82x128xi32, #tpu.memory_space<vmem>>) target_semaphore(%run_scoped3A : memref<!tpu.dma_semaphore, #tpu.memory_space<semaphore_mem>>)
      %dma_wait3A_132 = arith.constant 0 : i32
      %dma_wait3A_133 = arith.constant 0 : i32
      %dma_wait3A_134 = tpu.memref_slice %arg3[%arg1, %dma_wait3A_132, %dma_wait3A_133] : memref<16x82x128xi32, #tpu.memory_space<hbm>> -> memref<1x82x128xi32, #tpu.memory_space<hbm>>
      %dma_wait3A_135 = tpu.memref_squeeze %dma_wait3A_134 : memref<1x82x128xi32, #tpu.memory_space<hbm>> -> memref<82x128xi32, #tpu.memory_space<hbm>>
      %dma_wait3A_136 = arith.constant 0 : i32
      %dma_wait3A_137 = arith.constant 0 : i32
      %dma_wait3A_138 = tpu.memref_slice %arg3[%arg1, %dma_wait3A_136, %dma_wait3A_137] : memref<16x82x128xi32, #tpu.memory_space<hbm>> -> memref<1x82x128xi32, #tpu.memory_space<hbm>>
      %dma_wait3A_139 = tpu.memref_squeeze %dma_wait3A_138 : memref<1x82x128xi32, #tpu.memory_space<hbm>> -> memref<82x128xi32, #tpu.memory_space<hbm>>
      tpu.wait_dma2 semaphore(%run_scoped3A : memref<!tpu.dma_semaphore, #tpu.memory_space<semaphore_mem>>) src(%dma_wait3A_139 : memref<82x128xi32, #tpu.memory_space<hbm>>) dst(%arg7 : memref<82x128xi32, #tpu.memory_space<vmem>>)
      tpu.yield
    }) : () -> ()
    "tpu.region"() ({
      %run_scoped3A = tpu.sem_alloc : memref<!tpu.dma_semaphore, #tpu.memory_space<semaphore_mem>>
      %dma_start3A_124 = arith.constant 0 : i32
      %dma_start3A_125 = arith.constant 0 : i32
      %dma_start3A_126 = tpu.memref_slice %arg4[%arg1, %dma_start3A_124, %dma_start3A_125] : memref<16x160x64xi32, #tpu.memory_space<hbm>> -> memref<1x160x64xi32, #tpu.memory_space<hbm>>
      %dma_start3A_127 = tpu.memref_squeeze %dma_start3A_126 : memref<1x160x64xi32, #tpu.memory_space<hbm>> -> memref<160x64xi32, #tpu.memory_space<hbm>>
      %dma_start3A_128 = arith.constant 0 : i32
      %dma_start3A_129 = arith.constant 0 : i32
      %dma_start3A_130 = tpu.memref_slice %arg4[%arg1, %dma_start3A_128, %dma_start3A_129] : memref<16x160x64xi32, #tpu.memory_space<hbm>> -> memref<1x160x64xi32, #tpu.memory_space<hbm>>
      %dma_start3A_131 = tpu.memref_squeeze %dma_start3A_130 : memref<1x160x64xi32, #tpu.memory_space<hbm>> -> memref<160x64xi32, #tpu.memory_space<hbm>>
      tpu.enqueue_dma source(%dma_start3A_131 : memref<160x64xi32, #tpu.memory_space<hbm>>) target(%arg8 : memref<160x64xi32, #tpu.memory_space<vmem>>) target_semaphore(%run_scoped3A : memref<!tpu.dma_semaphore, #tpu.memory_space<semaphore_mem>>)
      %dma_wait3A_132 = arith.constant 0 : i32
      %dma_wait3A_133 = arith.constant 0 : i32
      %dma_wait3A_134 = tpu.memref_slice %arg4[%arg1, %dma_wait3A_132, %dma_wait3A_133] : memref<16x160x64xi32, #tpu.memory_space<hbm>> -> memref<1x160x64xi32, #tpu.memory_space<hbm>>
      %dma_wait3A_135 = tpu.memref_squeeze %dma_wait3A_134 : memref<1x160x64xi32, #tpu.memory_space<hbm>> -> memref<160x64xi32, #tpu.memory_space<hbm>>
      %dma_wait3A_136 = arith.constant 0 : i32
      %dma_wait3A_137 = arith.constant 0 : i32
      %dma_wait3A_138 = tpu.memref_slice %arg4[%arg1, %dma_wait3A_136, %dma_wait3A_137] : memref<16x160x64xi32, #tpu.memory_space<hbm>> -> memref<1x160x64xi32, #tpu.memory_space<hbm>>
      %dma_wait3A_139 = tpu.memref_squeeze %dma_wait3A_138 : memref<1x160x64xi32, #tpu.memory_space<hbm>> -> memref<160x64xi32, #tpu.memory_space<hbm>>
      tpu.wait_dma2 semaphore(%run_scoped3A : memref<!tpu.dma_semaphore, #tpu.memory_space<semaphore_mem>>) src(%dma_wait3A_139 : memref<160x64xi32, #tpu.memory_space<hbm>>) dst(%arg8 : memref<160x64xi32, #tpu.memory_space<vmem>>)
      tpu.yield
    }) : () -> ()
    %mul3A = arith.constant 2 : i32
    %mul3A_0 = arith.muli %arg0, %mul3A : i32
    %add3A = arith.constant 0 : i32
    %add3A_1 = arith.addi %mul3A_0, %add3A : i32
    %mul3A_2 = arith.constant 640 : i32
    %mul3A_3 = arith.muli %arg1, %mul3A_2 : i32
    %mul3A_4 = arith.constant 640 : i32
    %mul3A_5 = arith.muli %arg1, %mul3A_4 : i32
    "tpu.region"() ({
      %run_scoped3A = tpu.sem_alloc : memref<!tpu.dma_semaphore, #tpu.memory_space<semaphore_mem>>
      %dma_start3A_124 = arith.constant 0 : i32
      %dma_start3A_125 = tpu.memref_slice %arg11[%mul3A_5, %dma_start3A_124] : memref<10240x128xf32, #tpu.memory_space<vmem_shared>> -> memref<640x128xf32, #tpu.memory_space<vmem_shared>>
      %dma_start3A_126 = arith.constant 0 : i32
      %dma_start3A_127 = tpu.memref_slice %arg5[%mul3A_3, %dma_start3A_126] : memref<10240x128xf32, #tpu.memory_space<hbm>> -> memref<640x128xf32, #tpu.memory_space<hbm>>
      tpu.enqueue_dma source(%dma_start3A_127 : memref<640x128xf32, #tpu.memory_space<hbm>>) target(%dma_start3A_125 : memref<640x128xf32, #tpu.memory_space<vmem_shared>>) target_semaphore(%run_scoped3A : memref<!tpu.dma_semaphore, #tpu.memory_space<semaphore_mem>>)
      %dma_wait3A_128 = arith.constant 0 : i32
      %dma_wait3A_129 = tpu.memref_slice %arg11[%mul3A_5, %dma_wait3A_128] : memref<10240x128xf32, #tpu.memory_space<vmem_shared>> -> memref<640x128xf32, #tpu.memory_space<vmem_shared>>
      %dma_wait3A_130 = arith.constant 0 : i32
      %dma_wait3A_131 = tpu.memref_slice %arg5[%mul3A_3, %dma_wait3A_130] : memref<10240x128xf32, #tpu.memory_space<hbm>> -> memref<640x128xf32, #tpu.memory_space<hbm>>
      tpu.wait_dma2 semaphore(%run_scoped3A : memref<!tpu.dma_semaphore, #tpu.memory_space<semaphore_mem>>) src(%dma_wait3A_131 : memref<640x128xf32, #tpu.memory_space<hbm>>) dst(%dma_wait3A_129 : memref<640x128xf32, #tpu.memory_space<vmem_shared>>)
      tpu.yield
    }) : () -> ()
    %barrier3A = arith.constant 0 : index
    tpu.barrier barrier_id(%barrier3A)
    %dma_start3A = arith.constant 0 : i32
    %dma_start3A_6 = arith.constant 0 : i32
    %dma_start3A_7 = tpu.memref_slice %arg7[%dma_start3A, %dma_start3A_6] : memref<82x128xi32, #tpu.memory_space<vmem>> -> memref<1x64xi32, #tpu.memory_space<vmem>>
    %dma_start3A_8 = tpu.memref_squeeze %dma_start3A_7 : memref<1x64xi32, #tpu.memory_space<vmem>> -> memref<64xi32, #tpu.memory_space<vmem>>
    %dma_start3A_9 = arith.constant 0 : i32
    %dma_start3A_10 = arith.constant 0 : i32
    %dma_start3A_11 = tpu.memref_slice %arg2[%add3A_1, %dma_start3A_9, %dma_start3A_10] : memref<4x10240x128xf32, #tpu.memory_space<hbm>> -> memref<1x10240x128xf32, #tpu.memory_space<hbm>>
    %dma_start3A_12 = tpu.memref_squeeze %dma_start3A_11 : memref<1x10240x128xf32, #tpu.memory_space<hbm>> -> memref<10240x128xf32, #tpu.memory_space<hbm>>
    %dma_start3A_13 = arith.constant 0 : i32
    %dma_start3A_14 = arith.constant 0 : i32
    %dma_start3A_15 = tpu.memref_slice %dma_start3A_12[%dma_start3A_13, %dma_start3A_14] : memref<10240x128xf32, #tpu.memory_space<hbm>> -> memref<10240x128xf32, #tpu.memory_space<hbm>>
    tpu.enqueue_indirect_dma source(%dma_start3A_15 : memref<10240x128xf32, #tpu.memory_space<hbm>>) target(%arg9 : memref<64x128xf32, #tpu.memory_space<vmem>>) offsets(%dma_start3A_8 : memref<64xi32, #tpu.memory_space<vmem>>) semaphore(%arg12 : memref<!tpu.dma_semaphore, #tpu.memory_space<semaphore_mem>>)
    %dma_start3A_16 = arith.constant 0 : i32
    %dma_start3A_17 = arith.constant 64 : i32
    %dma_start3A_18 = tpu.memref_slice %arg7[%dma_start3A_16, %dma_start3A_17] : memref<82x128xi32, #tpu.memory_space<vmem>> -> memref<1x64xi32, #tpu.memory_space<vmem>>
    %dma_start3A_19 = tpu.memref_squeeze %dma_start3A_18 : memref<1x64xi32, #tpu.memory_space<vmem>> -> memref<64xi32, #tpu.memory_space<vmem>>
    %dma_start3A_20 = arith.constant 0 : i32
    %dma_start3A_21 = arith.constant 0 : i32
    %dma_start3A_22 = tpu.memref_slice %arg2[%add3A_1, %dma_start3A_20, %dma_start3A_21] : memref<4x10240x128xf32, #tpu.memory_space<hbm>> -> memref<1x10240x128xf32, #tpu.memory_space<hbm>>
    %dma_start3A_23 = tpu.memref_squeeze %dma_start3A_22 : memref<1x10240x128xf32, #tpu.memory_space<hbm>> -> memref<10240x128xf32, #tpu.memory_space<hbm>>
    %dma_start3A_24 = arith.constant 0 : i32
    %dma_start3A_25 = arith.constant 0 : i32
    %dma_start3A_26 = tpu.memref_slice %dma_start3A_23[%dma_start3A_24, %dma_start3A_25] : memref<10240x128xf32, #tpu.memory_space<hbm>> -> memref<10240x128xf32, #tpu.memory_space<hbm>>
    tpu.enqueue_indirect_dma source(%dma_start3A_26 : memref<10240x128xf32, #tpu.memory_space<hbm>>) target(%arg10 : memref<64x128xf32, #tpu.memory_space<vmem>>) offsets(%dma_start3A_19 : memref<64xi32, #tpu.memory_space<vmem>>) semaphore(%arg13 : memref<!tpu.dma_semaphore, #tpu.memory_space<semaphore_mem>>)
    %scan3A = arith.constant 0 : i32
    %scan3A_27 = arith.constant 0 : i32
    %scan3A_28 = arith.constant 80 : i32
    %scan3A_29 = arith.addi %scan3A_27, %scan3A_28 : i32
    %scan3A_30 = arith.constant 1 : i32
    scf.for %scan3A_124 = %scan3A_27 to %scan3A_29 step %scan3A_30  : i32 {
      %dma_wait3A_125 = arith.constant 0 : i32
      %dma_wait3A_126 = tpu.memref_slice %arg7[%scan3A_124, %dma_wait3A_125] : memref<82x128xi32, #tpu.memory_space<vmem>> -> memref<1x64xi32, #tpu.memory_space<vmem>>
      %dma_wait3A_127 = tpu.memref_squeeze %dma_wait3A_126 : memref<1x64xi32, #tpu.memory_space<vmem>> -> memref<64xi32, #tpu.memory_space<vmem>>
      %dma_wait3A_128 = arith.constant 0 : i32
      %dma_wait3A_129 = arith.constant 0 : i32
      %dma_wait3A_130 = tpu.memref_slice %arg2[%add3A_1, %dma_wait3A_128, %dma_wait3A_129] : memref<4x10240x128xf32, #tpu.memory_space<hbm>> -> memref<1x10240x128xf32, #tpu.memory_space<hbm>>
      %dma_wait3A_131 = tpu.memref_squeeze %dma_wait3A_130 : memref<1x10240x128xf32, #tpu.memory_space<hbm>> -> memref<10240x128xf32, #tpu.memory_space<hbm>>
      %dma_wait3A_132 = arith.constant 0 : i32
      %dma_wait3A_133 = arith.constant 0 : i32
      %dma_wait3A_134 = tpu.memref_slice %dma_wait3A_131[%dma_wait3A_132, %dma_wait3A_133] : memref<10240x128xf32, #tpu.memory_space<hbm>> -> memref<10240x128xf32, #tpu.memory_space<hbm>>
      tpu.wait_indirect_dma semaphore(%arg12 : memref<!tpu.dma_semaphore, #tpu.memory_space<semaphore_mem>>) src(%dma_wait3A_134 : memref<10240x128xf32, #tpu.memory_space<hbm>>) dst(%arg9 : memref<64x128xf32, #tpu.memory_space<vmem>>)
      %mul3A_135 = arith.constant 2 : i32
      %mul3A_136 = arith.muli %scan3A_124, %mul3A_135 : i32
      %add3A_137 = arith.constant 0 : i32
      %add3A_138 = arith.addi %mul3A_136, %add3A_137 : i32
      "tpu.region"() ({
        %run_scoped3A = tpu.sem_alloc : memref<!tpu.dma_semaphore, #tpu.memory_space<semaphore_mem>>
        %dma_start3A_177 = arith.constant 0 : i32
        %dma_start3A_178 = tpu.memref_slice %arg8[%add3A_138, %dma_start3A_177] : memref<160x64xi32, #tpu.memory_space<vmem>> -> memref<1x64xi32, #tpu.memory_space<vmem>>
        %dma_start3A_179 = tpu.memref_squeeze %dma_start3A_178 : memref<1x64xi32, #tpu.memory_space<vmem>> -> memref<64xi32, #tpu.memory_space<vmem>>
        %dma_start3A_180 = arith.constant 0 : i32
        %dma_start3A_181 = arith.constant 0 : i32
        %dma_start3A_182 = tpu.memref_slice %arg11[%dma_start3A_180, %dma_start3A_181] : memref<10240x128xf32, #tpu.memory_space<vmem_shared>> -> memref<10240x128xf32, #tpu.memory_space<vmem_shared>>
        tpu.enqueue_indirect_dma source(%arg9 : memref<64x128xf32, #tpu.memory_space<vmem>>) target(%dma_start3A_182 : memref<10240x128xf32, #tpu.memory_space<vmem_shared>>) offsets(%dma_start3A_179 : memref<64xi32, #tpu.memory_space<vmem>>) semaphore(%run_scoped3A : memref<!tpu.dma_semaphore, #tpu.memory_space<semaphore_mem>>) {add = true}
        %dma_wait3A_183 = arith.constant 0 : i32
        %dma_wait3A_184 = tpu.memref_slice %arg8[%add3A_138, %dma_wait3A_183] : memref<160x64xi32, #tpu.memory_space<vmem>> -> memref<1x64xi32, #tpu.memory_space<vmem>>
        %dma_wait3A_185 = tpu.memref_squeeze %dma_wait3A_184 : memref<1x64xi32, #tpu.memory_space<vmem>> -> memref<64xi32, #tpu.memory_space<vmem>>
        %dma_wait3A_186 = arith.constant 0 : i32
        %dma_wait3A_187 = arith.constant 0 : i32
        %dma_wait3A_188 = tpu.memref_slice %arg11[%dma_wait3A_186, %dma_wait3A_187] : memref<10240x128xf32, #tpu.memory_space<vmem_shared>> -> memref<10240x128xf32, #tpu.memory_space<vmem_shared>>
        tpu.wait_indirect_dma semaphore(%run_scoped3A : memref<!tpu.dma_semaphore, #tpu.memory_space<semaphore_mem>>) src(%arg9 : memref<64x128xf32, #tpu.memory_space<vmem>>) dst(%dma_wait3A_188 : memref<10240x128xf32, #tpu.memory_space<vmem_shared>>)
        tpu.yield
      }) : () -> ()
      %add3A_139 = arith.constant 1 : i32
      %add3A_140 = arith.addi %scan3A_124, %add3A_139 : i32
      %dma_start3A_141 = arith.constant 0 : i32
      %dma_start3A_142 = tpu.memref_slice %arg7[%add3A_140, %dma_start3A_141] : memref<82x128xi32, #tpu.memory_space<vmem>> -> memref<1x64xi32, #tpu.memory_space<vmem>>
      %dma_start3A_143 = tpu.memref_squeeze %dma_start3A_142 : memref<1x64xi32, #tpu.memory_space<vmem>> -> memref<64xi32, #tpu.memory_space<vmem>>
      %dma_start3A_144 = arith.constant 0 : i32
      %dma_start3A_145 = arith.constant 0 : i32
      %dma_start3A_146 = tpu.memref_slice %arg2[%add3A_1, %dma_start3A_144, %dma_start3A_145] : memref<4x10240x128xf32, #tpu.memory_space<hbm>> -> memref<1x10240x128xf32, #tpu.memory_space<hbm>>
      %dma_start3A_147 = tpu.memref_squeeze %dma_start3A_146 : memref<1x10240x128xf32, #tpu.memory_space<hbm>> -> memref<10240x128xf32, #tpu.memory_space<hbm>>
      %dma_start3A_148 = arith.constant 0 : i32
      %dma_start3A_149 = arith.constant 0 : i32
      %dma_start3A_150 = tpu.memref_slice %dma_start3A_147[%dma_start3A_148, %dma_start3A_149] : memref<10240x128xf32, #tpu.memory_space<hbm>> -> memref<10240x128xf32, #tpu.memory_space<hbm>>
      tpu.enqueue_indirect_dma source(%dma_start3A_150 : memref<10240x128xf32, #tpu.memory_space<hbm>>) target(%arg9 : memref<64x128xf32, #tpu.memory_space<vmem>>) offsets(%dma_start3A_143 : memref<64xi32, #tpu.memory_space<vmem>>) semaphore(%arg12 : memref<!tpu.dma_semaphore, #tpu.memory_space<semaphore_mem>>)
      %dma_wait3A_151 = arith.constant 64 : i32
      %dma_wait3A_152 = tpu.memref_slice %arg7[%scan3A_124, %dma_wait3A_151] : memref<82x128xi32, #tpu.memory_space<vmem>> -> memref<1x64xi32, #tpu.memory_space<vmem>>
      %dma_wait3A_153 = tpu.memref_squeeze %dma_wait3A_152 : memref<1x64xi32, #tpu.memory_space<vmem>> -> memref<64xi32, #tpu.memory_space<vmem>>
      %dma_wait3A_154 = arith.constant 0 : i32
      %dma_wait3A_155 = arith.constant 0 : i32
      %dma_wait3A_156 = tpu.memref_slice %arg2[%add3A_1, %dma_wait3A_154, %dma_wait3A_155] : memref<4x10240x128xf32, #tpu.memory_space<hbm>> -> memref<1x10240x128xf32, #tpu.memory_space<hbm>>
      %dma_wait3A_157 = tpu.memref_squeeze %dma_wait3A_156 : memref<1x10240x128xf32, #tpu.memory_space<hbm>> -> memref<10240x128xf32, #tpu.memory_space<hbm>>
      %dma_wait3A_158 = arith.constant 0 : i32
      %dma_wait3A_159 = arith.constant 0 : i32
      %dma_wait3A_160 = tpu.memref_slice %dma_wait3A_157[%dma_wait3A_158, %dma_wait3A_159] : memref<10240x128xf32, #tpu.memory_space<hbm>> -> memref<10240x128xf32, #tpu.memory_space<hbm>>
      tpu.wait_indirect_dma semaphore(%arg13 : memref<!tpu.dma_semaphore, #tpu.memory_space<semaphore_mem>>) src(%dma_wait3A_160 : memref<10240x128xf32, #tpu.memory_space<hbm>>) dst(%arg10 : memref<64x128xf32, #tpu.memory_space<vmem>>)
      %mul3A_161 = arith.constant 2 : i32
      %mul3A_162 = arith.muli %scan3A_124, %mul3A_161 : i32
      %add3A_163 = arith.constant 1 : i32
      %add3A_164 = arith.addi %mul3A_162, %add3A_163 : i32
      "tpu.region"() ({
        %run_scoped3A = tpu.sem_alloc : memref<!tpu.dma_semaphore, #tpu.memory_space<semaphore_mem>>
        %dma_start3A_177 = arith.constant 0 : i32
        %dma_start3A_178 = tpu.memref_slice %arg8[%add3A_164, %dma_start3A_177] : memref<160x64xi32, #tpu.memory_space<vmem>> -> memref<1x64xi32, #tpu.memory_space<vmem>>
        %dma_start3A_179 = tpu.memref_squeeze %dma_start3A_178 : memref<1x64xi32, #tpu.memory_space<vmem>> -> memref<64xi32, #tpu.memory_space<vmem>>
        %dma_start3A_180 = arith.constant 0 : i32
        %dma_start3A_181 = arith.constant 0 : i32
        %dma_start3A_182 = tpu.memref_slice %arg11[%dma_start3A_180, %dma_start3A_181] : memref<10240x128xf32, #tpu.memory_space<vmem_shared>> -> memref<10240x128xf32, #tpu.memory_space<vmem_shared>>
        tpu.enqueue_indirect_dma source(%arg10 : memref<64x128xf32, #tpu.memory_space<vmem>>) target(%dma_start3A_182 : memref<10240x128xf32, #tpu.memory_space<vmem_shared>>) offsets(%dma_start3A_179 : memref<64xi32, #tpu.memory_space<vmem>>) semaphore(%run_scoped3A : memref<!tpu.dma_semaphore, #tpu.memory_space<semaphore_mem>>) {add = true}
        %dma_wait3A_183 = arith.constant 0 : i32
        %dma_wait3A_184 = tpu.memref_slice %arg8[%add3A_164, %dma_wait3A_183] : memref<160x64xi32, #tpu.memory_space<vmem>> -> memref<1x64xi32, #tpu.memory_space<vmem>>
        %dma_wait3A_185 = tpu.memref_squeeze %dma_wait3A_184 : memref<1x64xi32, #tpu.memory_space<vmem>> -> memref<64xi32, #tpu.memory_space<vmem>>
        %dma_wait3A_186 = arith.constant 0 : i32
        %dma_wait3A_187 = arith.constant 0 : i32
        %dma_wait3A_188 = tpu.memref_slice %arg11[%dma_wait3A_186, %dma_wait3A_187] : memref<10240x128xf32, #tpu.memory_space<vmem_shared>> -> memref<10240x128xf32, #tpu.memory_space<vmem_shared>>
        tpu.wait_indirect_dma semaphore(%run_scoped3A : memref<!tpu.dma_semaphore, #tpu.memory_space<semaphore_mem>>) src(%arg10 : memref<64x128xf32, #tpu.memory_space<vmem>>) dst(%dma_wait3A_188 : memref<10240x128xf32, #tpu.memory_space<vmem_shared>>)
        tpu.yield
      }) : () -> ()
      %add3A_165 = arith.constant 1 : i32
      %add3A_166 = arith.addi %scan3A_124, %add3A_165 : i32
      %dma_start3A_167 = arith.constant 64 : i32
      %dma_start3A_168 = tpu.memref_slice %arg7[%add3A_166, %dma_start3A_167] : memref<82x128xi32, #tpu.memory_space<vmem>> -> memref<1x64xi32, #tpu.memory_space<vmem>>
      %dma_start3A_169 = tpu.memref_squeeze %dma_start3A_168 : memref<1x64xi32, #tpu.memory_space<vmem>> -> memref<64xi32, #tpu.memory_space<vmem>>
      %dma_start3A_170 = arith.constant 0 : i32
      %dma_start3A_171 = arith.constant 0 : i32
      %dma_start3A_172 = tpu.memref_slice %arg2[%add3A_1, %dma_start3A_170, %dma_start3A_171] : memref<4x10240x128xf32, #tpu.memory_space<hbm>> -> memref<1x10240x128xf32, #tpu.memory_space<hbm>>
      %dma_start3A_173 = tpu.memref_squeeze %dma_start3A_172 : memref<1x10240x128xf32, #tpu.memory_space<hbm>> -> memref<10240x128xf32, #tpu.memory_space<hbm>>
      %dma_start3A_174 = arith.constant 0 : i32
      %dma_start3A_175 = arith.constant 0 : i32
      %dma_start3A_176 = tpu.memref_slice %dma_start3A_173[%dma_start3A_174, %dma_start3A_175] : memref<10240x128xf32, #tpu.memory_space<hbm>> -> memref<10240x128xf32, #tpu.memory_space<hbm>>
      tpu.enqueue_indirect_dma source(%dma_start3A_176 : memref<10240x128xf32, #tpu.memory_space<hbm>>) target(%arg10 : memref<64x128xf32, #tpu.memory_space<vmem>>) offsets(%dma_start3A_169 : memref<64xi32, #tpu.memory_space<vmem>>) semaphore(%arg13 : memref<!tpu.dma_semaphore, #tpu.memory_space<semaphore_mem>>)
    }
    %scan3A_31 = arith.constant 80 : i32
    %dma_wait3A = arith.constant 0 : i32
    %dma_wait3A_32 = arith.constant 0 : i32
    %dma_wait3A_33 = tpu.memref_slice %arg7[%dma_wait3A, %dma_wait3A_32] : memref<82x128xi32, #tpu.memory_space<vmem>> -> memref<1x64xi32, #tpu.memory_space<vmem>>
    %dma_wait3A_34 = tpu.memref_squeeze %dma_wait3A_33 : memref<1x64xi32, #tpu.memory_space<vmem>> -> memref<64xi32, #tpu.memory_space<vmem>>
    %dma_wait3A_35 = arith.constant 0 : i32
    %dma_wait3A_36 = arith.constant 0 : i32
    %dma_wait3A_37 = tpu.memref_slice %arg2[%add3A_1, %dma_wait3A_35, %dma_wait3A_36] : memref<4x10240x128xf32, #tpu.memory_space<hbm>> -> memref<1x10240x128xf32, #tpu.memory_space<hbm>>
    %dma_wait3A_38 = tpu.memref_squeeze %dma_wait3A_37 : memref<1x10240x128xf32, #tpu.memory_space<hbm>> -> memref<10240x128xf32, #tpu.memory_space<hbm>>
    %dma_wait3A_39 = arith.constant 0 : i32
    %dma_wait3A_40 = arith.constant 0 : i32
    %dma_wait3A_41 = tpu.memref_slice %dma_wait3A_38[%dma_wait3A_39, %dma_wait3A_40] : memref<10240x128xf32, #tpu.memory_space<hbm>> -> memref<10240x128xf32, #tpu.memory_space<hbm>>
    tpu.wait_indirect_dma semaphore(%arg12 : memref<!tpu.dma_semaphore, #tpu.memory_space<semaphore_mem>>) src(%dma_wait3A_41 : memref<10240x128xf32, #tpu.memory_space<hbm>>) dst(%arg9 : memref<64x128xf32, #tpu.memory_space<vmem>>)
    %dma_wait3A_42 = arith.constant 0 : i32
    %dma_wait3A_43 = arith.constant 64 : i32
    %dma_wait3A_44 = tpu.memref_slice %arg7[%dma_wait3A_42, %dma_wait3A_43] : memref<82x128xi32, #tpu.memory_space<vmem>> -> memref<1x64xi32, #tpu.memory_space<vmem>>
    %dma_wait3A_45 = tpu.memref_squeeze %dma_wait3A_44 : memref<1x64xi32, #tpu.memory_space<vmem>> -> memref<64xi32, #tpu.memory_space<vmem>>
    %dma_wait3A_46 = arith.constant 0 : i32
    %dma_wait3A_47 = arith.constant 0 : i32
    %dma_wait3A_48 = tpu.memref_slice %arg2[%add3A_1, %dma_wait3A_46, %dma_wait3A_47] : memref<4x10240x128xf32, #tpu.memory_space<hbm>> -> memref<1x10240x128xf32, #tpu.memory_space<hbm>>
    %dma_wait3A_49 = tpu.memref_squeeze %dma_wait3A_48 : memref<1x10240x128xf32, #tpu.memory_space<hbm>> -> memref<10240x128xf32, #tpu.memory_space<hbm>>
    %dma_wait3A_50 = arith.constant 0 : i32
    %dma_wait3A_51 = arith.constant 0 : i32
    %dma_wait3A_52 = tpu.memref_slice %dma_wait3A_49[%dma_wait3A_50, %dma_wait3A_51] : memref<10240x128xf32, #tpu.memory_space<hbm>> -> memref<10240x128xf32, #tpu.memory_space<hbm>>
    tpu.wait_indirect_dma semaphore(%arg13 : memref<!tpu.dma_semaphore, #tpu.memory_space<semaphore_mem>>) src(%dma_wait3A_52 : memref<10240x128xf32, #tpu.memory_space<hbm>>) dst(%arg10 : memref<64x128xf32, #tpu.memory_space<vmem>>)
    %barrier3A_53 = arith.constant 0 : index
    tpu.barrier barrier_id(%barrier3A_53)
    %mul3A_54 = arith.constant 640 : i32
    %mul3A_55 = arith.muli %arg1, %mul3A_54 : i32
    %mul3A_56 = arith.constant 640 : i32
    %mul3A_57 = arith.muli %arg1, %mul3A_56 : i32
    "tpu.region"() ({
      %run_scoped3A = tpu.sem_alloc : memref<!tpu.dma_semaphore, #tpu.memory_space<semaphore_mem>>
      %dma_start3A_124 = arith.constant 0 : i32
      %dma_start3A_125 = tpu.memref_slice %arg6[%add3A_1, %mul3A_57, %dma_start3A_124] : memref<4x10240x128xf32, #tpu.memory_space<hbm>> -> memref<1x640x128xf32, #tpu.memory_space<hbm>>
      %dma_start3A_126 = tpu.memref_squeeze %dma_start3A_125 : memref<1x640x128xf32, #tpu.memory_space<hbm>> -> memref<640x128xf32, #tpu.memory_space<hbm>>
      %dma_start3A_127 = arith.constant 0 : i32
      %dma_start3A_128 = tpu.memref_slice %arg11[%mul3A_55, %dma_start3A_127] : memref<10240x128xf32, #tpu.memory_space<vmem_shared>> -> memref<640x128xf32, #tpu.memory_space<vmem_shared>>
      tpu.enqueue_dma source(%dma_start3A_128 : memref<640x128xf32, #tpu.memory_space<vmem_shared>>) target(%dma_start3A_126 : memref<640x128xf32, #tpu.memory_space<hbm>>) target_semaphore(%run_scoped3A : memref<!tpu.dma_semaphore, #tpu.memory_space<semaphore_mem>>)
      %dma_wait3A_129 = arith.constant 0 : i32
      %dma_wait3A_130 = tpu.memref_slice %arg6[%add3A_1, %mul3A_57, %dma_wait3A_129] : memref<4x10240x128xf32, #tpu.memory_space<hbm>> -> memref<1x640x128xf32, #tpu.memory_space<hbm>>
      %dma_wait3A_131 = tpu.memref_squeeze %dma_wait3A_130 : memref<1x640x128xf32, #tpu.memory_space<hbm>> -> memref<640x128xf32, #tpu.memory_space<hbm>>
      %dma_wait3A_132 = arith.constant 0 : i32
      %dma_wait3A_133 = tpu.memref_slice %arg11[%mul3A_55, %dma_wait3A_132] : memref<10240x128xf32, #tpu.memory_space<vmem_shared>> -> memref<640x128xf32, #tpu.memory_space<vmem_shared>>
      tpu.wait_dma2 semaphore(%run_scoped3A : memref<!tpu.dma_semaphore, #tpu.memory_space<semaphore_mem>>) src(%dma_wait3A_133 : memref<640x128xf32, #tpu.memory_space<vmem_shared>>) dst(%dma_wait3A_131 : memref<640x128xf32, #tpu.memory_space<hbm>>)
      tpu.yield
    }) : () -> ()
    %barrier3A_58 = arith.constant 0 : index
    tpu.barrier barrier_id(%barrier3A_58)
    %mul3A_59 = arith.constant 2 : i32
    %mul3A_60 = arith.muli %arg0, %mul3A_59 : i32
    %add3A_61 = arith.constant 1 : i32
    %add3A_62 = arith.addi %mul3A_60, %add3A_61 : i32
    %mul3A_63 = arith.constant 640 : i32
    %mul3A_64 = arith.muli %arg1, %mul3A_63 : i32
    %mul3A_65 = arith.constant 640 : i32
    %mul3A_66 = arith.muli %arg1, %mul3A_65 : i32
    "tpu.region"() ({
      %run_scoped3A = tpu.sem_alloc : memref<!tpu.dma_semaphore, #tpu.memory_space<semaphore_mem>>
      %dma_start3A_124 = arith.constant 0 : i32
      %dma_start3A_125 = tpu.memref_slice %arg11[%mul3A_66, %dma_start3A_124] : memref<10240x128xf32, #tpu.memory_space<vmem_shared>> -> memref<640x128xf32, #tpu.memory_space<vmem_shared>>
      %dma_start3A_126 = arith.constant 0 : i32
      %dma_start3A_127 = tpu.memref_slice %arg5[%mul3A_64, %dma_start3A_126] : memref<10240x128xf32, #tpu.memory_space<hbm>> -> memref<640x128xf32, #tpu.memory_space<hbm>>
      tpu.enqueue_dma source(%dma_start3A_127 : memref<640x128xf32, #tpu.memory_space<hbm>>) target(%dma_start3A_125 : memref<640x128xf32, #tpu.memory_space<vmem_shared>>) target_semaphore(%run_scoped3A : memref<!tpu.dma_semaphore, #tpu.memory_space<semaphore_mem>>)
      %dma_wait3A_128 = arith.constant 0 : i32
      %dma_wait3A_129 = tpu.memref_slice %arg11[%mul3A_66, %dma_wait3A_128] : memref<10240x128xf32, #tpu.memory_space<vmem_shared>> -> memref<640x128xf32, #tpu.memory_space<vmem_shared>>
      %dma_wait3A_130 = arith.constant 0 : i32
      %dma_wait3A_131 = tpu.memref_slice %arg5[%mul3A_64, %dma_wait3A_130] : memref<10240x128xf32, #tpu.memory_space<hbm>> -> memref<640x128xf32, #tpu.memory_space<hbm>>
      tpu.wait_dma2 semaphore(%run_scoped3A : memref<!tpu.dma_semaphore, #tpu.memory_space<semaphore_mem>>) src(%dma_wait3A_131 : memref<640x128xf32, #tpu.memory_space<hbm>>) dst(%dma_wait3A_129 : memref<640x128xf32, #tpu.memory_space<vmem_shared>>)
      tpu.yield
    }) : () -> ()
    %barrier3A_67 = arith.constant 0 : index
    tpu.barrier barrier_id(%barrier3A_67)
    %dma_start3A_68 = arith.constant 0 : i32
    %dma_start3A_69 = arith.constant 0 : i32
    %dma_start3A_70 = tpu.memref_slice %arg7[%dma_start3A_68, %dma_start3A_69] : memref<82x128xi32, #tpu.memory_space<vmem>> -> memref<1x64xi32, #tpu.memory_space<vmem>>
    %dma_start3A_71 = tpu.memref_squeeze %dma_start3A_70 : memref<1x64xi32, #tpu.memory_space<vmem>> -> memref<64xi32, #tpu.memory_space<vmem>>
    %dma_start3A_72 = arith.constant 0 : i32
    %dma_start3A_73 = arith.constant 0 : i32
    %dma_start3A_74 = tpu.memref_slice %arg2[%add3A_62, %dma_start3A_72, %dma_start3A_73] : memref<4x10240x128xf32, #tpu.memory_space<hbm>> -> memref<1x10240x128xf32, #tpu.memory_space<hbm>>
    %dma_start3A_75 = tpu.memref_squeeze %dma_start3A_74 : memref<1x10240x128xf32, #tpu.memory_space<hbm>> -> memref<10240x128xf32, #tpu.memory_space<hbm>>
    %dma_start3A_76 = arith.constant 0 : i32
    %dma_start3A_77 = arith.constant 0 : i32
    %dma_start3A_78 = tpu.memref_slice %dma_start3A_75[%dma_start3A_76, %dma_start3A_77] : memref<10240x128xf32, #tpu.memory_space<hbm>> -> memref<10240x128xf32, #tpu.memory_space<hbm>>
    tpu.enqueue_indirect_dma source(%dma_start3A_78 : memref<10240x128xf32, #tpu.memory_space<hbm>>) target(%arg9 : memref<64x128xf32, #tpu.memory_space<vmem>>) offsets(%dma_start3A_71 : memref<64xi32, #tpu.memory_space<vmem>>) semaphore(%arg12 : memref<!tpu.dma_semaphore, #tpu.memory_space<semaphore_mem>>)
    %dma_start3A_79 = arith.constant 0 : i32
    %dma_start3A_80 = arith.constant 64 : i32
    %dma_start3A_81 = tpu.memref_slice %arg7[%dma_start3A_79, %dma_start3A_80] : memref<82x128xi32, #tpu.memory_space<vmem>> -> memref<1x64xi32, #tpu.memory_space<vmem>>
    %dma_start3A_82 = tpu.memref_squeeze %dma_start3A_81 : memref<1x64xi32, #tpu.memory_space<vmem>> -> memref<64xi32, #tpu.memory_space<vmem>>
    %dma_start3A_83 = arith.constant 0 : i32
    %dma_start3A_84 = arith.constant 0 : i32
    %dma_start3A_85 = tpu.memref_slice %arg2[%add3A_62, %dma_start3A_83, %dma_start3A_84] : memref<4x10240x128xf32, #tpu.memory_space<hbm>> -> memref<1x10240x128xf32, #tpu.memory_space<hbm>>
    %dma_start3A_86 = tpu.memref_squeeze %dma_start3A_85 : memref<1x10240x128xf32, #tpu.memory_space<hbm>> -> memref<10240x128xf32, #tpu.memory_space<hbm>>
    %dma_start3A_87 = arith.constant 0 : i32
    %dma_start3A_88 = arith.constant 0 : i32
    %dma_start3A_89 = tpu.memref_slice %dma_start3A_86[%dma_start3A_87, %dma_start3A_88] : memref<10240x128xf32, #tpu.memory_space<hbm>> -> memref<10240x128xf32, #tpu.memory_space<hbm>>
    tpu.enqueue_indirect_dma source(%dma_start3A_89 : memref<10240x128xf32, #tpu.memory_space<hbm>>) target(%arg10 : memref<64x128xf32, #tpu.memory_space<vmem>>) offsets(%dma_start3A_82 : memref<64xi32, #tpu.memory_space<vmem>>) semaphore(%arg13 : memref<!tpu.dma_semaphore, #tpu.memory_space<semaphore_mem>>)
    %scan3A_90 = arith.constant 0 : i32
    %scan3A_91 = arith.constant 0 : i32
    %scan3A_92 = arith.constant 80 : i32
    %scan3A_93 = arith.addi %scan3A_91, %scan3A_92 : i32
    %scan3A_94 = arith.constant 1 : i32
    scf.for %scan3A_124 = %scan3A_91 to %scan3A_93 step %scan3A_94  : i32 {
      %dma_wait3A_125 = arith.constant 0 : i32
      %dma_wait3A_126 = tpu.memref_slice %arg7[%scan3A_124, %dma_wait3A_125] : memref<82x128xi32, #tpu.memory_space<vmem>> -> memref<1x64xi32, #tpu.memory_space<vmem>>
      %dma_wait3A_127 = tpu.memref_squeeze %dma_wait3A_126 : memref<1x64xi32, #tpu.memory_space<vmem>> -> memref<64xi32, #tpu.memory_space<vmem>>
      %dma_wait3A_128 = arith.constant 0 : i32
      %dma_wait3A_129 = arith.constant 0 : i32
      %dma_wait3A_130 = tpu.memref_slice %arg2[%add3A_62, %dma_wait3A_128, %dma_wait3A_129] : memref<4x10240x128xf32, #tpu.memory_space<hbm>> -> memref<1x10240x128xf32, #tpu.memory_space<hbm>>
      %dma_wait3A_131 = tpu.memref_squeeze %dma_wait3A_130 : memref<1x10240x128xf32, #tpu.memory_space<hbm>> -> memref<10240x128xf32, #tpu.memory_space<hbm>>
      %dma_wait3A_132 = arith.constant 0 : i32
      %dma_wait3A_133 = arith.constant 0 : i32
      %dma_wait3A_134 = tpu.memref_slice %dma_wait3A_131[%dma_wait3A_132, %dma_wait3A_133] : memref<10240x128xf32, #tpu.memory_space<hbm>> -> memref<10240x128xf32, #tpu.memory_space<hbm>>
      tpu.wait_indirect_dma semaphore(%arg12 : memref<!tpu.dma_semaphore, #tpu.memory_space<semaphore_mem>>) src(%dma_wait3A_134 : memref<10240x128xf32, #tpu.memory_space<hbm>>) dst(%arg9 : memref<64x128xf32, #tpu.memory_space<vmem>>)
      %mul3A_135 = arith.constant 2 : i32
      %mul3A_136 = arith.muli %scan3A_124, %mul3A_135 : i32
      %add3A_137 = arith.constant 0 : i32
      %add3A_138 = arith.addi %mul3A_136, %add3A_137 : i32
      "tpu.region"() ({
        %run_scoped3A = tpu.sem_alloc : memref<!tpu.dma_semaphore, #tpu.memory_space<semaphore_mem>>
        %dma_start3A_177 = arith.constant 0 : i32
        %dma_start3A_178 = tpu.memref_slice %arg8[%add3A_138, %dma_start3A_177] : memref<160x64xi32, #tpu.memory_space<vmem>> -> memref<1x64xi32, #tpu.memory_space<vmem>>
        %dma_start3A_179 = tpu.memref_squeeze %dma_start3A_178 : memref<1x64xi32, #tpu.memory_space<vmem>> -> memref<64xi32, #tpu.memory_space<vmem>>
        %dma_start3A_180 = arith.constant 0 : i32
        %dma_start3A_181 = arith.constant 0 : i32
        %dma_start3A_182 = tpu.memref_slice %arg11[%dma_start3A_180, %dma_start3A_181] : memref<10240x128xf32, #tpu.memory_space<vmem_shared>> -> memref<10240x128xf32, #tpu.memory_space<vmem_shared>>
        tpu.enqueue_indirect_dma source(%arg9 : memref<64x128xf32, #tpu.memory_space<vmem>>) target(%dma_start3A_182 : memref<10240x128xf32, #tpu.memory_space<vmem_shared>>) offsets(%dma_start3A_179 : memref<64xi32, #tpu.memory_space<vmem>>) semaphore(%run_scoped3A : memref<!tpu.dma_semaphore, #tpu.memory_space<semaphore_mem>>) {add = true}
        %dma_wait3A_183 = arith.constant 0 : i32
        %dma_wait3A_184 = tpu.memref_slice %arg8[%add3A_138, %dma_wait3A_183] : memref<160x64xi32, #tpu.memory_space<vmem>> -> memref<1x64xi32, #tpu.memory_space<vmem>>
        %dma_wait3A_185 = tpu.memref_squeeze %dma_wait3A_184 : memref<1x64xi32, #tpu.memory_space<vmem>> -> memref<64xi32, #tpu.memory_space<vmem>>
        %dma_wait3A_186 = arith.constant 0 : i32
        %dma_wait3A_187 = arith.constant 0 : i32
        %dma_wait3A_188 = tpu.memref_slice %arg11[%dma_wait3A_186, %dma_wait3A_187] : memref<10240x128xf32, #tpu.memory_space<vmem_shared>> -> memref<10240x128xf32, #tpu.memory_space<vmem_shared>>
        tpu.wait_indirect_dma semaphore(%run_scoped3A : memref<!tpu.dma_semaphore, #tpu.memory_space<semaphore_mem>>) src(%arg9 : memref<64x128xf32, #tpu.memory_space<vmem>>) dst(%dma_wait3A_188 : memref<10240x128xf32, #tpu.memory_space<vmem_shared>>)
        tpu.yield
      }) : () -> ()
      %add3A_139 = arith.constant 1 : i32
      %add3A_140 = arith.addi %scan3A_124, %add3A_139 : i32
      %dma_start3A_141 = arith.constant 0 : i32
      %dma_start3A_142 = tpu.memref_slice %arg7[%add3A_140, %dma_start3A_141] : memref<82x128xi32, #tpu.memory_space<vmem>> -> memref<1x64xi32, #tpu.memory_space<vmem>>
      %dma_start3A_143 = tpu.memref_squeeze %dma_start3A_142 : memref<1x64xi32, #tpu.memory_space<vmem>> -> memref<64xi32, #tpu.memory_space<vmem>>
      %dma_start3A_144 = arith.constant 0 : i32
      %dma_start3A_145 = arith.constant 0 : i32
      %dma_start3A_146 = tpu.memref_slice %arg2[%add3A_62, %dma_start3A_144, %dma_start3A_145] : memref<4x10240x128xf32, #tpu.memory_space<hbm>> -> memref<1x10240x128xf32, #tpu.memory_space<hbm>>
      %dma_start3A_147 = tpu.memref_squeeze %dma_start3A_146 : memref<1x10240x128xf32, #tpu.memory_space<hbm>> -> memref<10240x128xf32, #tpu.memory_space<hbm>>
      %dma_start3A_148 = arith.constant 0 : i32
      %dma_start3A_149 = arith.constant 0 : i32
      %dma_start3A_150 = tpu.memref_slice %dma_start3A_147[%dma_start3A_148, %dma_start3A_149] : memref<10240x128xf32, #tpu.memory_space<hbm>> -> memref<10240x128xf32, #tpu.memory_space<hbm>>
      tpu.enqueue_indirect_dma source(%dma_start3A_150 : memref<10240x128xf32, #tpu.memory_space<hbm>>) target(%arg9 : memref<64x128xf32, #tpu.memory_space<vmem>>) offsets(%dma_start3A_143 : memref<64xi32, #tpu.memory_space<vmem>>) semaphore(%arg12 : memref<!tpu.dma_semaphore, #tpu.memory_space<semaphore_mem>>)
      %dma_wait3A_151 = arith.constant 64 : i32
      %dma_wait3A_152 = tpu.memref_slice %arg7[%scan3A_124, %dma_wait3A_151] : memref<82x128xi32, #tpu.memory_space<vmem>> -> memref<1x64xi32, #tpu.memory_space<vmem>>
      %dma_wait3A_153 = tpu.memref_squeeze %dma_wait3A_152 : memref<1x64xi32, #tpu.memory_space<vmem>> -> memref<64xi32, #tpu.memory_space<vmem>>
      %dma_wait3A_154 = arith.constant 0 : i32
      %dma_wait3A_155 = arith.constant 0 : i32
      %dma_wait3A_156 = tpu.memref_slice %arg2[%add3A_62, %dma_wait3A_154, %dma_wait3A_155] : memref<4x10240x128xf32, #tpu.memory_space<hbm>> -> memref<1x10240x128xf32, #tpu.memory_space<hbm>>
      %dma_wait3A_157 = tpu.memref_squeeze %dma_wait3A_156 : memref<1x10240x128xf32, #tpu.memory_space<hbm>> -> memref<10240x128xf32, #tpu.memory_space<hbm>>
      %dma_wait3A_158 = arith.constant 0 : i32
      %dma_wait3A_159 = arith.constant 0 : i32
      %dma_wait3A_160 = tpu.memref_slice %dma_wait3A_157[%dma_wait3A_158, %dma_wait3A_159] : memref<10240x128xf32, #tpu.memory_space<hbm>> -> memref<10240x128xf32, #tpu.memory_space<hbm>>
      tpu.wait_indirect_dma semaphore(%arg13 : memref<!tpu.dma_semaphore, #tpu.memory_space<semaphore_mem>>) src(%dma_wait3A_160 : memref<10240x128xf32, #tpu.memory_space<hbm>>) dst(%arg10 : memref<64x128xf32, #tpu.memory_space<vmem>>)
      %mul3A_161 = arith.constant 2 : i32
      %mul3A_162 = arith.muli %scan3A_124, %mul3A_161 : i32
      %add3A_163 = arith.constant 1 : i32
      %add3A_164 = arith.addi %mul3A_162, %add3A_163 : i32
      "tpu.region"() ({
        %run_scoped3A = tpu.sem_alloc : memref<!tpu.dma_semaphore, #tpu.memory_space<semaphore_mem>>
        %dma_start3A_177 = arith.constant 0 : i32
        %dma_start3A_178 = tpu.memref_slice %arg8[%add3A_164, %dma_start3A_177] : memref<160x64xi32, #tpu.memory_space<vmem>> -> memref<1x64xi32, #tpu.memory_space<vmem>>
        %dma_start3A_179 = tpu.memref_squeeze %dma_start3A_178 : memref<1x64xi32, #tpu.memory_space<vmem>> -> memref<64xi32, #tpu.memory_space<vmem>>
        %dma_start3A_180 = arith.constant 0 : i32
        %dma_start3A_181 = arith.constant 0 : i32
        %dma_start3A_182 = tpu.memref_slice %arg11[%dma_start3A_180, %dma_start3A_181] : memref<10240x128xf32, #tpu.memory_space<vmem_shared>> -> memref<10240x128xf32, #tpu.memory_space<vmem_shared>>
        tpu.enqueue_indirect_dma source(%arg10 : memref<64x128xf32, #tpu.memory_space<vmem>>) target(%dma_start3A_182 : memref<10240x128xf32, #tpu.memory_space<vmem_shared>>) offsets(%dma_start3A_179 : memref<64xi32, #tpu.memory_space<vmem>>) semaphore(%run_scoped3A : memref<!tpu.dma_semaphore, #tpu.memory_space<semaphore_mem>>) {add = true}
        %dma_wait3A_183 = arith.constant 0 : i32
        %dma_wait3A_184 = tpu.memref_slice %arg8[%add3A_164, %dma_wait3A_183] : memref<160x64xi32, #tpu.memory_space<vmem>> -> memref<1x64xi32, #tpu.memory_space<vmem>>
        %dma_wait3A_185 = tpu.memref_squeeze %dma_wait3A_184 : memref<1x64xi32, #tpu.memory_space<vmem>> -> memref<64xi32, #tpu.memory_space<vmem>>
        %dma_wait3A_186 = arith.constant 0 : i32
        %dma_wait3A_187 = arith.constant 0 : i32
        %dma_wait3A_188 = tpu.memref_slice %arg11[%dma_wait3A_186, %dma_wait3A_187] : memref<10240x128xf32, #tpu.memory_space<vmem_shared>> -> memref<10240x128xf32, #tpu.memory_space<vmem_shared>>
        tpu.wait_indirect_dma semaphore(%run_scoped3A : memref<!tpu.dma_semaphore, #tpu.memory_space<semaphore_mem>>) src(%arg10 : memref<64x128xf32, #tpu.memory_space<vmem>>) dst(%dma_wait3A_188 : memref<10240x128xf32, #tpu.memory_space<vmem_shared>>)
        tpu.yield
      }) : () -> ()
      %add3A_165 = arith.constant 1 : i32
      %add3A_166 = arith.addi %scan3A_124, %add3A_165 : i32
      %dma_start3A_167 = arith.constant 64 : i32
      %dma_start3A_168 = tpu.memref_slice %arg7[%add3A_166, %dma_start3A_167] : memref<82x128xi32, #tpu.memory_space<vmem>> -> memref<1x64xi32, #tpu.memory_space<vmem>>
      %dma_start3A_169 = tpu.memref_squeeze %dma_start3A_168 : memref<1x64xi32, #tpu.memory_space<vmem>> -> memref<64xi32, #tpu.memory_space<vmem>>
      %dma_start3A_170 = arith.constant 0 : i32
      %dma_start3A_171 = arith.constant 0 : i32
      %dma_start3A_172 = tpu.memref_slice %arg2[%add3A_62, %dma_start3A_170, %dma_start3A_171] : memref<4x10240x128xf32, #tpu.memory_space<hbm>> -> memref<1x10240x128xf32, #tpu.memory_space<hbm>>
      %dma_start3A_173 = tpu.memref_squeeze %dma_start3A_172 : memref<1x10240x128xf32, #tpu.memory_space<hbm>> -> memref<10240x128xf32, #tpu.memory_space<hbm>>
      %dma_start3A_174 = arith.constant 0 : i32
      %dma_start3A_175 = arith.constant 0 : i32
      %dma_start3A_176 = tpu.memref_slice %dma_start3A_173[%dma_start3A_174, %dma_start3A_175] : memref<10240x128xf32, #tpu.memory_space<hbm>> -> memref<10240x128xf32, #tpu.memory_space<hbm>>
      tpu.enqueue_indirect_dma source(%dma_start3A_176 : memref<10240x128xf32, #tpu.memory_space<hbm>>) target(%arg10 : memref<64x128xf32, #tpu.memory_space<vmem>>) offsets(%dma_start3A_169 : memref<64xi32, #tpu.memory_space<vmem>>) semaphore(%arg13 : memref<!tpu.dma_semaphore, #tpu.memory_space<semaphore_mem>>)
    }
    %scan3A_95 = arith.constant 80 : i32
    %dma_wait3A_96 = arith.constant 0 : i32
    %dma_wait3A_97 = arith.constant 0 : i32
    %dma_wait3A_98 = tpu.memref_slice %arg7[%dma_wait3A_96, %dma_wait3A_97] : memref<82x128xi32, #tpu.memory_space<vmem>> -> memref<1x64xi32, #tpu.memory_space<vmem>>
    %dma_wait3A_99 = tpu.memref_squeeze %dma_wait3A_98 : memref<1x64xi32, #tpu.memory_space<vmem>> -> memref<64xi32, #tpu.memory_space<vmem>>
    %dma_wait3A_100 = arith.constant 0 : i32
    %dma_wait3A_101 = arith.constant 0 : i32
    %dma_wait3A_102 = tpu.memref_slice %arg2[%add3A_62, %dma_wait3A_100, %dma_wait3A_101] : memref<4x10240x128xf32, #tpu.memory_space<hbm>> -> memref<1x10240x128xf32, #tpu.memory_space<hbm>>
    %dma_wait3A_103 = tpu.memref_squeeze %dma_wait3A_102 : memref<1x10240x128xf32, #tpu.memory_space<hbm>> -> memref<10240x128xf32, #tpu.memory_space<hbm>>
    %dma_wait3A_104 = arith.constant 0 : i32
    %dma_wait3A_105 = arith.constant 0 : i32
    %dma_wait3A_106 = tpu.memref_slice %dma_wait3A_103[%dma_wait3A_104, %dma_wait3A_105] : memref<10240x128xf32, #tpu.memory_space<hbm>> -> memref<10240x128xf32, #tpu.memory_space<hbm>>
    tpu.wait_indirect_dma semaphore(%arg12 : memref<!tpu.dma_semaphore, #tpu.memory_space<semaphore_mem>>) src(%dma_wait3A_106 : memref<10240x128xf32, #tpu.memory_space<hbm>>) dst(%arg9 : memref<64x128xf32, #tpu.memory_space<vmem>>)
    %dma_wait3A_107 = arith.constant 0 : i32
    %dma_wait3A_108 = arith.constant 64 : i32
    %dma_wait3A_109 = tpu.memref_slice %arg7[%dma_wait3A_107, %dma_wait3A_108] : memref<82x128xi32, #tpu.memory_space<vmem>> -> memref<1x64xi32, #tpu.memory_space<vmem>>
    %dma_wait3A_110 = tpu.memref_squeeze %dma_wait3A_109 : memref<1x64xi32, #tpu.memory_space<vmem>> -> memref<64xi32, #tpu.memory_space<vmem>>
    %dma_wait3A_111 = arith.constant 0 : i32
    %dma_wait3A_112 = arith.constant 0 : i32
    %dma_wait3A_113 = tpu.memref_slice %arg2[%add3A_62, %dma_wait3A_111, %dma_wait3A_112] : memref<4x10240x128xf32, #tpu.memory_space<hbm>> -> memref<1x10240x128xf32, #tpu.memory_space<hbm>>
    %dma_wait3A_114 = tpu.memref_squeeze %dma_wait3A_113 : memref<1x10240x128xf32, #tpu.memory_space<hbm>> -> memref<10240x128xf32, #tpu.memory_space<hbm>>
    %dma_wait3A_115 = arith.constant 0 : i32
    %dma_wait3A_116 = arith.constant 0 : i32
    %dma_wait3A_117 = tpu.memref_slice %dma_wait3A_114[%dma_wait3A_115, %dma_wait3A_116] : memref<10240x128xf32, #tpu.memory_space<hbm>> -> memref<10240x128xf32, #tpu.memory_space<hbm>>
    tpu.wait_indirect_dma semaphore(%arg13 : memref<!tpu.dma_semaphore, #tpu.memory_space<semaphore_mem>>) src(%dma_wait3A_117 : memref<10240x128xf32, #tpu.memory_space<hbm>>) dst(%arg10 : memref<64x128xf32, #tpu.memory_space<vmem>>)
    %barrier3A_118 = arith.constant 0 : index
    tpu.barrier barrier_id(%barrier3A_118)
    %mul3A_119 = arith.constant 640 : i32
    %mul3A_120 = arith.muli %arg1, %mul3A_119 : i32
    %mul3A_121 = arith.constant 640 : i32
    %mul3A_122 = arith.muli %arg1, %mul3A_121 : i32
    "tpu.region"() ({
      %run_scoped3A = tpu.sem_alloc : memref<!tpu.dma_semaphore, #tpu.memory_space<semaphore_mem>>
      %dma_start3A_124 = arith.constant 0 : i32
      %dma_start3A_125 = tpu.memref_slice %arg6[%add3A_62, %mul3A_122, %dma_start3A_124] : memref<4x10240x128xf32, #tpu.memory_space<hbm>> -> memref<1x640x128xf32, #tpu.memory_space<hbm>>
      %dma_start3A_126 = tpu.memref_squeeze %dma_start3A_125 : memref<1x640x128xf32, #tpu.memory_space<hbm>> -> memref<640x128xf32, #tpu.memory_space<hbm>>
      %dma_start3A_127 = arith.constant 0 : i32
      %dma_start3A_128 = tpu.memref_slice %arg11[%mul3A_120, %dma_start3A_127] : memref<10240x128xf32, #tpu.memory_space<vmem_shared>> -> memref<640x128xf32, #tpu.memory_space<vmem_shared>>
      tpu.enqueue_dma source(%dma_start3A_128 : memref<640x128xf32, #tpu.memory_space<vmem_shared>>) target(%dma_start3A_126 : memref<640x128xf32, #tpu.memory_space<hbm>>) target_semaphore(%run_scoped3A : memref<!tpu.dma_semaphore, #tpu.memory_space<semaphore_mem>>)
      %dma_wait3A_129 = arith.constant 0 : i32
      %dma_wait3A_130 = tpu.memref_slice %arg6[%add3A_62, %mul3A_122, %dma_wait3A_129] : memref<4x10240x128xf32, #tpu.memory_space<hbm>> -> memref<1x640x128xf32, #tpu.memory_space<hbm>>
      %dma_wait3A_131 = tpu.memref_squeeze %dma_wait3A_130 : memref<1x640x128xf32, #tpu.memory_space<hbm>> -> memref<640x128xf32, #tpu.memory_space<hbm>>
      %dma_wait3A_132 = arith.constant 0 : i32
      %dma_wait3A_133 = tpu.memref_slice %arg11[%mul3A_120, %dma_wait3A_132] : memref<10240x128xf32, #tpu.memory_space<vmem_shared>> -> memref<640x128xf32, #tpu.memory_space<vmem_shared>>
      tpu.wait_dma2 semaphore(%run_scoped3A : memref<!tpu.dma_semaphore, #tpu.memory_space<semaphore_mem>>) src(%dma_wait3A_133 : memref<640x128xf32, #tpu.memory_space<vmem_shared>>) dst(%dma_wait3A_131 : memref<640x128xf32, #tpu.memory_space<hbm>>)
      tpu.yield
    }) : () -> ()
    %barrier3A_123 = arith.constant 0 : index
    tpu.barrier barrier_id(%barrier3A_123)
    return
  }
}

#map = affine_map<(d0, d1) -> (0, 0, 0)>
#map1 = affine_map<(d0, d1) -> (0, 0)>
module attributes {stable_mosaic.version = 14 : i64} {
  func.func @_seg_body(%arg0: i32, %arg1: i32, %arg2: memref<4x10240x128xf32, #tpu.memory_space<hbm>>, %arg3: memref<16x82x128xi32, #tpu.memory_space<hbm>>, %arg4: memref<16x160x64xi32, #tpu.memory_space<hbm>>, %arg5: memref<10240x128xf32, #tpu.memory_space<hbm>>, %arg6: memref<4x10240x128xf32, #tpu.memory_space<hbm>>, %arg7: memref<82x128xi32, #tpu.memory_space<vmem>>, %arg8: memref<160x64xi32, #tpu.memory_space<vmem>>, %arg9: memref<64x128xf32, #tpu.memory_space<vmem>>, %arg10: memref<64x128xf32, #tpu.memory_space<vmem>>, %arg11: memref<10240x128xf32, #tpu.memory_space<vmem_shared>>, %arg12: memref<!tpu.dma_semaphore, #tpu.memory_space<semaphore_mem>>, %arg13: memref<!tpu.dma_semaphore, #tpu.memory_space<semaphore_mem>>) attributes {dimension_semantics = [#tpu.dimension_semantics<core_parallel>, #tpu.dimension_semantics<subcore_parallel>], iteration_bounds = array<i64: 2, 16>, scalar_prefetch = 0 : i64, scratch_operands = 7 : i64, tpu.core_type = #tpu.core_type<sc_vector_subcore>, window_params = [{transform_indices = #map}, {transform_indices = #map}, {transform_indices = #map}, {transform_indices = #map1}, {transform_indices = #map}]} {
    "tpu.region"() ({
      %run_scoped3A = tpu.sem_alloc : memref<!tpu.dma_semaphore, #tpu.memory_space<semaphore_mem>>
      %dma_start3A_124 = arith.constant 0 : i32
      %dma_start3A_125 = arith.constant 0 : i32
      %dma_start3A_126 = tpu.memref_slice %arg3[%arg1, %dma_start3A_124, %dma_start3A_125] : memref<16x82x128xi32, #tpu.memory_space<hbm>> -> memref<1x82x128xi32, #tpu.memory_space<hbm>>
      %dma_start3A_127 = tpu.memref_squeeze %dma_start3A_126 : memref<1x82x128xi32, #tpu.memory_space<hbm>> -> memref<82x128xi32, #tpu.memory_space<hbm>>
      %dma_start3A_128 = arith.constant 0 : i32
      %dma_start3A_129 = arith.constant 0 : i32
      %dma_start3A_130 = tpu.memref_slice %arg3[%arg1, %dma_start3A_128, %dma_start3A_129] : memref<16x82x128xi32, #tpu.memory_space<hbm>> -> memref<1x82x128xi32, #tpu.memory_space<hbm>>
      %dma_start3A_131 = tpu.memref_squeeze %dma_start3A_130 : memref<1x82x128xi32, #tpu.memory_space<hbm>> -> memref<82x128xi32, #tpu.memory_space<hbm>>
      tpu.enqueue_dma source(%dma_start3A_131 : memref<82x128xi32, #tpu.memory_space<hbm>>) target(%arg7 : memref<82x128xi32, #tpu.memory_space<vmem>>) target_semaphore(%run_scoped3A : memref<!tpu.dma_semaphore, #tpu.memory_space<semaphore_mem>>)
      %dma_wait3A_132 = arith.constant 0 : i32
      %dma_wait3A_133 = arith.constant 0 : i32
      %dma_wait3A_134 = tpu.memref_slice %arg3[%arg1, %dma_wait3A_132, %dma_wait3A_133] : memref<16x82x128xi32, #tpu.memory_space<hbm>> -> memref<1x82x128xi32, #tpu.memory_space<hbm>>
      %dma_wait3A_135 = tpu.memref_squeeze %dma_wait3A_134 : memref<1x82x128xi32, #tpu.memory_space<hbm>> -> memref<82x128xi32, #tpu.memory_space<hbm>>
      %dma_wait3A_136 = arith.constant 0 : i32
      %dma_wait3A_137 = arith.constant 0 : i32
      %dma_wait3A_138 = tpu.memref_slice %arg3[%arg1, %dma_wait3A_136, %dma_wait3A_137] : memref<16x82x128xi32, #tpu.memory_space<hbm>> -> memref<1x82x128xi32, #tpu.memory_space<hbm>>
      %dma_wait3A_139 = tpu.memref_squeeze %dma_wait3A_138 : memref<1x82x128xi32, #tpu.memory_space<hbm>> -> memref<82x128xi32, #tpu.memory_space<hbm>>
      tpu.wait_dma2 semaphore(%run_scoped3A : memref<!tpu.dma_semaphore, #tpu.memory_space<semaphore_mem>>) src(%dma_wait3A_139 : memref<82x128xi32, #tpu.memory_space<hbm>>) dst(%arg7 : memref<82x128xi32, #tpu.memory_space<vmem>>)
      tpu.yield
    }) : () -> ()
    "tpu.region"() ({
      %run_scoped3A = tpu.sem_alloc : memref<!tpu.dma_semaphore, #tpu.memory_space<semaphore_mem>>
      %dma_start3A_124 = arith.constant 0 : i32
      %dma_start3A_125 = arith.constant 0 : i32
      %dma_start3A_126 = tpu.memref_slice %arg4[%arg1, %dma_start3A_124, %dma_start3A_125] : memref<16x160x64xi32, #tpu.memory_space<hbm>> -> memref<1x160x64xi32, #tpu.memory_space<hbm>>
      %dma_start3A_127 = tpu.memref_squeeze %dma_start3A_126 : memref<1x160x64xi32, #tpu.memory_space<hbm>> -> memref<160x64xi32, #tpu.memory_space<hbm>>
      %dma_start3A_128 = arith.constant 0 : i32
      %dma_start3A_129 = arith.constant 0 : i32
      %dma_start3A_130 = tpu.memref_slice %arg4[%arg1, %dma_start3A_128, %dma_start3A_129] : memref<16x160x64xi32, #tpu.memory_space<hbm>> -> memref<1x160x64xi32, #tpu.memory_space<hbm>>
      %dma_start3A_131 = tpu.memref_squeeze %dma_start3A_130 : memref<1x160x64xi32, #tpu.memory_space<hbm>> -> memref<160x64xi32, #tpu.memory_space<hbm>>
      tpu.enqueue_dma source(%dma_start3A_131 : memref<160x64xi32, #tpu.memory_space<hbm>>) target(%arg8 : memref<160x64xi32, #tpu.memory_space<vmem>>) target_semaphore(%run_scoped3A : memref<!tpu.dma_semaphore, #tpu.memory_space<semaphore_mem>>)
      %dma_wait3A_132 = arith.constant 0 : i32
      %dma_wait3A_133 = arith.constant 0 : i32
      %dma_wait3A_134 = tpu.memref_slice %arg4[%arg1, %dma_wait3A_132, %dma_wait3A_133] : memref<16x160x64xi32, #tpu.memory_space<hbm>> -> memref<1x160x64xi32, #tpu.memory_space<hbm>>
      %dma_wait3A_135 = tpu.memref_squeeze %dma_wait3A_134 : memref<1x160x64xi32, #tpu.memory_space<hbm>> -> memref<160x64xi32, #tpu.memory_space<hbm>>
      %dma_wait3A_136 = arith.constant 0 : i32
      %dma_wait3A_137 = arith.constant 0 : i32
      %dma_wait3A_138 = tpu.memref_slice %arg4[%arg1, %dma_wait3A_136, %dma_wait3A_137] : memref<16x160x64xi32, #tpu.memory_space<hbm>> -> memref<1x160x64xi32, #tpu.memory_space<hbm>>
      %dma_wait3A_139 = tpu.memref_squeeze %dma_wait3A_138 : memref<1x160x64xi32, #tpu.memory_space<hbm>> -> memref<160x64xi32, #tpu.memory_space<hbm>>
      tpu.wait_dma2 semaphore(%run_scoped3A : memref<!tpu.dma_semaphore, #tpu.memory_space<semaphore_mem>>) src(%dma_wait3A_139 : memref<160x64xi32, #tpu.memory_space<hbm>>) dst(%arg8 : memref<160x64xi32, #tpu.memory_space<vmem>>)
      tpu.yield
    }) : () -> ()
    %mul3A = arith.constant 2 : i32
    %mul3A_0 = arith.muli %arg0, %mul3A : i32
    %add3A = arith.constant 0 : i32
    %add3A_1 = arith.addi %mul3A_0, %add3A : i32
    %mul3A_2 = arith.constant 640 : i32
    %mul3A_3 = arith.muli %arg1, %mul3A_2 : i32
    %mul3A_4 = arith.constant 640 : i32
    %mul3A_5 = arith.muli %arg1, %mul3A_4 : i32
    "tpu.region"() ({
      %run_scoped3A = tpu.sem_alloc : memref<!tpu.dma_semaphore, #tpu.memory_space<semaphore_mem>>
      %dma_start3A_124 = arith.constant 0 : i32
      %dma_start3A_125 = tpu.memref_slice %arg11[%mul3A_5, %dma_start3A_124] : memref<10240x128xf32, #tpu.memory_space<vmem_shared>> -> memref<640x128xf32, #tpu.memory_space<vmem_shared>>
      %dma_start3A_126 = arith.constant 0 : i32
      %dma_start3A_127 = tpu.memref_slice %arg5[%mul3A_3, %dma_start3A_126] : memref<10240x128xf32, #tpu.memory_space<hbm>> -> memref<640x128xf32, #tpu.memory_space<hbm>>
      tpu.enqueue_dma source(%dma_start3A_127 : memref<640x128xf32, #tpu.memory_space<hbm>>) target(%dma_start3A_125 : memref<640x128xf32, #tpu.memory_space<vmem_shared>>) target_semaphore(%run_scoped3A : memref<!tpu.dma_semaphore, #tpu.memory_space<semaphore_mem>>)
      %dma_wait3A_128 = arith.constant 0 : i32
      %dma_wait3A_129 = tpu.memref_slice %arg11[%mul3A_5, %dma_wait3A_128] : memref<10240x128xf32, #tpu.memory_space<vmem_shared>> -> memref<640x128xf32, #tpu.memory_space<vmem_shared>>
      %dma_wait3A_130 = arith.constant 0 : i32
      %dma_wait3A_131 = tpu.memref_slice %arg5[%mul3A_3, %dma_wait3A_130] : memref<10240x128xf32, #tpu.memory_space<hbm>> -> memref<640x128xf32, #tpu.memory_space<hbm>>
      tpu.wait_dma2 semaphore(%run_scoped3A : memref<!tpu.dma_semaphore, #tpu.memory_space<semaphore_mem>>) src(%dma_wait3A_131 : memref<640x128xf32, #tpu.memory_space<hbm>>) dst(%dma_wait3A_129 : memref<640x128xf32, #tpu.memory_space<vmem_shared>>)
      tpu.yield
    }) : () -> ()
    %barrier3A = arith.constant 0 : index
    tpu.barrier barrier_id(%barrier3A)
    %dma_start3A = arith.constant 0 : i32
    %dma_start3A_6 = arith.constant 0 : i32
    %dma_start3A_7 = tpu.memref_slice %arg7[%dma_start3A, %dma_start3A_6] : memref<82x128xi32, #tpu.memory_space<vmem>> -> memref<1x64xi32, #tpu.memory_space<vmem>>
    %dma_start3A_8 = tpu.memref_squeeze %dma_start3A_7 : memref<1x64xi32, #tpu.memory_space<vmem>> -> memref<64xi32, #tpu.memory_space<vmem>>
    %dma_start3A_9 = arith.constant 0 : i32
    %dma_start3A_10 = arith.constant 0 : i32
    %dma_start3A_11 = tpu.memref_slice %arg2[%add3A_1, %dma_start3A_9, %dma_start3A_10] : memref<4x10240x128xf32, #tpu.memory_space<hbm>> -> memref<1x10240x128xf32, #tpu.memory_space<hbm>>
    %dma_start3A_12 = tpu.memref_squeeze %dma_start3A_11 : memref<1x10240x128xf32, #tpu.memory_space<hbm>> -> memref<10240x128xf32, #tpu.memory_space<hbm>>
    %dma_start3A_13 = arith.constant 0 : i32
    %dma_start3A_14 = arith.constant 0 : i32
    %dma_start3A_15 = tpu.memref_slice %dma_start3A_12[%dma_start3A_13, %dma_start3A_14] : memref<10240x128xf32, #tpu.memory_space<hbm>> -> memref<10240x128xf32, #tpu.memory_space<hbm>>
    tpu.enqueue_indirect_dma source(%dma_start3A_15 : memref<10240x128xf32, #tpu.memory_space<hbm>>) target(%arg9 : memref<64x128xf32, #tpu.memory_space<vmem>>) offsets(%dma_start3A_8 : memref<64xi32, #tpu.memory_space<vmem>>) semaphore(%arg12 : memref<!tpu.dma_semaphore, #tpu.memory_space<semaphore_mem>>)
    %dma_start3A_16 = arith.constant 0 : i32
    %dma_start3A_17 = arith.constant 64 : i32
    %dma_start3A_18 = tpu.memref_slice %arg7[%dma_start3A_16, %dma_start3A_17] : memref<82x128xi32, #tpu.memory_space<vmem>> -> memref<1x64xi32, #tpu.memory_space<vmem>>
    %dma_start3A_19 = tpu.memref_squeeze %dma_start3A_18 : memref<1x64xi32, #tpu.memory_space<vmem>> -> memref<64xi32, #tpu.memory_space<vmem>>
    %dma_start3A_20 = arith.constant 0 : i32
    %dma_start3A_21 = arith.constant 0 : i32
    %dma_start3A_22 = tpu.memref_slice %arg2[%add3A_1, %dma_start3A_20, %dma_start3A_21] : memref<4x10240x128xf32, #tpu.memory_space<hbm>> -> memref<1x10240x128xf32, #tpu.memory_space<hbm>>
    %dma_start3A_23 = tpu.memref_squeeze %dma_start3A_22 : memref<1x10240x128xf32, #tpu.memory_space<hbm>> -> memref<10240x128xf32, #tpu.memory_space<hbm>>
    %dma_start3A_24 = arith.constant 0 : i32
    %dma_start3A_25 = arith.constant 0 : i32
    %dma_start3A_26 = tpu.memref_slice %dma_start3A_23[%dma_start3A_24, %dma_start3A_25] : memref<10240x128xf32, #tpu.memory_space<hbm>> -> memref<10240x128xf32, #tpu.memory_space<hbm>>
    tpu.enqueue_indirect_dma source(%dma_start3A_26 : memref<10240x128xf32, #tpu.memory_space<hbm>>) target(%arg10 : memref<64x128xf32, #tpu.memory_space<vmem>>) offsets(%dma_start3A_19 : memref<64xi32, #tpu.memory_space<vmem>>) semaphore(%arg13 : memref<!tpu.dma_semaphore, #tpu.memory_space<semaphore_mem>>)
    %scan3A = arith.constant 0 : i32
    %scan3A_27 = arith.constant 0 : i32
    %scan3A_28 = arith.constant 80 : i32
    %scan3A_29 = arith.addi %scan3A_27, %scan3A_28 : i32
    %scan3A_30 = arith.constant 1 : i32
    scf.for %scan3A_124 = %scan3A_27 to %scan3A_29 step %scan3A_30  : i32 {
      %dma_wait3A_125 = arith.constant 0 : i32
      %dma_wait3A_126 = tpu.memref_slice %arg7[%scan3A_124, %dma_wait3A_125] : memref<82x128xi32, #tpu.memory_space<vmem>> -> memref<1x64xi32, #tpu.memory_space<vmem>>
      %dma_wait3A_127 = tpu.memref_squeeze %dma_wait3A_126 : memref<1x64xi32, #tpu.memory_space<vmem>> -> memref<64xi32, #tpu.memory_space<vmem>>
      %dma_wait3A_128 = arith.constant 0 : i32
      %dma_wait3A_129 = arith.constant 0 : i32
      %dma_wait3A_130 = tpu.memref_slice %arg2[%add3A_1, %dma_wait3A_128, %dma_wait3A_129] : memref<4x10240x128xf32, #tpu.memory_space<hbm>> -> memref<1x10240x128xf32, #tpu.memory_space<hbm>>
      %dma_wait3A_131 = tpu.memref_squeeze %dma_wait3A_130 : memref<1x10240x128xf32, #tpu.memory_space<hbm>> -> memref<10240x128xf32, #tpu.memory_space<hbm>>
      %dma_wait3A_132 = arith.constant 0 : i32
      %dma_wait3A_133 = arith.constant 0 : i32
      %dma_wait3A_134 = tpu.memref_slice %dma_wait3A_131[%dma_wait3A_132, %dma_wait3A_133] : memref<10240x128xf32, #tpu.memory_space<hbm>> -> memref<10240x128xf32, #tpu.memory_space<hbm>>
      tpu.wait_indirect_dma semaphore(%arg12 : memref<!tpu.dma_semaphore, #tpu.memory_space<semaphore_mem>>) src(%dma_wait3A_134 : memref<10240x128xf32, #tpu.memory_space<hbm>>) dst(%arg9 : memref<64x128xf32, #tpu.memory_space<vmem>>)
      %mul3A_135 = arith.constant 2 : i32
      %mul3A_136 = arith.muli %scan3A_124, %mul3A_135 : i32
      %add3A_137 = arith.constant 0 : i32
      %add3A_138 = arith.addi %mul3A_136, %add3A_137 : i32
      "tpu.region"() ({
        %run_scoped3A = tpu.sem_alloc : memref<!tpu.dma_semaphore, #tpu.memory_space<semaphore_mem>>
        %dma_start3A_177 = arith.constant 0 : i32
        %dma_start3A_178 = tpu.memref_slice %arg8[%add3A_138, %dma_start3A_177] : memref<160x64xi32, #tpu.memory_space<vmem>> -> memref<1x64xi32, #tpu.memory_space<vmem>>
        %dma_start3A_179 = tpu.memref_squeeze %dma_start3A_178 : memref<1x64xi32, #tpu.memory_space<vmem>> -> memref<64xi32, #tpu.memory_space<vmem>>
        %dma_start3A_180 = arith.constant 0 : i32
        %dma_start3A_181 = arith.constant 0 : i32
        %dma_start3A_182 = tpu.memref_slice %arg11[%dma_start3A_180, %dma_start3A_181] : memref<10240x128xf32, #tpu.memory_space<vmem_shared>> -> memref<10240x128xf32, #tpu.memory_space<vmem_shared>>
        tpu.enqueue_indirect_dma source(%arg9 : memref<64x128xf32, #tpu.memory_space<vmem>>) target(%dma_start3A_182 : memref<10240x128xf32, #tpu.memory_space<vmem_shared>>) offsets(%dma_start3A_179 : memref<64xi32, #tpu.memory_space<vmem>>) semaphore(%run_scoped3A : memref<!tpu.dma_semaphore, #tpu.memory_space<semaphore_mem>>) {add = true}
        %dma_wait3A_183 = arith.constant 0 : i32
        %dma_wait3A_184 = tpu.memref_slice %arg8[%add3A_138, %dma_wait3A_183] : memref<160x64xi32, #tpu.memory_space<vmem>> -> memref<1x64xi32, #tpu.memory_space<vmem>>
        %dma_wait3A_185 = tpu.memref_squeeze %dma_wait3A_184 : memref<1x64xi32, #tpu.memory_space<vmem>> -> memref<64xi32, #tpu.memory_space<vmem>>
        %dma_wait3A_186 = arith.constant 0 : i32
        %dma_wait3A_187 = arith.constant 0 : i32
        %dma_wait3A_188 = tpu.memref_slice %arg11[%dma_wait3A_186, %dma_wait3A_187] : memref<10240x128xf32, #tpu.memory_space<vmem_shared>> -> memref<10240x128xf32, #tpu.memory_space<vmem_shared>>
        tpu.wait_indirect_dma semaphore(%run_scoped3A : memref<!tpu.dma_semaphore, #tpu.memory_space<semaphore_mem>>) src(%arg9 : memref<64x128xf32, #tpu.memory_space<vmem>>) dst(%dma_wait3A_188 : memref<10240x128xf32, #tpu.memory_space<vmem_shared>>)
        tpu.yield
      }) : () -> ()
      %add3A_139 = arith.constant 1 : i32
      %add3A_140 = arith.addi %scan3A_124, %add3A_139 : i32
      %dma_start3A_141 = arith.constant 0 : i32
      %dma_start3A_142 = tpu.memref_slice %arg7[%add3A_140, %dma_start3A_141] : memref<82x128xi32, #tpu.memory_space<vmem>> -> memref<1x64xi32, #tpu.memory_space<vmem>>
      %dma_start3A_143 = tpu.memref_squeeze %dma_start3A_142 : memref<1x64xi32, #tpu.memory_space<vmem>> -> memref<64xi32, #tpu.memory_space<vmem>>
      %dma_start3A_144 = arith.constant 0 : i32
      %dma_start3A_145 = arith.constant 0 : i32
      %dma_start3A_146 = tpu.memref_slice %arg2[%add3A_1, %dma_start3A_144, %dma_start3A_145] : memref<4x10240x128xf32, #tpu.memory_space<hbm>> -> memref<1x10240x128xf32, #tpu.memory_space<hbm>>
      %dma_start3A_147 = tpu.memref_squeeze %dma_start3A_146 : memref<1x10240x128xf32, #tpu.memory_space<hbm>> -> memref<10240x128xf32, #tpu.memory_space<hbm>>
      %dma_start3A_148 = arith.constant 0 : i32
      %dma_start3A_149 = arith.constant 0 : i32
      %dma_start3A_150 = tpu.memref_slice %dma_start3A_147[%dma_start3A_148, %dma_start3A_149] : memref<10240x128xf32, #tpu.memory_space<hbm>> -> memref<10240x128xf32, #tpu.memory_space<hbm>>
      tpu.enqueue_indirect_dma source(%dma_start3A_150 : memref<10240x128xf32, #tpu.memory_space<hbm>>) target(%arg9 : memref<64x128xf32, #tpu.memory_space<vmem>>) offsets(%dma_start3A_143 : memref<64xi32, #tpu.memory_space<vmem>>) semaphore(%arg12 : memref<!tpu.dma_semaphore, #tpu.memory_space<semaphore_mem>>)
      %dma_wait3A_151 = arith.constant 64 : i32
      %dma_wait3A_152 = tpu.memref_slice %arg7[%scan3A_124, %dma_wait3A_151] : memref<82x128xi32, #tpu.memory_space<vmem>> -> memref<1x64xi32, #tpu.memory_space<vmem>>
      %dma_wait3A_153 = tpu.memref_squeeze %dma_wait3A_152 : memref<1x64xi32, #tpu.memory_space<vmem>> -> memref<64xi32, #tpu.memory_space<vmem>>
      %dma_wait3A_154 = arith.constant 0 : i32
      %dma_wait3A_155 = arith.constant 0 : i32
      %dma_wait3A_156 = tpu.memref_slice %arg2[%add3A_1, %dma_wait3A_154, %dma_wait3A_155] : memref<4x10240x128xf32, #tpu.memory_space<hbm>> -> memref<1x10240x128xf32, #tpu.memory_space<hbm>>
      %dma_wait3A_157 = tpu.memref_squeeze %dma_wait3A_156 : memref<1x10240x128xf32, #tpu.memory_space<hbm>> -> memref<10240x128xf32, #tpu.memory_space<hbm>>
      %dma_wait3A_158 = arith.constant 0 : i32
      %dma_wait3A_159 = arith.constant 0 : i32
      %dma_wait3A_160 = tpu.memref_slice %dma_wait3A_157[%dma_wait3A_158, %dma_wait3A_159] : memref<10240x128xf32, #tpu.memory_space<hbm>> -> memref<10240x128xf32, #tpu.memory_space<hbm>>
      tpu.wait_indirect_dma semaphore(%arg13 : memref<!tpu.dma_semaphore, #tpu.memory_space<semaphore_mem>>) src(%dma_wait3A_160 : memref<10240x128xf32, #tpu.memory_space<hbm>>) dst(%arg10 : memref<64x128xf32, #tpu.memory_space<vmem>>)
      %mul3A_161 = arith.constant 2 : i32
      %mul3A_162 = arith.muli %scan3A_124, %mul3A_161 : i32
      %add3A_163 = arith.constant 1 : i32
      %add3A_164 = arith.addi %mul3A_162, %add3A_163 : i32
      "tpu.region"() ({
        %run_scoped3A = tpu.sem_alloc : memref<!tpu.dma_semaphore, #tpu.memory_space<semaphore_mem>>
        %dma_start3A_177 = arith.constant 0 : i32
        %dma_start3A_178 = tpu.memref_slice %arg8[%add3A_164, %dma_start3A_177] : memref<160x64xi32, #tpu.memory_space<vmem>> -> memref<1x64xi32, #tpu.memory_space<vmem>>
        %dma_start3A_179 = tpu.memref_squeeze %dma_start3A_178 : memref<1x64xi32, #tpu.memory_space<vmem>> -> memref<64xi32, #tpu.memory_space<vmem>>
        %dma_start3A_180 = arith.constant 0 : i32
        %dma_start3A_181 = arith.constant 0 : i32
        %dma_start3A_182 = tpu.memref_slice %arg11[%dma_start3A_180, %dma_start3A_181] : memref<10240x128xf32, #tpu.memory_space<vmem_shared>> -> memref<10240x128xf32, #tpu.memory_space<vmem_shared>>
        tpu.enqueue_indirect_dma source(%arg10 : memref<64x128xf32, #tpu.memory_space<vmem>>) target(%dma_start3A_182 : memref<10240x128xf32, #tpu.memory_space<vmem_shared>>) offsets(%dma_start3A_179 : memref<64xi32, #tpu.memory_space<vmem>>) semaphore(%run_scoped3A : memref<!tpu.dma_semaphore, #tpu.memory_space<semaphore_mem>>) {add = true}
        %dma_wait3A_183 = arith.constant 0 : i32
        %dma_wait3A_184 = tpu.memref_slice %arg8[%add3A_164, %dma_wait3A_183] : memref<160x64xi32, #tpu.memory_space<vmem>> -> memref<1x64xi32, #tpu.memory_space<vmem>>
        %dma_wait3A_185 = tpu.memref_squeeze %dma_wait3A_184 : memref<1x64xi32, #tpu.memory_space<vmem>> -> memref<64xi32, #tpu.memory_space<vmem>>
        %dma_wait3A_186 = arith.constant 0 : i32
        %dma_wait3A_187 = arith.constant 0 : i32
        %dma_wait3A_188 = tpu.memref_slice %arg11[%dma_wait3A_186, %dma_wait3A_187] : memref<10240x128xf32, #tpu.memory_space<vmem_shared>> -> memref<10240x128xf32, #tpu.memory_space<vmem_shared>>
        tpu.wait_indirect_dma semaphore(%run_scoped3A : memref<!tpu.dma_semaphore, #tpu.memory_space<semaphore_mem>>) src(%arg10 : memref<64x128xf32, #tpu.memory_space<vmem>>) dst(%dma_wait3A_188 : memref<10240x128xf32, #tpu.memory_space<vmem_shared>>)
        tpu.yield
      }) : () -> ()
      %add3A_165 = arith.constant 1 : i32
      %add3A_166 = arith.addi %scan3A_124, %add3A_165 : i32
      %dma_start3A_167 = arith.constant 64 : i32
      %dma_start3A_168 = tpu.memref_slice %arg7[%add3A_166, %dma_start3A_167] : memref<82x128xi32, #tpu.memory_space<vmem>> -> memref<1x64xi32, #tpu.memory_space<vmem>>
      %dma_start3A_169 = tpu.memref_squeeze %dma_start3A_168 : memref<1x64xi32, #tpu.memory_space<vmem>> -> memref<64xi32, #tpu.memory_space<vmem>>
      %dma_start3A_170 = arith.constant 0 : i32
      %dma_start3A_171 = arith.constant 0 : i32
      %dma_start3A_172 = tpu.memref_slice %arg2[%add3A_1, %dma_start3A_170, %dma_start3A_171] : memref<4x10240x128xf32, #tpu.memory_space<hbm>> -> memref<1x10240x128xf32, #tpu.memory_space<hbm>>
      %dma_start3A_173 = tpu.memref_squeeze %dma_start3A_172 : memref<1x10240x128xf32, #tpu.memory_space<hbm>> -> memref<10240x128xf32, #tpu.memory_space<hbm>>
      %dma_start3A_174 = arith.constant 0 : i32
      %dma_start3A_175 = arith.constant 0 : i32
      %dma_start3A_176 = tpu.memref_slice %dma_start3A_173[%dma_start3A_174, %dma_start3A_175] : memref<10240x128xf32, #tpu.memory_space<hbm>> -> memref<10240x128xf32, #tpu.memory_space<hbm>>
      tpu.enqueue_indirect_dma source(%dma_start3A_176 : memref<10240x128xf32, #tpu.memory_space<hbm>>) target(%arg10 : memref<64x128xf32, #tpu.memory_space<vmem>>) offsets(%dma_start3A_169 : memref<64xi32, #tpu.memory_space<vmem>>) semaphore(%arg13 : memref<!tpu.dma_semaphore, #tpu.memory_space<semaphore_mem>>)
    }
    %scan3A_31 = arith.constant 80 : i32
    %dma_wait3A = arith.constant 0 : i32
    %dma_wait3A_32 = arith.constant 0 : i32
    %dma_wait3A_33 = tpu.memref_slice %arg7[%dma_wait3A, %dma_wait3A_32] : memref<82x128xi32, #tpu.memory_space<vmem>> -> memref<1x64xi32, #tpu.memory_space<vmem>>
    %dma_wait3A_34 = tpu.memref_squeeze %dma_wait3A_33 : memref<1x64xi32, #tpu.memory_space<vmem>> -> memref<64xi32, #tpu.memory_space<vmem>>
    %dma_wait3A_35 = arith.constant 0 : i32
    %dma_wait3A_36 = arith.constant 0 : i32
    %dma_wait3A_37 = tpu.memref_slice %arg2[%add3A_1, %dma_wait3A_35, %dma_wait3A_36] : memref<4x10240x128xf32, #tpu.memory_space<hbm>> -> memref<1x10240x128xf32, #tpu.memory_space<hbm>>
    %dma_wait3A_38 = tpu.memref_squeeze %dma_wait3A_37 : memref<1x10240x128xf32, #tpu.memory_space<hbm>> -> memref<10240x128xf32, #tpu.memory_space<hbm>>
    %dma_wait3A_39 = arith.constant 0 : i32
    %dma_wait3A_40 = arith.constant 0 : i32
    %dma_wait3A_41 = tpu.memref_slice %dma_wait3A_38[%dma_wait3A_39, %dma_wait3A_40] : memref<10240x128xf32, #tpu.memory_space<hbm>> -> memref<10240x128xf32, #tpu.memory_space<hbm>>
    tpu.wait_indirect_dma semaphore(%arg12 : memref<!tpu.dma_semaphore, #tpu.memory_space<semaphore_mem>>) src(%dma_wait3A_41 : memref<10240x128xf32, #tpu.memory_space<hbm>>) dst(%arg9 : memref<64x128xf32, #tpu.memory_space<vmem>>)
    %dma_wait3A_42 = arith.constant 0 : i32
    %dma_wait3A_43 = arith.constant 64 : i32
    %dma_wait3A_44 = tpu.memref_slice %arg7[%dma_wait3A_42, %dma_wait3A_43] : memref<82x128xi32, #tpu.memory_space<vmem>> -> memref<1x64xi32, #tpu.memory_space<vmem>>
    %dma_wait3A_45 = tpu.memref_squeeze %dma_wait3A_44 : memref<1x64xi32, #tpu.memory_space<vmem>> -> memref<64xi32, #tpu.memory_space<vmem>>
    %dma_wait3A_46 = arith.constant 0 : i32
    %dma_wait3A_47 = arith.constant 0 : i32
    %dma_wait3A_48 = tpu.memref_slice %arg2[%add3A_1, %dma_wait3A_46, %dma_wait3A_47] : memref<4x10240x128xf32, #tpu.memory_space<hbm>> -> memref<1x10240x128xf32, #tpu.memory_space<hbm>>
    %dma_wait3A_49 = tpu.memref_squeeze %dma_wait3A_48 : memref<1x10240x128xf32, #tpu.memory_space<hbm>> -> memref<10240x128xf32, #tpu.memory_space<hbm>>
    %dma_wait3A_50 = arith.constant 0 : i32
    %dma_wait3A_51 = arith.constant 0 : i32
    %dma_wait3A_52 = tpu.memref_slice %dma_wait3A_49[%dma_wait3A_50, %dma_wait3A_51] : memref<10240x128xf32, #tpu.memory_space<hbm>> -> memref<10240x128xf32, #tpu.memory_space<hbm>>
    tpu.wait_indirect_dma semaphore(%arg13 : memref<!tpu.dma_semaphore, #tpu.memory_space<semaphore_mem>>) src(%dma_wait3A_52 : memref<10240x128xf32, #tpu.memory_space<hbm>>) dst(%arg10 : memref<64x128xf32, #tpu.memory_space<vmem>>)
    %barrier3A_53 = arith.constant 0 : index
    tpu.barrier barrier_id(%barrier3A_53)
    %mul3A_54 = arith.constant 640 : i32
    %mul3A_55 = arith.muli %arg1, %mul3A_54 : i32
    %mul3A_56 = arith.constant 640 : i32
    %mul3A_57 = arith.muli %arg1, %mul3A_56 : i32
    "tpu.region"() ({
      %run_scoped3A = tpu.sem_alloc : memref<!tpu.dma_semaphore, #tpu.memory_space<semaphore_mem>>
      %dma_start3A_124 = arith.constant 0 : i32
      %dma_start3A_125 = tpu.memref_slice %arg6[%add3A_1, %mul3A_57, %dma_start3A_124] : memref<4x10240x128xf32, #tpu.memory_space<hbm>> -> memref<1x640x128xf32, #tpu.memory_space<hbm>>
      %dma_start3A_126 = tpu.memref_squeeze %dma_start3A_125 : memref<1x640x128xf32, #tpu.memory_space<hbm>> -> memref<640x128xf32, #tpu.memory_space<hbm>>
      %dma_start3A_127 = arith.constant 0 : i32
      %dma_start3A_128 = tpu.memref_slice %arg11[%mul3A_55, %dma_start3A_127] : memref<10240x128xf32, #tpu.memory_space<vmem_shared>> -> memref<640x128xf32, #tpu.memory_space<vmem_shared>>
      tpu.enqueue_dma source(%dma_start3A_128 : memref<640x128xf32, #tpu.memory_space<vmem_shared>>) target(%dma_start3A_126 : memref<640x128xf32, #tpu.memory_space<hbm>>) target_semaphore(%run_scoped3A : memref<!tpu.dma_semaphore, #tpu.memory_space<semaphore_mem>>)
      %dma_wait3A_129 = arith.constant 0 : i32
      %dma_wait3A_130 = tpu.memref_slice %arg6[%add3A_1, %mul3A_57, %dma_wait3A_129] : memref<4x10240x128xf32, #tpu.memory_space<hbm>> -> memref<1x640x128xf32, #tpu.memory_space<hbm>>
      %dma_wait3A_131 = tpu.memref_squeeze %dma_wait3A_130 : memref<1x640x128xf32, #tpu.memory_space<hbm>> -> memref<640x128xf32, #tpu.memory_space<hbm>>
      %dma_wait3A_132 = arith.constant 0 : i32
      %dma_wait3A_133 = tpu.memref_slice %arg11[%mul3A_55, %dma_wait3A_132] : memref<10240x128xf32, #tpu.memory_space<vmem_shared>> -> memref<640x128xf32, #tpu.memory_space<vmem_shared>>
      tpu.wait_dma2 semaphore(%run_scoped3A : memref<!tpu.dma_semaphore, #tpu.memory_space<semaphore_mem>>) src(%dma_wait3A_133 : memref<640x128xf32, #tpu.memory_space<vmem_shared>>) dst(%dma_wait3A_131 : memref<640x128xf32, #tpu.memory_space<hbm>>)
      tpu.yield
    }) : () -> ()
    %barrier3A_58 = arith.constant 0 : index
    tpu.barrier barrier_id(%barrier3A_58)
    %mul3A_59 = arith.constant 2 : i32
    %mul3A_60 = arith.muli %arg0, %mul3A_59 : i32
    %add3A_61 = arith.constant 1 : i32
    %add3A_62 = arith.addi %mul3A_60, %add3A_61 : i32
    %mul3A_63 = arith.constant 640 : i32
    %mul3A_64 = arith.muli %arg1, %mul3A_63 : i32
    %mul3A_65 = arith.constant 640 : i32
    %mul3A_66 = arith.muli %arg1, %mul3A_65 : i32
    "tpu.region"() ({
      %run_scoped3A = tpu.sem_alloc : memref<!tpu.dma_semaphore, #tpu.memory_space<semaphore_mem>>
      %dma_start3A_124 = arith.constant 0 : i32
      %dma_start3A_125 = tpu.memref_slice %arg11[%mul3A_66, %dma_start3A_124] : memref<10240x128xf32, #tpu.memory_space<vmem_shared>> -> memref<640x128xf32, #tpu.memory_space<vmem_shared>>
      %dma_start3A_126 = arith.constant 0 : i32
      %dma_start3A_127 = tpu.memref_slice %arg5[%mul3A_64, %dma_start3A_126] : memref<10240x128xf32, #tpu.memory_space<hbm>> -> memref<640x128xf32, #tpu.memory_space<hbm>>
      tpu.enqueue_dma source(%dma_start3A_127 : memref<640x128xf32, #tpu.memory_space<hbm>>) target(%dma_start3A_125 : memref<640x128xf32, #tpu.memory_space<vmem_shared>>) target_semaphore(%run_scoped3A : memref<!tpu.dma_semaphore, #tpu.memory_space<semaphore_mem>>)
      %dma_wait3A_128 = arith.constant 0 : i32
      %dma_wait3A_129 = tpu.memref_slice %arg11[%mul3A_66, %dma_wait3A_128] : memref<10240x128xf32, #tpu.memory_space<vmem_shared>> -> memref<640x128xf32, #tpu.memory_space<vmem_shared>>
      %dma_wait3A_130 = arith.constant 0 : i32
      %dma_wait3A_131 = tpu.memref_slice %arg5[%mul3A_64, %dma_wait3A_130] : memref<10240x128xf32, #tpu.memory_space<hbm>> -> memref<640x128xf32, #tpu.memory_space<hbm>>
      tpu.wait_dma2 semaphore(%run_scoped3A : memref<!tpu.dma_semaphore, #tpu.memory_space<semaphore_mem>>) src(%dma_wait3A_131 : memref<640x128xf32, #tpu.memory_space<hbm>>) dst(%dma_wait3A_129 : memref<640x128xf32, #tpu.memory_space<vmem_shared>>)
      tpu.yield
    }) : () -> ()
    %barrier3A_67 = arith.constant 0 : index
    tpu.barrier barrier_id(%barrier3A_67)
    %dma_start3A_68 = arith.constant 0 : i32
    %dma_start3A_69 = arith.constant 0 : i32
    %dma_start3A_70 = tpu.memref_slice %arg7[%dma_start3A_68, %dma_start3A_69] : memref<82x128xi32, #tpu.memory_space<vmem>> -> memref<1x64xi32, #tpu.memory_space<vmem>>
    %dma_start3A_71 = tpu.memref_squeeze %dma_start3A_70 : memref<1x64xi32, #tpu.memory_space<vmem>> -> memref<64xi32, #tpu.memory_space<vmem>>
    %dma_start3A_72 = arith.constant 0 : i32
    %dma_start3A_73 = arith.constant 0 : i32
    %dma_start3A_74 = tpu.memref_slice %arg2[%add3A_62, %dma_start3A_72, %dma_start3A_73] : memref<4x10240x128xf32, #tpu.memory_space<hbm>> -> memref<1x10240x128xf32, #tpu.memory_space<hbm>>
    %dma_start3A_75 = tpu.memref_squeeze %dma_start3A_74 : memref<1x10240x128xf32, #tpu.memory_space<hbm>> -> memref<10240x128xf32, #tpu.memory_space<hbm>>
    %dma_start3A_76 = arith.constant 0 : i32
    %dma_start3A_77 = arith.constant 0 : i32
    %dma_start3A_78 = tpu.memref_slice %dma_start3A_75[%dma_start3A_76, %dma_start3A_77] : memref<10240x128xf32, #tpu.memory_space<hbm>> -> memref<10240x128xf32, #tpu.memory_space<hbm>>
    tpu.enqueue_indirect_dma source(%dma_start3A_78 : memref<10240x128xf32, #tpu.memory_space<hbm>>) target(%arg9 : memref<64x128xf32, #tpu.memory_space<vmem>>) offsets(%dma_start3A_71 : memref<64xi32, #tpu.memory_space<vmem>>) semaphore(%arg12 : memref<!tpu.dma_semaphore, #tpu.memory_space<semaphore_mem>>)
    %dma_start3A_79 = arith.constant 0 : i32
    %dma_start3A_80 = arith.constant 64 : i32
    %dma_start3A_81 = tpu.memref_slice %arg7[%dma_start3A_79, %dma_start3A_80] : memref<82x128xi32, #tpu.memory_space<vmem>> -> memref<1x64xi32, #tpu.memory_space<vmem>>
    %dma_start3A_82 = tpu.memref_squeeze %dma_start3A_81 : memref<1x64xi32, #tpu.memory_space<vmem>> -> memref<64xi32, #tpu.memory_space<vmem>>
    %dma_start3A_83 = arith.constant 0 : i32
    %dma_start3A_84 = arith.constant 0 : i32
    %dma_start3A_85 = tpu.memref_slice %arg2[%add3A_62, %dma_start3A_83, %dma_start3A_84] : memref<4x10240x128xf32, #tpu.memory_space<hbm>> -> memref<1x10240x128xf32, #tpu.memory_space<hbm>>
    %dma_start3A_86 = tpu.memref_squeeze %dma_start3A_85 : memref<1x10240x128xf32, #tpu.memory_space<hbm>> -> memref<10240x128xf32, #tpu.memory_space<hbm>>
    %dma_start3A_87 = arith.constant 0 : i32
    %dma_start3A_88 = arith.constant 0 : i32
    %dma_start3A_89 = tpu.memref_slice %dma_start3A_86[%dma_start3A_87, %dma_start3A_88] : memref<10240x128xf32, #tpu.memory_space<hbm>> -> memref<10240x128xf32, #tpu.memory_space<hbm>>
    tpu.enqueue_indirect_dma source(%dma_start3A_89 : memref<10240x128xf32, #tpu.memory_space<hbm>>) target(%arg10 : memref<64x128xf32, #tpu.memory_space<vmem>>) offsets(%dma_start3A_82 : memref<64xi32, #tpu.memory_space<vmem>>) semaphore(%arg13 : memref<!tpu.dma_semaphore, #tpu.memory_space<semaphore_mem>>)
    %scan3A_90 = arith.constant 0 : i32
    %scan3A_91 = arith.constant 0 : i32
    %scan3A_92 = arith.constant 80 : i32
    %scan3A_93 = arith.addi %scan3A_91, %scan3A_92 : i32
    %scan3A_94 = arith.constant 1 : i32
    scf.for %scan3A_124 = %scan3A_91 to %scan3A_93 step %scan3A_94  : i32 {
      %dma_wait3A_125 = arith.constant 0 : i32
      %dma_wait3A_126 = tpu.memref_slice %arg7[%scan3A_124, %dma_wait3A_125] : memref<82x128xi32, #tpu.memory_space<vmem>> -> memref<1x64xi32, #tpu.memory_space<vmem>>
      %dma_wait3A_127 = tpu.memref_squeeze %dma_wait3A_126 : memref<1x64xi32, #tpu.memory_space<vmem>> -> memref<64xi32, #tpu.memory_space<vmem>>
      %dma_wait3A_128 = arith.constant 0 : i32
      %dma_wait3A_129 = arith.constant 0 : i32
      %dma_wait3A_130 = tpu.memref_slice %arg2[%add3A_62, %dma_wait3A_128, %dma_wait3A_129] : memref<4x10240x128xf32, #tpu.memory_space<hbm>> -> memref<1x10240x128xf32, #tpu.memory_space<hbm>>
      %dma_wait3A_131 = tpu.memref_squeeze %dma_wait3A_130 : memref<1x10240x128xf32, #tpu.memory_space<hbm>> -> memref<10240x128xf32, #tpu.memory_space<hbm>>
      %dma_wait3A_132 = arith.constant 0 : i32
      %dma_wait3A_133 = arith.constant 0 : i32
      %dma_wait3A_134 = tpu.memref_slice %dma_wait3A_131[%dma_wait3A_132, %dma_wait3A_133] : memref<10240x128xf32, #tpu.memory_space<hbm>> -> memref<10240x128xf32, #tpu.memory_space<hbm>>
      tpu.wait_indirect_dma semaphore(%arg12 : memref<!tpu.dma_semaphore, #tpu.memory_space<semaphore_mem>>) src(%dma_wait3A_134 : memref<10240x128xf32, #tpu.memory_space<hbm>>) dst(%arg9 : memref<64x128xf32, #tpu.memory_space<vmem>>)
      %mul3A_135 = arith.constant 2 : i32
      %mul3A_136 = arith.muli %scan3A_124, %mul3A_135 : i32
      %add3A_137 = arith.constant 0 : i32
      %add3A_138 = arith.addi %mul3A_136, %add3A_137 : i32
      "tpu.region"() ({
        %run_scoped3A = tpu.sem_alloc : memref<!tpu.dma_semaphore, #tpu.memory_space<semaphore_mem>>
        %dma_start3A_177 = arith.constant 0 : i32
        %dma_start3A_178 = tpu.memref_slice %arg8[%add3A_138, %dma_start3A_177] : memref<160x64xi32, #tpu.memory_space<vmem>> -> memref<1x64xi32, #tpu.memory_space<vmem>>
        %dma_start3A_179 = tpu.memref_squeeze %dma_start3A_178 : memref<1x64xi32, #tpu.memory_space<vmem>> -> memref<64xi32, #tpu.memory_space<vmem>>
        %dma_start3A_180 = arith.constant 0 : i32
        %dma_start3A_181 = arith.constant 0 : i32
        %dma_start3A_182 = tpu.memref_slice %arg11[%dma_start3A_180, %dma_start3A_181] : memref<10240x128xf32, #tpu.memory_space<vmem_shared>> -> memref<10240x128xf32, #tpu.memory_space<vmem_shared>>
        tpu.enqueue_indirect_dma source(%arg9 : memref<64x128xf32, #tpu.memory_space<vmem>>) target(%dma_start3A_182 : memref<10240x128xf32, #tpu.memory_space<vmem_shared>>) offsets(%dma_start3A_179 : memref<64xi32, #tpu.memory_space<vmem>>) semaphore(%run_scoped3A : memref<!tpu.dma_semaphore, #tpu.memory_space<semaphore_mem>>) {add = true}
        %dma_wait3A_183 = arith.constant 0 : i32
        %dma_wait3A_184 = tpu.memref_slice %arg8[%add3A_138, %dma_wait3A_183] : memref<160x64xi32, #tpu.memory_space<vmem>> -> memref<1x64xi32, #tpu.memory_space<vmem>>
        %dma_wait3A_185 = tpu.memref_squeeze %dma_wait3A_184 : memref<1x64xi32, #tpu.memory_space<vmem>> -> memref<64xi32, #tpu.memory_space<vmem>>
        %dma_wait3A_186 = arith.constant 0 : i32
        %dma_wait3A_187 = arith.constant 0 : i32
        %dma_wait3A_188 = tpu.memref_slice %arg11[%dma_wait3A_186, %dma_wait3A_187] : memref<10240x128xf32, #tpu.memory_space<vmem_shared>> -> memref<10240x128xf32, #tpu.memory_space<vmem_shared>>
        tpu.wait_indirect_dma semaphore(%run_scoped3A : memref<!tpu.dma_semaphore, #tpu.memory_space<semaphore_mem>>) src(%arg9 : memref<64x128xf32, #tpu.memory_space<vmem>>) dst(%dma_wait3A_188 : memref<10240x128xf32, #tpu.memory_space<vmem_shared>>)
        tpu.yield
      }) : () -> ()
      %add3A_139 = arith.constant 1 : i32
      %add3A_140 = arith.addi %scan3A_124, %add3A_139 : i32
      %dma_start3A_141 = arith.constant 0 : i32
      %dma_start3A_142 = tpu.memref_slice %arg7[%add3A_140, %dma_start3A_141] : memref<82x128xi32, #tpu.memory_space<vmem>> -> memref<1x64xi32, #tpu.memory_space<vmem>>
      %dma_start3A_143 = tpu.memref_squeeze %dma_start3A_142 : memref<1x64xi32, #tpu.memory_space<vmem>> -> memref<64xi32, #tpu.memory_space<vmem>>
      %dma_start3A_144 = arith.constant 0 : i32
      %dma_start3A_145 = arith.constant 0 : i32
      %dma_start3A_146 = tpu.memref_slice %arg2[%add3A_62, %dma_start3A_144, %dma_start3A_145] : memref<4x10240x128xf32, #tpu.memory_space<hbm>> -> memref<1x10240x128xf32, #tpu.memory_space<hbm>>
      %dma_start3A_147 = tpu.memref_squeeze %dma_start3A_146 : memref<1x10240x128xf32, #tpu.memory_space<hbm>> -> memref<10240x128xf32, #tpu.memory_space<hbm>>
      %dma_start3A_148 = arith.constant 0 : i32
      %dma_start3A_149 = arith.constant 0 : i32
      %dma_start3A_150 = tpu.memref_slice %dma_start3A_147[%dma_start3A_148, %dma_start3A_149] : memref<10240x128xf32, #tpu.memory_space<hbm>> -> memref<10240x128xf32, #tpu.memory_space<hbm>>
      tpu.enqueue_indirect_dma source(%dma_start3A_150 : memref<10240x128xf32, #tpu.memory_space<hbm>>) target(%arg9 : memref<64x128xf32, #tpu.memory_space<vmem>>) offsets(%dma_start3A_143 : memref<64xi32, #tpu.memory_space<vmem>>) semaphore(%arg12 : memref<!tpu.dma_semaphore, #tpu.memory_space<semaphore_mem>>)
      %dma_wait3A_151 = arith.constant 64 : i32
      %dma_wait3A_152 = tpu.memref_slice %arg7[%scan3A_124, %dma_wait3A_151] : memref<82x128xi32, #tpu.memory_space<vmem>> -> memref<1x64xi32, #tpu.memory_space<vmem>>
      %dma_wait3A_153 = tpu.memref_squeeze %dma_wait3A_152 : memref<1x64xi32, #tpu.memory_space<vmem>> -> memref<64xi32, #tpu.memory_space<vmem>>
      %dma_wait3A_154 = arith.constant 0 : i32
      %dma_wait3A_155 = arith.constant 0 : i32
      %dma_wait3A_156 = tpu.memref_slice %arg2[%add3A_62, %dma_wait3A_154, %dma_wait3A_155] : memref<4x10240x128xf32, #tpu.memory_space<hbm>> -> memref<1x10240x128xf32, #tpu.memory_space<hbm>>
      %dma_wait3A_157 = tpu.memref_squeeze %dma_wait3A_156 : memref<1x10240x128xf32, #tpu.memory_space<hbm>> -> memref<10240x128xf32, #tpu.memory_space<hbm>>
      %dma_wait3A_158 = arith.constant 0 : i32
      %dma_wait3A_159 = arith.constant 0 : i32
      %dma_wait3A_160 = tpu.memref_slice %dma_wait3A_157[%dma_wait3A_158, %dma_wait3A_159] : memref<10240x128xf32, #tpu.memory_space<hbm>> -> memref<10240x128xf32, #tpu.memory_space<hbm>>
      tpu.wait_indirect_dma semaphore(%arg13 : memref<!tpu.dma_semaphore, #tpu.memory_space<semaphore_mem>>) src(%dma_wait3A_160 : memref<10240x128xf32, #tpu.memory_space<hbm>>) dst(%arg10 : memref<64x128xf32, #tpu.memory_space<vmem>>)
      %mul3A_161 = arith.constant 2 : i32
      %mul3A_162 = arith.muli %scan3A_124, %mul3A_161 : i32
      %add3A_163 = arith.constant 1 : i32
      %add3A_164 = arith.addi %mul3A_162, %add3A_163 : i32
      "tpu.region"() ({
        %run_scoped3A = tpu.sem_alloc : memref<!tpu.dma_semaphore, #tpu.memory_space<semaphore_mem>>
        %dma_start3A_177 = arith.constant 0 : i32
        %dma_start3A_178 = tpu.memref_slice %arg8[%add3A_164, %dma_start3A_177] : memref<160x64xi32, #tpu.memory_space<vmem>> -> memref<1x64xi32, #tpu.memory_space<vmem>>
        %dma_start3A_179 = tpu.memref_squeeze %dma_start3A_178 : memref<1x64xi32, #tpu.memory_space<vmem>> -> memref<64xi32, #tpu.memory_space<vmem>>
        %dma_start3A_180 = arith.constant 0 : i32
        %dma_start3A_181 = arith.constant 0 : i32
        %dma_start3A_182 = tpu.memref_slice %arg11[%dma_start3A_180, %dma_start3A_181] : memref<10240x128xf32, #tpu.memory_space<vmem_shared>> -> memref<10240x128xf32, #tpu.memory_space<vmem_shared>>
        tpu.enqueue_indirect_dma source(%arg10 : memref<64x128xf32, #tpu.memory_space<vmem>>) target(%dma_start3A_182 : memref<10240x128xf32, #tpu.memory_space<vmem_shared>>) offsets(%dma_start3A_179 : memref<64xi32, #tpu.memory_space<vmem>>) semaphore(%run_scoped3A : memref<!tpu.dma_semaphore, #tpu.memory_space<semaphore_mem>>) {add = true}
        %dma_wait3A_183 = arith.constant 0 : i32
        %dma_wait3A_184 = tpu.memref_slice %arg8[%add3A_164, %dma_wait3A_183] : memref<160x64xi32, #tpu.memory_space<vmem>> -> memref<1x64xi32, #tpu.memory_space<vmem>>
        %dma_wait3A_185 = tpu.memref_squeeze %dma_wait3A_184 : memref<1x64xi32, #tpu.memory_space<vmem>> -> memref<64xi32, #tpu.memory_space<vmem>>
        %dma_wait3A_186 = arith.constant 0 : i32
        %dma_wait3A_187 = arith.constant 0 : i32
        %dma_wait3A_188 = tpu.memref_slice %arg11[%dma_wait3A_186, %dma_wait3A_187] : memref<10240x128xf32, #tpu.memory_space<vmem_shared>> -> memref<10240x128xf32, #tpu.memory_space<vmem_shared>>
        tpu.wait_indirect_dma semaphore(%run_scoped3A : memref<!tpu.dma_semaphore, #tpu.memory_space<semaphore_mem>>) src(%arg10 : memref<64x128xf32, #tpu.memory_space<vmem>>) dst(%dma_wait3A_188 : memref<10240x128xf32, #tpu.memory_space<vmem_shared>>)
        tpu.yield
      }) : () -> ()
      %add3A_165 = arith.constant 1 : i32
      %add3A_166 = arith.addi %scan3A_124, %add3A_165 : i32
      %dma_start3A_167 = arith.constant 64 : i32
      %dma_start3A_168 = tpu.memref_slice %arg7[%add3A_166, %dma_start3A_167] : memref<82x128xi32, #tpu.memory_space<vmem>> -> memref<1x64xi32, #tpu.memory_space<vmem>>
      %dma_start3A_169 = tpu.memref_squeeze %dma_start3A_168 : memref<1x64xi32, #tpu.memory_space<vmem>> -> memref<64xi32, #tpu.memory_space<vmem>>
      %dma_start3A_170 = arith.constant 0 : i32
      %dma_start3A_171 = arith.constant 0 : i32
      %dma_start3A_172 = tpu.memref_slice %arg2[%add3A_62, %dma_start3A_170, %dma_start3A_171] : memref<4x10240x128xf32, #tpu.memory_space<hbm>> -> memref<1x10240x128xf32, #tpu.memory_space<hbm>>
      %dma_start3A_173 = tpu.memref_squeeze %dma_start3A_172 : memref<1x10240x128xf32, #tpu.memory_space<hbm>> -> memref<10240x128xf32, #tpu.memory_space<hbm>>
      %dma_start3A_174 = arith.constant 0 : i32
      %dma_start3A_175 = arith.constant 0 : i32
      %dma_start3A_176 = tpu.memref_slice %dma_start3A_173[%dma_start3A_174, %dma_start3A_175] : memref<10240x128xf32, #tpu.memory_space<hbm>> -> memref<10240x128xf32, #tpu.memory_space<hbm>>
      tpu.enqueue_indirect_dma source(%dma_start3A_176 : memref<10240x128xf32, #tpu.memory_space<hbm>>) target(%arg10 : memref<64x128xf32, #tpu.memory_space<vmem>>) offsets(%dma_start3A_169 : memref<64xi32, #tpu.memory_space<vmem>>) semaphore(%arg13 : memref<!tpu.dma_semaphore, #tpu.memory_space<semaphore_mem>>)
    }
    %scan3A_95 = arith.constant 80 : i32
    %dma_wait3A_96 = arith.constant 0 : i32
    %dma_wait3A_97 = arith.constant 0 : i32
    %dma_wait3A_98 = tpu.memref_slice %arg7[%dma_wait3A_96, %dma_wait3A_97] : memref<82x128xi32, #tpu.memory_space<vmem>> -> memref<1x64xi32, #tpu.memory_space<vmem>>
    %dma_wait3A_99 = tpu.memref_squeeze %dma_wait3A_98 : memref<1x64xi32, #tpu.memory_space<vmem>> -> memref<64xi32, #tpu.memory_space<vmem>>
    %dma_wait3A_100 = arith.constant 0 : i32
    %dma_wait3A_101 = arith.constant 0 : i32
    %dma_wait3A_102 = tpu.memref_slice %arg2[%add3A_62, %dma_wait3A_100, %dma_wait3A_101] : memref<4x10240x128xf32, #tpu.memory_space<hbm>> -> memref<1x10240x128xf32, #tpu.memory_space<hbm>>
    %dma_wait3A_103 = tpu.memref_squeeze %dma_wait3A_102 : memref<1x10240x128xf32, #tpu.memory_space<hbm>> -> memref<10240x128xf32, #tpu.memory_space<hbm>>
    %dma_wait3A_104 = arith.constant 0 : i32
    %dma_wait3A_105 = arith.constant 0 : i32
    %dma_wait3A_106 = tpu.memref_slice %dma_wait3A_103[%dma_wait3A_104, %dma_wait3A_105] : memref<10240x128xf32, #tpu.memory_space<hbm>> -> memref<10240x128xf32, #tpu.memory_space<hbm>>
    tpu.wait_indirect_dma semaphore(%arg12 : memref<!tpu.dma_semaphore, #tpu.memory_space<semaphore_mem>>) src(%dma_wait3A_106 : memref<10240x128xf32, #tpu.memory_space<hbm>>) dst(%arg9 : memref<64x128xf32, #tpu.memory_space<vmem>>)
    %dma_wait3A_107 = arith.constant 0 : i32
    %dma_wait3A_108 = arith.constant 64 : i32
    %dma_wait3A_109 = tpu.memref_slice %arg7[%dma_wait3A_107, %dma_wait3A_108] : memref<82x128xi32, #tpu.memory_space<vmem>> -> memref<1x64xi32, #tpu.memory_space<vmem>>
    %dma_wait3A_110 = tpu.memref_squeeze %dma_wait3A_109 : memref<1x64xi32, #tpu.memory_space<vmem>> -> memref<64xi32, #tpu.memory_space<vmem>>
    %dma_wait3A_111 = arith.constant 0 : i32
    %dma_wait3A_112 = arith.constant 0 : i32
    %dma_wait3A_113 = tpu.memref_slice %arg2[%add3A_62, %dma_wait3A_111, %dma_wait3A_112] : memref<4x10240x128xf32, #tpu.memory_space<hbm>> -> memref<1x10240x128xf32, #tpu.memory_space<hbm>>
    %dma_wait3A_114 = tpu.memref_squeeze %dma_wait3A_113 : memref<1x10240x128xf32, #tpu.memory_space<hbm>> -> memref<10240x128xf32, #tpu.memory_space<hbm>>
    %dma_wait3A_115 = arith.constant 0 : i32
    %dma_wait3A_116 = arith.constant 0 : i32
    %dma_wait3A_117 = tpu.memref_slice %dma_wait3A_114[%dma_wait3A_115, %dma_wait3A_116] : memref<10240x128xf32, #tpu.memory_space<hbm>> -> memref<10240x128xf32, #tpu.memory_space<hbm>>
    tpu.wait_indirect_dma semaphore(%arg13 : memref<!tpu.dma_semaphore, #tpu.memory_space<semaphore_mem>>) src(%dma_wait3A_117 : memref<10240x128xf32, #tpu.memory_space<hbm>>) dst(%arg10 : memref<64x128xf32, #tpu.memory_space<vmem>>)
    %barrier3A_118 = arith.constant 0 : index
    tpu.barrier barrier_id(%barrier3A_118)
    %mul3A_119 = arith.constant 640 : i32
    %mul3A_120 = arith.muli %arg1, %mul3A_119 : i32
    %mul3A_121 = arith.constant 640 : i32
    %mul3A_122 = arith.muli %arg1, %mul3A_121 : i32
    "tpu.region"() ({
      %run_scoped3A = tpu.sem_alloc : memref<!tpu.dma_semaphore, #tpu.memory_space<semaphore_mem>>
      %dma_start3A_124 = arith.constant 0 : i32
      %dma_start3A_125 = tpu.memref_slice %arg6[%add3A_62, %mul3A_122, %dma_start3A_124] : memref<4x10240x128xf32, #tpu.memory_space<hbm>> -> memref<1x640x128xf32, #tpu.memory_space<hbm>>
      %dma_start3A_126 = tpu.memref_squeeze %dma_start3A_125 : memref<1x640x128xf32, #tpu.memory_space<hbm>> -> memref<640x128xf32, #tpu.memory_space<hbm>>
      %dma_start3A_127 = arith.constant 0 : i32
      %dma_start3A_128 = tpu.memref_slice %arg11[%mul3A_120, %dma_start3A_127] : memref<10240x128xf32, #tpu.memory_space<vmem_shared>> -> memref<640x128xf32, #tpu.memory_space<vmem_shared>>
      tpu.enqueue_dma source(%dma_start3A_128 : memref<640x128xf32, #tpu.memory_space<vmem_shared>>) target(%dma_start3A_126 : memref<640x128xf32, #tpu.memory_space<hbm>>) target_semaphore(%run_scoped3A : memref<!tpu.dma_semaphore, #tpu.memory_space<semaphore_mem>>)
      %dma_wait3A_129 = arith.constant 0 : i32
      %dma_wait3A_130 = tpu.memref_slice %arg6[%add3A_62, %mul3A_122, %dma_wait3A_129] : memref<4x10240x128xf32, #tpu.memory_space<hbm>> -> memref<1x640x128xf32, #tpu.memory_space<hbm>>
      %dma_wait3A_131 = tpu.memref_squeeze %dma_wait3A_130 : memref<1x640x128xf32, #tpu.memory_space<hbm>> -> memref<640x128xf32, #tpu.memory_space<hbm>>
      %dma_wait3A_132 = arith.constant 0 : i32
      %dma_wait3A_133 = tpu.memref_slice %arg11[%mul3A_120, %dma_wait3A_132] : memref<10240x128xf32, #tpu.memory_space<vmem_shared>> -> memref<640x128xf32, #tpu.memory_space<vmem_shared>>
      tpu.wait_dma2 semaphore(%run_scoped3A : memref<!tpu.dma_semaphore, #tpu.memory_space<semaphore_mem>>) src(%dma_wait3A_133 : memref<640x128xf32, #tpu.memory_space<vmem_shared>>) dst(%dma_wait3A_131 : memref<640x128xf32, #tpu.memory_space<hbm>>)
      tpu.yield
    }) : () -> ()
    %barrier3A_123 = arith.constant 0 : index
    tpu.barrier barrier_id(%barrier3A_123)
    return
  }
}

#map = affine_map<(d0, d1) -> (0, 0, 0)>
#map1 = affine_map<(d0, d1) -> (0, 0)>
module attributes {stable_mosaic.version = 14 : i64} {
  func.func @_seg_body(%arg0: i32, %arg1: i32, %arg2: memref<4x10240x128xf32, #tpu.memory_space<hbm>>, %arg3: memref<16x82x128xi32, #tpu.memory_space<hbm>>, %arg4: memref<16x160x64xi32, #tpu.memory_space<hbm>>, %arg5: memref<10240x128xf32, #tpu.memory_space<hbm>>, %arg6: memref<4x10240x128xf32, #tpu.memory_space<hbm>>, %arg7: memref<82x128xi32, #tpu.memory_space<vmem>>, %arg8: memref<160x64xi32, #tpu.memory_space<vmem>>, %arg9: memref<64x128xf32, #tpu.memory_space<vmem>>, %arg10: memref<64x128xf32, #tpu.memory_space<vmem>>, %arg11: memref<10240x128xf32, #tpu.memory_space<vmem_shared>>, %arg12: memref<!tpu.dma_semaphore, #tpu.memory_space<semaphore_mem>>, %arg13: memref<!tpu.dma_semaphore, #tpu.memory_space<semaphore_mem>>) attributes {dimension_semantics = [#tpu.dimension_semantics<core_parallel>, #tpu.dimension_semantics<subcore_parallel>], iteration_bounds = array<i64: 2, 16>, scalar_prefetch = 0 : i64, scratch_operands = 7 : i64, tpu.core_type = #tpu.core_type<sc_vector_subcore>, window_params = [{transform_indices = #map}, {transform_indices = #map}, {transform_indices = #map}, {transform_indices = #map1}, {transform_indices = #map}]} {
    "tpu.region"() ({
      %run_scoped3A = tpu.sem_alloc : memref<!tpu.dma_semaphore, #tpu.memory_space<semaphore_mem>>
      %dma_start3A_124 = arith.constant 0 : i32
      %dma_start3A_125 = arith.constant 0 : i32
      %dma_start3A_126 = tpu.memref_slice %arg3[%arg1, %dma_start3A_124, %dma_start3A_125] : memref<16x82x128xi32, #tpu.memory_space<hbm>> -> memref<1x82x128xi32, #tpu.memory_space<hbm>>
      %dma_start3A_127 = tpu.memref_squeeze %dma_start3A_126 : memref<1x82x128xi32, #tpu.memory_space<hbm>> -> memref<82x128xi32, #tpu.memory_space<hbm>>
      %dma_start3A_128 = arith.constant 0 : i32
      %dma_start3A_129 = arith.constant 0 : i32
      %dma_start3A_130 = tpu.memref_slice %arg3[%arg1, %dma_start3A_128, %dma_start3A_129] : memref<16x82x128xi32, #tpu.memory_space<hbm>> -> memref<1x82x128xi32, #tpu.memory_space<hbm>>
      %dma_start3A_131 = tpu.memref_squeeze %dma_start3A_130 : memref<1x82x128xi32, #tpu.memory_space<hbm>> -> memref<82x128xi32, #tpu.memory_space<hbm>>
      tpu.enqueue_dma source(%dma_start3A_131 : memref<82x128xi32, #tpu.memory_space<hbm>>) target(%arg7 : memref<82x128xi32, #tpu.memory_space<vmem>>) target_semaphore(%run_scoped3A : memref<!tpu.dma_semaphore, #tpu.memory_space<semaphore_mem>>)
      %dma_wait3A_132 = arith.constant 0 : i32
      %dma_wait3A_133 = arith.constant 0 : i32
      %dma_wait3A_134 = tpu.memref_slice %arg3[%arg1, %dma_wait3A_132, %dma_wait3A_133] : memref<16x82x128xi32, #tpu.memory_space<hbm>> -> memref<1x82x128xi32, #tpu.memory_space<hbm>>
      %dma_wait3A_135 = tpu.memref_squeeze %dma_wait3A_134 : memref<1x82x128xi32, #tpu.memory_space<hbm>> -> memref<82x128xi32, #tpu.memory_space<hbm>>
      %dma_wait3A_136 = arith.constant 0 : i32
      %dma_wait3A_137 = arith.constant 0 : i32
      %dma_wait3A_138 = tpu.memref_slice %arg3[%arg1, %dma_wait3A_136, %dma_wait3A_137] : memref<16x82x128xi32, #tpu.memory_space<hbm>> -> memref<1x82x128xi32, #tpu.memory_space<hbm>>
      %dma_wait3A_139 = tpu.memref_squeeze %dma_wait3A_138 : memref<1x82x128xi32, #tpu.memory_space<hbm>> -> memref<82x128xi32, #tpu.memory_space<hbm>>
      tpu.wait_dma2 semaphore(%run_scoped3A : memref<!tpu.dma_semaphore, #tpu.memory_space<semaphore_mem>>) src(%dma_wait3A_139 : memref<82x128xi32, #tpu.memory_space<hbm>>) dst(%arg7 : memref<82x128xi32, #tpu.memory_space<vmem>>)
      tpu.yield
    }) : () -> ()
    "tpu.region"() ({
      %run_scoped3A = tpu.sem_alloc : memref<!tpu.dma_semaphore, #tpu.memory_space<semaphore_mem>>
      %dma_start3A_124 = arith.constant 0 : i32
      %dma_start3A_125 = arith.constant 0 : i32
      %dma_start3A_126 = tpu.memref_slice %arg4[%arg1, %dma_start3A_124, %dma_start3A_125] : memref<16x160x64xi32, #tpu.memory_space<hbm>> -> memref<1x160x64xi32, #tpu.memory_space<hbm>>
      %dma_start3A_127 = tpu.memref_squeeze %dma_start3A_126 : memref<1x160x64xi32, #tpu.memory_space<hbm>> -> memref<160x64xi32, #tpu.memory_space<hbm>>
      %dma_start3A_128 = arith.constant 0 : i32
      %dma_start3A_129 = arith.constant 0 : i32
      %dma_start3A_130 = tpu.memref_slice %arg4[%arg1, %dma_start3A_128, %dma_start3A_129] : memref<16x160x64xi32, #tpu.memory_space<hbm>> -> memref<1x160x64xi32, #tpu.memory_space<hbm>>
      %dma_start3A_131 = tpu.memref_squeeze %dma_start3A_130 : memref<1x160x64xi32, #tpu.memory_space<hbm>> -> memref<160x64xi32, #tpu.memory_space<hbm>>
      tpu.enqueue_dma source(%dma_start3A_131 : memref<160x64xi32, #tpu.memory_space<hbm>>) target(%arg8 : memref<160x64xi32, #tpu.memory_space<vmem>>) target_semaphore(%run_scoped3A : memref<!tpu.dma_semaphore, #tpu.memory_space<semaphore_mem>>)
      %dma_wait3A_132 = arith.constant 0 : i32
      %dma_wait3A_133 = arith.constant 0 : i32
      %dma_wait3A_134 = tpu.memref_slice %arg4[%arg1, %dma_wait3A_132, %dma_wait3A_133] : memref<16x160x64xi32, #tpu.memory_space<hbm>> -> memref<1x160x64xi32, #tpu.memory_space<hbm>>
      %dma_wait3A_135 = tpu.memref_squeeze %dma_wait3A_134 : memref<1x160x64xi32, #tpu.memory_space<hbm>> -> memref<160x64xi32, #tpu.memory_space<hbm>>
      %dma_wait3A_136 = arith.constant 0 : i32
      %dma_wait3A_137 = arith.constant 0 : i32
      %dma_wait3A_138 = tpu.memref_slice %arg4[%arg1, %dma_wait3A_136, %dma_wait3A_137] : memref<16x160x64xi32, #tpu.memory_space<hbm>> -> memref<1x160x64xi32, #tpu.memory_space<hbm>>
      %dma_wait3A_139 = tpu.memref_squeeze %dma_wait3A_138 : memref<1x160x64xi32, #tpu.memory_space<hbm>> -> memref<160x64xi32, #tpu.memory_space<hbm>>
      tpu.wait_dma2 semaphore(%run_scoped3A : memref<!tpu.dma_semaphore, #tpu.memory_space<semaphore_mem>>) src(%dma_wait3A_139 : memref<160x64xi32, #tpu.memory_space<hbm>>) dst(%arg8 : memref<160x64xi32, #tpu.memory_space<vmem>>)
      tpu.yield
    }) : () -> ()
    %mul3A = arith.constant 2 : i32
    %mul3A_0 = arith.muli %arg0, %mul3A : i32
    %add3A = arith.constant 0 : i32
    %add3A_1 = arith.addi %mul3A_0, %add3A : i32
    %mul3A_2 = arith.constant 640 : i32
    %mul3A_3 = arith.muli %arg1, %mul3A_2 : i32
    %mul3A_4 = arith.constant 640 : i32
    %mul3A_5 = arith.muli %arg1, %mul3A_4 : i32
    "tpu.region"() ({
      %run_scoped3A = tpu.sem_alloc : memref<!tpu.dma_semaphore, #tpu.memory_space<semaphore_mem>>
      %dma_start3A_124 = arith.constant 0 : i32
      %dma_start3A_125 = tpu.memref_slice %arg11[%mul3A_5, %dma_start3A_124] : memref<10240x128xf32, #tpu.memory_space<vmem_shared>> -> memref<640x128xf32, #tpu.memory_space<vmem_shared>>
      %dma_start3A_126 = arith.constant 0 : i32
      %dma_start3A_127 = tpu.memref_slice %arg5[%mul3A_3, %dma_start3A_126] : memref<10240x128xf32, #tpu.memory_space<hbm>> -> memref<640x128xf32, #tpu.memory_space<hbm>>
      tpu.enqueue_dma source(%dma_start3A_127 : memref<640x128xf32, #tpu.memory_space<hbm>>) target(%dma_start3A_125 : memref<640x128xf32, #tpu.memory_space<vmem_shared>>) target_semaphore(%run_scoped3A : memref<!tpu.dma_semaphore, #tpu.memory_space<semaphore_mem>>)
      %dma_wait3A_128 = arith.constant 0 : i32
      %dma_wait3A_129 = tpu.memref_slice %arg11[%mul3A_5, %dma_wait3A_128] : memref<10240x128xf32, #tpu.memory_space<vmem_shared>> -> memref<640x128xf32, #tpu.memory_space<vmem_shared>>
      %dma_wait3A_130 = arith.constant 0 : i32
      %dma_wait3A_131 = tpu.memref_slice %arg5[%mul3A_3, %dma_wait3A_130] : memref<10240x128xf32, #tpu.memory_space<hbm>> -> memref<640x128xf32, #tpu.memory_space<hbm>>
      tpu.wait_dma2 semaphore(%run_scoped3A : memref<!tpu.dma_semaphore, #tpu.memory_space<semaphore_mem>>) src(%dma_wait3A_131 : memref<640x128xf32, #tpu.memory_space<hbm>>) dst(%dma_wait3A_129 : memref<640x128xf32, #tpu.memory_space<vmem_shared>>)
      tpu.yield
    }) : () -> ()
    %barrier3A = arith.constant 0 : index
    tpu.barrier barrier_id(%barrier3A)
    %dma_start3A = arith.constant 0 : i32
    %dma_start3A_6 = arith.constant 0 : i32
    %dma_start3A_7 = tpu.memref_slice %arg7[%dma_start3A, %dma_start3A_6] : memref<82x128xi32, #tpu.memory_space<vmem>> -> memref<1x64xi32, #tpu.memory_space<vmem>>
    %dma_start3A_8 = tpu.memref_squeeze %dma_start3A_7 : memref<1x64xi32, #tpu.memory_space<vmem>> -> memref<64xi32, #tpu.memory_space<vmem>>
    %dma_start3A_9 = arith.constant 0 : i32
    %dma_start3A_10 = arith.constant 0 : i32
    %dma_start3A_11 = tpu.memref_slice %arg2[%add3A_1, %dma_start3A_9, %dma_start3A_10] : memref<4x10240x128xf32, #tpu.memory_space<hbm>> -> memref<1x10240x128xf32, #tpu.memory_space<hbm>>
    %dma_start3A_12 = tpu.memref_squeeze %dma_start3A_11 : memref<1x10240x128xf32, #tpu.memory_space<hbm>> -> memref<10240x128xf32, #tpu.memory_space<hbm>>
    %dma_start3A_13 = arith.constant 0 : i32
    %dma_start3A_14 = arith.constant 0 : i32
    %dma_start3A_15 = tpu.memref_slice %dma_start3A_12[%dma_start3A_13, %dma_start3A_14] : memref<10240x128xf32, #tpu.memory_space<hbm>> -> memref<10240x128xf32, #tpu.memory_space<hbm>>
    tpu.enqueue_indirect_dma source(%dma_start3A_15 : memref<10240x128xf32, #tpu.memory_space<hbm>>) target(%arg9 : memref<64x128xf32, #tpu.memory_space<vmem>>) offsets(%dma_start3A_8 : memref<64xi32, #tpu.memory_space<vmem>>) semaphore(%arg12 : memref<!tpu.dma_semaphore, #tpu.memory_space<semaphore_mem>>)
    %dma_start3A_16 = arith.constant 0 : i32
    %dma_start3A_17 = arith.constant 64 : i32
    %dma_start3A_18 = tpu.memref_slice %arg7[%dma_start3A_16, %dma_start3A_17] : memref<82x128xi32, #tpu.memory_space<vmem>> -> memref<1x64xi32, #tpu.memory_space<vmem>>
    %dma_start3A_19 = tpu.memref_squeeze %dma_start3A_18 : memref<1x64xi32, #tpu.memory_space<vmem>> -> memref<64xi32, #tpu.memory_space<vmem>>
    %dma_start3A_20 = arith.constant 0 : i32
    %dma_start3A_21 = arith.constant 0 : i32
    %dma_start3A_22 = tpu.memref_slice %arg2[%add3A_1, %dma_start3A_20, %dma_start3A_21] : memref<4x10240x128xf32, #tpu.memory_space<hbm>> -> memref<1x10240x128xf32, #tpu.memory_space<hbm>>
    %dma_start3A_23 = tpu.memref_squeeze %dma_start3A_22 : memref<1x10240x128xf32, #tpu.memory_space<hbm>> -> memref<10240x128xf32, #tpu.memory_space<hbm>>
    %dma_start3A_24 = arith.constant 0 : i32
    %dma_start3A_25 = arith.constant 0 : i32
    %dma_start3A_26 = tpu.memref_slice %dma_start3A_23[%dma_start3A_24, %dma_start3A_25] : memref<10240x128xf32, #tpu.memory_space<hbm>> -> memref<10240x128xf32, #tpu.memory_space<hbm>>
    tpu.enqueue_indirect_dma source(%dma_start3A_26 : memref<10240x128xf32, #tpu.memory_space<hbm>>) target(%arg10 : memref<64x128xf32, #tpu.memory_space<vmem>>) offsets(%dma_start3A_19 : memref<64xi32, #tpu.memory_space<vmem>>) semaphore(%arg13 : memref<!tpu.dma_semaphore, #tpu.memory_space<semaphore_mem>>)
    %scan3A = arith.constant 0 : i32
    %scan3A_27 = arith.constant 0 : i32
    %scan3A_28 = arith.constant 80 : i32
    %scan3A_29 = arith.addi %scan3A_27, %scan3A_28 : i32
    %scan3A_30 = arith.constant 1 : i32
    scf.for %scan3A_124 = %scan3A_27 to %scan3A_29 step %scan3A_30  : i32 {
      %dma_wait3A_125 = arith.constant 0 : i32
      %dma_wait3A_126 = tpu.memref_slice %arg7[%scan3A_124, %dma_wait3A_125] : memref<82x128xi32, #tpu.memory_space<vmem>> -> memref<1x64xi32, #tpu.memory_space<vmem>>
      %dma_wait3A_127 = tpu.memref_squeeze %dma_wait3A_126 : memref<1x64xi32, #tpu.memory_space<vmem>> -> memref<64xi32, #tpu.memory_space<vmem>>
      %dma_wait3A_128 = arith.constant 0 : i32
      %dma_wait3A_129 = arith.constant 0 : i32
      %dma_wait3A_130 = tpu.memref_slice %arg2[%add3A_1, %dma_wait3A_128, %dma_wait3A_129] : memref<4x10240x128xf32, #tpu.memory_space<hbm>> -> memref<1x10240x128xf32, #tpu.memory_space<hbm>>
      %dma_wait3A_131 = tpu.memref_squeeze %dma_wait3A_130 : memref<1x10240x128xf32, #tpu.memory_space<hbm>> -> memref<10240x128xf32, #tpu.memory_space<hbm>>
      %dma_wait3A_132 = arith.constant 0 : i32
      %dma_wait3A_133 = arith.constant 0 : i32
      %dma_wait3A_134 = tpu.memref_slice %dma_wait3A_131[%dma_wait3A_132, %dma_wait3A_133] : memref<10240x128xf32, #tpu.memory_space<hbm>> -> memref<10240x128xf32, #tpu.memory_space<hbm>>
      tpu.wait_indirect_dma semaphore(%arg12 : memref<!tpu.dma_semaphore, #tpu.memory_space<semaphore_mem>>) src(%dma_wait3A_134 : memref<10240x128xf32, #tpu.memory_space<hbm>>) dst(%arg9 : memref<64x128xf32, #tpu.memory_space<vmem>>)
      %mul3A_135 = arith.constant 2 : i32
      %mul3A_136 = arith.muli %scan3A_124, %mul3A_135 : i32
      %add3A_137 = arith.constant 0 : i32
      %add3A_138 = arith.addi %mul3A_136, %add3A_137 : i32
      "tpu.region"() ({
        %run_scoped3A = tpu.sem_alloc : memref<!tpu.dma_semaphore, #tpu.memory_space<semaphore_mem>>
        %dma_start3A_177 = arith.constant 0 : i32
        %dma_start3A_178 = tpu.memref_slice %arg8[%add3A_138, %dma_start3A_177] : memref<160x64xi32, #tpu.memory_space<vmem>> -> memref<1x64xi32, #tpu.memory_space<vmem>>
        %dma_start3A_179 = tpu.memref_squeeze %dma_start3A_178 : memref<1x64xi32, #tpu.memory_space<vmem>> -> memref<64xi32, #tpu.memory_space<vmem>>
        %dma_start3A_180 = arith.constant 0 : i32
        %dma_start3A_181 = arith.constant 0 : i32
        %dma_start3A_182 = tpu.memref_slice %arg11[%dma_start3A_180, %dma_start3A_181] : memref<10240x128xf32, #tpu.memory_space<vmem_shared>> -> memref<10240x128xf32, #tpu.memory_space<vmem_shared>>
        tpu.enqueue_indirect_dma source(%arg9 : memref<64x128xf32, #tpu.memory_space<vmem>>) target(%dma_start3A_182 : memref<10240x128xf32, #tpu.memory_space<vmem_shared>>) offsets(%dma_start3A_179 : memref<64xi32, #tpu.memory_space<vmem>>) semaphore(%run_scoped3A : memref<!tpu.dma_semaphore, #tpu.memory_space<semaphore_mem>>) {add = true}
        %dma_wait3A_183 = arith.constant 0 : i32
        %dma_wait3A_184 = tpu.memref_slice %arg8[%add3A_138, %dma_wait3A_183] : memref<160x64xi32, #tpu.memory_space<vmem>> -> memref<1x64xi32, #tpu.memory_space<vmem>>
        %dma_wait3A_185 = tpu.memref_squeeze %dma_wait3A_184 : memref<1x64xi32, #tpu.memory_space<vmem>> -> memref<64xi32, #tpu.memory_space<vmem>>
        %dma_wait3A_186 = arith.constant 0 : i32
        %dma_wait3A_187 = arith.constant 0 : i32
        %dma_wait3A_188 = tpu.memref_slice %arg11[%dma_wait3A_186, %dma_wait3A_187] : memref<10240x128xf32, #tpu.memory_space<vmem_shared>> -> memref<10240x128xf32, #tpu.memory_space<vmem_shared>>
        tpu.wait_indirect_dma semaphore(%run_scoped3A : memref<!tpu.dma_semaphore, #tpu.memory_space<semaphore_mem>>) src(%arg9 : memref<64x128xf32, #tpu.memory_space<vmem>>) dst(%dma_wait3A_188 : memref<10240x128xf32, #tpu.memory_space<vmem_shared>>)
        tpu.yield
      }) : () -> ()
      %add3A_139 = arith.constant 1 : i32
      %add3A_140 = arith.addi %scan3A_124, %add3A_139 : i32
      %dma_start3A_141 = arith.constant 0 : i32
      %dma_start3A_142 = tpu.memref_slice %arg7[%add3A_140, %dma_start3A_141] : memref<82x128xi32, #tpu.memory_space<vmem>> -> memref<1x64xi32, #tpu.memory_space<vmem>>
      %dma_start3A_143 = tpu.memref_squeeze %dma_start3A_142 : memref<1x64xi32, #tpu.memory_space<vmem>> -> memref<64xi32, #tpu.memory_space<vmem>>
      %dma_start3A_144 = arith.constant 0 : i32
      %dma_start3A_145 = arith.constant 0 : i32
      %dma_start3A_146 = tpu.memref_slice %arg2[%add3A_1, %dma_start3A_144, %dma_start3A_145] : memref<4x10240x128xf32, #tpu.memory_space<hbm>> -> memref<1x10240x128xf32, #tpu.memory_space<hbm>>
      %dma_start3A_147 = tpu.memref_squeeze %dma_start3A_146 : memref<1x10240x128xf32, #tpu.memory_space<hbm>> -> memref<10240x128xf32, #tpu.memory_space<hbm>>
      %dma_start3A_148 = arith.constant 0 : i32
      %dma_start3A_149 = arith.constant 0 : i32
      %dma_start3A_150 = tpu.memref_slice %dma_start3A_147[%dma_start3A_148, %dma_start3A_149] : memref<10240x128xf32, #tpu.memory_space<hbm>> -> memref<10240x128xf32, #tpu.memory_space<hbm>>
      tpu.enqueue_indirect_dma source(%dma_start3A_150 : memref<10240x128xf32, #tpu.memory_space<hbm>>) target(%arg9 : memref<64x128xf32, #tpu.memory_space<vmem>>) offsets(%dma_start3A_143 : memref<64xi32, #tpu.memory_space<vmem>>) semaphore(%arg12 : memref<!tpu.dma_semaphore, #tpu.memory_space<semaphore_mem>>)
      %dma_wait3A_151 = arith.constant 64 : i32
      %dma_wait3A_152 = tpu.memref_slice %arg7[%scan3A_124, %dma_wait3A_151] : memref<82x128xi32, #tpu.memory_space<vmem>> -> memref<1x64xi32, #tpu.memory_space<vmem>>
      %dma_wait3A_153 = tpu.memref_squeeze %dma_wait3A_152 : memref<1x64xi32, #tpu.memory_space<vmem>> -> memref<64xi32, #tpu.memory_space<vmem>>
      %dma_wait3A_154 = arith.constant 0 : i32
      %dma_wait3A_155 = arith.constant 0 : i32
      %dma_wait3A_156 = tpu.memref_slice %arg2[%add3A_1, %dma_wait3A_154, %dma_wait3A_155] : memref<4x10240x128xf32, #tpu.memory_space<hbm>> -> memref<1x10240x128xf32, #tpu.memory_space<hbm>>
      %dma_wait3A_157 = tpu.memref_squeeze %dma_wait3A_156 : memref<1x10240x128xf32, #tpu.memory_space<hbm>> -> memref<10240x128xf32, #tpu.memory_space<hbm>>
      %dma_wait3A_158 = arith.constant 0 : i32
      %dma_wait3A_159 = arith.constant 0 : i32
      %dma_wait3A_160 = tpu.memref_slice %dma_wait3A_157[%dma_wait3A_158, %dma_wait3A_159] : memref<10240x128xf32, #tpu.memory_space<hbm>> -> memref<10240x128xf32, #tpu.memory_space<hbm>>
      tpu.wait_indirect_dma semaphore(%arg13 : memref<!tpu.dma_semaphore, #tpu.memory_space<semaphore_mem>>) src(%dma_wait3A_160 : memref<10240x128xf32, #tpu.memory_space<hbm>>) dst(%arg10 : memref<64x128xf32, #tpu.memory_space<vmem>>)
      %mul3A_161 = arith.constant 2 : i32
      %mul3A_162 = arith.muli %scan3A_124, %mul3A_161 : i32
      %add3A_163 = arith.constant 1 : i32
      %add3A_164 = arith.addi %mul3A_162, %add3A_163 : i32
      "tpu.region"() ({
        %run_scoped3A = tpu.sem_alloc : memref<!tpu.dma_semaphore, #tpu.memory_space<semaphore_mem>>
        %dma_start3A_177 = arith.constant 0 : i32
        %dma_start3A_178 = tpu.memref_slice %arg8[%add3A_164, %dma_start3A_177] : memref<160x64xi32, #tpu.memory_space<vmem>> -> memref<1x64xi32, #tpu.memory_space<vmem>>
        %dma_start3A_179 = tpu.memref_squeeze %dma_start3A_178 : memref<1x64xi32, #tpu.memory_space<vmem>> -> memref<64xi32, #tpu.memory_space<vmem>>
        %dma_start3A_180 = arith.constant 0 : i32
        %dma_start3A_181 = arith.constant 0 : i32
        %dma_start3A_182 = tpu.memref_slice %arg11[%dma_start3A_180, %dma_start3A_181] : memref<10240x128xf32, #tpu.memory_space<vmem_shared>> -> memref<10240x128xf32, #tpu.memory_space<vmem_shared>>
        tpu.enqueue_indirect_dma source(%arg10 : memref<64x128xf32, #tpu.memory_space<vmem>>) target(%dma_start3A_182 : memref<10240x128xf32, #tpu.memory_space<vmem_shared>>) offsets(%dma_start3A_179 : memref<64xi32, #tpu.memory_space<vmem>>) semaphore(%run_scoped3A : memref<!tpu.dma_semaphore, #tpu.memory_space<semaphore_mem>>) {add = true}
        %dma_wait3A_183 = arith.constant 0 : i32
        %dma_wait3A_184 = tpu.memref_slice %arg8[%add3A_164, %dma_wait3A_183] : memref<160x64xi32, #tpu.memory_space<vmem>> -> memref<1x64xi32, #tpu.memory_space<vmem>>
        %dma_wait3A_185 = tpu.memref_squeeze %dma_wait3A_184 : memref<1x64xi32, #tpu.memory_space<vmem>> -> memref<64xi32, #tpu.memory_space<vmem>>
        %dma_wait3A_186 = arith.constant 0 : i32
        %dma_wait3A_187 = arith.constant 0 : i32
        %dma_wait3A_188 = tpu.memref_slice %arg11[%dma_wait3A_186, %dma_wait3A_187] : memref<10240x128xf32, #tpu.memory_space<vmem_shared>> -> memref<10240x128xf32, #tpu.memory_space<vmem_shared>>
        tpu.wait_indirect_dma semaphore(%run_scoped3A : memref<!tpu.dma_semaphore, #tpu.memory_space<semaphore_mem>>) src(%arg10 : memref<64x128xf32, #tpu.memory_space<vmem>>) dst(%dma_wait3A_188 : memref<10240x128xf32, #tpu.memory_space<vmem_shared>>)
        tpu.yield
      }) : () -> ()
      %add3A_165 = arith.constant 1 : i32
      %add3A_166 = arith.addi %scan3A_124, %add3A_165 : i32
      %dma_start3A_167 = arith.constant 64 : i32
      %dma_start3A_168 = tpu.memref_slice %arg7[%add3A_166, %dma_start3A_167] : memref<82x128xi32, #tpu.memory_space<vmem>> -> memref<1x64xi32, #tpu.memory_space<vmem>>
      %dma_start3A_169 = tpu.memref_squeeze %dma_start3A_168 : memref<1x64xi32, #tpu.memory_space<vmem>> -> memref<64xi32, #tpu.memory_space<vmem>>
      %dma_start3A_170 = arith.constant 0 : i32
      %dma_start3A_171 = arith.constant 0 : i32
      %dma_start3A_172 = tpu.memref_slice %arg2[%add3A_1, %dma_start3A_170, %dma_start3A_171] : memref<4x10240x128xf32, #tpu.memory_space<hbm>> -> memref<1x10240x128xf32, #tpu.memory_space<hbm>>
      %dma_start3A_173 = tpu.memref_squeeze %dma_start3A_172 : memref<1x10240x128xf32, #tpu.memory_space<hbm>> -> memref<10240x128xf32, #tpu.memory_space<hbm>>
      %dma_start3A_174 = arith.constant 0 : i32
      %dma_start3A_175 = arith.constant 0 : i32
      %dma_start3A_176 = tpu.memref_slice %dma_start3A_173[%dma_start3A_174, %dma_start3A_175] : memref<10240x128xf32, #tpu.memory_space<hbm>> -> memref<10240x128xf32, #tpu.memory_space<hbm>>
      tpu.enqueue_indirect_dma source(%dma_start3A_176 : memref<10240x128xf32, #tpu.memory_space<hbm>>) target(%arg10 : memref<64x128xf32, #tpu.memory_space<vmem>>) offsets(%dma_start3A_169 : memref<64xi32, #tpu.memory_space<vmem>>) semaphore(%arg13 : memref<!tpu.dma_semaphore, #tpu.memory_space<semaphore_mem>>)
    }
    %scan3A_31 = arith.constant 80 : i32
    %dma_wait3A = arith.constant 0 : i32
    %dma_wait3A_32 = arith.constant 0 : i32
    %dma_wait3A_33 = tpu.memref_slice %arg7[%dma_wait3A, %dma_wait3A_32] : memref<82x128xi32, #tpu.memory_space<vmem>> -> memref<1x64xi32, #tpu.memory_space<vmem>>
    %dma_wait3A_34 = tpu.memref_squeeze %dma_wait3A_33 : memref<1x64xi32, #tpu.memory_space<vmem>> -> memref<64xi32, #tpu.memory_space<vmem>>
    %dma_wait3A_35 = arith.constant 0 : i32
    %dma_wait3A_36 = arith.constant 0 : i32
    %dma_wait3A_37 = tpu.memref_slice %arg2[%add3A_1, %dma_wait3A_35, %dma_wait3A_36] : memref<4x10240x128xf32, #tpu.memory_space<hbm>> -> memref<1x10240x128xf32, #tpu.memory_space<hbm>>
    %dma_wait3A_38 = tpu.memref_squeeze %dma_wait3A_37 : memref<1x10240x128xf32, #tpu.memory_space<hbm>> -> memref<10240x128xf32, #tpu.memory_space<hbm>>
    %dma_wait3A_39 = arith.constant 0 : i32
    %dma_wait3A_40 = arith.constant 0 : i32
    %dma_wait3A_41 = tpu.memref_slice %dma_wait3A_38[%dma_wait3A_39, %dma_wait3A_40] : memref<10240x128xf32, #tpu.memory_space<hbm>> -> memref<10240x128xf32, #tpu.memory_space<hbm>>
    tpu.wait_indirect_dma semaphore(%arg12 : memref<!tpu.dma_semaphore, #tpu.memory_space<semaphore_mem>>) src(%dma_wait3A_41 : memref<10240x128xf32, #tpu.memory_space<hbm>>) dst(%arg9 : memref<64x128xf32, #tpu.memory_space<vmem>>)
    %dma_wait3A_42 = arith.constant 0 : i32
    %dma_wait3A_43 = arith.constant 64 : i32
    %dma_wait3A_44 = tpu.memref_slice %arg7[%dma_wait3A_42, %dma_wait3A_43] : memref<82x128xi32, #tpu.memory_space<vmem>> -> memref<1x64xi32, #tpu.memory_space<vmem>>
    %dma_wait3A_45 = tpu.memref_squeeze %dma_wait3A_44 : memref<1x64xi32, #tpu.memory_space<vmem>> -> memref<64xi32, #tpu.memory_space<vmem>>
    %dma_wait3A_46 = arith.constant 0 : i32
    %dma_wait3A_47 = arith.constant 0 : i32
    %dma_wait3A_48 = tpu.memref_slice %arg2[%add3A_1, %dma_wait3A_46, %dma_wait3A_47] : memref<4x10240x128xf32, #tpu.memory_space<hbm>> -> memref<1x10240x128xf32, #tpu.memory_space<hbm>>
    %dma_wait3A_49 = tpu.memref_squeeze %dma_wait3A_48 : memref<1x10240x128xf32, #tpu.memory_space<hbm>> -> memref<10240x128xf32, #tpu.memory_space<hbm>>
    %dma_wait3A_50 = arith.constant 0 : i32
    %dma_wait3A_51 = arith.constant 0 : i32
    %dma_wait3A_52 = tpu.memref_slice %dma_wait3A_49[%dma_wait3A_50, %dma_wait3A_51] : memref<10240x128xf32, #tpu.memory_space<hbm>> -> memref<10240x128xf32, #tpu.memory_space<hbm>>
    tpu.wait_indirect_dma semaphore(%arg13 : memref<!tpu.dma_semaphore, #tpu.memory_space<semaphore_mem>>) src(%dma_wait3A_52 : memref<10240x128xf32, #tpu.memory_space<hbm>>) dst(%arg10 : memref<64x128xf32, #tpu.memory_space<vmem>>)
    %barrier3A_53 = arith.constant 0 : index
    tpu.barrier barrier_id(%barrier3A_53)
    %mul3A_54 = arith.constant 640 : i32
    %mul3A_55 = arith.muli %arg1, %mul3A_54 : i32
    %mul3A_56 = arith.constant 640 : i32
    %mul3A_57 = arith.muli %arg1, %mul3A_56 : i32
    "tpu.region"() ({
      %run_scoped3A = tpu.sem_alloc : memref<!tpu.dma_semaphore, #tpu.memory_space<semaphore_mem>>
      %dma_start3A_124 = arith.constant 0 : i32
      %dma_start3A_125 = tpu.memref_slice %arg6[%add3A_1, %mul3A_57, %dma_start3A_124] : memref<4x10240x128xf32, #tpu.memory_space<hbm>> -> memref<1x640x128xf32, #tpu.memory_space<hbm>>
      %dma_start3A_126 = tpu.memref_squeeze %dma_start3A_125 : memref<1x640x128xf32, #tpu.memory_space<hbm>> -> memref<640x128xf32, #tpu.memory_space<hbm>>
      %dma_start3A_127 = arith.constant 0 : i32
      %dma_start3A_128 = tpu.memref_slice %arg11[%mul3A_55, %dma_start3A_127] : memref<10240x128xf32, #tpu.memory_space<vmem_shared>> -> memref<640x128xf32, #tpu.memory_space<vmem_shared>>
      tpu.enqueue_dma source(%dma_start3A_128 : memref<640x128xf32, #tpu.memory_space<vmem_shared>>) target(%dma_start3A_126 : memref<640x128xf32, #tpu.memory_space<hbm>>) target_semaphore(%run_scoped3A : memref<!tpu.dma_semaphore, #tpu.memory_space<semaphore_mem>>)
      %dma_wait3A_129 = arith.constant 0 : i32
      %dma_wait3A_130 = tpu.memref_slice %arg6[%add3A_1, %mul3A_57, %dma_wait3A_129] : memref<4x10240x128xf32, #tpu.memory_space<hbm>> -> memref<1x640x128xf32, #tpu.memory_space<hbm>>
      %dma_wait3A_131 = tpu.memref_squeeze %dma_wait3A_130 : memref<1x640x128xf32, #tpu.memory_space<hbm>> -> memref<640x128xf32, #tpu.memory_space<hbm>>
      %dma_wait3A_132 = arith.constant 0 : i32
      %dma_wait3A_133 = tpu.memref_slice %arg11[%mul3A_55, %dma_wait3A_132] : memref<10240x128xf32, #tpu.memory_space<vmem_shared>> -> memref<640x128xf32, #tpu.memory_space<vmem_shared>>
      tpu.wait_dma2 semaphore(%run_scoped3A : memref<!tpu.dma_semaphore, #tpu.memory_space<semaphore_mem>>) src(%dma_wait3A_133 : memref<640x128xf32, #tpu.memory_space<vmem_shared>>) dst(%dma_wait3A_131 : memref<640x128xf32, #tpu.memory_space<hbm>>)
      tpu.yield
    }) : () -> ()
    %barrier3A_58 = arith.constant 0 : index
    tpu.barrier barrier_id(%barrier3A_58)
    %mul3A_59 = arith.constant 2 : i32
    %mul3A_60 = arith.muli %arg0, %mul3A_59 : i32
    %add3A_61 = arith.constant 1 : i32
    %add3A_62 = arith.addi %mul3A_60, %add3A_61 : i32
    %mul3A_63 = arith.constant 640 : i32
    %mul3A_64 = arith.muli %arg1, %mul3A_63 : i32
    %mul3A_65 = arith.constant 640 : i32
    %mul3A_66 = arith.muli %arg1, %mul3A_65 : i32
    "tpu.region"() ({
      %run_scoped3A = tpu.sem_alloc : memref<!tpu.dma_semaphore, #tpu.memory_space<semaphore_mem>>
      %dma_start3A_124 = arith.constant 0 : i32
      %dma_start3A_125 = tpu.memref_slice %arg11[%mul3A_66, %dma_start3A_124] : memref<10240x128xf32, #tpu.memory_space<vmem_shared>> -> memref<640x128xf32, #tpu.memory_space<vmem_shared>>
      %dma_start3A_126 = arith.constant 0 : i32
      %dma_start3A_127 = tpu.memref_slice %arg5[%mul3A_64, %dma_start3A_126] : memref<10240x128xf32, #tpu.memory_space<hbm>> -> memref<640x128xf32, #tpu.memory_space<hbm>>
      tpu.enqueue_dma source(%dma_start3A_127 : memref<640x128xf32, #tpu.memory_space<hbm>>) target(%dma_start3A_125 : memref<640x128xf32, #tpu.memory_space<vmem_shared>>) target_semaphore(%run_scoped3A : memref<!tpu.dma_semaphore, #tpu.memory_space<semaphore_mem>>)
      %dma_wait3A_128 = arith.constant 0 : i32
      %dma_wait3A_129 = tpu.memref_slice %arg11[%mul3A_66, %dma_wait3A_128] : memref<10240x128xf32, #tpu.memory_space<vmem_shared>> -> memref<640x128xf32, #tpu.memory_space<vmem_shared>>
      %dma_wait3A_130 = arith.constant 0 : i32
      %dma_wait3A_131 = tpu.memref_slice %arg5[%mul3A_64, %dma_wait3A_130] : memref<10240x128xf32, #tpu.memory_space<hbm>> -> memref<640x128xf32, #tpu.memory_space<hbm>>
      tpu.wait_dma2 semaphore(%run_scoped3A : memref<!tpu.dma_semaphore, #tpu.memory_space<semaphore_mem>>) src(%dma_wait3A_131 : memref<640x128xf32, #tpu.memory_space<hbm>>) dst(%dma_wait3A_129 : memref<640x128xf32, #tpu.memory_space<vmem_shared>>)
      tpu.yield
    }) : () -> ()
    %barrier3A_67 = arith.constant 0 : index
    tpu.barrier barrier_id(%barrier3A_67)
    %dma_start3A_68 = arith.constant 0 : i32
    %dma_start3A_69 = arith.constant 0 : i32
    %dma_start3A_70 = tpu.memref_slice %arg7[%dma_start3A_68, %dma_start3A_69] : memref<82x128xi32, #tpu.memory_space<vmem>> -> memref<1x64xi32, #tpu.memory_space<vmem>>
    %dma_start3A_71 = tpu.memref_squeeze %dma_start3A_70 : memref<1x64xi32, #tpu.memory_space<vmem>> -> memref<64xi32, #tpu.memory_space<vmem>>
    %dma_start3A_72 = arith.constant 0 : i32
    %dma_start3A_73 = arith.constant 0 : i32
    %dma_start3A_74 = tpu.memref_slice %arg2[%add3A_62, %dma_start3A_72, %dma_start3A_73] : memref<4x10240x128xf32, #tpu.memory_space<hbm>> -> memref<1x10240x128xf32, #tpu.memory_space<hbm>>
    %dma_start3A_75 = tpu.memref_squeeze %dma_start3A_74 : memref<1x10240x128xf32, #tpu.memory_space<hbm>> -> memref<10240x128xf32, #tpu.memory_space<hbm>>
    %dma_start3A_76 = arith.constant 0 : i32
    %dma_start3A_77 = arith.constant 0 : i32
    %dma_start3A_78 = tpu.memref_slice %dma_start3A_75[%dma_start3A_76, %dma_start3A_77] : memref<10240x128xf32, #tpu.memory_space<hbm>> -> memref<10240x128xf32, #tpu.memory_space<hbm>>
    tpu.enqueue_indirect_dma source(%dma_start3A_78 : memref<10240x128xf32, #tpu.memory_space<hbm>>) target(%arg9 : memref<64x128xf32, #tpu.memory_space<vmem>>) offsets(%dma_start3A_71 : memref<64xi32, #tpu.memory_space<vmem>>) semaphore(%arg12 : memref<!tpu.dma_semaphore, #tpu.memory_space<semaphore_mem>>)
    %dma_start3A_79 = arith.constant 0 : i32
    %dma_start3A_80 = arith.constant 64 : i32
    %dma_start3A_81 = tpu.memref_slice %arg7[%dma_start3A_79, %dma_start3A_80] : memref<82x128xi32, #tpu.memory_space<vmem>> -> memref<1x64xi32, #tpu.memory_space<vmem>>
    %dma_start3A_82 = tpu.memref_squeeze %dma_start3A_81 : memref<1x64xi32, #tpu.memory_space<vmem>> -> memref<64xi32, #tpu.memory_space<vmem>>
    %dma_start3A_83 = arith.constant 0 : i32
    %dma_start3A_84 = arith.constant 0 : i32
    %dma_start3A_85 = tpu.memref_slice %arg2[%add3A_62, %dma_start3A_83, %dma_start3A_84] : memref<4x10240x128xf32, #tpu.memory_space<hbm>> -> memref<1x10240x128xf32, #tpu.memory_space<hbm>>
    %dma_start3A_86 = tpu.memref_squeeze %dma_start3A_85 : memref<1x10240x128xf32, #tpu.memory_space<hbm>> -> memref<10240x128xf32, #tpu.memory_space<hbm>>
    %dma_start3A_87 = arith.constant 0 : i32
    %dma_start3A_88 = arith.constant 0 : i32
    %dma_start3A_89 = tpu.memref_slice %dma_start3A_86[%dma_start3A_87, %dma_start3A_88] : memref<10240x128xf32, #tpu.memory_space<hbm>> -> memref<10240x128xf32, #tpu.memory_space<hbm>>
    tpu.enqueue_indirect_dma source(%dma_start3A_89 : memref<10240x128xf32, #tpu.memory_space<hbm>>) target(%arg10 : memref<64x128xf32, #tpu.memory_space<vmem>>) offsets(%dma_start3A_82 : memref<64xi32, #tpu.memory_space<vmem>>) semaphore(%arg13 : memref<!tpu.dma_semaphore, #tpu.memory_space<semaphore_mem>>)
    %scan3A_90 = arith.constant 0 : i32
    %scan3A_91 = arith.constant 0 : i32
    %scan3A_92 = arith.constant 80 : i32
    %scan3A_93 = arith.addi %scan3A_91, %scan3A_92 : i32
    %scan3A_94 = arith.constant 1 : i32
    scf.for %scan3A_124 = %scan3A_91 to %scan3A_93 step %scan3A_94  : i32 {
      %dma_wait3A_125 = arith.constant 0 : i32
      %dma_wait3A_126 = tpu.memref_slice %arg7[%scan3A_124, %dma_wait3A_125] : memref<82x128xi32, #tpu.memory_space<vmem>> -> memref<1x64xi32, #tpu.memory_space<vmem>>
      %dma_wait3A_127 = tpu.memref_squeeze %dma_wait3A_126 : memref<1x64xi32, #tpu.memory_space<vmem>> -> memref<64xi32, #tpu.memory_space<vmem>>
      %dma_wait3A_128 = arith.constant 0 : i32
      %dma_wait3A_129 = arith.constant 0 : i32
      %dma_wait3A_130 = tpu.memref_slice %arg2[%add3A_62, %dma_wait3A_128, %dma_wait3A_129] : memref<4x10240x128xf32, #tpu.memory_space<hbm>> -> memref<1x10240x128xf32, #tpu.memory_space<hbm>>
      %dma_wait3A_131 = tpu.memref_squeeze %dma_wait3A_130 : memref<1x10240x128xf32, #tpu.memory_space<hbm>> -> memref<10240x128xf32, #tpu.memory_space<hbm>>
      %dma_wait3A_132 = arith.constant 0 : i32
      %dma_wait3A_133 = arith.constant 0 : i32
      %dma_wait3A_134 = tpu.memref_slice %dma_wait3A_131[%dma_wait3A_132, %dma_wait3A_133] : memref<10240x128xf32, #tpu.memory_space<hbm>> -> memref<10240x128xf32, #tpu.memory_space<hbm>>
      tpu.wait_indirect_dma semaphore(%arg12 : memref<!tpu.dma_semaphore, #tpu.memory_space<semaphore_mem>>) src(%dma_wait3A_134 : memref<10240x128xf32, #tpu.memory_space<hbm>>) dst(%arg9 : memref<64x128xf32, #tpu.memory_space<vmem>>)
      %mul3A_135 = arith.constant 2 : i32
      %mul3A_136 = arith.muli %scan3A_124, %mul3A_135 : i32
      %add3A_137 = arith.constant 0 : i32
      %add3A_138 = arith.addi %mul3A_136, %add3A_137 : i32
      "tpu.region"() ({
        %run_scoped3A = tpu.sem_alloc : memref<!tpu.dma_semaphore, #tpu.memory_space<semaphore_mem>>
        %dma_start3A_177 = arith.constant 0 : i32
        %dma_start3A_178 = tpu.memref_slice %arg8[%add3A_138, %dma_start3A_177] : memref<160x64xi32, #tpu.memory_space<vmem>> -> memref<1x64xi32, #tpu.memory_space<vmem>>
        %dma_start3A_179 = tpu.memref_squeeze %dma_start3A_178 : memref<1x64xi32, #tpu.memory_space<vmem>> -> memref<64xi32, #tpu.memory_space<vmem>>
        %dma_start3A_180 = arith.constant 0 : i32
        %dma_start3A_181 = arith.constant 0 : i32
        %dma_start3A_182 = tpu.memref_slice %arg11[%dma_start3A_180, %dma_start3A_181] : memref<10240x128xf32, #tpu.memory_space<vmem_shared>> -> memref<10240x128xf32, #tpu.memory_space<vmem_shared>>
        tpu.enqueue_indirect_dma source(%arg9 : memref<64x128xf32, #tpu.memory_space<vmem>>) target(%dma_start3A_182 : memref<10240x128xf32, #tpu.memory_space<vmem_shared>>) offsets(%dma_start3A_179 : memref<64xi32, #tpu.memory_space<vmem>>) semaphore(%run_scoped3A : memref<!tpu.dma_semaphore, #tpu.memory_space<semaphore_mem>>) {add = true}
        %dma_wait3A_183 = arith.constant 0 : i32
        %dma_wait3A_184 = tpu.memref_slice %arg8[%add3A_138, %dma_wait3A_183] : memref<160x64xi32, #tpu.memory_space<vmem>> -> memref<1x64xi32, #tpu.memory_space<vmem>>
        %dma_wait3A_185 = tpu.memref_squeeze %dma_wait3A_184 : memref<1x64xi32, #tpu.memory_space<vmem>> -> memref<64xi32, #tpu.memory_space<vmem>>
        %dma_wait3A_186 = arith.constant 0 : i32
        %dma_wait3A_187 = arith.constant 0 : i32
        %dma_wait3A_188 = tpu.memref_slice %arg11[%dma_wait3A_186, %dma_wait3A_187] : memref<10240x128xf32, #tpu.memory_space<vmem_shared>> -> memref<10240x128xf32, #tpu.memory_space<vmem_shared>>
        tpu.wait_indirect_dma semaphore(%run_scoped3A : memref<!tpu.dma_semaphore, #tpu.memory_space<semaphore_mem>>) src(%arg9 : memref<64x128xf32, #tpu.memory_space<vmem>>) dst(%dma_wait3A_188 : memref<10240x128xf32, #tpu.memory_space<vmem_shared>>)
        tpu.yield
      }) : () -> ()
      %add3A_139 = arith.constant 1 : i32
      %add3A_140 = arith.addi %scan3A_124, %add3A_139 : i32
      %dma_start3A_141 = arith.constant 0 : i32
      %dma_start3A_142 = tpu.memref_slice %arg7[%add3A_140, %dma_start3A_141] : memref<82x128xi32, #tpu.memory_space<vmem>> -> memref<1x64xi32, #tpu.memory_space<vmem>>
      %dma_start3A_143 = tpu.memref_squeeze %dma_start3A_142 : memref<1x64xi32, #tpu.memory_space<vmem>> -> memref<64xi32, #tpu.memory_space<vmem>>
      %dma_start3A_144 = arith.constant 0 : i32
      %dma_start3A_145 = arith.constant 0 : i32
      %dma_start3A_146 = tpu.memref_slice %arg2[%add3A_62, %dma_start3A_144, %dma_start3A_145] : memref<4x10240x128xf32, #tpu.memory_space<hbm>> -> memref<1x10240x128xf32, #tpu.memory_space<hbm>>
      %dma_start3A_147 = tpu.memref_squeeze %dma_start3A_146 : memref<1x10240x128xf32, #tpu.memory_space<hbm>> -> memref<10240x128xf32, #tpu.memory_space<hbm>>
      %dma_start3A_148 = arith.constant 0 : i32
      %dma_start3A_149 = arith.constant 0 : i32
      %dma_start3A_150 = tpu.memref_slice %dma_start3A_147[%dma_start3A_148, %dma_start3A_149] : memref<10240x128xf32, #tpu.memory_space<hbm>> -> memref<10240x128xf32, #tpu.memory_space<hbm>>
      tpu.enqueue_indirect_dma source(%dma_start3A_150 : memref<10240x128xf32, #tpu.memory_space<hbm>>) target(%arg9 : memref<64x128xf32, #tpu.memory_space<vmem>>) offsets(%dma_start3A_143 : memref<64xi32, #tpu.memory_space<vmem>>) semaphore(%arg12 : memref<!tpu.dma_semaphore, #tpu.memory_space<semaphore_mem>>)
      %dma_wait3A_151 = arith.constant 64 : i32
      %dma_wait3A_152 = tpu.memref_slice %arg7[%scan3A_124, %dma_wait3A_151] : memref<82x128xi32, #tpu.memory_space<vmem>> -> memref<1x64xi32, #tpu.memory_space<vmem>>
      %dma_wait3A_153 = tpu.memref_squeeze %dma_wait3A_152 : memref<1x64xi32, #tpu.memory_space<vmem>> -> memref<64xi32, #tpu.memory_space<vmem>>
      %dma_wait3A_154 = arith.constant 0 : i32
      %dma_wait3A_155 = arith.constant 0 : i32
      %dma_wait3A_156 = tpu.memref_slice %arg2[%add3A_62, %dma_wait3A_154, %dma_wait3A_155] : memref<4x10240x128xf32, #tpu.memory_space<hbm>> -> memref<1x10240x128xf32, #tpu.memory_space<hbm>>
      %dma_wait3A_157 = tpu.memref_squeeze %dma_wait3A_156 : memref<1x10240x128xf32, #tpu.memory_space<hbm>> -> memref<10240x128xf32, #tpu.memory_space<hbm>>
      %dma_wait3A_158 = arith.constant 0 : i32
      %dma_wait3A_159 = arith.constant 0 : i32
      %dma_wait3A_160 = tpu.memref_slice %dma_wait3A_157[%dma_wait3A_158, %dma_wait3A_159] : memref<10240x128xf32, #tpu.memory_space<hbm>> -> memref<10240x128xf32, #tpu.memory_space<hbm>>
      tpu.wait_indirect_dma semaphore(%arg13 : memref<!tpu.dma_semaphore, #tpu.memory_space<semaphore_mem>>) src(%dma_wait3A_160 : memref<10240x128xf32, #tpu.memory_space<hbm>>) dst(%arg10 : memref<64x128xf32, #tpu.memory_space<vmem>>)
      %mul3A_161 = arith.constant 2 : i32
      %mul3A_162 = arith.muli %scan3A_124, %mul3A_161 : i32
      %add3A_163 = arith.constant 1 : i32
      %add3A_164 = arith.addi %mul3A_162, %add3A_163 : i32
      "tpu.region"() ({
        %run_scoped3A = tpu.sem_alloc : memref<!tpu.dma_semaphore, #tpu.memory_space<semaphore_mem>>
        %dma_start3A_177 = arith.constant 0 : i32
        %dma_start3A_178 = tpu.memref_slice %arg8[%add3A_164, %dma_start3A_177] : memref<160x64xi32, #tpu.memory_space<vmem>> -> memref<1x64xi32, #tpu.memory_space<vmem>>
        %dma_start3A_179 = tpu.memref_squeeze %dma_start3A_178 : memref<1x64xi32, #tpu.memory_space<vmem>> -> memref<64xi32, #tpu.memory_space<vmem>>
        %dma_start3A_180 = arith.constant 0 : i32
        %dma_start3A_181 = arith.constant 0 : i32
        %dma_start3A_182 = tpu.memref_slice %arg11[%dma_start3A_180, %dma_start3A_181] : memref<10240x128xf32, #tpu.memory_space<vmem_shared>> -> memref<10240x128xf32, #tpu.memory_space<vmem_shared>>
        tpu.enqueue_indirect_dma source(%arg10 : memref<64x128xf32, #tpu.memory_space<vmem>>) target(%dma_start3A_182 : memref<10240x128xf32, #tpu.memory_space<vmem_shared>>) offsets(%dma_start3A_179 : memref<64xi32, #tpu.memory_space<vmem>>) semaphore(%run_scoped3A : memref<!tpu.dma_semaphore, #tpu.memory_space<semaphore_mem>>) {add = true}
        %dma_wait3A_183 = arith.constant 0 : i32
        %dma_wait3A_184 = tpu.memref_slice %arg8[%add3A_164, %dma_wait3A_183] : memref<160x64xi32, #tpu.memory_space<vmem>> -> memref<1x64xi32, #tpu.memory_space<vmem>>
        %dma_wait3A_185 = tpu.memref_squeeze %dma_wait3A_184 : memref<1x64xi32, #tpu.memory_space<vmem>> -> memref<64xi32, #tpu.memory_space<vmem>>
        %dma_wait3A_186 = arith.constant 0 : i32
        %dma_wait3A_187 = arith.constant 0 : i32
        %dma_wait3A_188 = tpu.memref_slice %arg11[%dma_wait3A_186, %dma_wait3A_187] : memref<10240x128xf32, #tpu.memory_space<vmem_shared>> -> memref<10240x128xf32, #tpu.memory_space<vmem_shared>>
        tpu.wait_indirect_dma semaphore(%run_scoped3A : memref<!tpu.dma_semaphore, #tpu.memory_space<semaphore_mem>>) src(%arg10 : memref<64x128xf32, #tpu.memory_space<vmem>>) dst(%dma_wait3A_188 : memref<10240x128xf32, #tpu.memory_space<vmem_shared>>)
        tpu.yield
      }) : () -> ()
      %add3A_165 = arith.constant 1 : i32
      %add3A_166 = arith.addi %scan3A_124, %add3A_165 : i32
      %dma_start3A_167 = arith.constant 64 : i32
      %dma_start3A_168 = tpu.memref_slice %arg7[%add3A_166, %dma_start3A_167] : memref<82x128xi32, #tpu.memory_space<vmem>> -> memref<1x64xi32, #tpu.memory_space<vmem>>
      %dma_start3A_169 = tpu.memref_squeeze %dma_start3A_168 : memref<1x64xi32, #tpu.memory_space<vmem>> -> memref<64xi32, #tpu.memory_space<vmem>>
      %dma_start3A_170 = arith.constant 0 : i32
      %dma_start3A_171 = arith.constant 0 : i32
      %dma_start3A_172 = tpu.memref_slice %arg2[%add3A_62, %dma_start3A_170, %dma_start3A_171] : memref<4x10240x128xf32, #tpu.memory_space<hbm>> -> memref<1x10240x128xf32, #tpu.memory_space<hbm>>
      %dma_start3A_173 = tpu.memref_squeeze %dma_start3A_172 : memref<1x10240x128xf32, #tpu.memory_space<hbm>> -> memref<10240x128xf32, #tpu.memory_space<hbm>>
      %dma_start3A_174 = arith.constant 0 : i32
      %dma_start3A_175 = arith.constant 0 : i32
      %dma_start3A_176 = tpu.memref_slice %dma_start3A_173[%dma_start3A_174, %dma_start3A_175] : memref<10240x128xf32, #tpu.memory_space<hbm>> -> memref<10240x128xf32, #tpu.memory_space<hbm>>
      tpu.enqueue_indirect_dma source(%dma_start3A_176 : memref<10240x128xf32, #tpu.memory_space<hbm>>) target(%arg10 : memref<64x128xf32, #tpu.memory_space<vmem>>) offsets(%dma_start3A_169 : memref<64xi32, #tpu.memory_space<vmem>>) semaphore(%arg13 : memref<!tpu.dma_semaphore, #tpu.memory_space<semaphore_mem>>)
    }
    %scan3A_95 = arith.constant 80 : i32
    %dma_wait3A_96 = arith.constant 0 : i32
    %dma_wait3A_97 = arith.constant 0 : i32
    %dma_wait3A_98 = tpu.memref_slice %arg7[%dma_wait3A_96, %dma_wait3A_97] : memref<82x128xi32, #tpu.memory_space<vmem>> -> memref<1x64xi32, #tpu.memory_space<vmem>>
    %dma_wait3A_99 = tpu.memref_squeeze %dma_wait3A_98 : memref<1x64xi32, #tpu.memory_space<vmem>> -> memref<64xi32, #tpu.memory_space<vmem>>
    %dma_wait3A_100 = arith.constant 0 : i32
    %dma_wait3A_101 = arith.constant 0 : i32
    %dma_wait3A_102 = tpu.memref_slice %arg2[%add3A_62, %dma_wait3A_100, %dma_wait3A_101] : memref<4x10240x128xf32, #tpu.memory_space<hbm>> -> memref<1x10240x128xf32, #tpu.memory_space<hbm>>
    %dma_wait3A_103 = tpu.memref_squeeze %dma_wait3A_102 : memref<1x10240x128xf32, #tpu.memory_space<hbm>> -> memref<10240x128xf32, #tpu.memory_space<hbm>>
    %dma_wait3A_104 = arith.constant 0 : i32
    %dma_wait3A_105 = arith.constant 0 : i32
    %dma_wait3A_106 = tpu.memref_slice %dma_wait3A_103[%dma_wait3A_104, %dma_wait3A_105] : memref<10240x128xf32, #tpu.memory_space<hbm>> -> memref<10240x128xf32, #tpu.memory_space<hbm>>
    tpu.wait_indirect_dma semaphore(%arg12 : memref<!tpu.dma_semaphore, #tpu.memory_space<semaphore_mem>>) src(%dma_wait3A_106 : memref<10240x128xf32, #tpu.memory_space<hbm>>) dst(%arg9 : memref<64x128xf32, #tpu.memory_space<vmem>>)
    %dma_wait3A_107 = arith.constant 0 : i32
    %dma_wait3A_108 = arith.constant 64 : i32
    %dma_wait3A_109 = tpu.memref_slice %arg7[%dma_wait3A_107, %dma_wait3A_108] : memref<82x128xi32, #tpu.memory_space<vmem>> -> memref<1x64xi32, #tpu.memory_space<vmem>>
    %dma_wait3A_110 = tpu.memref_squeeze %dma_wait3A_109 : memref<1x64xi32, #tpu.memory_space<vmem>> -> memref<64xi32, #tpu.memory_space<vmem>>
    %dma_wait3A_111 = arith.constant 0 : i32
    %dma_wait3A_112 = arith.constant 0 : i32
    %dma_wait3A_113 = tpu.memref_slice %arg2[%add3A_62, %dma_wait3A_111, %dma_wait3A_112] : memref<4x10240x128xf32, #tpu.memory_space<hbm>> -> memref<1x10240x128xf32, #tpu.memory_space<hbm>>
    %dma_wait3A_114 = tpu.memref_squeeze %dma_wait3A_113 : memref<1x10240x128xf32, #tpu.memory_space<hbm>> -> memref<10240x128xf32, #tpu.memory_space<hbm>>
    %dma_wait3A_115 = arith.constant 0 : i32
    %dma_wait3A_116 = arith.constant 0 : i32
    %dma_wait3A_117 = tpu.memref_slice %dma_wait3A_114[%dma_wait3A_115, %dma_wait3A_116] : memref<10240x128xf32, #tpu.memory_space<hbm>> -> memref<10240x128xf32, #tpu.memory_space<hbm>>
    tpu.wait_indirect_dma semaphore(%arg13 : memref<!tpu.dma_semaphore, #tpu.memory_space<semaphore_mem>>) src(%dma_wait3A_117 : memref<10240x128xf32, #tpu.memory_space<hbm>>) dst(%arg10 : memref<64x128xf32, #tpu.memory_space<vmem>>)
    %barrier3A_118 = arith.constant 0 : index
    tpu.barrier barrier_id(%barrier3A_118)
    %mul3A_119 = arith.constant 640 : i32
    %mul3A_120 = arith.muli %arg1, %mul3A_119 : i32
    %mul3A_121 = arith.constant 640 : i32
    %mul3A_122 = arith.muli %arg1, %mul3A_121 : i32
    "tpu.region"() ({
      %run_scoped3A = tpu.sem_alloc : memref<!tpu.dma_semaphore, #tpu.memory_space<semaphore_mem>>
      %dma_start3A_124 = arith.constant 0 : i32
      %dma_start3A_125 = tpu.memref_slice %arg6[%add3A_62, %mul3A_122, %dma_start3A_124] : memref<4x10240x128xf32, #tpu.memory_space<hbm>> -> memref<1x640x128xf32, #tpu.memory_space<hbm>>
      %dma_start3A_126 = tpu.memref_squeeze %dma_start3A_125 : memref<1x640x128xf32, #tpu.memory_space<hbm>> -> memref<640x128xf32, #tpu.memory_space<hbm>>
      %dma_start3A_127 = arith.constant 0 : i32
      %dma_start3A_128 = tpu.memref_slice %arg11[%mul3A_120, %dma_start3A_127] : memref<10240x128xf32, #tpu.memory_space<vmem_shared>> -> memref<640x128xf32, #tpu.memory_space<vmem_shared>>
      tpu.enqueue_dma source(%dma_start3A_128 : memref<640x128xf32, #tpu.memory_space<vmem_shared>>) target(%dma_start3A_126 : memref<640x128xf32, #tpu.memory_space<hbm>>) target_semaphore(%run_scoped3A : memref<!tpu.dma_semaphore, #tpu.memory_space<semaphore_mem>>)
      %dma_wait3A_129 = arith.constant 0 : i32
      %dma_wait3A_130 = tpu.memref_slice %arg6[%add3A_62, %mul3A_122, %dma_wait3A_129] : memref<4x10240x128xf32, #tpu.memory_space<hbm>> -> memref<1x640x128xf32, #tpu.memory_space<hbm>>
      %dma_wait3A_131 = tpu.memref_squeeze %dma_wait3A_130 : memref<1x640x128xf32, #tpu.memory_space<hbm>> -> memref<640x128xf32, #tpu.memory_space<hbm>>
      %dma_wait3A_132 = arith.constant 0 : i32
      %dma_wait3A_133 = tpu.memref_slice %arg11[%mul3A_120, %dma_wait3A_132] : memref<10240x128xf32, #tpu.memory_space<vmem_shared>> -> memref<640x128xf32, #tpu.memory_space<vmem_shared>>
      tpu.wait_dma2 semaphore(%run_scoped3A : memref<!tpu.dma_semaphore, #tpu.memory_space<semaphore_mem>>) src(%dma_wait3A_133 : memref<640x128xf32, #tpu.memory_space<vmem_shared>>) dst(%dma_wait3A_131 : memref<640x128xf32, #tpu.memory_space<hbm>>)
      tpu.yield
    }) : () -> ()
    %barrier3A_123 = arith.constant 0 : index
    tpu.barrier barrier_id(%barrier3A_123)
    return
  }
}

#map = affine_map<(d0, d1) -> (0, 0, 0)>
#map1 = affine_map<(d0, d1) -> (0, 0)>
module attributes {stable_mosaic.version = 14 : i64} {
  func.func @_seg_body(%arg0: i32, %arg1: i32, %arg2: memref<4x10240x128xf32, #tpu.memory_space<hbm>>, %arg3: memref<16x82x128xi32, #tpu.memory_space<hbm>>, %arg4: memref<16x160x64xi32, #tpu.memory_space<hbm>>, %arg5: memref<10240x128xf32, #tpu.memory_space<hbm>>, %arg6: memref<4x10240x128xf32, #tpu.memory_space<hbm>>, %arg7: memref<82x128xi32, #tpu.memory_space<vmem>>, %arg8: memref<160x64xi32, #tpu.memory_space<vmem>>, %arg9: memref<64x128xf32, #tpu.memory_space<vmem>>, %arg10: memref<64x128xf32, #tpu.memory_space<vmem>>, %arg11: memref<10240x128xf32, #tpu.memory_space<vmem_shared>>, %arg12: memref<!tpu.dma_semaphore, #tpu.memory_space<semaphore_mem>>, %arg13: memref<!tpu.dma_semaphore, #tpu.memory_space<semaphore_mem>>) attributes {dimension_semantics = [#tpu.dimension_semantics<core_parallel>, #tpu.dimension_semantics<subcore_parallel>], iteration_bounds = array<i64: 2, 16>, scalar_prefetch = 0 : i64, scratch_operands = 7 : i64, tpu.core_type = #tpu.core_type<sc_vector_subcore>, window_params = [{transform_indices = #map}, {transform_indices = #map}, {transform_indices = #map}, {transform_indices = #map1}, {transform_indices = #map}]} {
    "tpu.region"() ({
      %run_scoped3A = tpu.sem_alloc : memref<!tpu.dma_semaphore, #tpu.memory_space<semaphore_mem>>
      %dma_start3A_124 = arith.constant 0 : i32
      %dma_start3A_125 = arith.constant 0 : i32
      %dma_start3A_126 = tpu.memref_slice %arg3[%arg1, %dma_start3A_124, %dma_start3A_125] : memref<16x82x128xi32, #tpu.memory_space<hbm>> -> memref<1x82x128xi32, #tpu.memory_space<hbm>>
      %dma_start3A_127 = tpu.memref_squeeze %dma_start3A_126 : memref<1x82x128xi32, #tpu.memory_space<hbm>> -> memref<82x128xi32, #tpu.memory_space<hbm>>
      %dma_start3A_128 = arith.constant 0 : i32
      %dma_start3A_129 = arith.constant 0 : i32
      %dma_start3A_130 = tpu.memref_slice %arg3[%arg1, %dma_start3A_128, %dma_start3A_129] : memref<16x82x128xi32, #tpu.memory_space<hbm>> -> memref<1x82x128xi32, #tpu.memory_space<hbm>>
      %dma_start3A_131 = tpu.memref_squeeze %dma_start3A_130 : memref<1x82x128xi32, #tpu.memory_space<hbm>> -> memref<82x128xi32, #tpu.memory_space<hbm>>
      tpu.enqueue_dma source(%dma_start3A_131 : memref<82x128xi32, #tpu.memory_space<hbm>>) target(%arg7 : memref<82x128xi32, #tpu.memory_space<vmem>>) target_semaphore(%run_scoped3A : memref<!tpu.dma_semaphore, #tpu.memory_space<semaphore_mem>>)
      %dma_wait3A_132 = arith.constant 0 : i32
      %dma_wait3A_133 = arith.constant 0 : i32
      %dma_wait3A_134 = tpu.memref_slice %arg3[%arg1, %dma_wait3A_132, %dma_wait3A_133] : memref<16x82x128xi32, #tpu.memory_space<hbm>> -> memref<1x82x128xi32, #tpu.memory_space<hbm>>
      %dma_wait3A_135 = tpu.memref_squeeze %dma_wait3A_134 : memref<1x82x128xi32, #tpu.memory_space<hbm>> -> memref<82x128xi32, #tpu.memory_space<hbm>>
      %dma_wait3A_136 = arith.constant 0 : i32
      %dma_wait3A_137 = arith.constant 0 : i32
      %dma_wait3A_138 = tpu.memref_slice %arg3[%arg1, %dma_wait3A_136, %dma_wait3A_137] : memref<16x82x128xi32, #tpu.memory_space<hbm>> -> memref<1x82x128xi32, #tpu.memory_space<hbm>>
      %dma_wait3A_139 = tpu.memref_squeeze %dma_wait3A_138 : memref<1x82x128xi32, #tpu.memory_space<hbm>> -> memref<82x128xi32, #tpu.memory_space<hbm>>
      tpu.wait_dma2 semaphore(%run_scoped3A : memref<!tpu.dma_semaphore, #tpu.memory_space<semaphore_mem>>) src(%dma_wait3A_139 : memref<82x128xi32, #tpu.memory_space<hbm>>) dst(%arg7 : memref<82x128xi32, #tpu.memory_space<vmem>>)
      tpu.yield
    }) : () -> ()
    "tpu.region"() ({
      %run_scoped3A = tpu.sem_alloc : memref<!tpu.dma_semaphore, #tpu.memory_space<semaphore_mem>>
      %dma_start3A_124 = arith.constant 0 : i32
      %dma_start3A_125 = arith.constant 0 : i32
      %dma_start3A_126 = tpu.memref_slice %arg4[%arg1, %dma_start3A_124, %dma_start3A_125] : memref<16x160x64xi32, #tpu.memory_space<hbm>> -> memref<1x160x64xi32, #tpu.memory_space<hbm>>
      %dma_start3A_127 = tpu.memref_squeeze %dma_start3A_126 : memref<1x160x64xi32, #tpu.memory_space<hbm>> -> memref<160x64xi32, #tpu.memory_space<hbm>>
      %dma_start3A_128 = arith.constant 0 : i32
      %dma_start3A_129 = arith.constant 0 : i32
      %dma_start3A_130 = tpu.memref_slice %arg4[%arg1, %dma_start3A_128, %dma_start3A_129] : memref<16x160x64xi32, #tpu.memory_space<hbm>> -> memref<1x160x64xi32, #tpu.memory_space<hbm>>
      %dma_start3A_131 = tpu.memref_squeeze %dma_start3A_130 : memref<1x160x64xi32, #tpu.memory_space<hbm>> -> memref<160x64xi32, #tpu.memory_space<hbm>>
      tpu.enqueue_dma source(%dma_start3A_131 : memref<160x64xi32, #tpu.memory_space<hbm>>) target(%arg8 : memref<160x64xi32, #tpu.memory_space<vmem>>) target_semaphore(%run_scoped3A : memref<!tpu.dma_semaphore, #tpu.memory_space<semaphore_mem>>)
      %dma_wait3A_132 = arith.constant 0 : i32
      %dma_wait3A_133 = arith.constant 0 : i32
      %dma_wait3A_134 = tpu.memref_slice %arg4[%arg1, %dma_wait3A_132, %dma_wait3A_133] : memref<16x160x64xi32, #tpu.memory_space<hbm>> -> memref<1x160x64xi32, #tpu.memory_space<hbm>>
      %dma_wait3A_135 = tpu.memref_squeeze %dma_wait3A_134 : memref<1x160x64xi32, #tpu.memory_space<hbm>> -> memref<160x64xi32, #tpu.memory_space<hbm>>
      %dma_wait3A_136 = arith.constant 0 : i32
      %dma_wait3A_137 = arith.constant 0 : i32
      %dma_wait3A_138 = tpu.memref_slice %arg4[%arg1, %dma_wait3A_136, %dma_wait3A_137] : memref<16x160x64xi32, #tpu.memory_space<hbm>> -> memref<1x160x64xi32, #tpu.memory_space<hbm>>
      %dma_wait3A_139 = tpu.memref_squeeze %dma_wait3A_138 : memref<1x160x64xi32, #tpu.memory_space<hbm>> -> memref<160x64xi32, #tpu.memory_space<hbm>>
      tpu.wait_dma2 semaphore(%run_scoped3A : memref<!tpu.dma_semaphore, #tpu.memory_space<semaphore_mem>>) src(%dma_wait3A_139 : memref<160x64xi32, #tpu.memory_space<hbm>>) dst(%arg8 : memref<160x64xi32, #tpu.memory_space<vmem>>)
      tpu.yield
    }) : () -> ()
    %mul3A = arith.constant 2 : i32
    %mul3A_0 = arith.muli %arg0, %mul3A : i32
    %add3A = arith.constant 0 : i32
    %add3A_1 = arith.addi %mul3A_0, %add3A : i32
    %mul3A_2 = arith.constant 640 : i32
    %mul3A_3 = arith.muli %arg1, %mul3A_2 : i32
    %mul3A_4 = arith.constant 640 : i32
    %mul3A_5 = arith.muli %arg1, %mul3A_4 : i32
    "tpu.region"() ({
      %run_scoped3A = tpu.sem_alloc : memref<!tpu.dma_semaphore, #tpu.memory_space<semaphore_mem>>
      %dma_start3A_124 = arith.constant 0 : i32
      %dma_start3A_125 = tpu.memref_slice %arg11[%mul3A_5, %dma_start3A_124] : memref<10240x128xf32, #tpu.memory_space<vmem_shared>> -> memref<640x128xf32, #tpu.memory_space<vmem_shared>>
      %dma_start3A_126 = arith.constant 0 : i32
      %dma_start3A_127 = tpu.memref_slice %arg5[%mul3A_3, %dma_start3A_126] : memref<10240x128xf32, #tpu.memory_space<hbm>> -> memref<640x128xf32, #tpu.memory_space<hbm>>
      tpu.enqueue_dma source(%dma_start3A_127 : memref<640x128xf32, #tpu.memory_space<hbm>>) target(%dma_start3A_125 : memref<640x128xf32, #tpu.memory_space<vmem_shared>>) target_semaphore(%run_scoped3A : memref<!tpu.dma_semaphore, #tpu.memory_space<semaphore_mem>>)
      %dma_wait3A_128 = arith.constant 0 : i32
      %dma_wait3A_129 = tpu.memref_slice %arg11[%mul3A_5, %dma_wait3A_128] : memref<10240x128xf32, #tpu.memory_space<vmem_shared>> -> memref<640x128xf32, #tpu.memory_space<vmem_shared>>
      %dma_wait3A_130 = arith.constant 0 : i32
      %dma_wait3A_131 = tpu.memref_slice %arg5[%mul3A_3, %dma_wait3A_130] : memref<10240x128xf32, #tpu.memory_space<hbm>> -> memref<640x128xf32, #tpu.memory_space<hbm>>
      tpu.wait_dma2 semaphore(%run_scoped3A : memref<!tpu.dma_semaphore, #tpu.memory_space<semaphore_mem>>) src(%dma_wait3A_131 : memref<640x128xf32, #tpu.memory_space<hbm>>) dst(%dma_wait3A_129 : memref<640x128xf32, #tpu.memory_space<vmem_shared>>)
      tpu.yield
    }) : () -> ()
    %barrier3A = arith.constant 0 : index
    tpu.barrier barrier_id(%barrier3A)
    %dma_start3A = arith.constant 0 : i32
    %dma_start3A_6 = arith.constant 0 : i32
    %dma_start3A_7 = tpu.memref_slice %arg7[%dma_start3A, %dma_start3A_6] : memref<82x128xi32, #tpu.memory_space<vmem>> -> memref<1x64xi32, #tpu.memory_space<vmem>>
    %dma_start3A_8 = tpu.memref_squeeze %dma_start3A_7 : memref<1x64xi32, #tpu.memory_space<vmem>> -> memref<64xi32, #tpu.memory_space<vmem>>
    %dma_start3A_9 = arith.constant 0 : i32
    %dma_start3A_10 = arith.constant 0 : i32
    %dma_start3A_11 = tpu.memref_slice %arg2[%add3A_1, %dma_start3A_9, %dma_start3A_10] : memref<4x10240x128xf32, #tpu.memory_space<hbm>> -> memref<1x10240x128xf32, #tpu.memory_space<hbm>>
    %dma_start3A_12 = tpu.memref_squeeze %dma_start3A_11 : memref<1x10240x128xf32, #tpu.memory_space<hbm>> -> memref<10240x128xf32, #tpu.memory_space<hbm>>
    %dma_start3A_13 = arith.constant 0 : i32
    %dma_start3A_14 = arith.constant 0 : i32
    %dma_start3A_15 = tpu.memref_slice %dma_start3A_12[%dma_start3A_13, %dma_start3A_14] : memref<10240x128xf32, #tpu.memory_space<hbm>> -> memref<10240x128xf32, #tpu.memory_space<hbm>>
    tpu.enqueue_indirect_dma source(%dma_start3A_15 : memref<10240x128xf32, #tpu.memory_space<hbm>>) target(%arg9 : memref<64x128xf32, #tpu.memory_space<vmem>>) offsets(%dma_start3A_8 : memref<64xi32, #tpu.memory_space<vmem>>) semaphore(%arg12 : memref<!tpu.dma_semaphore, #tpu.memory_space<semaphore_mem>>)
    %dma_start3A_16 = arith.constant 0 : i32
    %dma_start3A_17 = arith.constant 64 : i32
    %dma_start3A_18 = tpu.memref_slice %arg7[%dma_start3A_16, %dma_start3A_17] : memref<82x128xi32, #tpu.memory_space<vmem>> -> memref<1x64xi32, #tpu.memory_space<vmem>>
    %dma_start3A_19 = tpu.memref_squeeze %dma_start3A_18 : memref<1x64xi32, #tpu.memory_space<vmem>> -> memref<64xi32, #tpu.memory_space<vmem>>
    %dma_start3A_20 = arith.constant 0 : i32
    %dma_start3A_21 = arith.constant 0 : i32
    %dma_start3A_22 = tpu.memref_slice %arg2[%add3A_1, %dma_start3A_20, %dma_start3A_21] : memref<4x10240x128xf32, #tpu.memory_space<hbm>> -> memref<1x10240x128xf32, #tpu.memory_space<hbm>>
    %dma_start3A_23 = tpu.memref_squeeze %dma_start3A_22 : memref<1x10240x128xf32, #tpu.memory_space<hbm>> -> memref<10240x128xf32, #tpu.memory_space<hbm>>
    %dma_start3A_24 = arith.constant 0 : i32
    %dma_start3A_25 = arith.constant 0 : i32
    %dma_start3A_26 = tpu.memref_slice %dma_start3A_23[%dma_start3A_24, %dma_start3A_25] : memref<10240x128xf32, #tpu.memory_space<hbm>> -> memref<10240x128xf32, #tpu.memory_space<hbm>>
    tpu.enqueue_indirect_dma source(%dma_start3A_26 : memref<10240x128xf32, #tpu.memory_space<hbm>>) target(%arg10 : memref<64x128xf32, #tpu.memory_space<vmem>>) offsets(%dma_start3A_19 : memref<64xi32, #tpu.memory_space<vmem>>) semaphore(%arg13 : memref<!tpu.dma_semaphore, #tpu.memory_space<semaphore_mem>>)
    %scan3A = arith.constant 0 : i32
    %scan3A_27 = arith.constant 0 : i32
    %scan3A_28 = arith.constant 80 : i32
    %scan3A_29 = arith.addi %scan3A_27, %scan3A_28 : i32
    %scan3A_30 = arith.constant 1 : i32
    scf.for %scan3A_124 = %scan3A_27 to %scan3A_29 step %scan3A_30  : i32 {
      %dma_wait3A_125 = arith.constant 0 : i32
      %dma_wait3A_126 = tpu.memref_slice %arg7[%scan3A_124, %dma_wait3A_125] : memref<82x128xi32, #tpu.memory_space<vmem>> -> memref<1x64xi32, #tpu.memory_space<vmem>>
      %dma_wait3A_127 = tpu.memref_squeeze %dma_wait3A_126 : memref<1x64xi32, #tpu.memory_space<vmem>> -> memref<64xi32, #tpu.memory_space<vmem>>
      %dma_wait3A_128 = arith.constant 0 : i32
      %dma_wait3A_129 = arith.constant 0 : i32
      %dma_wait3A_130 = tpu.memref_slice %arg2[%add3A_1, %dma_wait3A_128, %dma_wait3A_129] : memref<4x10240x128xf32, #tpu.memory_space<hbm>> -> memref<1x10240x128xf32, #tpu.memory_space<hbm>>
      %dma_wait3A_131 = tpu.memref_squeeze %dma_wait3A_130 : memref<1x10240x128xf32, #tpu.memory_space<hbm>> -> memref<10240x128xf32, #tpu.memory_space<hbm>>
      %dma_wait3A_132 = arith.constant 0 : i32
      %dma_wait3A_133 = arith.constant 0 : i32
      %dma_wait3A_134 = tpu.memref_slice %dma_wait3A_131[%dma_wait3A_132, %dma_wait3A_133] : memref<10240x128xf32, #tpu.memory_space<hbm>> -> memref<10240x128xf32, #tpu.memory_space<hbm>>
      tpu.wait_indirect_dma semaphore(%arg12 : memref<!tpu.dma_semaphore, #tpu.memory_space<semaphore_mem>>) src(%dma_wait3A_134 : memref<10240x128xf32, #tpu.memory_space<hbm>>) dst(%arg9 : memref<64x128xf32, #tpu.memory_space<vmem>>)
      %mul3A_135 = arith.constant 2 : i32
      %mul3A_136 = arith.muli %scan3A_124, %mul3A_135 : i32
      %add3A_137 = arith.constant 0 : i32
      %add3A_138 = arith.addi %mul3A_136, %add3A_137 : i32
      "tpu.region"() ({
        %run_scoped3A = tpu.sem_alloc : memref<!tpu.dma_semaphore, #tpu.memory_space<semaphore_mem>>
        %dma_start3A_177 = arith.constant 0 : i32
        %dma_start3A_178 = tpu.memref_slice %arg8[%add3A_138, %dma_start3A_177] : memref<160x64xi32, #tpu.memory_space<vmem>> -> memref<1x64xi32, #tpu.memory_space<vmem>>
        %dma_start3A_179 = tpu.memref_squeeze %dma_start3A_178 : memref<1x64xi32, #tpu.memory_space<vmem>> -> memref<64xi32, #tpu.memory_space<vmem>>
        %dma_start3A_180 = arith.constant 0 : i32
        %dma_start3A_181 = arith.constant 0 : i32
        %dma_start3A_182 = tpu.memref_slice %arg11[%dma_start3A_180, %dma_start3A_181] : memref<10240x128xf32, #tpu.memory_space<vmem_shared>> -> memref<10240x128xf32, #tpu.memory_space<vmem_shared>>
        tpu.enqueue_indirect_dma source(%arg9 : memref<64x128xf32, #tpu.memory_space<vmem>>) target(%dma_start3A_182 : memref<10240x128xf32, #tpu.memory_space<vmem_shared>>) offsets(%dma_start3A_179 : memref<64xi32, #tpu.memory_space<vmem>>) semaphore(%run_scoped3A : memref<!tpu.dma_semaphore, #tpu.memory_space<semaphore_mem>>) {add = true}
        %dma_wait3A_183 = arith.constant 0 : i32
        %dma_wait3A_184 = tpu.memref_slice %arg8[%add3A_138, %dma_wait3A_183] : memref<160x64xi32, #tpu.memory_space<vmem>> -> memref<1x64xi32, #tpu.memory_space<vmem>>
        %dma_wait3A_185 = tpu.memref_squeeze %dma_wait3A_184 : memref<1x64xi32, #tpu.memory_space<vmem>> -> memref<64xi32, #tpu.memory_space<vmem>>
        %dma_wait3A_186 = arith.constant 0 : i32
        %dma_wait3A_187 = arith.constant 0 : i32
        %dma_wait3A_188 = tpu.memref_slice %arg11[%dma_wait3A_186, %dma_wait3A_187] : memref<10240x128xf32, #tpu.memory_space<vmem_shared>> -> memref<10240x128xf32, #tpu.memory_space<vmem_shared>>
        tpu.wait_indirect_dma semaphore(%run_scoped3A : memref<!tpu.dma_semaphore, #tpu.memory_space<semaphore_mem>>) src(%arg9 : memref<64x128xf32, #tpu.memory_space<vmem>>) dst(%dma_wait3A_188 : memref<10240x128xf32, #tpu.memory_space<vmem_shared>>)
        tpu.yield
      }) : () -> ()
      %add3A_139 = arith.constant 1 : i32
      %add3A_140 = arith.addi %scan3A_124, %add3A_139 : i32
      %dma_start3A_141 = arith.constant 0 : i32
      %dma_start3A_142 = tpu.memref_slice %arg7[%add3A_140, %dma_start3A_141] : memref<82x128xi32, #tpu.memory_space<vmem>> -> memref<1x64xi32, #tpu.memory_space<vmem>>
      %dma_start3A_143 = tpu.memref_squeeze %dma_start3A_142 : memref<1x64xi32, #tpu.memory_space<vmem>> -> memref<64xi32, #tpu.memory_space<vmem>>
      %dma_start3A_144 = arith.constant 0 : i32
      %dma_start3A_145 = arith.constant 0 : i32
      %dma_start3A_146 = tpu.memref_slice %arg2[%add3A_1, %dma_start3A_144, %dma_start3A_145] : memref<4x10240x128xf32, #tpu.memory_space<hbm>> -> memref<1x10240x128xf32, #tpu.memory_space<hbm>>
      %dma_start3A_147 = tpu.memref_squeeze %dma_start3A_146 : memref<1x10240x128xf32, #tpu.memory_space<hbm>> -> memref<10240x128xf32, #tpu.memory_space<hbm>>
      %dma_start3A_148 = arith.constant 0 : i32
      %dma_start3A_149 = arith.constant 0 : i32
      %dma_start3A_150 = tpu.memref_slice %dma_start3A_147[%dma_start3A_148, %dma_start3A_149] : memref<10240x128xf32, #tpu.memory_space<hbm>> -> memref<10240x128xf32, #tpu.memory_space<hbm>>
      tpu.enqueue_indirect_dma source(%dma_start3A_150 : memref<10240x128xf32, #tpu.memory_space<hbm>>) target(%arg9 : memref<64x128xf32, #tpu.memory_space<vmem>>) offsets(%dma_start3A_143 : memref<64xi32, #tpu.memory_space<vmem>>) semaphore(%arg12 : memref<!tpu.dma_semaphore, #tpu.memory_space<semaphore_mem>>)
      %dma_wait3A_151 = arith.constant 64 : i32
      %dma_wait3A_152 = tpu.memref_slice %arg7[%scan3A_124, %dma_wait3A_151] : memref<82x128xi32, #tpu.memory_space<vmem>> -> memref<1x64xi32, #tpu.memory_space<vmem>>
      %dma_wait3A_153 = tpu.memref_squeeze %dma_wait3A_152 : memref<1x64xi32, #tpu.memory_space<vmem>> -> memref<64xi32, #tpu.memory_space<vmem>>
      %dma_wait3A_154 = arith.constant 0 : i32
      %dma_wait3A_155 = arith.constant 0 : i32
      %dma_wait3A_156 = tpu.memref_slice %arg2[%add3A_1, %dma_wait3A_154, %dma_wait3A_155] : memref<4x10240x128xf32, #tpu.memory_space<hbm>> -> memref<1x10240x128xf32, #tpu.memory_space<hbm>>
      %dma_wait3A_157 = tpu.memref_squeeze %dma_wait3A_156 : memref<1x10240x128xf32, #tpu.memory_space<hbm>> -> memref<10240x128xf32, #tpu.memory_space<hbm>>
      %dma_wait3A_158 = arith.constant 0 : i32
      %dma_wait3A_159 = arith.constant 0 : i32
      %dma_wait3A_160 = tpu.memref_slice %dma_wait3A_157[%dma_wait3A_158, %dma_wait3A_159] : memref<10240x128xf32, #tpu.memory_space<hbm>> -> memref<10240x128xf32, #tpu.memory_space<hbm>>
      tpu.wait_indirect_dma semaphore(%arg13 : memref<!tpu.dma_semaphore, #tpu.memory_space<semaphore_mem>>) src(%dma_wait3A_160 : memref<10240x128xf32, #tpu.memory_space<hbm>>) dst(%arg10 : memref<64x128xf32, #tpu.memory_space<vmem>>)
      %mul3A_161 = arith.constant 2 : i32
      %mul3A_162 = arith.muli %scan3A_124, %mul3A_161 : i32
      %add3A_163 = arith.constant 1 : i32
      %add3A_164 = arith.addi %mul3A_162, %add3A_163 : i32
      "tpu.region"() ({
        %run_scoped3A = tpu.sem_alloc : memref<!tpu.dma_semaphore, #tpu.memory_space<semaphore_mem>>
        %dma_start3A_177 = arith.constant 0 : i32
        %dma_start3A_178 = tpu.memref_slice %arg8[%add3A_164, %dma_start3A_177] : memref<160x64xi32, #tpu.memory_space<vmem>> -> memref<1x64xi32, #tpu.memory_space<vmem>>
        %dma_start3A_179 = tpu.memref_squeeze %dma_start3A_178 : memref<1x64xi32, #tpu.memory_space<vmem>> -> memref<64xi32, #tpu.memory_space<vmem>>
        %dma_start3A_180 = arith.constant 0 : i32
        %dma_start3A_181 = arith.constant 0 : i32
        %dma_start3A_182 = tpu.memref_slice %arg11[%dma_start3A_180, %dma_start3A_181] : memref<10240x128xf32, #tpu.memory_space<vmem_shared>> -> memref<10240x128xf32, #tpu.memory_space<vmem_shared>>
        tpu.enqueue_indirect_dma source(%arg10 : memref<64x128xf32, #tpu.memory_space<vmem>>) target(%dma_start3A_182 : memref<10240x128xf32, #tpu.memory_space<vmem_shared>>) offsets(%dma_start3A_179 : memref<64xi32, #tpu.memory_space<vmem>>) semaphore(%run_scoped3A : memref<!tpu.dma_semaphore, #tpu.memory_space<semaphore_mem>>) {add = true}
        %dma_wait3A_183 = arith.constant 0 : i32
        %dma_wait3A_184 = tpu.memref_slice %arg8[%add3A_164, %dma_wait3A_183] : memref<160x64xi32, #tpu.memory_space<vmem>> -> memref<1x64xi32, #tpu.memory_space<vmem>>
        %dma_wait3A_185 = tpu.memref_squeeze %dma_wait3A_184 : memref<1x64xi32, #tpu.memory_space<vmem>> -> memref<64xi32, #tpu.memory_space<vmem>>
        %dma_wait3A_186 = arith.constant 0 : i32
        %dma_wait3A_187 = arith.constant 0 : i32
        %dma_wait3A_188 = tpu.memref_slice %arg11[%dma_wait3A_186, %dma_wait3A_187] : memref<10240x128xf32, #tpu.memory_space<vmem_shared>> -> memref<10240x128xf32, #tpu.memory_space<vmem_shared>>
        tpu.wait_indirect_dma semaphore(%run_scoped3A : memref<!tpu.dma_semaphore, #tpu.memory_space<semaphore_mem>>) src(%arg10 : memref<64x128xf32, #tpu.memory_space<vmem>>) dst(%dma_wait3A_188 : memref<10240x128xf32, #tpu.memory_space<vmem_shared>>)
        tpu.yield
      }) : () -> ()
      %add3A_165 = arith.constant 1 : i32
      %add3A_166 = arith.addi %scan3A_124, %add3A_165 : i32
      %dma_start3A_167 = arith.constant 64 : i32
      %dma_start3A_168 = tpu.memref_slice %arg7[%add3A_166, %dma_start3A_167] : memref<82x128xi32, #tpu.memory_space<vmem>> -> memref<1x64xi32, #tpu.memory_space<vmem>>
      %dma_start3A_169 = tpu.memref_squeeze %dma_start3A_168 : memref<1x64xi32, #tpu.memory_space<vmem>> -> memref<64xi32, #tpu.memory_space<vmem>>
      %dma_start3A_170 = arith.constant 0 : i32
      %dma_start3A_171 = arith.constant 0 : i32
      %dma_start3A_172 = tpu.memref_slice %arg2[%add3A_1, %dma_start3A_170, %dma_start3A_171] : memref<4x10240x128xf32, #tpu.memory_space<hbm>> -> memref<1x10240x128xf32, #tpu.memory_space<hbm>>
      %dma_start3A_173 = tpu.memref_squeeze %dma_start3A_172 : memref<1x10240x128xf32, #tpu.memory_space<hbm>> -> memref<10240x128xf32, #tpu.memory_space<hbm>>
      %dma_start3A_174 = arith.constant 0 : i32
      %dma_start3A_175 = arith.constant 0 : i32
      %dma_start3A_176 = tpu.memref_slice %dma_start3A_173[%dma_start3A_174, %dma_start3A_175] : memref<10240x128xf32, #tpu.memory_space<hbm>> -> memref<10240x128xf32, #tpu.memory_space<hbm>>
      tpu.enqueue_indirect_dma source(%dma_start3A_176 : memref<10240x128xf32, #tpu.memory_space<hbm>>) target(%arg10 : memref<64x128xf32, #tpu.memory_space<vmem>>) offsets(%dma_start3A_169 : memref<64xi32, #tpu.memory_space<vmem>>) semaphore(%arg13 : memref<!tpu.dma_semaphore, #tpu.memory_space<semaphore_mem>>)
    }
    %scan3A_31 = arith.constant 80 : i32
    %dma_wait3A = arith.constant 0 : i32
    %dma_wait3A_32 = arith.constant 0 : i32
    %dma_wait3A_33 = tpu.memref_slice %arg7[%dma_wait3A, %dma_wait3A_32] : memref<82x128xi32, #tpu.memory_space<vmem>> -> memref<1x64xi32, #tpu.memory_space<vmem>>
    %dma_wait3A_34 = tpu.memref_squeeze %dma_wait3A_33 : memref<1x64xi32, #tpu.memory_space<vmem>> -> memref<64xi32, #tpu.memory_space<vmem>>
    %dma_wait3A_35 = arith.constant 0 : i32
    %dma_wait3A_36 = arith.constant 0 : i32
    %dma_wait3A_37 = tpu.memref_slice %arg2[%add3A_1, %dma_wait3A_35, %dma_wait3A_36] : memref<4x10240x128xf32, #tpu.memory_space<hbm>> -> memref<1x10240x128xf32, #tpu.memory_space<hbm>>
    %dma_wait3A_38 = tpu.memref_squeeze %dma_wait3A_37 : memref<1x10240x128xf32, #tpu.memory_space<hbm>> -> memref<10240x128xf32, #tpu.memory_space<hbm>>
    %dma_wait3A_39 = arith.constant 0 : i32
    %dma_wait3A_40 = arith.constant 0 : i32
    %dma_wait3A_41 = tpu.memref_slice %dma_wait3A_38[%dma_wait3A_39, %dma_wait3A_40] : memref<10240x128xf32, #tpu.memory_space<hbm>> -> memref<10240x128xf32, #tpu.memory_space<hbm>>
    tpu.wait_indirect_dma semaphore(%arg12 : memref<!tpu.dma_semaphore, #tpu.memory_space<semaphore_mem>>) src(%dma_wait3A_41 : memref<10240x128xf32, #tpu.memory_space<hbm>>) dst(%arg9 : memref<64x128xf32, #tpu.memory_space<vmem>>)
    %dma_wait3A_42 = arith.constant 0 : i32
    %dma_wait3A_43 = arith.constant 64 : i32
    %dma_wait3A_44 = tpu.memref_slice %arg7[%dma_wait3A_42, %dma_wait3A_43] : memref<82x128xi32, #tpu.memory_space<vmem>> -> memref<1x64xi32, #tpu.memory_space<vmem>>
    %dma_wait3A_45 = tpu.memref_squeeze %dma_wait3A_44 : memref<1x64xi32, #tpu.memory_space<vmem>> -> memref<64xi32, #tpu.memory_space<vmem>>
    %dma_wait3A_46 = arith.constant 0 : i32
    %dma_wait3A_47 = arith.constant 0 : i32
    %dma_wait3A_48 = tpu.memref_slice %arg2[%add3A_1, %dma_wait3A_46, %dma_wait3A_47] : memref<4x10240x128xf32, #tpu.memory_space<hbm>> -> memref<1x10240x128xf32, #tpu.memory_space<hbm>>
    %dma_wait3A_49 = tpu.memref_squeeze %dma_wait3A_48 : memref<1x10240x128xf32, #tpu.memory_space<hbm>> -> memref<10240x128xf32, #tpu.memory_space<hbm>>
    %dma_wait3A_50 = arith.constant 0 : i32
    %dma_wait3A_51 = arith.constant 0 : i32
    %dma_wait3A_52 = tpu.memref_slice %dma_wait3A_49[%dma_wait3A_50, %dma_wait3A_51] : memref<10240x128xf32, #tpu.memory_space<hbm>> -> memref<10240x128xf32, #tpu.memory_space<hbm>>
    tpu.wait_indirect_dma semaphore(%arg13 : memref<!tpu.dma_semaphore, #tpu.memory_space<semaphore_mem>>) src(%dma_wait3A_52 : memref<10240x128xf32, #tpu.memory_space<hbm>>) dst(%arg10 : memref<64x128xf32, #tpu.memory_space<vmem>>)
    %barrier3A_53 = arith.constant 0 : index
    tpu.barrier barrier_id(%barrier3A_53)
    %mul3A_54 = arith.constant 640 : i32
    %mul3A_55 = arith.muli %arg1, %mul3A_54 : i32
    %mul3A_56 = arith.constant 640 : i32
    %mul3A_57 = arith.muli %arg1, %mul3A_56 : i32
    "tpu.region"() ({
      %run_scoped3A = tpu.sem_alloc : memref<!tpu.dma_semaphore, #tpu.memory_space<semaphore_mem>>
      %dma_start3A_124 = arith.constant 0 : i32
      %dma_start3A_125 = tpu.memref_slice %arg6[%add3A_1, %mul3A_57, %dma_start3A_124] : memref<4x10240x128xf32, #tpu.memory_space<hbm>> -> memref<1x640x128xf32, #tpu.memory_space<hbm>>
      %dma_start3A_126 = tpu.memref_squeeze %dma_start3A_125 : memref<1x640x128xf32, #tpu.memory_space<hbm>> -> memref<640x128xf32, #tpu.memory_space<hbm>>
      %dma_start3A_127 = arith.constant 0 : i32
      %dma_start3A_128 = tpu.memref_slice %arg11[%mul3A_55, %dma_start3A_127] : memref<10240x128xf32, #tpu.memory_space<vmem_shared>> -> memref<640x128xf32, #tpu.memory_space<vmem_shared>>
      tpu.enqueue_dma source(%dma_start3A_128 : memref<640x128xf32, #tpu.memory_space<vmem_shared>>) target(%dma_start3A_126 : memref<640x128xf32, #tpu.memory_space<hbm>>) target_semaphore(%run_scoped3A : memref<!tpu.dma_semaphore, #tpu.memory_space<semaphore_mem>>)
      %dma_wait3A_129 = arith.constant 0 : i32
      %dma_wait3A_130 = tpu.memref_slice %arg6[%add3A_1, %mul3A_57, %dma_wait3A_129] : memref<4x10240x128xf32, #tpu.memory_space<hbm>> -> memref<1x640x128xf32, #tpu.memory_space<hbm>>
      %dma_wait3A_131 = tpu.memref_squeeze %dma_wait3A_130 : memref<1x640x128xf32, #tpu.memory_space<hbm>> -> memref<640x128xf32, #tpu.memory_space<hbm>>
      %dma_wait3A_132 = arith.constant 0 : i32
      %dma_wait3A_133 = tpu.memref_slice %arg11[%mul3A_55, %dma_wait3A_132] : memref<10240x128xf32, #tpu.memory_space<vmem_shared>> -> memref<640x128xf32, #tpu.memory_space<vmem_shared>>
      tpu.wait_dma2 semaphore(%run_scoped3A : memref<!tpu.dma_semaphore, #tpu.memory_space<semaphore_mem>>) src(%dma_wait3A_133 : memref<640x128xf32, #tpu.memory_space<vmem_shared>>) dst(%dma_wait3A_131 : memref<640x128xf32, #tpu.memory_space<hbm>>)
      tpu.yield
    }) : () -> ()
    %barrier3A_58 = arith.constant 0 : index
    tpu.barrier barrier_id(%barrier3A_58)
    %mul3A_59 = arith.constant 2 : i32
    %mul3A_60 = arith.muli %arg0, %mul3A_59 : i32
    %add3A_61 = arith.constant 1 : i32
    %add3A_62 = arith.addi %mul3A_60, %add3A_61 : i32
    %mul3A_63 = arith.constant 640 : i32
    %mul3A_64 = arith.muli %arg1, %mul3A_63 : i32
    %mul3A_65 = arith.constant 640 : i32
    %mul3A_66 = arith.muli %arg1, %mul3A_65 : i32
    "tpu.region"() ({
      %run_scoped3A = tpu.sem_alloc : memref<!tpu.dma_semaphore, #tpu.memory_space<semaphore_mem>>
      %dma_start3A_124 = arith.constant 0 : i32
      %dma_start3A_125 = tpu.memref_slice %arg11[%mul3A_66, %dma_start3A_124] : memref<10240x128xf32, #tpu.memory_space<vmem_shared>> -> memref<640x128xf32, #tpu.memory_space<vmem_shared>>
      %dma_start3A_126 = arith.constant 0 : i32
      %dma_start3A_127 = tpu.memref_slice %arg5[%mul3A_64, %dma_start3A_126] : memref<10240x128xf32, #tpu.memory_space<hbm>> -> memref<640x128xf32, #tpu.memory_space<hbm>>
      tpu.enqueue_dma source(%dma_start3A_127 : memref<640x128xf32, #tpu.memory_space<hbm>>) target(%dma_start3A_125 : memref<640x128xf32, #tpu.memory_space<vmem_shared>>) target_semaphore(%run_scoped3A : memref<!tpu.dma_semaphore, #tpu.memory_space<semaphore_mem>>)
      %dma_wait3A_128 = arith.constant 0 : i32
      %dma_wait3A_129 = tpu.memref_slice %arg11[%mul3A_66, %dma_wait3A_128] : memref<10240x128xf32, #tpu.memory_space<vmem_shared>> -> memref<640x128xf32, #tpu.memory_space<vmem_shared>>
      %dma_wait3A_130 = arith.constant 0 : i32
      %dma_wait3A_131 = tpu.memref_slice %arg5[%mul3A_64, %dma_wait3A_130] : memref<10240x128xf32, #tpu.memory_space<hbm>> -> memref<640x128xf32, #tpu.memory_space<hbm>>
      tpu.wait_dma2 semaphore(%run_scoped3A : memref<!tpu.dma_semaphore, #tpu.memory_space<semaphore_mem>>) src(%dma_wait3A_131 : memref<640x128xf32, #tpu.memory_space<hbm>>) dst(%dma_wait3A_129 : memref<640x128xf32, #tpu.memory_space<vmem_shared>>)
      tpu.yield
    }) : () -> ()
    %barrier3A_67 = arith.constant 0 : index
    tpu.barrier barrier_id(%barrier3A_67)
    %dma_start3A_68 = arith.constant 0 : i32
    %dma_start3A_69 = arith.constant 0 : i32
    %dma_start3A_70 = tpu.memref_slice %arg7[%dma_start3A_68, %dma_start3A_69] : memref<82x128xi32, #tpu.memory_space<vmem>> -> memref<1x64xi32, #tpu.memory_space<vmem>>
    %dma_start3A_71 = tpu.memref_squeeze %dma_start3A_70 : memref<1x64xi32, #tpu.memory_space<vmem>> -> memref<64xi32, #tpu.memory_space<vmem>>
    %dma_start3A_72 = arith.constant 0 : i32
    %dma_start3A_73 = arith.constant 0 : i32
    %dma_start3A_74 = tpu.memref_slice %arg2[%add3A_62, %dma_start3A_72, %dma_start3A_73] : memref<4x10240x128xf32, #tpu.memory_space<hbm>> -> memref<1x10240x128xf32, #tpu.memory_space<hbm>>
    %dma_start3A_75 = tpu.memref_squeeze %dma_start3A_74 : memref<1x10240x128xf32, #tpu.memory_space<hbm>> -> memref<10240x128xf32, #tpu.memory_space<hbm>>
    %dma_start3A_76 = arith.constant 0 : i32
    %dma_start3A_77 = arith.constant 0 : i32
    %dma_start3A_78 = tpu.memref_slice %dma_start3A_75[%dma_start3A_76, %dma_start3A_77] : memref<10240x128xf32, #tpu.memory_space<hbm>> -> memref<10240x128xf32, #tpu.memory_space<hbm>>
    tpu.enqueue_indirect_dma source(%dma_start3A_78 : memref<10240x128xf32, #tpu.memory_space<hbm>>) target(%arg9 : memref<64x128xf32, #tpu.memory_space<vmem>>) offsets(%dma_start3A_71 : memref<64xi32, #tpu.memory_space<vmem>>) semaphore(%arg12 : memref<!tpu.dma_semaphore, #tpu.memory_space<semaphore_mem>>)
    %dma_start3A_79 = arith.constant 0 : i32
    %dma_start3A_80 = arith.constant 64 : i32
    %dma_start3A_81 = tpu.memref_slice %arg7[%dma_start3A_79, %dma_start3A_80] : memref<82x128xi32, #tpu.memory_space<vmem>> -> memref<1x64xi32, #tpu.memory_space<vmem>>
    %dma_start3A_82 = tpu.memref_squeeze %dma_start3A_81 : memref<1x64xi32, #tpu.memory_space<vmem>> -> memref<64xi32, #tpu.memory_space<vmem>>
    %dma_start3A_83 = arith.constant 0 : i32
    %dma_start3A_84 = arith.constant 0 : i32
    %dma_start3A_85 = tpu.memref_slice %arg2[%add3A_62, %dma_start3A_83, %dma_start3A_84] : memref<4x10240x128xf32, #tpu.memory_space<hbm>> -> memref<1x10240x128xf32, #tpu.memory_space<hbm>>
    %dma_start3A_86 = tpu.memref_squeeze %dma_start3A_85 : memref<1x10240x128xf32, #tpu.memory_space<hbm>> -> memref<10240x128xf32, #tpu.memory_space<hbm>>
    %dma_start3A_87 = arith.constant 0 : i32
    %dma_start3A_88 = arith.constant 0 : i32
    %dma_start3A_89 = tpu.memref_slice %dma_start3A_86[%dma_start3A_87, %dma_start3A_88] : memref<10240x128xf32, #tpu.memory_space<hbm>> -> memref<10240x128xf32, #tpu.memory_space<hbm>>
    tpu.enqueue_indirect_dma source(%dma_start3A_89 : memref<10240x128xf32, #tpu.memory_space<hbm>>) target(%arg10 : memref<64x128xf32, #tpu.memory_space<vmem>>) offsets(%dma_start3A_82 : memref<64xi32, #tpu.memory_space<vmem>>) semaphore(%arg13 : memref<!tpu.dma_semaphore, #tpu.memory_space<semaphore_mem>>)
    %scan3A_90 = arith.constant 0 : i32
    %scan3A_91 = arith.constant 0 : i32
    %scan3A_92 = arith.constant 80 : i32
    %scan3A_93 = arith.addi %scan3A_91, %scan3A_92 : i32
    %scan3A_94 = arith.constant 1 : i32
    scf.for %scan3A_124 = %scan3A_91 to %scan3A_93 step %scan3A_94  : i32 {
      %dma_wait3A_125 = arith.constant 0 : i32
      %dma_wait3A_126 = tpu.memref_slice %arg7[%scan3A_124, %dma_wait3A_125] : memref<82x128xi32, #tpu.memory_space<vmem>> -> memref<1x64xi32, #tpu.memory_space<vmem>>
      %dma_wait3A_127 = tpu.memref_squeeze %dma_wait3A_126 : memref<1x64xi32, #tpu.memory_space<vmem>> -> memref<64xi32, #tpu.memory_space<vmem>>
      %dma_wait3A_128 = arith.constant 0 : i32
      %dma_wait3A_129 = arith.constant 0 : i32
      %dma_wait3A_130 = tpu.memref_slice %arg2[%add3A_62, %dma_wait3A_128, %dma_wait3A_129] : memref<4x10240x128xf32, #tpu.memory_space<hbm>> -> memref<1x10240x128xf32, #tpu.memory_space<hbm>>
      %dma_wait3A_131 = tpu.memref_squeeze %dma_wait3A_130 : memref<1x10240x128xf32, #tpu.memory_space<hbm>> -> memref<10240x128xf32, #tpu.memory_space<hbm>>
      %dma_wait3A_132 = arith.constant 0 : i32
      %dma_wait3A_133 = arith.constant 0 : i32
      %dma_wait3A_134 = tpu.memref_slice %dma_wait3A_131[%dma_wait3A_132, %dma_wait3A_133] : memref<10240x128xf32, #tpu.memory_space<hbm>> -> memref<10240x128xf32, #tpu.memory_space<hbm>>
      tpu.wait_indirect_dma semaphore(%arg12 : memref<!tpu.dma_semaphore, #tpu.memory_space<semaphore_mem>>) src(%dma_wait3A_134 : memref<10240x128xf32, #tpu.memory_space<hbm>>) dst(%arg9 : memref<64x128xf32, #tpu.memory_space<vmem>>)
      %mul3A_135 = arith.constant 2 : i32
      %mul3A_136 = arith.muli %scan3A_124, %mul3A_135 : i32
      %add3A_137 = arith.constant 0 : i32
      %add3A_138 = arith.addi %mul3A_136, %add3A_137 : i32
      "tpu.region"() ({
        %run_scoped3A = tpu.sem_alloc : memref<!tpu.dma_semaphore, #tpu.memory_space<semaphore_mem>>
        %dma_start3A_177 = arith.constant 0 : i32
        %dma_start3A_178 = tpu.memref_slice %arg8[%add3A_138, %dma_start3A_177] : memref<160x64xi32, #tpu.memory_space<vmem>> -> memref<1x64xi32, #tpu.memory_space<vmem>>
        %dma_start3A_179 = tpu.memref_squeeze %dma_start3A_178 : memref<1x64xi32, #tpu.memory_space<vmem>> -> memref<64xi32, #tpu.memory_space<vmem>>
        %dma_start3A_180 = arith.constant 0 : i32
        %dma_start3A_181 = arith.constant 0 : i32
        %dma_start3A_182 = tpu.memref_slice %arg11[%dma_start3A_180, %dma_start3A_181] : memref<10240x128xf32, #tpu.memory_space<vmem_shared>> -> memref<10240x128xf32, #tpu.memory_space<vmem_shared>>
        tpu.enqueue_indirect_dma source(%arg9 : memref<64x128xf32, #tpu.memory_space<vmem>>) target(%dma_start3A_182 : memref<10240x128xf32, #tpu.memory_space<vmem_shared>>) offsets(%dma_start3A_179 : memref<64xi32, #tpu.memory_space<vmem>>) semaphore(%run_scoped3A : memref<!tpu.dma_semaphore, #tpu.memory_space<semaphore_mem>>) {add = true}
        %dma_wait3A_183 = arith.constant 0 : i32
        %dma_wait3A_184 = tpu.memref_slice %arg8[%add3A_138, %dma_wait3A_183] : memref<160x64xi32, #tpu.memory_space<vmem>> -> memref<1x64xi32, #tpu.memory_space<vmem>>
        %dma_wait3A_185 = tpu.memref_squeeze %dma_wait3A_184 : memref<1x64xi32, #tpu.memory_space<vmem>> -> memref<64xi32, #tpu.memory_space<vmem>>
        %dma_wait3A_186 = arith.constant 0 : i32
        %dma_wait3A_187 = arith.constant 0 : i32
        %dma_wait3A_188 = tpu.memref_slice %arg11[%dma_wait3A_186, %dma_wait3A_187] : memref<10240x128xf32, #tpu.memory_space<vmem_shared>> -> memref<10240x128xf32, #tpu.memory_space<vmem_shared>>
        tpu.wait_indirect_dma semaphore(%run_scoped3A : memref<!tpu.dma_semaphore, #tpu.memory_space<semaphore_mem>>) src(%arg9 : memref<64x128xf32, #tpu.memory_space<vmem>>) dst(%dma_wait3A_188 : memref<10240x128xf32, #tpu.memory_space<vmem_shared>>)
        tpu.yield
      }) : () -> ()
      %add3A_139 = arith.constant 1 : i32
      %add3A_140 = arith.addi %scan3A_124, %add3A_139 : i32
      %dma_start3A_141 = arith.constant 0 : i32
      %dma_start3A_142 = tpu.memref_slice %arg7[%add3A_140, %dma_start3A_141] : memref<82x128xi32, #tpu.memory_space<vmem>> -> memref<1x64xi32, #tpu.memory_space<vmem>>
      %dma_start3A_143 = tpu.memref_squeeze %dma_start3A_142 : memref<1x64xi32, #tpu.memory_space<vmem>> -> memref<64xi32, #tpu.memory_space<vmem>>
      %dma_start3A_144 = arith.constant 0 : i32
      %dma_start3A_145 = arith.constant 0 : i32
      %dma_start3A_146 = tpu.memref_slice %arg2[%add3A_62, %dma_start3A_144, %dma_start3A_145] : memref<4x10240x128xf32, #tpu.memory_space<hbm>> -> memref<1x10240x128xf32, #tpu.memory_space<hbm>>
      %dma_start3A_147 = tpu.memref_squeeze %dma_start3A_146 : memref<1x10240x128xf32, #tpu.memory_space<hbm>> -> memref<10240x128xf32, #tpu.memory_space<hbm>>
      %dma_start3A_148 = arith.constant 0 : i32
      %dma_start3A_149 = arith.constant 0 : i32
      %dma_start3A_150 = tpu.memref_slice %dma_start3A_147[%dma_start3A_148, %dma_start3A_149] : memref<10240x128xf32, #tpu.memory_space<hbm>> -> memref<10240x128xf32, #tpu.memory_space<hbm>>
      tpu.enqueue_indirect_dma source(%dma_start3A_150 : memref<10240x128xf32, #tpu.memory_space<hbm>>) target(%arg9 : memref<64x128xf32, #tpu.memory_space<vmem>>) offsets(%dma_start3A_143 : memref<64xi32, #tpu.memory_space<vmem>>) semaphore(%arg12 : memref<!tpu.dma_semaphore, #tpu.memory_space<semaphore_mem>>)
      %dma_wait3A_151 = arith.constant 64 : i32
      %dma_wait3A_152 = tpu.memref_slice %arg7[%scan3A_124, %dma_wait3A_151] : memref<82x128xi32, #tpu.memory_space<vmem>> -> memref<1x64xi32, #tpu.memory_space<vmem>>
      %dma_wait3A_153 = tpu.memref_squeeze %dma_wait3A_152 : memref<1x64xi32, #tpu.memory_space<vmem>> -> memref<64xi32, #tpu.memory_space<vmem>>
      %dma_wait3A_154 = arith.constant 0 : i32
      %dma_wait3A_155 = arith.constant 0 : i32
      %dma_wait3A_156 = tpu.memref_slice %arg2[%add3A_62, %dma_wait3A_154, %dma_wait3A_155] : memref<4x10240x128xf32, #tpu.memory_space<hbm>> -> memref<1x10240x128xf32, #tpu.memory_space<hbm>>
      %dma_wait3A_157 = tpu.memref_squeeze %dma_wait3A_156 : memref<1x10240x128xf32, #tpu.memory_space<hbm>> -> memref<10240x128xf32, #tpu.memory_space<hbm>>
      %dma_wait3A_158 = arith.constant 0 : i32
      %dma_wait3A_159 = arith.constant 0 : i32
      %dma_wait3A_160 = tpu.memref_slice %dma_wait3A_157[%dma_wait3A_158, %dma_wait3A_159] : memref<10240x128xf32, #tpu.memory_space<hbm>> -> memref<10240x128xf32, #tpu.memory_space<hbm>>
      tpu.wait_indirect_dma semaphore(%arg13 : memref<!tpu.dma_semaphore, #tpu.memory_space<semaphore_mem>>) src(%dma_wait3A_160 : memref<10240x128xf32, #tpu.memory_space<hbm>>) dst(%arg10 : memref<64x128xf32, #tpu.memory_space<vmem>>)
      %mul3A_161 = arith.constant 2 : i32
      %mul3A_162 = arith.muli %scan3A_124, %mul3A_161 : i32
      %add3A_163 = arith.constant 1 : i32
      %add3A_164 = arith.addi %mul3A_162, %add3A_163 : i32
      "tpu.region"() ({
        %run_scoped3A = tpu.sem_alloc : memref<!tpu.dma_semaphore, #tpu.memory_space<semaphore_mem>>
        %dma_start3A_177 = arith.constant 0 : i32
        %dma_start3A_178 = tpu.memref_slice %arg8[%add3A_164, %dma_start3A_177] : memref<160x64xi32, #tpu.memory_space<vmem>> -> memref<1x64xi32, #tpu.memory_space<vmem>>
        %dma_start3A_179 = tpu.memref_squeeze %dma_start3A_178 : memref<1x64xi32, #tpu.memory_space<vmem>> -> memref<64xi32, #tpu.memory_space<vmem>>
        %dma_start3A_180 = arith.constant 0 : i32
        %dma_start3A_181 = arith.constant 0 : i32
        %dma_start3A_182 = tpu.memref_slice %arg11[%dma_start3A_180, %dma_start3A_181] : memref<10240x128xf32, #tpu.memory_space<vmem_shared>> -> memref<10240x128xf32, #tpu.memory_space<vmem_shared>>
        tpu.enqueue_indirect_dma source(%arg10 : memref<64x128xf32, #tpu.memory_space<vmem>>) target(%dma_start3A_182 : memref<10240x128xf32, #tpu.memory_space<vmem_shared>>) offsets(%dma_start3A_179 : memref<64xi32, #tpu.memory_space<vmem>>) semaphore(%run_scoped3A : memref<!tpu.dma_semaphore, #tpu.memory_space<semaphore_mem>>) {add = true}
        %dma_wait3A_183 = arith.constant 0 : i32
        %dma_wait3A_184 = tpu.memref_slice %arg8[%add3A_164, %dma_wait3A_183] : memref<160x64xi32, #tpu.memory_space<vmem>> -> memref<1x64xi32, #tpu.memory_space<vmem>>
        %dma_wait3A_185 = tpu.memref_squeeze %dma_wait3A_184 : memref<1x64xi32, #tpu.memory_space<vmem>> -> memref<64xi32, #tpu.memory_space<vmem>>
        %dma_wait3A_186 = arith.constant 0 : i32
        %dma_wait3A_187 = arith.constant 0 : i32
        %dma_wait3A_188 = tpu.memref_slice %arg11[%dma_wait3A_186, %dma_wait3A_187] : memref<10240x128xf32, #tpu.memory_space<vmem_shared>> -> memref<10240x128xf32, #tpu.memory_space<vmem_shared>>
        tpu.wait_indirect_dma semaphore(%run_scoped3A : memref<!tpu.dma_semaphore, #tpu.memory_space<semaphore_mem>>) src(%arg10 : memref<64x128xf32, #tpu.memory_space<vmem>>) dst(%dma_wait3A_188 : memref<10240x128xf32, #tpu.memory_space<vmem_shared>>)
        tpu.yield
      }) : () -> ()
      %add3A_165 = arith.constant 1 : i32
      %add3A_166 = arith.addi %scan3A_124, %add3A_165 : i32
      %dma_start3A_167 = arith.constant 64 : i32
      %dma_start3A_168 = tpu.memref_slice %arg7[%add3A_166, %dma_start3A_167] : memref<82x128xi32, #tpu.memory_space<vmem>> -> memref<1x64xi32, #tpu.memory_space<vmem>>
      %dma_start3A_169 = tpu.memref_squeeze %dma_start3A_168 : memref<1x64xi32, #tpu.memory_space<vmem>> -> memref<64xi32, #tpu.memory_space<vmem>>
      %dma_start3A_170 = arith.constant 0 : i32
      %dma_start3A_171 = arith.constant 0 : i32
      %dma_start3A_172 = tpu.memref_slice %arg2[%add3A_62, %dma_start3A_170, %dma_start3A_171] : memref<4x10240x128xf32, #tpu.memory_space<hbm>> -> memref<1x10240x128xf32, #tpu.memory_space<hbm>>
      %dma_start3A_173 = tpu.memref_squeeze %dma_start3A_172 : memref<1x10240x128xf32, #tpu.memory_space<hbm>> -> memref<10240x128xf32, #tpu.memory_space<hbm>>
      %dma_start3A_174 = arith.constant 0 : i32
      %dma_start3A_175 = arith.constant 0 : i32
      %dma_start3A_176 = tpu.memref_slice %dma_start3A_173[%dma_start3A_174, %dma_start3A_175] : memref<10240x128xf32, #tpu.memory_space<hbm>> -> memref<10240x128xf32, #tpu.memory_space<hbm>>
      tpu.enqueue_indirect_dma source(%dma_start3A_176 : memref<10240x128xf32, #tpu.memory_space<hbm>>) target(%arg10 : memref<64x128xf32, #tpu.memory_space<vmem>>) offsets(%dma_start3A_169 : memref<64xi32, #tpu.memory_space<vmem>>) semaphore(%arg13 : memref<!tpu.dma_semaphore, #tpu.memory_space<semaphore_mem>>)
    }
    %scan3A_95 = arith.constant 80 : i32
    %dma_wait3A_96 = arith.constant 0 : i32
    %dma_wait3A_97 = arith.constant 0 : i32
    %dma_wait3A_98 = tpu.memref_slice %arg7[%dma_wait3A_96, %dma_wait3A_97] : memref<82x128xi32, #tpu.memory_space<vmem>> -> memref<1x64xi32, #tpu.memory_space<vmem>>
    %dma_wait3A_99 = tpu.memref_squeeze %dma_wait3A_98 : memref<1x64xi32, #tpu.memory_space<vmem>> -> memref<64xi32, #tpu.memory_space<vmem>>
    %dma_wait3A_100 = arith.constant 0 : i32
    %dma_wait3A_101 = arith.constant 0 : i32
    %dma_wait3A_102 = tpu.memref_slice %arg2[%add3A_62, %dma_wait3A_100, %dma_wait3A_101] : memref<4x10240x128xf32, #tpu.memory_space<hbm>> -> memref<1x10240x128xf32, #tpu.memory_space<hbm>>
    %dma_wait3A_103 = tpu.memref_squeeze %dma_wait3A_102 : memref<1x10240x128xf32, #tpu.memory_space<hbm>> -> memref<10240x128xf32, #tpu.memory_space<hbm>>
    %dma_wait3A_104 = arith.constant 0 : i32
    %dma_wait3A_105 = arith.constant 0 : i32
    %dma_wait3A_106 = tpu.memref_slice %dma_wait3A_103[%dma_wait3A_104, %dma_wait3A_105] : memref<10240x128xf32, #tpu.memory_space<hbm>> -> memref<10240x128xf32, #tpu.memory_space<hbm>>
    tpu.wait_indirect_dma semaphore(%arg12 : memref<!tpu.dma_semaphore, #tpu.memory_space<semaphore_mem>>) src(%dma_wait3A_106 : memref<10240x128xf32, #tpu.memory_space<hbm>>) dst(%arg9 : memref<64x128xf32, #tpu.memory_space<vmem>>)
    %dma_wait3A_107 = arith.constant 0 : i32
    %dma_wait3A_108 = arith.constant 64 : i32
    %dma_wait3A_109 = tpu.memref_slice %arg7[%dma_wait3A_107, %dma_wait3A_108] : memref<82x128xi32, #tpu.memory_space<vmem>> -> memref<1x64xi32, #tpu.memory_space<vmem>>
    %dma_wait3A_110 = tpu.memref_squeeze %dma_wait3A_109 : memref<1x64xi32, #tpu.memory_space<vmem>> -> memref<64xi32, #tpu.memory_space<vmem>>
    %dma_wait3A_111 = arith.constant 0 : i32
    %dma_wait3A_112 = arith.constant 0 : i32
    %dma_wait3A_113 = tpu.memref_slice %arg2[%add3A_62, %dma_wait3A_111, %dma_wait3A_112] : memref<4x10240x128xf32, #tpu.memory_space<hbm>> -> memref<1x10240x128xf32, #tpu.memory_space<hbm>>
    %dma_wait3A_114 = tpu.memref_squeeze %dma_wait3A_113 : memref<1x10240x128xf32, #tpu.memory_space<hbm>> -> memref<10240x128xf32, #tpu.memory_space<hbm>>
    %dma_wait3A_115 = arith.constant 0 : i32
    %dma_wait3A_116 = arith.constant 0 : i32
    %dma_wait3A_117 = tpu.memref_slice %dma_wait3A_114[%dma_wait3A_115, %dma_wait3A_116] : memref<10240x128xf32, #tpu.memory_space<hbm>> -> memref<10240x128xf32, #tpu.memory_space<hbm>>
    tpu.wait_indirect_dma semaphore(%arg13 : memref<!tpu.dma_semaphore, #tpu.memory_space<semaphore_mem>>) src(%dma_wait3A_117 : memref<10240x128xf32, #tpu.memory_space<hbm>>) dst(%arg10 : memref<64x128xf32, #tpu.memory_space<vmem>>)
    %barrier3A_118 = arith.constant 0 : index
    tpu.barrier barrier_id(%barrier3A_118)
    %mul3A_119 = arith.constant 640 : i32
    %mul3A_120 = arith.muli %arg1, %mul3A_119 : i32
    %mul3A_121 = arith.constant 640 : i32
    %mul3A_122 = arith.muli %arg1, %mul3A_121 : i32
    "tpu.region"() ({
      %run_scoped3A = tpu.sem_alloc : memref<!tpu.dma_semaphore, #tpu.memory_space<semaphore_mem>>
      %dma_start3A_124 = arith.constant 0 : i32
      %dma_start3A_125 = tpu.memref_slice %arg6[%add3A_62, %mul3A_122, %dma_start3A_124] : memref<4x10240x128xf32, #tpu.memory_space<hbm>> -> memref<1x640x128xf32, #tpu.memory_space<hbm>>
      %dma_start3A_126 = tpu.memref_squeeze %dma_start3A_125 : memref<1x640x128xf32, #tpu.memory_space<hbm>> -> memref<640x128xf32, #tpu.memory_space<hbm>>
      %dma_start3A_127 = arith.constant 0 : i32
      %dma_start3A_128 = tpu.memref_slice %arg11[%mul3A_120, %dma_start3A_127] : memref<10240x128xf32, #tpu.memory_space<vmem_shared>> -> memref<640x128xf32, #tpu.memory_space<vmem_shared>>
      tpu.enqueue_dma source(%dma_start3A_128 : memref<640x128xf32, #tpu.memory_space<vmem_shared>>) target(%dma_start3A_126 : memref<640x128xf32, #tpu.memory_space<hbm>>) target_semaphore(%run_scoped3A : memref<!tpu.dma_semaphore, #tpu.memory_space<semaphore_mem>>)
      %dma_wait3A_129 = arith.constant 0 : i32
      %dma_wait3A_130 = tpu.memref_slice %arg6[%add3A_62, %mul3A_122, %dma_wait3A_129] : memref<4x10240x128xf32, #tpu.memory_space<hbm>> -> memref<1x640x128xf32, #tpu.memory_space<hbm>>
      %dma_wait3A_131 = tpu.memref_squeeze %dma_wait3A_130 : memref<1x640x128xf32, #tpu.memory_space<hbm>> -> memref<640x128xf32, #tpu.memory_space<hbm>>
      %dma_wait3A_132 = arith.constant 0 : i32
      %dma_wait3A_133 = tpu.memref_slice %arg11[%mul3A_120, %dma_wait3A_132] : memref<10240x128xf32, #tpu.memory_space<vmem_shared>> -> memref<640x128xf32, #tpu.memory_space<vmem_shared>>
      tpu.wait_dma2 semaphore(%run_scoped3A : memref<!tpu.dma_semaphore, #tpu.memory_space<semaphore_mem>>) src(%dma_wait3A_133 : memref<640x128xf32, #tpu.memory_space<vmem_shared>>) dst(%dma_wait3A_131 : memref<640x128xf32, #tpu.memory_space<hbm>>)
      tpu.yield
    }) : () -> ()
    %barrier3A_123 = arith.constant 0 : index
    tpu.barrier barrier_id(%barrier3A_123)
    return
  }
}

module attributes {stable_mosaic.version = 14 : i64} {
  func.func @body(%arg0: i32, %arg1: memref<1280x1xf32, #tpu.memory_space<vmem>>, %arg2: memref<2x1280x128xf32, #tpu.memory_space<vmem>>, %arg3: memref<256x512xf32, #tpu.memory_space<vmem>>, %arg4: memref<4x1280x128xf32, #tpu.memory_space<vmem>>) attributes {dimension_semantics = [#tpu.dimension_semantics<arbitrary>], iteration_bounds = array<i64: 8>, scalar_prefetch = 0 : i64, scratch_operands = 0 : i64, tpu.core_type = #tpu.core_type<tc>, window_params = [{transform_indices = @transform_0, window_bounds = array<i64: 1280, 1>}, {transform_indices = @transform_1, window_bounds = array<i64: 2, 1280, 128>}, {pipeline_mode = #tpu.pipeline_mode<synchronous>, transform_indices = @transform_2, window_bounds = array<i64: 256, 512>}, {transform_indices = @transform_3, window_bounds = array<i64: 4, 1280, 128>}]} {
    %get3A = arith.constant 0 : index
    %get3A_0 = arith.constant 0 : index
    %get3A_1 = arith.constant 0 : index
    %get3A_2 = vector.load %arg2[%get3A, %get3A_0, %get3A_1] : memref<2x1280x128xf32, #tpu.memory_space<vmem>>, vector<1x1280x128xf32>
    %get3A_3 = vector.shape_cast %get3A_2 : vector<1x1280x128xf32> to vector<1280x128xf32>
    %get3A_4 = arith.constant 1 : index
    %get3A_5 = arith.constant 0 : index
    %get3A_6 = arith.constant 0 : index
    %get3A_7 = vector.load %arg2[%get3A_4, %get3A_5, %get3A_6] : memref<2x1280x128xf32, #tpu.memory_space<vmem>>, vector<1x1280x128xf32>
    %get3A_8 = vector.shape_cast %get3A_7 : vector<1x1280x128xf32> to vector<1280x128xf32>
    %concatenate3A = tpu.concatenate %get3A_3, %get3A_8 in 1 : vector<1280x128xf32>, vector<1280x128xf32> -> vector<1280x256xf32>
    %get3A_9 = arith.constant 0 : index
    %get3A_10 = arith.constant 0 : index
    %get3A_11 = vector.load %arg3[%get3A_9, %get3A_10] : memref<256x512xf32, #tpu.memory_space<vmem>>, vector<256x512xf32>
    %dot_general3A = arith.constant dense<0.000000e+00> : vector<1280x512xf32>
    %dot_general3A_12 = tpu.matmul %concatenate3A, %get3A_11, %dot_general3A {dimension_numbers = #tpu.dot_dimension_numbers<[1], [0], [0], [1], [0, 0, 1, 1], [], []>, transpose_lhs_hint = false} : vector<1280x256xf32>, vector<256x512xf32>, vector<1280x512xf32> -> vector<1280x512xf32>
    %slice3A = vector.extract_strided_slice %dot_general3A_12 {offsets = [0, 0], sizes = [1280, 128], strides = [1, 1]} : vector<1280x512xf32> to vector<1280x128xf32>
    %swap3A = arith.constant 0 : index
    %swap3A_13 = arith.constant 0 : index
    %swap3A_14 = arith.constant 0 : index
    %swap3A_15 = vector.load %arg4[%swap3A, %swap3A_13, %swap3A_14] : memref<4x1280x128xf32, #tpu.memory_space<vmem>>, vector<1x1280x128xf32>
    %swap3A_16 = vector.shape_cast %swap3A_15 : vector<1x1280x128xf32> to vector<1280x128xf32>
    %swap3A_17 = vector.shape_cast %slice3A : vector<1280x128xf32> to vector<1x1280x128xf32>
    tpu.vector_store %arg4[%swap3A, %swap3A_13, %swap3A_14], %swap3A_17 {strides = array<i32>} : memref<4x1280x128xf32, #tpu.memory_space<vmem>>, vector<1x1280x128xf32>,
    %slice3A_18 = vector.extract_strided_slice %dot_general3A_12 {offsets = [0, 128], sizes = [1280, 128], strides = [1, 1]} : vector<1280x512xf32> to vector<1280x128xf32>
    %swap3A_19 = arith.constant 1 : index
    %swap3A_20 = arith.constant 0 : index
    %swap3A_21 = arith.constant 0 : index
    %swap3A_22 = vector.load %arg4[%swap3A_19, %swap3A_20, %swap3A_21] : memref<4x1280x128xf32, #tpu.memory_space<vmem>>, vector<1x1280x128xf32>
    %swap3A_23 = vector.shape_cast %swap3A_22 : vector<1x1280x128xf32> to vector<1280x128xf32>
    %swap3A_24 = vector.shape_cast %slice3A_18 : vector<1280x128xf32> to vector<1x1280x128xf32>
    tpu.vector_store %arg4[%swap3A_19, %swap3A_20, %swap3A_21], %swap3A_24 {strides = array<i32>} : memref<4x1280x128xf32, #tpu.memory_space<vmem>>, vector<1x1280x128xf32>,
    %slice3A_25 = vector.extract_strided_slice %dot_general3A_12 {offsets = [0, 256], sizes = [1280, 128], strides = [1, 1]} : vector<1280x512xf32> to vector<1280x128xf32>
    %swap3A_26 = arith.constant 2 : index
    %swap3A_27 = arith.constant 0 : index
    %swap3A_28 = arith.constant 0 : index
    %swap3A_29 = vector.load %arg4[%swap3A_26, %swap3A_27, %swap3A_28] : memref<4x1280x128xf32, #tpu.memory_space<vmem>>, vector<1x1280x128xf32>
    %swap3A_30 = vector.shape_cast %swap3A_29 : vector<1x1280x128xf32> to vector<1280x128xf32>
    %swap3A_31 = vector.shape_cast %slice3A_25 : vector<1280x128xf32> to vector<1x1280x128xf32>
    tpu.vector_store %arg4[%swap3A_26, %swap3A_27, %swap3A_28], %swap3A_31 {strides = array<i32>} : memref<4x1280x128xf32, #tpu.memory_space<vmem>>, vector<1x1280x128xf32>,
    %slice3A_32 = vector.extract_strided_slice %dot_general3A_12 {offsets = [0, 384], sizes = [1280, 128], strides = [1, 1]} : vector<1280x512xf32> to vector<1280x128xf32>
    %swap3A_33 = arith.constant 3 : index
    %swap3A_34 = arith.constant 0 : index
    %swap3A_35 = arith.constant 0 : index
    %swap3A_36 = vector.load %arg4[%swap3A_33, %swap3A_34, %swap3A_35] : memref<4x1280x128xf32, #tpu.memory_space<vmem>>, vector<1x1280x128xf32>
    %swap3A_37 = vector.shape_cast %swap3A_36 : vector<1x1280x128xf32> to vector<1280x128xf32>
    %swap3A_38 = vector.shape_cast %slice3A_32 : vector<1280x128xf32> to vector<1x1280x128xf32>
    tpu.vector_store %arg4[%swap3A_33, %swap3A_34, %swap3A_35], %swap3A_38 {strides = array<i32>} : memref<4x1280x128xf32, #tpu.memory_space<vmem>>, vector<1x1280x128xf32>,
    return
  }
  func.func @transform_0(%arg0: i32) -> (i32, i32) {
    %c0_i32 = arith.constant 0 : i32
    %c0_i32_0 = arith.constant 0 : i32
    return %arg0, %c0_i32 : i32, i32
  }
  func.func @transform_1(%arg0: i32) -> (i32, i32, i32) {
    %c0_i32 = arith.constant 0 : i32
    %c0_i32_0 = arith.constant 0 : i32
    %c0_i32_1 = arith.constant 0 : i32
    return %c0_i32, %arg0, %c0_i32_0 : i32, i32, i32
  }
  func.func @transform_2(%arg0: i32) -> (i32, i32) {
    %c0_i32 = arith.constant 0 : i32
    %c0_i32_0 = arith.constant 0 : i32
    %c0_i32_1 = arith.constant 0 : i32
    return %c0_i32, %c0_i32_0 : i32, i32
  }
  func.func @transform_3(%arg0: i32) -> (i32, i32, i32) {
    %c0_i32 = arith.constant 0 : i32
    %c0_i32_0 = arith.constant 0 : i32
    %c0_i32_1 = arith.constant 0 : i32
    return %c0_i32, %arg0, %c0_i32_0 : i32, i32, i32
  }
}

module attributes {stable_mosaic.version = 14 : i64} {
  func.func @body(%arg0: i32, %arg1: memref<1280x1xf32, #tpu.memory_space<vmem>>, %arg2: memref<4x1280x128xf32, #tpu.memory_space<vmem>>, %arg3: memref<512x512xf32, #tpu.memory_space<vmem>>, %arg4: memref<4x1280x128xf32, #tpu.memory_space<vmem>>) attributes {dimension_semantics = [#tpu.dimension_semantics<arbitrary>], iteration_bounds = array<i64: 8>, scalar_prefetch = 0 : i64, scratch_operands = 0 : i64, tpu.core_type = #tpu.core_type<tc>, window_params = [{transform_indices = @transform_0, window_bounds = array<i64: 1280, 1>}, {transform_indices = @transform_1, window_bounds = array<i64: 4, 1280, 128>}, {pipeline_mode = #tpu.pipeline_mode<synchronous>, transform_indices = @transform_2, window_bounds = array<i64: 512, 512>}, {transform_indices = @transform_3, window_bounds = array<i64: 4, 1280, 128>}]} {
    %get3A = arith.constant 0 : index
    %get3A_0 = arith.constant 0 : index
    %get3A_1 = arith.constant 0 : index
    %get3A_2 = vector.load %arg2[%get3A, %get3A_0, %get3A_1] : memref<4x1280x128xf32, #tpu.memory_space<vmem>>, vector<1x1280x128xf32>
    %get3A_3 = vector.shape_cast %get3A_2 : vector<1x1280x128xf32> to vector<1280x128xf32>
    %get3A_4 = arith.constant 0 : index
    %get3A_5 = arith.constant 0 : index
    %get3A_6 = vector.load %arg1[%get3A_4, %get3A_5] : memref<1280x1xf32, #tpu.memory_space<vmem>>, vector<1280x1xf32>
    %mul3A = vector.broadcast %get3A_6 : vector<1280x1xf32> to vector<1280x128xf32>
    %mul3A_7 = arith.mulf %get3A_3, %mul3A : vector<1280x128xf32>
    %max3A = arith.constant 0.000000e+00 : f32
    %max3A_8 = vector.broadcast %max3A : f32 to vector<1280x128xf32>
    %max3A_9 = arith.maximumf %mul3A_7, %max3A_8 : vector<1280x128xf32>
    %get3A_10 = arith.constant 1 : index
    %get3A_11 = arith.constant 0 : index
    %get3A_12 = arith.constant 0 : index
    %get3A_13 = vector.load %arg2[%get3A_10, %get3A_11, %get3A_12] : memref<4x1280x128xf32, #tpu.memory_space<vmem>>, vector<1x1280x128xf32>
    %get3A_14 = vector.shape_cast %get3A_13 : vector<1x1280x128xf32> to vector<1280x128xf32>
    %get3A_15 = arith.constant 0 : index
    %get3A_16 = arith.constant 0 : index
    %get3A_17 = vector.load %arg1[%get3A_15, %get3A_16] : memref<1280x1xf32, #tpu.memory_space<vmem>>, vector<1280x1xf32>
    %mul3A_18 = vector.broadcast %get3A_17 : vector<1280x1xf32> to vector<1280x128xf32>
    %mul3A_19 = arith.mulf %get3A_14, %mul3A_18 : vector<1280x128xf32>
    %max3A_20 = arith.constant 0.000000e+00 : f32
    %max3A_21 = vector.broadcast %max3A_20 : f32 to vector<1280x128xf32>
    %max3A_22 = arith.maximumf %mul3A_19, %max3A_21 : vector<1280x128xf32>
    %get3A_23 = arith.constant 2 : index
    %get3A_24 = arith.constant 0 : index
    %get3A_25 = arith.constant 0 : index
    %get3A_26 = vector.load %arg2[%get3A_23, %get3A_24, %get3A_25] : memref<4x1280x128xf32, #tpu.memory_space<vmem>>, vector<1x1280x128xf32>
    %get3A_27 = vector.shape_cast %get3A_26 : vector<1x1280x128xf32> to vector<1280x128xf32>
    %get3A_28 = arith.constant 0 : index
    %get3A_29 = arith.constant 0 : index
    %get3A_30 = vector.load %arg1[%get3A_28, %get3A_29] : memref<1280x1xf32, #tpu.memory_space<vmem>>, vector<1280x1xf32>
    %mul3A_31 = vector.broadcast %get3A_30 : vector<1280x1xf32> to vector<1280x128xf32>
    %mul3A_32 = arith.mulf %get3A_27, %mul3A_31 : vector<1280x128xf32>
    %max3A_33 = arith.constant 0.000000e+00 : f32
    %max3A_34 = vector.broadcast %max3A_33 : f32 to vector<1280x128xf32>
    %max3A_35 = arith.maximumf %mul3A_32, %max3A_34 : vector<1280x128xf32>
    %get3A_36 = arith.constant 3 : index
    %get3A_37 = arith.constant 0 : index
    %get3A_38 = arith.constant 0 : index
    %get3A_39 = vector.load %arg2[%get3A_36, %get3A_37, %get3A_38] : memref<4x1280x128xf32, #tpu.memory_space<vmem>>, vector<1x1280x128xf32>
    %get3A_40 = vector.shape_cast %get3A_39 : vector<1x1280x128xf32> to vector<1280x128xf32>
    %get3A_41 = arith.constant 0 : index
    %get3A_42 = arith.constant 0 : index
    %get3A_43 = vector.load %arg1[%get3A_41, %get3A_42] : memref<1280x1xf32, #tpu.memory_space<vmem>>, vector<1280x1xf32>
    %mul3A_44 = vector.broadcast %get3A_43 : vector<1280x1xf32> to vector<1280x128xf32>
    %mul3A_45 = arith.mulf %get3A_40, %mul3A_44 : vector<1280x128xf32>
    %max3A_46 = arith.constant 0.000000e+00 : f32
    %max3A_47 = vector.broadcast %max3A_46 : f32 to vector<1280x128xf32>
    %max3A_48 = arith.maximumf %mul3A_45, %max3A_47 : vector<1280x128xf32>
    %concatenate3A = tpu.concatenate %max3A_9, %max3A_22, %max3A_35, %max3A_48 in 1 : vector<1280x128xf32>, vector<1280x128xf32>, vector<1280x128xf32>, vector<1280x128xf32> -> vector<1280x512xf32>
    %get3A_49 = arith.constant 0 : index
    %get3A_50 = arith.constant 0 : index
    %get3A_51 = vector.load %arg3[%get3A_49, %get3A_50] : memref<512x512xf32, #tpu.memory_space<vmem>>, vector<512x512xf32>
    %dot_general3A = arith.constant dense<0.000000e+00> : vector<1280x512xf32>
    %dot_general3A_52 = tpu.matmul %concatenate3A, %get3A_51, %dot_general3A {dimension_numbers = #tpu.dot_dimension_numbers<[1], [0], [0], [1], [0, 0, 1, 1], [], []>, transpose_lhs_hint = false} : vector<1280x512xf32>, vector<512x512xf32>, vector<1280x512xf32> -> vector<1280x512xf32>
    %slice3A = vector.extract_strided_slice %dot_general3A_52 {offsets = [0, 0], sizes = [1280, 128], strides = [1, 1]} : vector<1280x512xf32> to vector<1280x128xf32>
    %swap3A = arith.constant 0 : index
    %swap3A_53 = arith.constant 0 : index
    %swap3A_54 = arith.constant 0 : index
    %swap3A_55 = vector.load %arg4[%swap3A, %swap3A_53, %swap3A_54] : memref<4x1280x128xf32, #tpu.memory_space<vmem>>, vector<1x1280x128xf32>
    %swap3A_56 = vector.shape_cast %swap3A_55 : vector<1x1280x128xf32> to vector<1280x128xf32>
    %swap3A_57 = vector.shape_cast %slice3A : vector<1280x128xf32> to vector<1x1280x128xf32>
    tpu.vector_store %arg4[%swap3A, %swap3A_53, %swap3A_54], %swap3A_57 {strides = array<i32>} : memref<4x1280x128xf32, #tpu.memory_space<vmem>>, vector<1x1280x128xf32>,
    %slice3A_58 = vector.extract_strided_slice %dot_general3A_52 {offsets = [0, 128], sizes = [1280, 128], strides = [1, 1]} : vector<1280x512xf32> to vector<1280x128xf32>
    %swap3A_59 = arith.constant 1 : index
    %swap3A_60 = arith.constant 0 : index
    %swap3A_61 = arith.constant 0 : index
    %swap3A_62 = vector.load %arg4[%swap3A_59, %swap3A_60, %swap3A_61] : memref<4x1280x128xf32, #tpu.memory_space<vmem>>, vector<1x1280x128xf32>
    %swap3A_63 = vector.shape_cast %swap3A_62 : vector<1x1280x128xf32> to vector<1280x128xf32>
    %swap3A_64 = vector.shape_cast %slice3A_58 : vector<1280x128xf32> to vector<1x1280x128xf32>
    tpu.vector_store %arg4[%swap3A_59, %swap3A_60, %swap3A_61], %swap3A_64 {strides = array<i32>} : memref<4x1280x128xf32, #tpu.memory_space<vmem>>, vector<1x1280x128xf32>,
    %slice3A_65 = vector.extract_strided_slice %dot_general3A_52 {offsets = [0, 256], sizes = [1280, 128], strides = [1, 1]} : vector<1280x512xf32> to vector<1280x128xf32>
    %swap3A_66 = arith.constant 2 : index
    %swap3A_67 = arith.constant 0 : index
    %swap3A_68 = arith.constant 0 : index
    %swap3A_69 = vector.load %arg4[%swap3A_66, %swap3A_67, %swap3A_68] : memref<4x1280x128xf32, #tpu.memory_space<vmem>>, vector<1x1280x128xf32>
    %swap3A_70 = vector.shape_cast %swap3A_69 : vector<1x1280x128xf32> to vector<1280x128xf32>
    %swap3A_71 = vector.shape_cast %slice3A_65 : vector<1280x128xf32> to vector<1x1280x128xf32>
    tpu.vector_store %arg4[%swap3A_66, %swap3A_67, %swap3A_68], %swap3A_71 {strides = array<i32>} : memref<4x1280x128xf32, #tpu.memory_space<vmem>>, vector<1x1280x128xf32>,
    %slice3A_72 = vector.extract_strided_slice %dot_general3A_52 {offsets = [0, 384], sizes = [1280, 128], strides = [1, 1]} : vector<1280x512xf32> to vector<1280x128xf32>
    %swap3A_73 = arith.constant 3 : index
    %swap3A_74 = arith.constant 0 : index
    %swap3A_75 = arith.constant 0 : index
    %swap3A_76 = vector.load %arg4[%swap3A_73, %swap3A_74, %swap3A_75] : memref<4x1280x128xf32, #tpu.memory_space<vmem>>, vector<1x1280x128xf32>
    %swap3A_77 = vector.shape_cast %swap3A_76 : vector<1x1280x128xf32> to vector<1280x128xf32>
    %swap3A_78 = vector.shape_cast %slice3A_72 : vector<1280x128xf32> to vector<1x1280x128xf32>
    tpu.vector_store %arg4[%swap3A_73, %swap3A_74, %swap3A_75], %swap3A_78 {strides = array<i32>} : memref<4x1280x128xf32, #tpu.memory_space<vmem>>, vector<1x1280x128xf32>,
    return
  }
  func.func @transform_0(%arg0: i32) -> (i32, i32) {
    %c0_i32 = arith.constant 0 : i32
    %c0_i32_0 = arith.constant 0 : i32
    return %arg0, %c0_i32 : i32, i32
  }
  func.func @transform_1(%arg0: i32) -> (i32, i32, i32) {
    %c0_i32 = arith.constant 0 : i32
    %c0_i32_0 = arith.constant 0 : i32
    %c0_i32_1 = arith.constant 0 : i32
    return %c0_i32, %arg0, %c0_i32_0 : i32, i32, i32
  }
  func.func @transform_2(%arg0: i32) -> (i32, i32) {
    %c0_i32 = arith.constant 0 : i32
    %c0_i32_0 = arith.constant 0 : i32
    %c0_i32_1 = arith.constant 0 : i32
    return %c0_i32, %c0_i32_0 : i32, i32
  }
  func.func @transform_3(%arg0: i32) -> (i32, i32, i32) {
    %c0_i32 = arith.constant 0 : i32
    %c0_i32_0 = arith.constant 0 : i32
    %c0_i32_1 = arith.constant 0 : i32
    return %c0_i32, %arg0, %c0_i32_0 : i32, i32, i32
  }
}

module attributes {stable_mosaic.version = 14 : i64} {
  func.func @body(%arg0: i32, %arg1: memref<1000x1xf32, #tpu.memory_space<vmem>>, %arg2: memref<4x1000x128xf32, #tpu.memory_space<vmem>>, %arg3: memref<1000x512xf32, #tpu.memory_space<vmem>>) attributes {dimension_semantics = [#tpu.dimension_semantics<arbitrary>], iteration_bounds = array<i64: 10>, scalar_prefetch = 0 : i64, scratch_operands = 0 : i64, tpu.core_type = #tpu.core_type<tc>, window_params = [{transform_indices = @transform_0, window_bounds = array<i64: 1000, 1>}, {transform_indices = @transform_1, window_bounds = array<i64: 4, 1000, 128>}, {transform_indices = @transform_2, window_bounds = array<i64: 1000, 512>}]} {
    %get3A = arith.constant 0 : index
    %get3A_0 = arith.constant 0 : index
    %get3A_1 = arith.constant 0 : index
    %get3A_2 = vector.load %arg2[%get3A, %get3A_0, %get3A_1] : memref<4x1000x128xf32, #tpu.memory_space<vmem>>, vector<1x1000x128xf32>
    %get3A_3 = vector.shape_cast %get3A_2 : vector<1x1000x128xf32> to vector<1000x128xf32>
    %get3A_4 = arith.constant 0 : index
    %get3A_5 = arith.constant 0 : index
    %get3A_6 = vector.load %arg1[%get3A_4, %get3A_5] : memref<1000x1xf32, #tpu.memory_space<vmem>>, vector<1000x1xf32>
    %mul3A = vector.broadcast %get3A_6 : vector<1000x1xf32> to vector<1000x128xf32>
    %mul3A_7 = arith.mulf %get3A_3, %mul3A : vector<1000x128xf32>
    %swap3A = arith.constant 0 : index
    %swap3A_8 = arith.constant 0 : index
    %swap3A_9 = vector.load %arg3[%swap3A, %swap3A_8] : memref<1000x512xf32, #tpu.memory_space<vmem>>, vector<1000x128xf32>
    tpu.vector_store %arg3[%swap3A, %swap3A_8], %mul3A_7 {strides = array<i32>} : memref<1000x512xf32, #tpu.memory_space<vmem>>, vector<1000x128xf32>,
    %get3A_10 = arith.constant 1 : index
    %get3A_11 = arith.constant 0 : index
    %get3A_12 = arith.constant 0 : index
    %get3A_13 = vector.load %arg2[%get3A_10, %get3A_11, %get3A_12] : memref<4x1000x128xf32, #tpu.memory_space<vmem>>, vector<1x1000x128xf32>
    %get3A_14 = vector.shape_cast %get3A_13 : vector<1x1000x128xf32> to vector<1000x128xf32>
    %get3A_15 = arith.constant 0 : index
    %get3A_16 = arith.constant 0 : index
    %get3A_17 = vector.load %arg1[%get3A_15, %get3A_16] : memref<1000x1xf32, #tpu.memory_space<vmem>>, vector<1000x1xf32>
    %mul3A_18 = vector.broadcast %get3A_17 : vector<1000x1xf32> to vector<1000x128xf32>
    %mul3A_19 = arith.mulf %get3A_14, %mul3A_18 : vector<1000x128xf32>
    %swap3A_20 = arith.constant 0 : index
    %swap3A_21 = arith.constant 128 : index
    %swap3A_22 = vector.load %arg3[%swap3A_20, %swap3A_21] : memref<1000x512xf32, #tpu.memory_space<vmem>>, vector<1000x128xf32>
    tpu.vector_store %arg3[%swap3A_20, %swap3A_21], %mul3A_19 {strides = array<i32>} : memref<1000x512xf32, #tpu.memory_space<vmem>>, vector<1000x128xf32>,
    %get3A_23 = arith.constant 2 : index
    %get3A_24 = arith.constant 0 : index
    %get3A_25 = arith.constant 0 : index
    %get3A_26 = vector.load %arg2[%get3A_23, %get3A_24, %get3A_25] : memref<4x1000x128xf32, #tpu.memory_space<vmem>>, vector<1x1000x128xf32>
    %get3A_27 = vector.shape_cast %get3A_26 : vector<1x1000x128xf32> to vector<1000x128xf32>
    %get3A_28 = arith.constant 0 : index
    %get3A_29 = arith.constant 0 : index
    %get3A_30 = vector.load %arg1[%get3A_28, %get3A_29] : memref<1000x1xf32, #tpu.memory_space<vmem>>, vector<1000x1xf32>
    %mul3A_31 = vector.broadcast %get3A_30 : vector<1000x1xf32> to vector<1000x128xf32>
    %mul3A_32 = arith.mulf %get3A_27, %mul3A_31 : vector<1000x128xf32>
    %swap3A_33 = arith.constant 0 : index
    %swap3A_34 = arith.constant 256 : index
    %swap3A_35 = vector.load %arg3[%swap3A_33, %swap3A_34] : memref<1000x512xf32, #tpu.memory_space<vmem>>, vector<1000x128xf32>
    tpu.vector_store %arg3[%swap3A_33, %swap3A_34], %mul3A_32 {strides = array<i32>} : memref<1000x512xf32, #tpu.memory_space<vmem>>, vector<1000x128xf32>,
    %get3A_36 = arith.constant 3 : index
    %get3A_37 = arith.constant 0 : index
    %get3A_38 = arith.constant 0 : index
    %get3A_39 = vector.load %arg2[%get3A_36, %get3A_37, %get3A_38] : memref<4x1000x128xf32, #tpu.memory_space<vmem>>, vector<1x1000x128xf32>
    %get3A_40 = vector.shape_cast %get3A_39 : vector<1x1000x128xf32> to vector<1000x128xf32>
    %get3A_41 = arith.constant 0 : index
    %get3A_42 = arith.constant 0 : index
    %get3A_43 = vector.load %arg1[%get3A_41, %get3A_42] : memref<1000x1xf32, #tpu.memory_space<vmem>>, vector<1000x1xf32>
    %mul3A_44 = vector.broadcast %get3A_43 : vector<1000x1xf32> to vector<1000x128xf32>
    %mul3A_45 = arith.mulf %get3A_40, %mul3A_44 : vector<1000x128xf32>
    %swap3A_46 = arith.constant 0 : index
    %swap3A_47 = arith.constant 384 : index
    %swap3A_48 = vector.load %arg3[%swap3A_46, %swap3A_47] : memref<1000x512xf32, #tpu.memory_space<vmem>>, vector<1000x128xf32>
    tpu.vector_store %arg3[%swap3A_46, %swap3A_47], %mul3A_45 {strides = array<i32>} : memref<1000x512xf32, #tpu.memory_space<vmem>>, vector<1000x128xf32>,
    return
  }
  func.func @transform_0(%arg0: i32) -> (i32, i32) {
    %c0_i32 = arith.constant 0 : i32
    %c0_i32_0 = arith.constant 0 : i32
    return %arg0, %c0_i32 : i32, i32
  }
  func.func @transform_1(%arg0: i32) -> (i32, i32, i32) {
    %c0_i32 = arith.constant 0 : i32
    %c0_i32_0 = arith.constant 0 : i32
    %c0_i32_1 = arith.constant 0 : i32
    return %c0_i32, %arg0, %c0_i32_0 : i32, i32, i32
  }
  func.func @transform_2(%arg0: i32) -> (i32, i32) {
    %c0_i32 = arith.constant 0 : i32
    %c0_i32_0 = arith.constant 0 : i32
    return %arg0, %c0_i32 : i32, i32
  }
}

</mosaic_0001>

<sc_bundles>
// kernel: kernel.12.cloned.1.call-start
scs
__scs_entry_jumppad:
0x0: {  	(pc) =	sbr.rel $0x88, $3  }
0x1: {  	(tag) =	ssettag $0x0;
	lr =	simm.s32 $0x1  }
0x2: {  	[smem:$0x3F9B] =	sst lr;
	_ =	strace $0xD0000000  }
0x3: {  	_ = 	snop  }
0x4: {  	_ = 	snop  }
0x5: {  	_ = 	snop  }
0x6: {  	_ = 	snop  }
0x7: {  	_ = 	snop  }
__scs_overlays_trampoline_lowered:
0x8: {  	[smem:$0x3FAA] =	sst s0  }
0x9: {  	[smem:$0x3FAB] =	sst s1  }
0xa: {  	[smem:$0x3FAC] =	sst s2  }
0xb: {  	[smem:$0x3FAD] =	sst s3  }
0xc: {  	[smem:$0x3FAE] =	sst s4  }
0xd: {  	[smem:$0x3FAF] =	sst s5  }
0xe: {  	[smem:$0x3FB0] =	sst s6  }
0xf: {  	[smem:$0x3FB1] =	sst s7  }
0x10: {  	[smem:$0x3FB2] =	sst s8  }
0x11: {  	[smem:$0x3FB3] =	sst s9;
	s0 =	simm.s32 @!p0 $0x0  }
0x12: {  	s1 =	sld [smem:$0x3F99];
	s0 =	simm.s32 @p0 $0x1  }
0x13: {  	[smem:$0x3FB4] =	sst s0;
	s0 =	simm.s32 @!p1 $0x0  }
0x14: {  	s2 =	sld [smem:$0x3F98];
	s0 =	simm.s32 @p1 $0x1  }
0x15: {  	[smem:$0x3FB5] =	sst s0;
	s0 =	simm.s32 @!p2 $0x0  }
0x16: {  	s3 =	sld [smem:$0x3FDB];
	s0 =	simm.s32 @p2 $0x1  }
0x17: {  	s4 =	simm.s32 $0x1BF5;
	[smem:$0x3FB7] =	sst s0  }
0x18: {  	s0 =	sld [smem:$0x3F9A];
	_ =	swait.ge [sflag:s4], $0x0  }
0x19: {  	s7 =	sld [smem:$0x3F9B]  }
0x1a: {  	s8 =	sadd.s32 $0xFFFFE003, lr  }
0x1b: {  	s9 =	sadd.s32 $0xFFFFFEF7, lr;
	s5 =	simm.s32 $0xFFFFFFFF;
	p2 =	slt.u32 s8, $0xFFFFF086  }
0x1c: {  	p1 =	slt.u32 s9, $0xF7A;
	s5 =	simm.s32 @!p2 $0x0  }
0x1d: {  	s5 =	simm.s32 @p1 $0x1;
	p0 =	seq.s32 s7, s2  }
0x1e: {  	s7 =	smul.u32 @!p0 $0xF7A, s2;
	p2 =	seq.s32 @!p0 s5, $0x0  }
0x1f: {  	s9 =	smul.u32 $0xF7A, s1;
	s8 =	simm.s32 @!p0 $0x1BF5;
	p2 =	por !p2, p0  }
0x20: {  	[sflag:s8] =	ssyncset.s32 @!p0 $0xFFFFF086;
	s6 =	sadd.s32 @!p0 s3, s7;
	s7 =	simm.s32 @!p0 $0x108  }
0x21: {  	s3 =	sadd.s32 s3, s9;
	s6 =	sadd.s32 @!p0 $0x88, s6;
	s7 =	simm.s32 @p2 $0x1082  }
0x22: {  	[simem:s7], [sflag:s8] =	dma.local @!p0 [hbm:s6], $0xF7A  }
0x23: {  	s9 =	sor.u32 $0xD0000000, s2;
	s6 =	simm.s32 $0x108;
	_ =	swait.ge @!p0 [sflag:s8], $0x0  }
0x24: {  	s3 =	sadd.s32 $0x88, s3;
	s6 =	simm.s32 @!p1 $0x1082;
	[sflag:s4] =	ssyncset.s32 $0xFFFFF086  }
0x25: {  	[simem:s6], [sflag:s4] =	dma.local [hbm:s3], $0xF7A  }
0x26: {  	[smem:$0x3F9B] =	sst s1;
	(tag) =	ssettag s2;
	_ =	strace s9  }
0x27: {  	s1 =	sld [smem:$0x3FAB]  }
0x28: {  	s2 =	sld [smem:$0x3FAC]  }
0x29: {  	s4 =	sld [smem:$0x3FAE]  }
0x2a: {  	p0 =	seq.s32 s5, $0x0;
	s5 =	sld [smem:$0x3FAF]  }
0x2b: {  	s6 =	sld [smem:$0x3FB0]  }
0x2c: {  	s7 =	sld [smem:$0x3FB1]  }
0x2d: {  	s3 =	simm.s32 $0x108;
	s8 =	sld [smem:$0x3FB2]  }
0x2e: {  	s3 =	simm.s32 @!p0 $0x1082;
	s9 =	sld [smem:$0x3FB3]  }
0x2f: {  	lr =	sadd.s32 s0, s3;
	s0 =	sld [smem:$0x3FAA]  }
0x30: {  	s3 =	sld [smem:$0x3FAD]  }
0x31: {  	[smem:$0x3FB6] =	sst s10  }
0x32: {  	s10 =	sld [smem:$0x3FB4];
	_ =	sdelay $0x3  }
0x33: {  	p0 =	seq.s32 s10, $0x1;
	s10 =	sld [smem:$0x3FB6];
	_ =	sdelay $0x3  }
0x34: {  	[smem:$0x3FB6] =	sst s10  }
0x35: {  	s10 =	sld [smem:$0x3FB5];
	_ =	sdelay $0x3  }
0x36: {  	p1 =	seq.s32 s10, $0x1;
	s10 =	sld [smem:$0x3FB6];
	_ =	sdelay $0x3  }
0x37: {  	[smem:$0x3FB6] =	sst s10  }
0x38: {  	s10 =	sld [smem:$0x3FB7]  }
0x39: {  	_ = 	snop;
	(pc) =	sbr.ind lr, $3  }
0x3a: {  	_ = 	snop  }
0x3b: {  	_ = 	snop  }
0x3c: {  	p2 =	seq.s32 s10, $0x1;
	s10 =	sld [smem:$0x3FB6]  }
0x3d: {  	_ =	shalt  }
0x3e: {  	_ =	shalt  }
0x3f: {  	_ =	shalt  }
0x40: {  	_ =	shalt  }
0x41: {  	_ =	shalt  }
0x42: {  	_ =	shalt  }
0x43: {  	_ =	shalt  }
0x44: {  	_ =	shalt  }
0x45: {  	_ =	shalt  }
0x46: {  	_ =	shalt  }
0x47: {  	_ =	shalt  }
0x48: {  	_ =	shalt  }
0x49: {  	_ =	shalt  }
0x4a: {  	_ =	shalt  }
0x4b: {  	_ =	shalt  }
0x4c: {  	_ =	shalt  }
0x4d: {  	_ =	shalt  }
0x4e: {  	_ =	shalt  }
0x4f: {  	_ =	shalt  }
0x50: {  	_ =	shalt  }
0x51: {  	_ =	shalt  }
0x52: {  	_ =	shalt  }
0x53: {  	_ =	shalt  }
0x54: {  	_ =	shalt  }
0x55: {  	_ =	shalt  }
0x56: {  	_ =	shalt  }
0x57: {  	_ =	shalt  }
0x58: {  	_ =	shalt  }
0x59: {  	_ =	shalt  }
0x5a: {  	_ =	shalt  }
0x5b: {  	_ =	shalt  }
0x5c: {  	_ =	shalt  }
0x5d: {  	_ =	shalt  }
0x5e: {  	_ =	shalt  }
0x5f: {  	_ =	shalt  }
0x60: {  	_ =	shalt  }
0x61: {  	_ =	shalt  }
0x62: {  	_ =	shalt  }
0x63: {  	_ =	shalt  }
0x64: {  	_ =	shalt  }
0x65: {  	_ =	shalt  }
0x66: {  	_ =	shalt  }
0x67: {  	_ =	shalt  }
0x68: {  	_ =	shalt  }
0x69: {  	_ =	shalt  }
0x6a: {  	_ =	shalt  }
0x6b: {  	_ =	shalt  }
0x6c: {  	_ =	shalt  }
0x6d: {  	_ =	shalt  }
0x6e: {  	_ =	shalt  }
0x6f: {  	_ =	shalt  }
0x70: {  	_ =	shalt  }
0x71: {  	_ =	shalt  }
0x72: {  	_ =	shalt  }
0x73: {  	_ =	shalt  }
0x74: {  	_ =	shalt  }
0x75: {  	_ =	shalt  }
0x76: {  	_ =	shalt  }
0x77: {  	_ =	shalt  }
0x78: {  	_ =	shalt  }
0x79: {  	_ =	shalt  }
0x7a: {  	_ =	shalt  }
0x7b: {  	_ =	shalt  }
0x7c: {  	_ =	shalt  }
0x7d: {  	_ =	shalt  }
0x7e: {  	_ =	shalt  }
0x7f: {  	_ =	shalt  }
0x80: {  	_ =	shalt  }
0x81: {  	_ =	shalt  }
0x82: {  	_ =	shalt  }
0x83: {  	_ =	shalt  }
0x84: {  	_ =	shalt  }
0x85: {  	_ =	shalt  }
0x86: {  	_ =	shalt  }
0x87: {  	_ =	shalt  }
.Lfunc_end0:
.L_simem_size_0:
called_computation_lowered:
.L_overlay_start_0:
0x88: {  	s2 =	sld [smem:$0x3FD9]  }
0x89: {  	s3 =	sld [smem:$0x3FFE];
	_ =	sdelay $0x1  }
0x8a: {  	s1 =	srdreg.scid  }
0x8b: {  	s0 =	sand.u32 $0x1, s1  }
0x8c: {  	s17 =	sshll.u32 s0, $0xA;
	s2 =	sadd.s32 s3, s2  }
0x8d: {  	s2 =	sadd.s32 s2, s17  }
0x8e: {  	[smem:$0x3FC2] =	sst s2  }
0x8f: {  	_ = 	snop  }
0x90: {  	s2 =	sld [smem:$0x3FD0];
	(tm) =	ssettm $0x1  }
0x91: {  	s18 =	sld [smem:$0x3FFB];
	_ =	sdelay $0x3  }
0x92: {  	_ =	strace s18  }
0x93: {  	s3 =	sld [smem:$0x3FFC];
	_ =	sdelay $0x3  }
0x94: {  	_ =	strace s3  }
0x95: {  	s3 =	sld [smem:$0x3FFD];
	_ =	sdelay $0x3  }
0x96: {  	_ =	strace s3  }
0x97: {  	_ =	strace $0x8FFFFFFF  }
0x98: {  	s19 =	sld [smem:$0x3FDB];
	_ =	sdelay $0x1  }
0x99: {  	s4 =	simm.s32 $_scs_section_size  }
0x9a: {  	s5 =	simm.s32 $_size__tile_overlayer_lowered;
	s6 =	simm.s32 $_tile_overlayer_lowered  }
0x9b: {  	s22 =	simm.s32 $0x1BFF;
	s21 =	sshll.u32 s6, $0x1;
	s3 =	sadd.s32 s4, s19  }
0x9c: {  	s7 =	simm.s32 $0x0;
	s20 =	sshll.u32 s5, $0x1;
	s5 =	sadd.s32 s21, s3  }
0x9d: {  	[timem:s7], [sflag:s22] =	dma.local [hbm:s5], s20  }
0x9e: {  	_ =	swait.ge [sflag:s22], s20  }
0x9f: {  	s4 =	ssub.s32 $0x0, s20;
	[sflag:s22] =	ssyncset.done $0x0  }
0xa0: {  	[sflag:s22] =	ssyncadd.s32 s4;
	_ =	sdelay $0x1  }
0xa1: {  	s23 =	simm.s32 $0x1B8B  }
0xa2: {  	_ =	swait.ge [sflag:s23], $0x1  }
0xa3: {  	[sflag:s23] =	ssyncset.done $0x0  }
0xa4: {  	s25 =	simm.s32 $0x1B8E;
	s24 =	sld [smem:$0x3FFE];
	[sflag:s23] =	ssyncadd.s32 $0xFFFFFFFF  }
0xa5: {  	s26 =	simm.s32 $execute0_lowered;
	[smem:$0x3FD2] =	sst s25  }
0xa6: {  	s5 =	sshll.u32 s26, $0x1;
	_ =	strace $0x80000046;
	[dreg:$0x1] =	wrdreg $0xFFFFFFFF  }
0xa7: {  	s28 =	simm.s32 $_size_execute0_lowered;
	s3 =	sadd.s32 s3, s5;
	[dreg:$0x0] =	wrdreg $0x0  }
0xa8: {  	s5 =	sshll.u32 s28, $0x1;
	[dreg:$0x2] =	wrdreg s3  }
0xa9: {  	[dreg:$0x3] =	wrdreg s5  }
0xaa: {  	[dreg:$0x4] =	wrdreg $0xC0  }
0xab: {  	_ =	task [dreg:s7], $0x5FFFF  }
0xac: {  	[dreg:$0x1] =	wrdreg $0xFFFFFFFF  }
0xad: {  	[dreg:$0x0] =	wrdreg $0x60  }
0xae: {  	[dreg:$0x2] =	wrdreg s24  }
0xaf: {  	[dreg:$0x3] =	wrdreg s2  }
0xb0: {  	[dreg:$0x4] =	wrdreg $0x68000  }
0xb1: {  	[dreg:$0x5] =	wrdreg $0x9  }
0xb2: {  	_ =	task.clear_ibuf [dreg:s7], $0x6FFFF;
	_ =	strace $0x90000046  }
0xb3: {  	s29 =	simm.s32 $0x9;
	_ =	strace $0x80000048  }
0xb4: {  	_ =	swait.ge [sflag:s29], $0x1  }
0xb5: {  	[sflag:s29] =	ssyncadd.s32 $0xFFFFFFFF  }
0xb6: {  	_ =	strace $0x90000048  }
0xb7: {  	_ =	sfence  }
0xb8: {  	s30 =	sld [smem:$0x0];
	_ =	sdelay $0x2  }
0xb9: {  	s31 =	sshll.u32 s1, $0xD;
	s1 =	sshrl.u32 s1, $0x2  }
0xba: {  	s3 =	sand.u32 $0x4000, s31;
	s1 =	sadd.s32 s1, s30  }
0xbb: {  	s0 =	sor.u32 s3, s0;
	s1 =	sshll.u32 s1, $0x11  }
0xbc: {  	s0 =	sor.u32 s1, s0  }
0xbd: {  	s0 =	sadd.s32 $0x8F2B, s0  }
0xbe: {  	[sflag:s0] =	ssyncadd.remote.s32 $0x1  }
0xbf: {  	_ =	sfence.sel $0xFFFF  }
0xc0: {  	[dreg:$0x0] =	wrdreg $0xFFFFFFFF;
	(pc) =	sbr.abs _section_cstart, $3  }
0xc1: {  	[dreg:$0x1] =	wrdreg $0xFFFFFFFF  }
0xc2: {  	_ =	task.clear_ibuf [dreg:s7], $0x2FFFF;
	_ =	strace $0x9FFFFFFF  }
0xc3: {  	(tm) =	ssettm $0x7FFFFFFF  }
tec
execute0_lowered:
.L_overlay_start_1:
0x0: {  	(tag) =	ssettag $0x1  }
0x1: {  	s5 =	rddreg [dreg:$0x0]  }
0x2: {  	s7 =	rddreg [dreg:$0x1]  }
0x3: {  	s0 =	srdreg.scid;
	s2 =	rddreg [dreg:$0x2];
	s3 =	simm.s32 $0x0  }
0x4: {  	s12 =	simm.s32 $0x1400;
	s4 =	sand.u32 $0x1, s0;
	s0 =	stileid.u32  }
0x5: {  	s13 =	simm.s32 $0x2800;
	s16 =	simm.s32 $0x80;
	s8 =	smul.u32 $0x14000, s0  }
0x6: {  	s17 =	simm.s32 $0x0;
	[smem:$0x7FF] =	sst s3;
	s9 =	smul.u32 $0x280000, s4  }
0x7: {  	s1 =	sshll.u32 s4, $0x4;
	s10 =	ssub.s32 $0x2, s4;
	s11 =	smul.u32 $0x50000, s0  }
0x8: {  	s4 =	sadd.s32 $0xC200, s5;
	s14 =	sshll.u32 s0, $0x6;
	s1 =	sor.u32 s0, s1  }
0x9: {  	s31 =	sshrl.u32 s10, $0x1;
	s14 =	sor.u32 $0x1C01, s14;
	s6 =	smul.u32 $0x280, s1  }
0xa: {  	s1 =	rddreg [dreg:$0x3];
	_ =	strace $0x80000047;
	s9 =	sadd.s32 s8, s9  }
0xb: {  	s10 =	ssub.s32 s10, s31;
	s11 =	sshrl.u32 s11, $0x2;
	s8 =	sshrl.u32 s8, $0x3  }
0xc: {  	s9 =	sshrl.u32 s9, $0x3;
	s15 =	sadd.s32 s11, s2;
	s7 =	sadd.s32 s7, s8  }
0xd: {  	s10 =	smax.u32 s10, $0x1;
	s11 =	simm.s32 $0x1;
	s6 =	sadd.s32 s6, s5  }
0xe: {  	s9 =	sadd.s32 s9, s5;
	s15 =	sshrl.u32 s15, $0x3;
	s5 =	sadd.s32 $0x7200, s6  }
0xf: {  	s6 =	sadd.s32 $0x2200, s6;
	s8 =	sadd.s32 $0xCA00, s9;
	s9 =	sadd.s32 $0x34A00, s9  }
.LBB2_1:
0x10: {  	[tilespmem:s3], [sflag:$0x1] =	stream.linear.gather [hbm4b:s5+s3], $0x1400, $0x38;
	[tilespmem:$0x1A800] =	vst v63  }
0x11: {  	_ =	swait.ge [sflag:s11], $0x1400  }
0x12: {  	[sflag:s11] =	ssyncset.done $0x0  }
0x13: {  	[sflag:s11] =	ssyncadd.s32 $0xFFFFEC00  }
0x14: {  	[tilespmem:s12], [sflag:$0x1] =	stream.linear.gather [hbm4b:s6+s3], $0x1400, $0x38;
	[tilespmem:$0x1A800] =	vst v63  }
0x15: {  	_ =	swait.ge [sflag:s11], $0x1400  }
0x16: {  	[sflag:s11] =	ssyncset.done $0x0  }
0x17: {  	[sflag:s11] =	ssyncadd.s32 $0xFFFFEC00  }
0x18: {  	[tilespmem:s13], [sflag:$0x1] =	stream.linear.gather [hbm4b:s4+s3], $0x4000, $0x38;
	[tilespmem:$0x1A800] =	vst v63  }
0x19: {  	_ =	swait.ge [sflag:s11], $0x4000  }
0x1a: {  	[sflag:s11] =	ssyncset.done $0x0  }
0x1b: {  	[sflag:s11] =	ssyncadd.s32 $0xFFFFC000  }
0x1c: {  	[spmem:s15], [sflag:s14] =	dma.local [hbm:s7], $0x2800  }
0x1d: {  	_ =	swait.ge [sflag:s11], $0x2800  }
0x1e: {  	[sflag:s11] =	ssyncset.done $0x0  }
0x1f: {  	[sflag:s11] =	ssyncadd.s32 $0xFFFFD800  }
0x20: {  	s18 =	simm.s32 $0x0;
	[bflag:$0x0] =	sbarrier.arrive $0xFFFF  }
0x21: {  	[spmem:s2] =	stream.indirect.scatter.add.f32 [tilespmem:s13], [sflag:$0x1], $0x80, s18, s16, $0xb8;
	[tilespmem:$0x1A800] =	vst v63  }
0x22: {  	_ =	swait.ge [sflag:s11], $0x4000  }
0x23: {  	s18 =	simm.s32 $0x200;
	[sflag:s11] =	ssyncset.done $0x0  }
.LBB2_2:
0x24: {  	s19 =	sshra.s32 s18, $0x2;
	[sflag:s11] =	ssyncadd.s32 $0xFFFFC000;
	p0 =	sne.s32 s18, $0x4E00  }
0x25: {  	[spmem:s2] =	stream.indirect.scatter.add.f32 [tilespmem:s13], [sflag:$0x1], $0x80, s19, s16, $0xb8;
	[tilespmem:$0x1A800] =	vst v63  }
.Ltmp0:
0x26: {  	_ = 	snop;
	(pc) =	sbr.rel @p0 .LBB2_2-.Ltmp0, $4  }
0x27: {  	_ = 	snop  }
0x28: {  	s18 =	sadd.s32 $0x200, s18  }
0x29: {  	_ =	swait.ge [sflag:s11], $0x4000  }
0x2a: {  	[sflag:s11] =	ssyncset.done $0x0  }
0x2b: {  	[sflag:s11] =	ssyncadd.s32 $0xFFFFC000  }
0x2c: {  	[bflag:$0x0] =	sbarrier.arrive $0xFFFF  }
0x2d: {  	[hbm:s8], [sflag:s14] =	dma.local [spmem:s15], $0x2800  }
0x2e: {  	_ =	swait.ge [sflag:s11], $0x2800  }
0x2f: {  	[sflag:s11] =	ssyncset.done $0x0  }
0x30: {  	[sflag:s11] =	ssyncadd.s32 $0xFFFFD800  }
0x31: {  	[bflag:$0x0] =	sbarrier.arrive $0xFFFF  }
0x32: {  	[spmem:s15], [sflag:s14] =	dma.local [hbm:s7], $0x2800  }
0x33: {  	_ =	swait.ge [sflag:s11], $0x2800  }
0x34: {  	[sflag:s11] =	ssyncset.done $0x0  }
0x35: {  	[sflag:s11] =	ssyncadd.s32 $0xFFFFD800  }
0x36: {  	s18 =	simm.s32 $0x1400;
	[bflag:$0x0] =	sbarrier.arrive $0xFFFF  }
0x37: {  	[spmem:s2] =	stream.indirect.scatter.add.f32 [tilespmem:s13], [sflag:$0x1], $0x80, s18, s16, $0xb8;
	[tilespmem:$0x1A800] =	vst v63  }
0x38: {  	s18 =	simm.s32 $0x200;
	_ =	swait.ge [sflag:s11], $0x4000  }
.LBB2_4:
0x39: {  	s19 =	sshra.s32 s18, $0x2;
	[sflag:s11] =	ssyncset.done $0x0;
	p0 =	sne.s32 s18, $0x4E00  }
.Ltmp1:
0x3a: {  	s19 =	sadd.s32 $0x1400, s19;
	[sflag:s11] =	ssyncadd.s32 $0xFFFFC000;
	(pc) =	sbr.rel @p0 .LBB2_4-.Ltmp1, $3  }
0x3b: {  	[spmem:s2] =	stream.indirect.scatter.add.f32 [tilespmem:s13], [sflag:$0x1], $0x80, s19, s16, $0xb8;
	[tilespmem:$0x1A800] =	vst v63  }
0x3c: {  	s18 =	sadd.s32 $0x200, s18;
	_ =	sdelay $0x1  }
0x3d: {  	_ =	swait.ge [sflag:s11], $0x4000  }
0x3e: {  	[sflag:s11] =	ssyncset.done $0x0  }
0x3f: {  	s17 =	sadd.s32 $0x1, s17;
	[sflag:s11] =	ssyncadd.s32 $0xFFFFC000  }
0x40: {  	p0 =	sne.s32 s17, s10;
	[bflag:$0x0] =	sbarrier.arrive $0xFFFF  }
0x41: {  	[hbm:s9], [sflag:s14] =	dma.local [spmem:s15], $0x2800  }
.Ltmp2:
0x42: {  	_ =	swait.ge [sflag:s11], $0x2800;
	(pc) =	sbr.rel @p0 .LBB2_1-.Ltmp2, $3  }
0x43: {  	[sflag:s11] =	ssyncset.done $0x0  }
0x44: {  	[sflag:s11] =	ssyncadd.s32 $0xFFFFD800  }
0x45: {  	[bflag:$0x0] =	sbarrier.arrive $0xFFFF;
	_ =	sdelay $0x1  }
0x46: {  	_ =	sfence.sel $0x180000  }
0x47: {  	[bflag:$0x0] =	sbarrier.arrive $0xFFFF  }
0x48: {  	p0 =	sne.s32 s0, $0x0;
	_ =	strace $0x90000047  }
0x49: {  	s0 =	sadd.s32 @!p0 $0x100000, s1;
	[bflag:$0x2] =	sbarrier.arrive $0xFFFF  }
0x4a: {  	[sflag:s0] =	ssyncadd.tile.s32 @!p0 $0x1;
	_ =	shalt  }
.Lfunc_end2:
_tile_overlayer_lowered:
.L_overlay_start_2:
0x4b: {  	(tag) =	ssettag $0x2  }
0x4c: {  	s0 =	rddreg [dreg:$0x0];
	s2 =	stileid.u32  }
0x4d: {  	s1 =	rddreg [dreg:$0x1];
	p0 =	sne.s32 s2, $0x0  }
0x4e: {  	s3 =	rddreg [dreg:$0x2];
	[bflag:$0x3] =	sbarrier.arrive $0xFFFF;
	s2 =	simm.s32 @!p0 $0x1C01  }
0x4f: {  	[timem:s3], [sflag:s2] =	dma.local @!p0 [hbm:s0], s1  }
0x50: {  	s0 =	simm.s32 @!p0 $0x1  }
0x51: {  	_ =	swait.ge @!p0 [sflag:s0], s1  }
0x52: {  	s1 =	ssub.s32 @!p0 $0x0, s1;
	[sflag:s0] =	ssyncset.done @!p0 $0x0  }
0x53: {  	[sflag:s0] =	ssyncadd.s32 @!p0 s1  }
0x54: {  	[bflag:$0x3] =	sbarrier.arrive $0xFFFF  }
0x55: {  	_ =	shalt  }

// kernel: kernel.15.cloned.1.call-start
scs
__scs_entry_jumppad:
0x0: {  	(pc) =	sbr.rel $0x88, $3  }
0x1: {  	(tag) =	ssettag $0x0;
	lr =	simm.s32 $0x1  }
0x2: {  	[smem:$0x3F9B] =	sst lr;
	_ =	strace $0xD0000000  }
0x3: {  	_ = 	snop  }
0x4: {  	_ = 	snop  }
0x5: {  	_ = 	snop  }
0x6: {  	_ = 	snop  }
0x7: {  	_ = 	snop  }
__scs_overlays_trampoline_lowered:
0x8: {  	[smem:$0x3FAA] =	sst s0  }
0x9: {  	[smem:$0x3FAB] =	sst s1  }
0xa: {  	[smem:$0x3FAC] =	sst s2  }
0xb: {  	[smem:$0x3FAD] =	sst s3  }
0xc: {  	[smem:$0x3FAE] =	sst s4  }
0xd: {  	[smem:$0x3FAF] =	sst s5  }
0xe: {  	[smem:$0x3FB0] =	sst s6  }
0xf: {  	[smem:$0x3FB1] =	sst s7  }
0x10: {  	[smem:$0x3FB2] =	sst s8  }
0x11: {  	[smem:$0x3FB3] =	sst s9;
	s0 =	simm.s32 @!p0 $0x0  }
0x12: {  	s1 =	sld [smem:$0x3F99];
	s0 =	simm.s32 @p0 $0x1  }
0x13: {  	[smem:$0x3FB4] =	sst s0;
	s0 =	simm.s32 @!p1 $0x0  }
0x14: {  	s2 =	sld [smem:$0x3F98];
	s0 =	simm.s32 @p1 $0x1  }
0x15: {  	[smem:$0x3FB5] =	sst s0;
	s0 =	simm.s32 @!p2 $0x0  }
0x16: {  	s3 =	sld [smem:$0x3FDB];
	s0 =	simm.s32 @p2 $0x1  }
0x17: {  	s4 =	simm.s32 $0x1BF5;
	[smem:$0x3FB7] =	sst s0  }
0x18: {  	s0 =	sld [smem:$0x3F9A];
	_ =	swait.ge [sflag:s4], $0x0  }
0x19: {  	s7 =	sld [smem:$0x3F9B]  }
0x1a: {  	s8 =	sadd.s32 $0xFFFFE003, lr  }
0x1b: {  	s9 =	sadd.s32 $0xFFFFFEF7, lr;
	s5 =	simm.s32 $0xFFFFFFFF;
	p2 =	slt.u32 s8, $0xFFFFF086  }
0x1c: {  	p1 =	slt.u32 s9, $0xF7A;
	s5 =	simm.s32 @!p2 $0x0  }
0x1d: {  	s5 =	simm.s32 @p1 $0x1;
	p0 =	seq.s32 s7, s2  }
0x1e: {  	s7 =	smul.u32 @!p0 $0xF7A, s2;
	p2 =	seq.s32 @!p0 s5, $0x0  }
0x1f: {  	s9 =	smul.u32 $0xF7A, s1;
	s8 =	simm.s32 @!p0 $0x1BF5;
	p2 =	por !p2, p0  }
0x20: {  	[sflag:s8] =	ssyncset.s32 @!p0 $0xFFFFF086;
	s6 =	sadd.s32 @!p0 s3, s7;
	s7 =	simm.s32 @!p0 $0x108  }
0x21: {  	s3 =	sadd.s32 s3, s9;
	s6 =	sadd.s32 @!p0 $0x88, s6;
	s7 =	simm.s32 @p2 $0x1082  }
0x22: {  	[simem:s7], [sflag:s8] =	dma.local @!p0 [hbm:s6], $0xF7A  }
0x23: {  	s9 =	sor.u32 $0xD0000000, s2;
	s6 =	simm.s32 $0x108;
	_ =	swait.ge @!p0 [sflag:s8], $0x0  }
0x24: {  	s3 =	sadd.s32 $0x88, s3;
	s6 =	simm.s32 @!p1 $0x1082;
	[sflag:s4] =	ssyncset.s32 $0xFFFFF086  }
0x25: {  	[simem:s6], [sflag:s4] =	dma.local [hbm:s3], $0xF7A  }
0x26: {  	[smem:$0x3F9B] =	sst s1;
	(tag) =	ssettag s2;
	_ =	strace s9  }
0x27: {  	s1 =	sld [smem:$0x3FAB]  }
0x28: {  	s2 =	sld [smem:$0x3FAC]  }
0x29: {  	s4 =	sld [smem:$0x3FAE]  }
0x2a: {  	p0 =	seq.s32 s5, $0x0;
	s5 =	sld [smem:$0x3FAF]  }
0x2b: {  	s6 =	sld [smem:$0x3FB0]  }
0x2c: {  	s7 =	sld [smem:$0x3FB1]  }
0x2d: {  	s3 =	simm.s32 $0x108;
	s8 =	sld [smem:$0x3FB2]  }
0x2e: {  	s3 =	simm.s32 @!p0 $0x1082;
	s9 =	sld [smem:$0x3FB3]  }
0x2f: {  	lr =	sadd.s32 s0, s3;
	s0 =	sld [smem:$0x3FAA]  }
0x30: {  	s3 =	sld [smem:$0x3FAD]  }
0x31: {  	[smem:$0x3FB6] =	sst s10  }
0x32: {  	s10 =	sld [smem:$0x3FB4];
	_ =	sdelay $0x3  }
0x33: {  	p0 =	seq.s32 s10, $0x1;
	s10 =	sld [smem:$0x3FB6];
	_ =	sdelay $0x3  }
0x34: {  	[smem:$0x3FB6] =	sst s10  }
0x35: {  	s10 =	sld [smem:$0x3FB5];
	_ =	sdelay $0x3  }
0x36: {  	p1 =	seq.s32 s10, $0x1;
	s10 =	sld [smem:$0x3FB6];
	_ =	sdelay $0x3  }
0x37: {  	[smem:$0x3FB6] =	sst s10  }
0x38: {  	s10 =	sld [smem:$0x3FB7]  }
0x39: {  	_ = 	snop;
	(pc) =	sbr.ind lr, $3  }
0x3a: {  	_ = 	snop  }
0x3b: {  	_ = 	snop  }
0x3c: {  	p2 =	seq.s32 s10, $0x1;
	s10 =	sld [smem:$0x3FB6]  }
0x3d: {  	_ =	shalt  }
0x3e: {  	_ =	shalt  }
0x3f: {  	_ =	shalt  }
0x40: {  	_ =	shalt  }
0x41: {  	_ =	shalt  }
0x42: {  	_ =	shalt  }
0x43: {  	_ =	shalt  }
0x44: {  	_ =	shalt  }
0x45: {  	_ =	shalt  }
0x46: {  	_ =	shalt  }
0x47: {  	_ =	shalt  }
0x48: {  	_ =	shalt  }
0x49: {  	_ =	shalt  }
0x4a: {  	_ =	shalt  }
0x4b: {  	_ =	shalt  }
0x4c: {  	_ =	shalt  }
0x4d: {  	_ =	shalt  }
0x4e: {  	_ =	shalt  }
0x4f: {  	_ =	shalt  }
0x50: {  	_ =	shalt  }
0x51: {  	_ =	shalt  }
0x52: {  	_ =	shalt  }
0x53: {  	_ =	shalt  }
0x54: {  	_ =	shalt  }
0x55: {  	_ =	shalt  }
0x56: {  	_ =	shalt  }
0x57: {  	_ =	shalt  }
0x58: {  	_ =	shalt  }
0x59: {  	_ =	shalt  }
0x5a: {  	_ =	shalt  }
0x5b: {  	_ =	shalt  }
0x5c: {  	_ =	shalt  }
0x5d: {  	_ =	shalt  }
0x5e: {  	_ =	shalt  }
0x5f: {  	_ =	shalt  }
0x60: {  	_ =	shalt  }
0x61: {  	_ =	shalt  }
0x62: {  	_ =	shalt  }
0x63: {  	_ =	shalt  }
0x64: {  	_ =	shalt  }
0x65: {  	_ =	shalt  }
0x66: {  	_ =	shalt  }
0x67: {  	_ =	shalt  }
0x68: {  	_ =	shalt  }
0x69: {  	_ =	shalt  }
0x6a: {  	_ =	shalt  }
0x6b: {  	_ =	shalt  }
0x6c: {  	_ =	shalt  }
0x6d: {  	_ =	shalt  }
0x6e: {  	_ =	shalt  }
0x6f: {  	_ =	shalt  }
0x70: {  	_ =	shalt  }
0x71: {  	_ =	shalt  }
0x72: {  	_ =	shalt  }
0x73: {  	_ =	shalt  }
0x74: {  	_ =	shalt  }
0x75: {  	_ =	shalt  }
0x76: {  	_ =	shalt  }
0x77: {  	_ =	shalt  }
0x78: {  	_ =	shalt  }
0x79: {  	_ =	shalt  }
0x7a: {  	_ =	shalt  }
0x7b: {  	_ =	shalt  }
0x7c: {  	_ =	shalt  }
0x7d: {  	_ =	shalt  }
0x7e: {  	_ =	shalt  }
0x7f: {  	_ =	shalt  }
0x80: {  	_ =	shalt  }
0x81: {  	_ =	shalt  }
0x82: {  	_ =	shalt  }
0x83: {  	_ =	shalt  }
0x84: {  	_ =	shalt  }
0x85: {  	_ =	shalt  }
0x86: {  	_ =	shalt  }
0x87: {  	_ =	shalt  }
.Lfunc_end0:
.L_simem_size_0:
called_computation.1_lowered:
.L_overlay_start_0:
0x88: {  	s2 =	sld [smem:$0x3FD9]  }
0x89: {  	s3 =	sld [smem:$0x3FFE];
	_ =	sdelay $0x1  }
0x8a: {  	s1 =	srdreg.scid  }
0x8b: {  	s0 =	sand.u32 $0x1, s1  }
0x8c: {  	s17 =	sshll.u32 s0, $0xA;
	s2 =	sadd.s32 s3, s2  }
0x8d: {  	s2 =	sadd.s32 s2, s17  }
0x8e: {  	[smem:$0x3FC2] =	sst s2  }
0x8f: {  	_ = 	snop  }
0x90: {  	s18 =	sld [smem:$0x3FD0];
	(tm) =	ssettm $0x1  }
0x91: {  	s19 =	sld [smem:$0x3FFB];
	_ =	sdelay $0x3  }
0x92: {  	_ =	strace s19  }
0x93: {  	s2 =	sld [smem:$0x3FFC];
	_ =	sdelay $0x3  }
0x94: {  	_ =	strace s2  }
0x95: {  	s2 =	sld [smem:$0x3FFD];
	_ =	sdelay $0x3  }
0x96: {  	_ =	strace s2  }
0x97: {  	_ =	strace $0x8FFFFFFF  }
0x98: {  	s20 =	sld [smem:$0x3FDB];
	_ =	sdelay $0x1  }
0x99: {  	s4 =	simm.s32 $_scs_section_size  }
0x9a: {  	s5 =	simm.s32 $_size__tile_overlayer_lowered;
	s6 =	simm.s32 $_tile_overlayer_lowered  }
0x9b: {  	s7 =	simm.s32 $0x1BFF;
	s21 =	sshll.u32 s6, $0x1;
	s4 =	sadd.s32 s4, s20  }
0x9c: {  	s22 =	simm.s32 $0x0;
	s5 =	sshll.u32 s5, $0x1;
	s6 =	sadd.s32 s21, s4  }
0x9d: {  	[timem:s22], [sflag:s7] =	dma.local [hbm:s6], s5  }
0x9e: {  	_ =	swait.ge [sflag:s7], s5  }
0x9f: {  	s5 =	ssub.s32 $0x0, s5;
	[sflag:s7] =	ssyncset.done $0x0  }
0xa0: {  	[sflag:s7] =	ssyncadd.s32 s5;
	_ =	sdelay $0x1  }
0xa1: {  	s23 =	simm.s32 $0x1B8B  }
0xa2: {  	_ =	swait.ge [sflag:s23], $0x1  }
0xa3: {  	[sflag:s23] =	ssyncset.done $0x0  }
0xa4: {  	[sflag:s23] =	ssyncadd.s32 $0xFFFFFFFF  }
0xa5: {  	s5 =	sld [smem:$0x0]  }
0xa6: {  	s6 =	sand.u32 $0xFFFFFFFE, s1  }
0xa7: {  	p0 =	sne.s32 s1, s6  }
0xa8: {  	s6 =	sshll.u32 @p0 s6, $0xE  }
0xa9: {  	s6 =	sadd.s32 @p0 $0x11B8D, s6;
	s7 =	sshll.u32 @p0 s5, $0x11  }
0xaa: {  	s6 =	sor.u32 @p0 s7, s6  }
0xab: {  	[sflag:s6] =	ssyncadd.remote.s32 @p0 $0x1;
	_ =	sdelay $0x1  }
0xac: {  	s6 =	simm.s32 @p0 $0x1B8D  }
0xad: {  	_ =	swait.eq @p0 [sflag:s6], $0x1  }
0xae: {  	[sflag:s6] =	ssyncadd.s32 @p0 $0xFFFFFFFF  }
0xaf: {  	s7 =	sshll.u32 @!p0 s1, $0xE  }
0xb0: {  	s7 =	sor.u32 @!p0 $0x4000, s7;
	s6 =	simm.s32 @!p0 $0x1B8D  }
0xb1: {  	s5 =	sshll.u32 @!p0 s5, $0x11;
	s7 =	sadd.s32 @!p0 $0x11B8D, s7;
	_ =	swait.eq @!p0 [sflag:s6], $0x1  }
0xb2: {  	s5 =	sor.u32 @!p0 s5, s7;
	[sflag:s6] =	ssyncadd.s32 @!p0 $0xFFFFFFFF  }
0xb3: {  	s25 =	simm.s32 $0x1B8E;
	s24 =	sld [smem:$0x3FFE];
	[sflag:s5] =	ssyncadd.remote.s32 @!p0 $0x1  }
0xb4: {  	s26 =	simm.s32 $execute0_lowered;
	[smem:$0x3FD2] =	sst s25  }
0xb5: {  	s6 =	sshll.u32 s26, $0x1;
	_ =	strace $0x80000049;
	[dreg:$0x1] =	wrdreg $0xFFFFFFFF  }
0xb6: {  	s28 =	simm.s32 $_size_execute0_lowered;
	s4 =	sadd.s32 s4, s6;
	[dreg:$0x0] =	wrdreg $0x0  }
0xb7: {  	s6 =	sshll.u32 s28, $0x1;
	[dreg:$0x2] =	wrdreg s4  }
0xb8: {  	[dreg:$0x3] =	wrdreg s6  }
0xb9: {  	[dreg:$0x4] =	wrdreg $0xC0  }
0xba: {  	_ =	task [dreg:s22], $0x5FFFF  }
0xbb: {  	[dreg:$0x1] =	wrdreg $0xFFFFFFFF  }
0xbc: {  	[dreg:$0x0] =	wrdreg $0x60  }
0xbd: {  	[dreg:$0x2] =	wrdreg s24  }
0xbe: {  	[dreg:$0x3] =	wrdreg s18  }
0xbf: {  	[dreg:$0x4] =	wrdreg $0xBC000  }
0xc0: {  	[dreg:$0x5] =	wrdreg $0xA  }
0xc1: {  	_ =	task.clear_ibuf [dreg:s22], $0x6FFFF;
	_ =	strace $0x90000049  }
0xc2: {  	s29 =	simm.s32 $0xA;
	_ =	strace $0x8000004B  }
0xc3: {  	_ =	swait.ge [sflag:s29], $0x1  }
0xc4: {  	[sflag:s29] =	ssyncadd.s32 $0xFFFFFFFF  }
0xc5: {  	_ =	strace $0x9000004B  }
0xc6: {  	_ =	sfence  }
0xc7: {  	s30 =	sld [smem:$0x0];
	_ =	sdelay $0x2  }
0xc8: {  	s31 =	sshll.u32 s1, $0xD;
	s1 =	sshrl.u32 s1, $0x2  }
0xc9: {  	s4 =	sand.u32 $0x4000, s31;
	s1 =	sadd.s32 s1, s30  }
0xca: {  	s0 =	sor.u32 s4, s0;
	s1 =	sshll.u32 s1, $0x11  }
0xcb: {  	s0 =	sor.u32 s1, s0  }
0xcc: {  	s0 =	sadd.s32 $0x8F2B, s0  }
0xcd: {  	[sflag:s0] =	ssyncadd.remote.s32 $0x1  }
0xce: {  	_ =	sfence.sel $0xFFFF  }
0xcf: {  	[dreg:$0x0] =	wrdreg $0xFFFFFFFF;
	(pc) =	sbr.abs _section_cstart, $3  }
0xd0: {  	[dreg:$0x1] =	wrdreg $0xFFFFFFFF  }
0xd1: {  	_ =	task.clear_ibuf [dreg:s22], $0x2FFFF;
	_ =	strace $0x9FFFFFFF  }
0xd2: {  	(tm) =	ssettm $0x7FFFFFFF  }
0xd3: {  	_ =	shalt  }
tec
execute0_lowered:
.L_overlay_start_1:
0x0: {  	(tag) =	ssettag $0x1  }
0x1: {  	s4 =	rddreg [dreg:$0x0]  }
0x2: {  	s6 =	rddreg [dreg:$0x1]  }
0x3: {  	s2 =	rddreg [dreg:$0x2]  }
0x4: {  	s0 =	rddreg [dreg:$0x3];
	s3 =	simm.s32 $0x0;
	s1 =	stileid.u32  }
0x5: {  	s7 =	srdreg.scid;
	s16 =	simm.s32 $0x40;
	s17 =	simm.s32 $0x7C00  }
0x6: {  	s18 =	simm.s32 $0x9C00;
	s19 =	simm.s32 $0x1;
	s5 =	smul.u32 $0x580, s1  }
0x7: {  	s20 =	simm.s32 $0x2;
	s21 =	simm.s32 $0x0;
	s8 =	smul.u32 $0xA00, s1  }
0x8: {  	[smem:$0x7FF] =	sst s3;
	s7 =	sand.u32 $0x1, s7;
	s12 =	smul.u32 $0x50000, s1  }
0x9: {  	s9 =	sadd.s32 $0xBC200, s4;
	s13 =	sadd.s32 $0x15C200, s4;
	s24 =	smul.u32 $0x14000, s1  }
0xa: {  	s31 =	sshll.u32 s1, $0x6;
	_ =	strace $0x8000004A;
	s10 =	ssub.s32 $0x2, s7  }
0xb: {  	s14 =	smul.u32 $0x280000, s7;
	s5 =	sadd.s32 s5, s4;
	s8 =	sadd.s32 s8, s4  }
0xc: {  	s11 =	sshrl.u32 s10, $0x1;
	s12 =	sshrl.u32 s12, $0x2;
	s25 =	sshrl.u32 s24, $0x3  }
0xd: {  	s11 =	ssub.s32 s10, s11;
	s4 =	sadd.s32 $0xB6A00, s5;
	s5 =	sadd.s32 $0xACA00, s8  }
0xe: {  	s15 =	sadd.s32 s12, s2;
	s6 =	sadd.s32 s6, s25;
	s26 =	sshrl.u32 s14, $0x3  }
0xf: {  	s28 =	sadd.s32 $0x140000, s14;
	s29 =	sadd.s32 s24, s14;
	s14 =	sor.u32 $0x1C03, s31  }
0x10: {  	s7 =	sadd.s32 s9, s26;
	s10 =	sadd.s32 s24, s28;
	s12 =	sshrl.u32 s29, $0x3  }
0x11: {  	s30 =	sshrl.u32 s28, $0x3;
	s11 =	smax.u32 s11, $0x1;
	s15 =	sshrl.u32 s15, $0x3  }
0x12: {  	s10 =	sshrl.u32 s10, $0x3;
	s8 =	sadd.s32 s13, s12;
	s9 =	sadd.s32 s9, s30  }
0x13: {  	s12 =	simm.s32 $0x3;
	s10 =	sadd.s32 s13, s10;
	s13 =	simm.s32 $0x2C00  }
.LBB2_1:
0x14: {  	[tilespmem:s3], [sflag:$0x3] =	stream.linear.gather [hbm4b:s4+s3], $0x2900, $0x38;
	[tilespmem:$0x1FC00] =	vst v63  }
0x15: {  	_ =	swait.ge [sflag:s12], $0x2900  }
0x16: {  	[sflag:s12] =	ssyncset.done $0x0  }
0x17: {  	[sflag:s12] =	ssyncadd.s32 $0xFFFFD700  }
0x18: {  	[tilespmem:s13], [sflag:$0x3] =	stream.linear.gather [hbm4b:s5+s3], $0x5000, $0x38;
	[tilespmem:$0x1FC00] =	vst v63  }
0x19: {  	_ =	swait.ge [sflag:s12], $0x5000  }
0x1a: {  	[sflag:s12] =	ssyncset.done $0x0  }
0x1b: {  	[sflag:s12] =	ssyncadd.s32 $0xFFFFB000  }
0x1c: {  	[spmem:s15], [sflag:s14] =	dma.local [hbm:s6], $0x2800  }
0x1d: {  	_ =	swait.ge [sflag:s12], $0x2800  }
0x1e: {  	[sflag:s12] =	ssyncset.done $0x0  }
0x1f: {  	[sflag:s12] =	ssyncadd.s32 $0xFFFFD800  }
0x20: {  	[bflag:$0x0] =	sbarrier.arrive $0xFFFF  }
0x21: {  	[tilespmem:s17], [sflag:$0x1] =	stream.indirect.gather [hbm4b:s7+s16], $0x80, s3, s16, $0xb8;
	[tilespmem:$0x1FC00] =	vst v63  }
0x22: {  	_ = 	snop  }
0x23: {  	[tilespmem:s18], [sflag:$0x2] =	stream.indirect.gather [hbm4b:s7+s16], $0x80, s16, s16, $0xb8;
	[tilespmem:$0x1FC00] =	vst v63  }
0x24: {  	_ =	swait.ge [sflag:s19], $0x2000  }
0x25: {  	[sflag:s19] =	ssyncset.done $0x0  }
0x26: {  	s22 =	simm.s32 $0x2C00;
	[sflag:s19] =	ssyncadd.s32 $0xFFFFE000  }
0x27: {  	[spmem:s2] =	stream.indirect.scatter.add.f32 [tilespmem:s17], [sflag:$0x3], $0x80, s22, s16, $0xb8;
	[tilespmem:$0x1FC00] =	vst v63  }
0x28: {  	_ =	swait.ge [sflag:s12], $0x2000  }
0x29: {  	[sflag:s12] =	ssyncset.done $0x0  }
0x2a: {  	s30 =	simm.s32 $0x80;
	[sflag:s12] =	ssyncadd.s32 $0xFFFFE000  }
0x2b: {  	[tilespmem:s17], [sflag:$0x1] =	stream.indirect.gather [hbm4b:s7+s16], $0x80, s30, s16, $0xb8;
	[tilespmem:$0x1FC00] =	vst v63  }
0x2c: {  	_ =	swait.ge [sflag:s20], $0x2000  }
0x2d: {  	[sflag:s20] =	ssyncset.done $0x0  }
0x2e: {  	s31 =	simm.s32 $0x2C80;
	[sflag:s20] =	ssyncadd.s32 $0xFFFFE000  }
0x2f: {  	[spmem:s2] =	stream.indirect.scatter.add.f32 [tilespmem:s18], [sflag:$0x3], $0x80, s31, s16, $0xb8;
	[tilespmem:$0x1FC00] =	vst v63  }
0x30: {  	_ =	swait.ge [sflag:s12], $0x2000  }
0x31: {  	s24 =	simm.s32 $0xC0;
	[sflag:s12] =	ssyncset.done $0x0  }
0x32: {  	s23 =	simm.s32 $0x100;
	s22 =	simm.s32 $0x400;
	[sflag:s12] =	ssyncadd.s32 $0xFFFFE000  }
.LBB2_2:
0x33: {  	[tilespmem:s18], [sflag:$0x2] =	stream.indirect.gather [hbm4b:s7+s16], $0x80, s24, s16, $0xb8;
	[tilespmem:$0x1FC00] =	vst v63  }
0x34: {  	s24 =	smov.u32 s22  }
0x35: {  	p0 =	sne.s32 s22, $0x13C00;
	s22 =	sadd.s32 $0x400, s22;
	_ =	swait.ge [sflag:s19], $0x2000  }
0x36: {  	s24 =	sshra.s32 s24, $0x2;
	[sflag:s19] =	ssyncset.done $0x0  }
0x37: {  	s25 =	sadd.s32 $0x2C00, s24;
	[sflag:s19] =	ssyncadd.s32 $0xFFFFE000  }
0x38: {  	[spmem:s2] =	stream.indirect.scatter.add.f32 [tilespmem:s17], [sflag:$0x3], $0x80, s25, s16, $0xb8;
	[tilespmem:$0x1FC00] =	vst v63  }
0x39: {  	_ =	swait.ge [sflag:s12], $0x2000  }
0x3a: {  	[sflag:s12] =	ssyncset.done $0x0  }
0x3b: {  	[sflag:s12] =	ssyncadd.s32 $0xFFFFE000  }
0x3c: {  	[tilespmem:s17], [sflag:$0x1] =	stream.indirect.gather [hbm4b:s7+s16], $0x80, s23, s16, $0xb8;
	[tilespmem:$0x1FC00] =	vst v63  }
0x3d: {  	_ =	swait.ge [sflag:s20], $0x2000  }
0x3e: {  	[sflag:s20] =	ssyncset.done $0x0  }
.Ltmp0:
0x3f: {  	s24 =	sadd.s32 $0x2C80, s24;
	[sflag:s20] =	ssyncadd.s32 $0xFFFFE000;
	(pc) =	sbr.rel @p0 .LBB2_2-.Ltmp0, $4  }
0x40: {  	[spmem:s2] =	stream.indirect.scatter.add.f32 [tilespmem:s18], [sflag:$0x3], $0x80, s24, s16, $0xb8;
	[tilespmem:$0x1FC00] =	vst v63  }
0x41: {  	_ =	swait.ge [sflag:s12], $0x2000  }
0x42: {  	[sflag:s12] =	ssyncset.done $0x0  }
0x43: {  	s24 =	sadd.s32 $0x40, s23;
	s23 =	sadd.s32 $0x80, s23;
	[sflag:s12] =	ssyncadd.s32 $0xFFFFE000  }
0x44: {  	[tilespmem:s18], [sflag:$0x2] =	stream.indirect.gather [hbm4b:s7+s16], $0x80, s24, s16, $0xb8;
	[tilespmem:$0x1FC00] =	vst v63  }
0x45: {  	_ =	swait.ge [sflag:s19], $0x2000  }
0x46: {  	[sflag:s19] =	ssyncset.done $0x0  }
0x47: {  	[sflag:s19] =	ssyncadd.s32 $0xFFFFE000  }
0x48: {  	_ =	swait.ge [sflag:s20], $0x2000  }
0x49: {  	[sflag:s20] =	ssyncset.done $0x0  }
0x4a: {  	[sflag:s20] =	ssyncadd.s32 $0xFFFFE000  }
0x4b: {  	[bflag:$0x0] =	sbarrier.arrive $0xFFFF  }
0x4c: {  	[hbm:s8], [sflag:s14] =	dma.local [spmem:s15], $0x2800  }
0x4d: {  	_ =	swait.ge [sflag:s12], $0x2800  }
0x4e: {  	[sflag:s12] =	ssyncset.done $0x0  }
0x4f: {  	[sflag:s12] =	ssyncadd.s32 $0xFFFFD800  }
0x50: {  	[bflag:$0x0] =	sbarrier.arrive $0xFFFF  }
0x51: {  	[spmem:s15], [sflag:s14] =	dma.local [hbm:s6], $0x2800  }
0x52: {  	_ =	swait.ge [sflag:s12], $0x2800  }
0x53: {  	[sflag:s12] =	ssyncset.done $0x0  }
0x54: {  	[sflag:s12] =	ssyncadd.s32 $0xFFFFD800  }
0x55: {  	s22 =	simm.s32 $0x0;
	[bflag:$0x0] =	sbarrier.arrive $0xFFFF  }
0x56: {  	[tilespmem:s17], [sflag:$0x1] =	stream.indirect.gather [hbm4b:s9+s16], $0x80, s22, s16, $0xb8;
	[tilespmem:$0x1FC00] =	vst v63  }
0x57: {  	_ = 	snop  }
0x58: {  	[tilespmem:s18], [sflag:$0x2] =	stream.indirect.gather [hbm4b:s9+s16], $0x80, s16, s16, $0xb8;
	[tilespmem:$0x1FC00] =	vst v63  }
0x59: {  	_ =	swait.ge [sflag:s19], $0x2000  }
0x5a: {  	[sflag:s19] =	ssyncset.done $0x0  }
0x5b: {  	s29 =	simm.s32 $0x2C00;
	[sflag:s19] =	ssyncadd.s32 $0xFFFFE000  }
0x5c: {  	[spmem:s2] =	stream.indirect.scatter.add.f32 [tilespmem:s17], [sflag:$0x3], $0x80, s29, s16, $0xb8;
	[tilespmem:$0x1FC00] =	vst v63  }
0x5d: {  	_ =	swait.ge [sflag:s12], $0x2000  }
0x5e: {  	[sflag:s12] =	ssyncset.done $0x0  }
0x5f: {  	s30 =	simm.s32 $0x80;
	[sflag:s12] =	ssyncadd.s32 $0xFFFFE000  }
0x60: {  	[tilespmem:s17], [sflag:$0x1] =	stream.indirect.gather [hbm4b:s9+s16], $0x80, s30, s16, $0xb8;
	[tilespmem:$0x1FC00] =	vst v63  }
0x61: {  	_ =	swait.ge [sflag:s20], $0x2000  }
0x62: {  	[sflag:s20] =	ssyncset.done $0x0  }
0x63: {  	s31 =	simm.s32 $0x2C80;
	[sflag:s20] =	ssyncadd.s32 $0xFFFFE000  }
0x64: {  	[spmem:s2] =	stream.indirect.scatter.add.f32 [tilespmem:s18], [sflag:$0x3], $0x80, s31, s16, $0xb8;
	[tilespmem:$0x1FC00] =	vst v63  }
0x65: {  	_ =	swait.ge [sflag:s12], $0x2000  }
0x66: {  	s24 =	simm.s32 $0xC0;
	[sflag:s12] =	ssyncset.done $0x0  }
0x67: {  	s23 =	simm.s32 $0x100;
	s22 =	simm.s32 $0x400;
	[sflag:s12] =	ssyncadd.s32 $0xFFFFE000  }
.LBB2_4:
0x68: {  	[tilespmem:s18], [sflag:$0x2] =	stream.indirect.gather [hbm4b:s9+s16], $0x80, s24, s16, $0xb8;
	[tilespmem:$0x1FC00] =	vst v63  }
0x69: {  	s24 =	smov.u32 s22  }
0x6a: {  	p0 =	sne.s32 s22, $0x13C00;
	s22 =	sadd.s32 $0x400, s22;
	_ =	swait.ge [sflag:s19], $0x2000  }
0x6b: {  	s24 =	sshra.s32 s24, $0x2;
	[sflag:s19] =	ssyncset.done $0x0  }
0x6c: {  	s25 =	sadd.s32 $0x2C00, s24;
	[sflag:s19] =	ssyncadd.s32 $0xFFFFE000  }
0x6d: {  	[spmem:s2] =	stream.indirect.scatter.add.f32 [tilespmem:s17], [sflag:$0x3], $0x80, s25, s16, $0xb8;
	[tilespmem:$0x1FC00] =	vst v63  }
0x6e: {  	_ =	swait.ge [sflag:s12], $0x2000  }
0x6f: {  	[sflag:s12] =	ssyncset.done $0x0  }
0x70: {  	[sflag:s12] =	ssyncadd.s32 $0xFFFFE000  }
0x71: {  	[tilespmem:s17], [sflag:$0x1] =	stream.indirect.gather [hbm4b:s9+s16], $0x80, s23, s16, $0xb8;
	[tilespmem:$0x1FC00] =	vst v63  }
0x72: {  	_ =	swait.ge [sflag:s20], $0x2000  }
0x73: {  	[sflag:s20] =	ssyncset.done $0x0  }
.Ltmp1:
0x74: {  	s24 =	sadd.s32 $0x2C80, s24;
	[sflag:s20] =	ssyncadd.s32 $0xFFFFE000;
	(pc) =	sbr.rel @p0 .LBB2_4-.Ltmp1, $4  }
0x75: {  	[spmem:s2] =	stream.indirect.scatter.add.f32 [tilespmem:s18], [sflag:$0x3], $0x80, s24, s16, $0xb8;
	[tilespmem:$0x1FC00] =	vst v63  }
0x76: {  	_ =	swait.ge [sflag:s12], $0x2000  }
0x77: {  	[sflag:s12] =	ssyncset.done $0x0  }
0x78: {  	s24 =	sadd.s32 $0x40, s23;
	s23 =	sadd.s32 $0x80, s23;
	[sflag:s12] =	ssyncadd.s32 $0xFFFFE000  }
0x79: {  	[tilespmem:s18], [sflag:$0x2] =	stream.indirect.gather [hbm4b:s9+s16], $0x80, s24, s16, $0xb8;
	[tilespmem:$0x1FC00] =	vst v63  }
0x7a: {  	_ =	swait.ge [sflag:s19], $0x2000  }
0x7b: {  	[sflag:s19] =	ssyncset.done $0x0  }
0x7c: {  	[sflag:s19] =	ssyncadd.s32 $0xFFFFE000  }
0x7d: {  	_ =	swait.ge [sflag:s20], $0x2000  }
0x7e: {  	[sflag:s20] =	ssyncset.done $0x0  }
0x7f: {  	s21 =	sadd.s32 $0x1, s21;
	[sflag:s20] =	ssyncadd.s32 $0xFFFFE000  }
0x80: {  	p0 =	sne.s32 s21, s11;
	[bflag:$0x0] =	sbarrier.arrive $0xFFFF  }
0x81: {  	[hbm:s10], [sflag:s14] =	dma.local [spmem:s15], $0x2800  }
.Ltmp2:
0x82: {  	_ =	swait.ge [sflag:s12], $0x2800;
	(pc) =	sbr.rel @p0 .LBB2_1-.Ltmp2, $3  }
0x83: {  	[sflag:s12] =	ssyncset.done $0x0  }
0x84: {  	[sflag:s12] =	ssyncadd.s32 $0xFFFFD800  }
0x85: {  	[bflag:$0x0] =	sbarrier.arrive $0xFFFF;
	_ =	sdelay $0x1  }
0x86: {  	_ =	sfence.sel $0x180000  }
0x87: {  	[bflag:$0x0] =	sbarrier.arrive $0xFFFF  }
0x88: {  	p0 =	sne.s32 s1, $0x0;
	_ =	strace $0x9000004A  }
0x89: {  	s0 =	sadd.s32 @!p0 $0x100000, s0;
	[bflag:$0x2] =	sbarrier.arrive $0xFFFF  }
0x8a: {  	[sflag:s0] =	ssyncadd.tile.s32 @!p0 $0x1;
	_ =	shalt  }
.Lfunc_end2:
_tile_overlayer_lowered:
.L_overlay_start_2:
0x8b: {  	(tag) =	ssettag $0x2  }
0x8c: {  	s0 =	rddreg [dreg:$0x0];
	s2 =	stileid.u32  }
0x8d: {  	s1 =	rddreg [dreg:$0x1];
	p0 =	sne.s32 s2, $0x0  }
0x8e: {  	s3 =	rddreg [dreg:$0x2];
	[bflag:$0x3] =	sbarrier.arrive $0xFFFF;
	s2 =	simm.s32 @!p0 $0x1C03  }
0x8f: {  	[timem:s3], [sflag:s2] =	dma.local @!p0 [hbm:s0], s1  }
0x90: {  	s0 =	simm.s32 @!p0 $0x3  }
0x91: {  	_ =	swait.ge @!p0 [sflag:s0], s1  }
0x92: {  	s1 =	ssub.s32 @!p0 $0x0, s1;
	[sflag:s0] =	ssyncset.done @!p0 $0x0  }
0x93: {  	[sflag:s0] =	ssyncadd.s32 @!p0 s1  }
0x94: {  	[bflag:$0x3] =	sbarrier.arrive $0xFFFF  }
0x95: {  	_ =	shalt  }

// kernel: kernel.18.cloned.1.call-start
scs
__scs_entry_jumppad:
0x0: {  	(pc) =	sbr.rel $0x88, $3  }
0x1: {  	(tag) =	ssettag $0x0;
	lr =	simm.s32 $0x1  }
0x2: {  	[smem:$0x3F9B] =	sst lr;
	_ =	strace $0xD0000000  }
0x3: {  	_ = 	snop  }
0x4: {  	_ = 	snop  }
0x5: {  	_ = 	snop  }
0x6: {  	_ = 	snop  }
0x7: {  	_ = 	snop  }
__scs_overlays_trampoline_lowered:
0x8: {  	[smem:$0x3FAA] =	sst s0  }
0x9: {  	[smem:$0x3FAB] =	sst s1  }
0xa: {  	[smem:$0x3FAC] =	sst s2  }
0xb: {  	[smem:$0x3FAD] =	sst s3  }
0xc: {  	[smem:$0x3FAE] =	sst s4  }
0xd: {  	[smem:$0x3FAF] =	sst s5  }
0xe: {  	[smem:$0x3FB0] =	sst s6  }
0xf: {  	[smem:$0x3FB1] =	sst s7  }
0x10: {  	[smem:$0x3FB2] =	sst s8  }
0x11: {  	[smem:$0x3FB3] =	sst s9;
	s0 =	simm.s32 @!p0 $0x0  }
0x12: {  	s1 =	sld [smem:$0x3F99];
	s0 =	simm.s32 @p0 $0x1  }
0x13: {  	[smem:$0x3FB4] =	sst s0;
	s0 =	simm.s32 @!p1 $0x0  }
0x14: {  	s2 =	sld [smem:$0x3F98];
	s0 =	simm.s32 @p1 $0x1  }
0x15: {  	[smem:$0x3FB5] =	sst s0;
	s0 =	simm.s32 @!p2 $0x0  }
0x16: {  	s3 =	sld [smem:$0x3FDB];
	s0 =	simm.s32 @p2 $0x1  }
0x17: {  	s4 =	simm.s32 $0x1BF5;
	[smem:$0x3FB7] =	sst s0  }
0x18: {  	s0 =	sld [smem:$0x3F9A];
	_ =	swait.ge [sflag:s4], $0x0  }
0x19: {  	s7 =	sld [smem:$0x3F9B]  }
0x1a: {  	s8 =	sadd.s32 $0xFFFFE003, lr  }
0x1b: {  	s9 =	sadd.s32 $0xFFFFFEF7, lr;
	s5 =	simm.s32 $0xFFFFFFFF;
	p2 =	slt.u32 s8, $0xFFFFF086  }
0x1c: {  	p1 =	slt.u32 s9, $0xF7A;
	s5 =	simm.s32 @!p2 $0x0  }
0x1d: {  	s5 =	simm.s32 @p1 $0x1;
	p0 =	seq.s32 s7, s2  }
0x1e: {  	s7 =	smul.u32 @!p0 $0xF7A, s2;
	p2 =	seq.s32 @!p0 s5, $0x0  }
0x1f: {  	s9 =	smul.u32 $0xF7A, s1;
	s8 =	simm.s32 @!p0 $0x1BF5;
	p2 =	por !p2, p0  }
0x20: {  	[sflag:s8] =	ssyncset.s32 @!p0 $0xFFFFF086;
	s6 =	sadd.s32 @!p0 s3, s7;
	s7 =	simm.s32 @!p0 $0x108  }
0x21: {  	s3 =	sadd.s32 s3, s9;
	s6 =	sadd.s32 @!p0 $0x88, s6;
	s7 =	simm.s32 @p2 $0x1082  }
0x22: {  	[simem:s7], [sflag:s8] =	dma.local @!p0 [hbm:s6], $0xF7A  }
0x23: {  	s9 =	sor.u32 $0xD0000000, s2;
	s6 =	simm.s32 $0x108;
	_ =	swait.ge @!p0 [sflag:s8], $0x0  }
0x24: {  	s3 =	sadd.s32 $0x88, s3;
	s6 =	simm.s32 @!p1 $0x1082;
	[sflag:s4] =	ssyncset.s32 $0xFFFFF086  }
0x25: {  	[simem:s6], [sflag:s4] =	dma.local [hbm:s3], $0xF7A  }
0x26: {  	[smem:$0x3F9B] =	sst s1;
	(tag) =	ssettag s2;
	_ =	strace s9  }
0x27: {  	s1 =	sld [smem:$0x3FAB]  }
0x28: {  	s2 =	sld [smem:$0x3FAC]  }
0x29: {  	s4 =	sld [smem:$0x3FAE]  }
0x2a: {  	p0 =	seq.s32 s5, $0x0;
	s5 =	sld [smem:$0x3FAF]  }
0x2b: {  	s6 =	sld [smem:$0x3FB0]  }
0x2c: {  	s7 =	sld [smem:$0x3FB1]  }
0x2d: {  	s3 =	simm.s32 $0x108;
	s8 =	sld [smem:$0x3FB2]  }
0x2e: {  	s3 =	simm.s32 @!p0 $0x1082;
	s9 =	sld [smem:$0x3FB3]  }
0x2f: {  	lr =	sadd.s32 s0, s3;
	s0 =	sld [smem:$0x3FAA]  }
0x30: {  	s3 =	sld [smem:$0x3FAD]  }
0x31: {  	[smem:$0x3FB6] =	sst s10  }
0x32: {  	s10 =	sld [smem:$0x3FB4];
	_ =	sdelay $0x3  }
0x33: {  	p0 =	seq.s32 s10, $0x1;
	s10 =	sld [smem:$0x3FB6];
	_ =	sdelay $0x3  }
0x34: {  	[smem:$0x3FB6] =	sst s10  }
0x35: {  	s10 =	sld [smem:$0x3FB5];
	_ =	sdelay $0x3  }
0x36: {  	p1 =	seq.s32 s10, $0x1;
	s10 =	sld [smem:$0x3FB6];
	_ =	sdelay $0x3  }
0x37: {  	[smem:$0x3FB6] =	sst s10  }
0x38: {  	s10 =	sld [smem:$0x3FB7]  }
0x39: {  	_ = 	snop;
	(pc) =	sbr.ind lr, $3  }
0x3a: {  	_ = 	snop  }
0x3b: {  	_ = 	snop  }
0x3c: {  	p2 =	seq.s32 s10, $0x1;
	s10 =	sld [smem:$0x3FB6]  }
0x3d: {  	_ =	shalt  }
0x3e: {  	_ =	shalt  }
0x3f: {  	_ =	shalt  }
0x40: {  	_ =	shalt  }
0x41: {  	_ =	shalt  }
0x42: {  	_ =	shalt  }
0x43: {  	_ =	shalt  }
0x44: {  	_ =	shalt  }
0x45: {  	_ =	shalt  }
0x46: {  	_ =	shalt  }
0x47: {  	_ =	shalt  }
0x48: {  	_ =	shalt  }
0x49: {  	_ =	shalt  }
0x4a: {  	_ =	shalt  }
0x4b: {  	_ =	shalt  }
0x4c: {  	_ =	shalt  }
0x4d: {  	_ =	shalt  }
0x4e: {  	_ =	shalt  }
0x4f: {  	_ =	shalt  }
0x50: {  	_ =	shalt  }
0x51: {  	_ =	shalt  }
0x52: {  	_ =	shalt  }
0x53: {  	_ =	shalt  }
0x54: {  	_ =	shalt  }
0x55: {  	_ =	shalt  }
0x56: {  	_ =	shalt  }
0x57: {  	_ =	shalt  }
0x58: {  	_ =	shalt  }
0x59: {  	_ =	shalt  }
0x5a: {  	_ =	shalt  }
0x5b: {  	_ =	shalt  }
0x5c: {  	_ =	shalt  }
0x5d: {  	_ =	shalt  }
0x5e: {  	_ =	shalt  }
0x5f: {  	_ =	shalt  }
0x60: {  	_ =	shalt  }
0x61: {  	_ =	shalt  }
0x62: {  	_ =	shalt  }
0x63: {  	_ =	shalt  }
0x64: {  	_ =	shalt  }
0x65: {  	_ =	shalt  }
0x66: {  	_ =	shalt  }
0x67: {  	_ =	shalt  }
0x68: {  	_ =	shalt  }
0x69: {  	_ =	shalt  }
0x6a: {  	_ =	shalt  }
0x6b: {  	_ =	shalt  }
0x6c: {  	_ =	shalt  }
0x6d: {  	_ =	shalt  }
0x6e: {  	_ =	shalt  }
0x6f: {  	_ =	shalt  }
0x70: {  	_ =	shalt  }
0x71: {  	_ =	shalt  }
0x72: {  	_ =	shalt  }
0x73: {  	_ =	shalt  }
0x74: {  	_ =	shalt  }
0x75: {  	_ =	shalt  }
0x76: {  	_ =	shalt  }
0x77: {  	_ =	shalt  }
0x78: {  	_ =	shalt  }
0x79: {  	_ =	shalt  }
0x7a: {  	_ =	shalt  }
0x7b: {  	_ =	shalt  }
0x7c: {  	_ =	shalt  }
0x7d: {  	_ =	shalt  }
0x7e: {  	_ =	shalt  }
0x7f: {  	_ =	shalt  }
0x80: {  	_ =	shalt  }
0x81: {  	_ =	shalt  }
0x82: {  	_ =	shalt  }
0x83: {  	_ =	shalt  }
0x84: {  	_ =	shalt  }
0x85: {  	_ =	shalt  }
0x86: {  	_ =	shalt  }
0x87: {  	_ =	shalt  }
.Lfunc_end0:
.L_simem_size_0:
called_computation.2_lowered:
.L_overlay_start_0:
0x88: {  	s2 =	sld [smem:$0x3FD9]  }
0x89: {  	s3 =	sld [smem:$0x3FFE];
	_ =	sdelay $0x1  }
0x8a: {  	s1 =	srdreg.scid  }
0x8b: {  	s0 =	sand.u32 $0x1, s1  }
0x8c: {  	s17 =	sshll.u32 s0, $0xA;
	s2 =	sadd.s32 s3, s2  }
0x8d: {  	s2 =	sadd.s32 s2, s17  }
0x8e: {  	[smem:$0x3FC2] =	sst s2  }
0x8f: {  	_ = 	snop  }
0x90: {  	s2 =	sld [smem:$0x3FD0];
	(tm) =	ssettm $0x1  }
0x91: {  	s18 =	sld [smem:$0x3FFB];
	_ =	sdelay $0x3  }
0x92: {  	_ =	strace s18  }
0x93: {  	s3 =	sld [smem:$0x3FFC];
	_ =	sdelay $0x3  }
0x94: {  	_ =	strace s3  }
0x95: {  	s3 =	sld [smem:$0x3FFD];
	_ =	sdelay $0x3  }
0x96: {  	_ =	strace s3  }
0x97: {  	_ =	strace $0x8FFFFFFF  }
0x98: {  	s19 =	sld [smem:$0x3FDB];
	_ =	sdelay $0x1  }
0x99: {  	s4 =	simm.s32 $_scs_section_size  }
0x9a: {  	s5 =	simm.s32 $_size__tile_overlayer_lowered;
	s6 =	simm.s32 $_tile_overlayer_lowered  }
0x9b: {  	s22 =	simm.s32 $0x1BFF;
	s21 =	sshll.u32 s6, $0x1;
	s3 =	sadd.s32 s4, s19  }
0x9c: {  	s7 =	simm.s32 $0x0;
	s20 =	sshll.u32 s5, $0x1;
	s5 =	sadd.s32 s21, s3  }
0x9d: {  	[timem:s7], [sflag:s22] =	dma.local [hbm:s5], s20  }
0x9e: {  	_ =	swait.ge [sflag:s22], s20  }
0x9f: {  	s4 =	ssub.s32 $0x0, s20;
	[sflag:s22] =	ssyncset.done $0x0  }
0xa0: {  	[sflag:s22] =	ssyncadd.s32 s4;
	_ =	sdelay $0x1  }
0xa1: {  	s23 =	simm.s32 $0x1B8B  }
0xa2: {  	_ =	swait.ge [sflag:s23], $0x1  }
0xa3: {  	[sflag:s23] =	ssyncset.done $0x0  }
0xa4: {  	s25 =	simm.s32 $0x1B8E;
	s24 =	sld [smem:$0x3FFE];
	[sflag:s23] =	ssyncadd.s32 $0xFFFFFFFF  }
0xa5: {  	s26 =	simm.s32 $execute0_lowered;
	[smem:$0x3FD2] =	sst s25  }
0xa6: {  	s5 =	sshll.u32 s26, $0x1;
	_ =	strace $0x8000004C;
	[dreg:$0x1] =	wrdreg $0xFFFFFFFF  }
0xa7: {  	s28 =	simm.s32 $_size_execute0_lowered;
	s3 =	sadd.s32 s3, s5;
	[dreg:$0x0] =	wrdreg $0x0  }
0xa8: {  	s5 =	sshll.u32 s28, $0x1;
	[dreg:$0x2] =	wrdreg s3  }
0xa9: {  	[dreg:$0x3] =	wrdreg s5  }
0xaa: {  	[dreg:$0x4] =	wrdreg $0xC0  }
0xab: {  	_ =	task [dreg:s7], $0x5FFFF  }
0xac: {  	[dreg:$0x1] =	wrdreg $0xFFFFFFFF  }
0xad: {  	[dreg:$0x0] =	wrdreg $0x60  }
0xae: {  	[dreg:$0x2] =	wrdreg s24  }
0xaf: {  	[dreg:$0x3] =	wrdreg s2  }
0xb0: {  	[dreg:$0x4] =	wrdreg $0xBC000  }
0xb1: {  	[dreg:$0x5] =	wrdreg $0x9  }
0xb2: {  	_ =	task.clear_ibuf [dreg:s7], $0x6FFFF;
	_ =	strace $0x9000004C  }
0xb3: {  	s29 =	simm.s32 $0x9;
	_ =	strace $0x8000004E  }
0xb4: {  	_ =	swait.ge [sflag:s29], $0x1  }
0xb5: {  	[sflag:s29] =	ssyncadd.s32 $0xFFFFFFFF  }
0xb6: {  	_ =	strace $0x9000004E  }
0xb7: {  	_ =	sfence  }
0xb8: {  	s30 =	sld [smem:$0x0];
	_ =	sdelay $0x2  }
0xb9: {  	s31 =	sshll.u32 s1, $0xD;
	s1 =	sshrl.u32 s1, $0x2  }
0xba: {  	s3 =	sand.u32 $0x4000, s31;
	s1 =	sadd.s32 s1, s30  }
0xbb: {  	s0 =	sor.u32 s3, s0;
	s1 =	sshll.u32 s1, $0x11  }
0xbc: {  	s0 =	sor.u32 s1, s0  }
0xbd: {  	s0 =	sadd.s32 $0x8F2B, s0  }
0xbe: {  	[sflag:s0] =	ssyncadd.remote.s32 $0x1  }
0xbf: {  	_ =	sfence.sel $0xFFFF  }
0xc0: {  	[dreg:$0x0] =	wrdreg $0xFFFFFFFF;
	(pc) =	sbr.abs _section_cstart, $3  }
0xc1: {  	[dreg:$0x1] =	wrdreg $0xFFFFFFFF  }
0xc2: {  	_ =	task.clear_ibuf [dreg:s7], $0x2FFFF;
	_ =	strace $0x9FFFFFFF  }
0xc3: {  	(tm) =	ssettm $0x7FFFFFFF  }
tec
execute0_lowered:
.L_overlay_start_1:
0x0: {  	(tag) =	ssettag $0x1  }
0x1: {  	s4 =	rddreg [dreg:$0x0]  }
0x2: {  	s6 =	rddreg [dreg:$0x1]  }
0x3: {  	s2 =	rddreg [dreg:$0x2]  }
0x4: {  	s0 =	rddreg [dreg:$0x3];
	s3 =	simm.s32 $0x0;
	s1 =	stileid.u32  }
0x5: {  	s7 =	srdreg.scid;
	s16 =	simm.s32 $0x40;
	s17 =	simm.s32 $0x7C00  }
0x6: {  	s18 =	simm.s32 $0x9C00;
	s19 =	simm.s32 $0x1;
	s5 =	smul.u32 $0x580, s1  }
0x7: {  	s20 =	simm.s32 $0x2;
	s21 =	simm.s32 $0x0;
	s8 =	smul.u32 $0xA00, s1  }
0x8: {  	[smem:$0x7FF] =	sst s3;
	s7 =	sand.u32 $0x1, s7;
	s12 =	smul.u32 $0x50000, s1  }
0x9: {  	s9 =	sadd.s32 $0xBC200, s4;
	s13 =	sadd.s32 $0x15C200, s4;
	s24 =	smul.u32 $0x14000, s1  }
0xa: {  	s31 =	sshll.u32 s1, $0x6;
	_ =	strace $0x8000004D;
	s10 =	ssub.s32 $0x2, s7  }
0xb: {  	s14 =	smul.u32 $0x280000, s7;
	s5 =	sadd.s32 s5, s4;
	s8 =	sadd.s32 s8, s4  }
0xc: {  	s11 =	sshrl.u32 s10, $0x1;
	s12 =	sshrl.u32 s12, $0x2;
	s25 =	sshrl.u32 s24, $0x3  }
0xd: {  	s11 =	ssub.s32 s10, s11;
	s4 =	sadd.s32 $0x206200, s5;
	s5 =	sadd.s32 $0x1FC200, s8  }
0xe: {  	s15 =	sadd.s32 s12, s2;
	s6 =	sadd.s32 s6, s25;
	s26 =	sshrl.u32 s14, $0x3  }
0xf: {  	s28 =	sadd.s32 $0x140000, s14;
	s29 =	sadd.s32 s24, s14;
	s14 =	sor.u32 $0x1C03, s31  }
0x10: {  	s7 =	sadd.s32 s9, s26;
	s10 =	sadd.s32 s24, s28;
	s12 =	sshrl.u32 s29, $0x3  }
0x11: {  	s30 =	sshrl.u32 s28, $0x3;
	s11 =	smax.u32 s11, $0x1;
	s15 =	sshrl.u32 s15, $0x3  }
0x12: {  	s10 =	sshrl.u32 s10, $0x3;
	s8 =	sadd.s32 s13, s12;
	s9 =	sadd.s32 s9, s30  }
0x13: {  	s12 =	simm.s32 $0x3;
	s10 =	sadd.s32 s13, s10;
	s13 =	simm.s32 $0x2C00  }
.LBB2_1:
0x14: {  	[tilespmem:s3], [sflag:$0x3] =	stream.linear.gather [hbm4b:s4+s3], $0x2900, $0x38;
	[tilespmem:$0x1FC00] =	vst v63  }
0x15: {  	_ =	swait.ge [sflag:s12], $0x2900  }
0x16: {  	[sflag:s12] =	ssyncset.done $0x0  }
0x17: {  	[sflag:s12] =	ssyncadd.s32 $0xFFFFD700  }
0x18: {  	[tilespmem:s13], [sflag:$0x3] =	stream.linear.gather [hbm4b:s5+s3], $0x5000, $0x38;
	[tilespmem:$0x1FC00] =	vst v63  }
0x19: {  	_ =	swait.ge [sflag:s12], $0x5000  }
0x1a: {  	[sflag:s12] =	ssyncset.done $0x0  }
0x1b: {  	[sflag:s12] =	ssyncadd.s32 $0xFFFFB000  }
0x1c: {  	[spmem:s15], [sflag:s14] =	dma.local [hbm:s6], $0x2800  }
0x1d: {  	_ =	swait.ge [sflag:s12], $0x2800  }
0x1e: {  	[sflag:s12] =	ssyncset.done $0x0  }
0x1f: {  	[sflag:s12] =	ssyncadd.s32 $0xFFFFD800  }
0x20: {  	[bflag:$0x0] =	sbarrier.arrive $0xFFFF  }
0x21: {  	[tilespmem:s17], [sflag:$0x1] =	stream.indirect.gather [hbm4b:s7+s16], $0x80, s3, s16, $0xb8;
	[tilespmem:$0x1FC00] =	vst v63  }
0x22: {  	_ = 	snop  }
0x23: {  	[tilespmem:s18], [sflag:$0x2] =	stream.indirect.gather [hbm4b:s7+s16], $0x80, s16, s16, $0xb8;
	[tilespmem:$0x1FC00] =	vst v63  }
0x24: {  	_ =	swait.ge [sflag:s19], $0x2000  }
0x25: {  	[sflag:s19] =	ssyncset.done $0x0  }
0x26: {  	s22 =	simm.s32 $0x2C00;
	[sflag:s19] =	ssyncadd.s32 $0xFFFFE000  }
0x27: {  	[spmem:s2] =	stream.indirect.scatter.add.f32 [tilespmem:s17], [sflag:$0x3], $0x80, s22, s16, $0xb8;
	[tilespmem:$0x1FC00] =	vst v63  }
0x28: {  	_ =	swait.ge [sflag:s12], $0x2000  }
0x29: {  	[sflag:s12] =	ssyncset.done $0x0  }
0x2a: {  	s30 =	simm.s32 $0x80;
	[sflag:s12] =	ssyncadd.s32 $0xFFFFE000  }
0x2b: {  	[tilespmem:s17], [sflag:$0x1] =	stream.indirect.gather [hbm4b:s7+s16], $0x80, s30, s16, $0xb8;
	[tilespmem:$0x1FC00] =	vst v63  }
0x2c: {  	_ =	swait.ge [sflag:s20], $0x2000  }
0x2d: {  	[sflag:s20] =	ssyncset.done $0x0  }
0x2e: {  	s31 =	simm.s32 $0x2C80;
	[sflag:s20] =	ssyncadd.s32 $0xFFFFE000  }
0x2f: {  	[spmem:s2] =	stream.indirect.scatter.add.f32 [tilespmem:s18], [sflag:$0x3], $0x80, s31, s16, $0xb8;
	[tilespmem:$0x1FC00] =	vst v63  }
0x30: {  	_ =	swait.ge [sflag:s12], $0x2000  }
0x31: {  	s24 =	simm.s32 $0xC0;
	[sflag:s12] =	ssyncset.done $0x0  }
0x32: {  	s23 =	simm.s32 $0x100;
	s22 =	simm.s32 $0x400;
	[sflag:s12] =	ssyncadd.s32 $0xFFFFE000  }
.LBB2_2:
0x33: {  	[tilespmem:s18], [sflag:$0x2] =	stream.indirect.gather [hbm4b:s7+s16], $0x80, s24, s16, $0xb8;
	[tilespmem:$0x1FC00] =	vst v63  }
0x34: {  	s24 =	smov.u32 s22  }
0x35: {  	p0 =	sne.s32 s22, $0x13C00;
	s22 =	sadd.s32 $0x400, s22;
	_ =	swait.ge [sflag:s19], $0x2000  }
0x36: {  	s24 =	sshra.s32 s24, $0x2;
	[sflag:s19] =	ssyncset.done $0x0  }
0x37: {  	s25 =	sadd.s32 $0x2C00, s24;
	[sflag:s19] =	ssyncadd.s32 $0xFFFFE000  }
0x38: {  	[spmem:s2] =	stream.indirect.scatter.add.f32 [tilespmem:s17], [sflag:$0x3], $0x80, s25, s16, $0xb8;
	[tilespmem:$0x1FC00] =	vst v63  }
0x39: {  	_ =	swait.ge [sflag:s12], $0x2000  }
0x3a: {  	[sflag:s12] =	ssyncset.done $0x0  }
0x3b: {  	[sflag:s12] =	ssyncadd.s32 $0xFFFFE000  }
0x3c: {  	[tilespmem:s17], [sflag:$0x1] =	stream.indirect.gather [hbm4b:s7+s16], $0x80, s23, s16, $0xb8;
	[tilespmem:$0x1FC00] =	vst v63  }
0x3d: {  	_ =	swait.ge [sflag:s20], $0x2000  }
0x3e: {  	[sflag:s20] =	ssyncset.done $0x0  }
.Ltmp0:
0x3f: {  	s24 =	sadd.s32 $0x2C80, s24;
	[sflag:s20] =	ssyncadd.s32 $0xFFFFE000;
	(pc) =	sbr.rel @p0 .LBB2_2-.Ltmp0, $4  }
0x40: {  	[spmem:s2] =	stream.indirect.scatter.add.f32 [tilespmem:s18], [sflag:$0x3], $0x80, s24, s16, $0xb8;
	[tilespmem:$0x1FC00] =	vst v63  }
0x41: {  	_ =	swait.ge [sflag:s12], $0x2000  }
0x42: {  	[sflag:s12] =	ssyncset.done $0x0  }
0x43: {  	s24 =	sadd.s32 $0x40, s23;
	s23 =	sadd.s32 $0x80, s23;
	[sflag:s12] =	ssyncadd.s32 $0xFFFFE000  }
0x44: {  	[tilespmem:s18], [sflag:$0x2] =	stream.indirect.gather [hbm4b:s7+s16], $0x80, s24, s16, $0xb8;
	[tilespmem:$0x1FC00] =	vst v63  }
0x45: {  	_ =	swait.ge [sflag:s19], $0x2000  }
0x46: {  	[sflag:s19] =	ssyncset.done $0x0  }
0x47: {  	[sflag:s19] =	ssyncadd.s32 $0xFFFFE000  }
0x48: {  	_ =	swait.ge [sflag:s20], $0x2000  }
0x49: {  	[sflag:s20] =	ssyncset.done $0x0  }
0x4a: {  	[sflag:s20] =	ssyncadd.s32 $0xFFFFE000  }
0x4b: {  	[bflag:$0x0] =	sbarrier.arrive $0xFFFF  }
0x4c: {  	[hbm:s8], [sflag:s14] =	dma.local [spmem:s15], $0x2800  }
0x4d: {  	_ =	swait.ge [sflag:s12], $0x2800  }
0x4e: {  	[sflag:s12] =	ssyncset.done $0x0  }
0x4f: {  	[sflag:s12] =	ssyncadd.s32 $0xFFFFD800  }
0x50: {  	[bflag:$0x0] =	sbarrier.arrive $0xFFFF  }
0x51: {  	[spmem:s15], [sflag:s14] =	dma.local [hbm:s6], $0x2800  }
0x52: {  	_ =	swait.ge [sflag:s12], $0x2800  }
0x53: {  	[sflag:s12] =	ssyncset.done $0x0  }
0x54: {  	[sflag:s12] =	ssyncadd.s32 $0xFFFFD800  }
0x55: {  	s22 =	simm.s32 $0x0;
	[bflag:$0x0] =	sbarrier.arrive $0xFFFF  }
0x56: {  	[tilespmem:s17], [sflag:$0x1] =	stream.indirect.gather [hbm4b:s9+s16], $0x80, s22, s16, $0xb8;
	[tilespmem:$0x1FC00] =	vst v63  }
0x57: {  	_ = 	snop  }
0x58: {  	[tilespmem:s18], [sflag:$0x2] =	stream.indirect.gather [hbm4b:s9+s16], $0x80, s16, s16, $0xb8;
	[tilespmem:$0x1FC00] =	vst v63  }
0x59: {  	_ =	swait.ge [sflag:s19], $0x2000  }
0x5a: {  	[sflag:s19] =	ssyncset.done $0x0  }
0x5b: {  	s29 =	simm.s32 $0x2C00;
	[sflag:s19] =	ssyncadd.s32 $0xFFFFE000  }
0x5c: {  	[spmem:s2] =	stream.indirect.scatter.add.f32 [tilespmem:s17], [sflag:$0x3], $0x80, s29, s16, $0xb8;
	[tilespmem:$0x1FC00] =	vst v63  }
0x5d: {  	_ =	swait.ge [sflag:s12], $0x2000  }
0x5e: {  	[sflag:s12] =	ssyncset.done $0x0  }
0x5f: {  	s30 =	simm.s32 $0x80;
	[sflag:s12] =	ssyncadd.s32 $0xFFFFE000  }
0x60: {  	[tilespmem:s17], [sflag:$0x1] =	stream.indirect.gather [hbm4b:s9+s16], $0x80, s30, s16, $0xb8;
	[tilespmem:$0x1FC00] =	vst v63  }
0x61: {  	_ =	swait.ge [sflag:s20], $0x2000  }
0x62: {  	[sflag:s20] =	ssyncset.done $0x0  }
0x63: {  	s31 =	simm.s32 $0x2C80;
	[sflag:s20] =	ssyncadd.s32 $0xFFFFE000  }
0x64: {  	[spmem:s2] =	stream.indirect.scatter.add.f32 [tilespmem:s18], [sflag:$0x3], $0x80, s31, s16, $0xb8;
	[tilespmem:$0x1FC00] =	vst v63  }
0x65: {  	_ =	swait.ge [sflag:s12], $0x2000  }
0x66: {  	s24 =	simm.s32 $0xC0;
	[sflag:s12] =	ssyncset.done $0x0  }
0x67: {  	s23 =	simm.s32 $0x100;
	s22 =	simm.s32 $0x400;
	[sflag:s12] =	ssyncadd.s32 $0xFFFFE000  }
.LBB2_4:
0x68: {  	[tilespmem:s18], [sflag:$0x2] =	stream.indirect.gather [hbm4b:s9+s16], $0x80, s24, s16, $0xb8;
	[tilespmem:$0x1FC00] =	vst v63  }
0x69: {  	s24 =	smov.u32 s22  }
0x6a: {  	p0 =	sne.s32 s22, $0x13C00;
	s22 =	sadd.s32 $0x400, s22;
	_ =	swait.ge [sflag:s19], $0x2000  }
0x6b: {  	s24 =	sshra.s32 s24, $0x2;
	[sflag:s19] =	ssyncset.done $0x0  }
0x6c: {  	s25 =	sadd.s32 $0x2C00, s24;
	[sflag:s19] =	ssyncadd.s32 $0xFFFFE000  }
0x6d: {  	[spmem:s2] =	stream.indirect.scatter.add.f32 [tilespmem:s17], [sflag:$0x3], $0x80, s25, s16, $0xb8;
	[tilespmem:$0x1FC00] =	vst v63  }
0x6e: {  	_ =	swait.ge [sflag:s12], $0x2000  }
0x6f: {  	[sflag:s12] =	ssyncset.done $0x0  }
0x70: {  	[sflag:s12] =	ssyncadd.s32 $0xFFFFE000  }
0x71: {  	[tilespmem:s17], [sflag:$0x1] =	stream.indirect.gather [hbm4b:s9+s16], $0x80, s23, s16, $0xb8;
	[tilespmem:$0x1FC00] =	vst v63  }
0x72: {  	_ =	swait.ge [sflag:s20], $0x2000  }
0x73: {  	[sflag:s20] =	ssyncset.done $0x0  }
.Ltmp1:
0x74: {  	s24 =	sadd.s32 $0x2C80, s24;
	[sflag:s20] =	ssyncadd.s32 $0xFFFFE000;
	(pc) =	sbr.rel @p0 .LBB2_4-.Ltmp1, $4  }
0x75: {  	[spmem:s2] =	stream.indirect.scatter.add.f32 [tilespmem:s18], [sflag:$0x3], $0x80, s24, s16, $0xb8;
	[tilespmem:$0x1FC00] =	vst v63  }
0x76: {  	_ =	swait.ge [sflag:s12], $0x2000  }
0x77: {  	[sflag:s12] =	ssyncset.done $0x0  }
0x78: {  	s24 =	sadd.s32 $0x40, s23;
	s23 =	sadd.s32 $0x80, s23;
	[sflag:s12] =	ssyncadd.s32 $0xFFFFE000  }
0x79: {  	[tilespmem:s18], [sflag:$0x2] =	stream.indirect.gather [hbm4b:s9+s16], $0x80, s24, s16, $0xb8;
	[tilespmem:$0x1FC00] =	vst v63  }
0x7a: {  	_ =	swait.ge [sflag:s19], $0x2000  }
0x7b: {  	[sflag:s19] =	ssyncset.done $0x0  }
0x7c: {  	[sflag:s19] =	ssyncadd.s32 $0xFFFFE000  }
0x7d: {  	_ =	swait.ge [sflag:s20], $0x2000  }
0x7e: {  	[sflag:s20] =	ssyncset.done $0x0  }
0x7f: {  	s21 =	sadd.s32 $0x1, s21;
	[sflag:s20] =	ssyncadd.s32 $0xFFFFE000  }
0x80: {  	p0 =	sne.s32 s21, s11;
	[bflag:$0x0] =	sbarrier.arrive $0xFFFF  }
0x81: {  	[hbm:s10], [sflag:s14] =	dma.local [spmem:s15], $0x2800  }
.Ltmp2:
0x82: {  	_ =	swait.ge [sflag:s12], $0x2800;
	(pc) =	sbr.rel @p0 .LBB2_1-.Ltmp2, $3  }
0x83: {  	[sflag:s12] =	ssyncset.done $0x0  }
0x84: {  	[sflag:s12] =	ssyncadd.s32 $0xFFFFD800  }
0x85: {  	[bflag:$0x0] =	sbarrier.arrive $0xFFFF;
	_ =	sdelay $0x1  }
0x86: {  	_ =	sfence.sel $0x180000  }
0x87: {  	[bflag:$0x0] =	sbarrier.arrive $0xFFFF  }
0x88: {  	p0 =	sne.s32 s1, $0x0;
	_ =	strace $0x9000004D  }
0x89: {  	s0 =	sadd.s32 @!p0 $0x100000, s0;
	[bflag:$0x2] =	sbarrier.arrive $0xFFFF  }
0x8a: {  	[sflag:s0] =	ssyncadd.tile.s32 @!p0 $0x1;
	_ =	shalt  }
.Lfunc_end2:
_tile_overlayer_lowered:
.L_overlay_start_2:
0x8b: {  	(tag) =	ssettag $0x2  }
0x8c: {  	s0 =	rddreg [dreg:$0x0];
	s2 =	stileid.u32  }
0x8d: {  	s1 =	rddreg [dreg:$0x1];
	p0 =	sne.s32 s2, $0x0  }
0x8e: {  	s3 =	rddreg [dreg:$0x2];
	[bflag:$0x3] =	sbarrier.arrive $0xFFFF;
	s2 =	simm.s32 @!p0 $0x1C03  }
0x8f: {  	[timem:s3], [sflag:s2] =	dma.local @!p0 [hbm:s0], s1  }
0x90: {  	s0 =	simm.s32 @!p0 $0x3  }
0x91: {  	_ =	swait.ge @!p0 [sflag:s0], s1  }
0x92: {  	s1 =	ssub.s32 @!p0 $0x0, s1;
	[sflag:s0] =	ssyncset.done @!p0 $0x0  }
0x93: {  	[sflag:s0] =	ssyncadd.s32 @!p0 s1  }
0x94: {  	[bflag:$0x3] =	sbarrier.arrive $0xFFFF  }
0x95: {  	_ =	shalt  }

// kernel: kernel.21.cloned.1.call-start
scs
__scs_entry_jumppad:
0x0: {  	(pc) =	sbr.rel $0x88, $3  }
0x1: {  	(tag) =	ssettag $0x0;
	lr =	simm.s32 $0x1  }
0x2: {  	[smem:$0x3F9B] =	sst lr;
	_ =	strace $0xD0000000  }
0x3: {  	_ = 	snop  }
0x4: {  	_ = 	snop  }
0x5: {  	_ = 	snop  }
0x6: {  	_ = 	snop  }
0x7: {  	_ = 	snop  }
__scs_overlays_trampoline_lowered:
0x8: {  	[smem:$0x3FAA] =	sst s0  }
0x9: {  	[smem:$0x3FAB] =	sst s1  }
0xa: {  	[smem:$0x3FAC] =	sst s2  }
0xb: {  	[smem:$0x3FAD] =	sst s3  }
0xc: {  	[smem:$0x3FAE] =	sst s4  }
0xd: {  	[smem:$0x3FAF] =	sst s5  }
0xe: {  	[smem:$0x3FB0] =	sst s6  }
0xf: {  	[smem:$0x3FB1] =	sst s7  }
0x10: {  	[smem:$0x3FB2] =	sst s8  }
0x11: {  	[smem:$0x3FB3] =	sst s9;
	s0 =	simm.s32 @!p0 $0x0  }
0x12: {  	s1 =	sld [smem:$0x3F99];
	s0 =	simm.s32 @p0 $0x1  }
0x13: {  	[smem:$0x3FB4] =	sst s0;
	s0 =	simm.s32 @!p1 $0x0  }
0x14: {  	s2 =	sld [smem:$0x3F98];
	s0 =	simm.s32 @p1 $0x1  }
0x15: {  	[smem:$0x3FB5] =	sst s0;
	s0 =	simm.s32 @!p2 $0x0  }
0x16: {  	s3 =	sld [smem:$0x3FDB];
	s0 =	simm.s32 @p2 $0x1  }
0x17: {  	s4 =	simm.s32 $0x1BF5;
	[smem:$0x3FB7] =	sst s0  }
0x18: {  	s0 =	sld [smem:$0x3F9A];
	_ =	swait.ge [sflag:s4], $0x0  }
0x19: {  	s7 =	sld [smem:$0x3F9B]  }
0x1a: {  	s8 =	sadd.s32 $0xFFFFE003, lr  }
0x1b: {  	s9 =	sadd.s32 $0xFFFFFEF7, lr;
	s5 =	simm.s32 $0xFFFFFFFF;
	p2 =	slt.u32 s8, $0xFFFFF086  }
0x1c: {  	p1 =	slt.u32 s9, $0xF7A;
	s5 =	simm.s32 @!p2 $0x0  }
0x1d: {  	s5 =	simm.s32 @p1 $0x1;
	p0 =	seq.s32 s7, s2  }
0x1e: {  	s7 =	smul.u32 @!p0 $0xF7A, s2;
	p2 =	seq.s32 @!p0 s5, $0x0  }
0x1f: {  	s9 =	smul.u32 $0xF7A, s1;
	s8 =	simm.s32 @!p0 $0x1BF5;
	p2 =	por !p2, p0  }
0x20: {  	[sflag:s8] =	ssyncset.s32 @!p0 $0xFFFFF086;
	s6 =	sadd.s32 @!p0 s3, s7;
	s7 =	simm.s32 @!p0 $0x108  }
0x21: {  	s3 =	sadd.s32 s3, s9;
	s6 =	sadd.s32 @!p0 $0x88, s6;
	s7 =	simm.s32 @p2 $0x1082  }
0x22: {  	[simem:s7], [sflag:s8] =	dma.local @!p0 [hbm:s6], $0xF7A  }
0x23: {  	s9 =	sor.u32 $0xD0000000, s2;
	s6 =	simm.s32 $0x108;
	_ =	swait.ge @!p0 [sflag:s8], $0x0  }
0x24: {  	s3 =	sadd.s32 $0x88, s3;
	s6 =	simm.s32 @!p1 $0x1082;
	[sflag:s4] =	ssyncset.s32 $0xFFFFF086  }
0x25: {  	[simem:s6], [sflag:s4] =	dma.local [hbm:s3], $0xF7A  }
0x26: {  	[smem:$0x3F9B] =	sst s1;
	(tag) =	ssettag s2;
	_ =	strace s9  }
0x27: {  	s1 =	sld [smem:$0x3FAB]  }
0x28: {  	s2 =	sld [smem:$0x3FAC]  }
0x29: {  	s4 =	sld [smem:$0x3FAE]  }
0x2a: {  	p0 =	seq.s32 s5, $0x0;
	s5 =	sld [smem:$0x3FAF]  }
0x2b: {  	s6 =	sld [smem:$0x3FB0]  }
0x2c: {  	s7 =	sld [smem:$0x3FB1]  }
0x2d: {  	s3 =	simm.s32 $0x108;
	s8 =	sld [smem:$0x3FB2]  }
0x2e: {  	s3 =	simm.s32 @!p0 $0x1082;
	s9 =	sld [smem:$0x3FB3]  }
0x2f: {  	lr =	sadd.s32 s0, s3;
	s0 =	sld [smem:$0x3FAA]  }
0x30: {  	s3 =	sld [smem:$0x3FAD]  }
0x31: {  	[smem:$0x3FB6] =	sst s10  }
0x32: {  	s10 =	sld [smem:$0x3FB4];
	_ =	sdelay $0x3  }
0x33: {  	p0 =	seq.s32 s10, $0x1;
	s10 =	sld [smem:$0x3FB6];
	_ =	sdelay $0x3  }
0x34: {  	[smem:$0x3FB6] =	sst s10  }
0x35: {  	s10 =	sld [smem:$0x3FB5];
	_ =	sdelay $0x3  }
0x36: {  	p1 =	seq.s32 s10, $0x1;
	s10 =	sld [smem:$0x3FB6];
	_ =	sdelay $0x3  }
0x37: {  	[smem:$0x3FB6] =	sst s10  }
0x38: {  	s10 =	sld [smem:$0x3FB7]  }
0x39: {  	_ = 	snop;
	(pc) =	sbr.ind lr, $3  }
0x3a: {  	_ = 	snop  }
0x3b: {  	_ = 	snop  }
0x3c: {  	p2 =	seq.s32 s10, $0x1;
	s10 =	sld [smem:$0x3FB6]  }
0x3d: {  	_ =	shalt  }
0x3e: {  	_ =	shalt  }
0x3f: {  	_ =	shalt  }
0x40: {  	_ =	shalt  }
0x41: {  	_ =	shalt  }
0x42: {  	_ =	shalt  }
0x43: {  	_ =	shalt  }
0x44: {  	_ =	shalt  }
0x45: {  	_ =	shalt  }
0x46: {  	_ =	shalt  }
0x47: {  	_ =	shalt  }
0x48: {  	_ =	shalt  }
0x49: {  	_ =	shalt  }
0x4a: {  	_ =	shalt  }
0x4b: {  	_ =	shalt  }
0x4c: {  	_ =	shalt  }
0x4d: {  	_ =	shalt  }
0x4e: {  	_ =	shalt  }
0x4f: {  	_ =	shalt  }
0x50: {  	_ =	shalt  }
0x51: {  	_ =	shalt  }
0x52: {  	_ =	shalt  }
0x53: {  	_ =	shalt  }
0x54: {  	_ =	shalt  }
0x55: {  	_ =	shalt  }
0x56: {  	_ =	shalt  }
0x57: {  	_ =	shalt  }
0x58: {  	_ =	shalt  }
0x59: {  	_ =	shalt  }
0x5a: {  	_ =	shalt  }
0x5b: {  	_ =	shalt  }
0x5c: {  	_ =	shalt  }
0x5d: {  	_ =	shalt  }
0x5e: {  	_ =	shalt  }
0x5f: {  	_ =	shalt  }
0x60: {  	_ =	shalt  }
0x61: {  	_ =	shalt  }
0x62: {  	_ =	shalt  }
0x63: {  	_ =	shalt  }
0x64: {  	_ =	shalt  }
0x65: {  	_ =	shalt  }
0x66: {  	_ =	shalt  }
0x67: {  	_ =	shalt  }
0x68: {  	_ =	shalt  }
0x69: {  	_ =	shalt  }
0x6a: {  	_ =	shalt  }
0x6b: {  	_ =	shalt  }
0x6c: {  	_ =	shalt  }
0x6d: {  	_ =	shalt  }
0x6e: {  	_ =	shalt  }
0x6f: {  	_ =	shalt  }
0x70: {  	_ =	shalt  }
0x71: {  	_ =	shalt  }
0x72: {  	_ =	shalt  }
0x73: {  	_ =	shalt  }
0x74: {  	_ =	shalt  }
0x75: {  	_ =	shalt  }
0x76: {  	_ =	shalt  }
0x77: {  	_ =	shalt  }
0x78: {  	_ =	shalt  }
0x79: {  	_ =	shalt  }
0x7a: {  	_ =	shalt  }
0x7b: {  	_ =	shalt  }
0x7c: {  	_ =	shalt  }
0x7d: {  	_ =	shalt  }
0x7e: {  	_ =	shalt  }
0x7f: {  	_ =	shalt  }
0x80: {  	_ =	shalt  }
0x81: {  	_ =	shalt  }
0x82: {  	_ =	shalt  }
0x83: {  	_ =	shalt  }
0x84: {  	_ =	shalt  }
0x85: {  	_ =	shalt  }
0x86: {  	_ =	shalt  }
0x87: {  	_ =	shalt  }
.Lfunc_end0:
.L_simem_size_0:
called_computation.3_lowered:
.L_overlay_start_0:
0x88: {  	s2 =	sld [smem:$0x3FD9]  }
0x89: {  	s3 =	sld [smem:$0x3FFE];
	_ =	sdelay $0x1  }
0x8a: {  	s1 =	srdreg.scid  }
0x8b: {  	s0 =	sand.u32 $0x1, s1  }
0x8c: {  	s17 =	sshll.u32 s0, $0xA;
	s2 =	sadd.s32 s3, s2  }
0x8d: {  	s2 =	sadd.s32 s2, s17  }
0x8e: {  	[smem:$0x3FC2] =	sst s2  }
0x8f: {  	_ = 	snop  }
0x90: {  	s2 =	sld [smem:$0x3FD0];
	(tm) =	ssettm $0x1  }
0x91: {  	s18 =	sld [smem:$0x3FFB];
	_ =	sdelay $0x3  }
0x92: {  	_ =	strace s18  }
0x93: {  	s3 =	sld [smem:$0x3FFC];
	_ =	sdelay $0x3  }
0x94: {  	_ =	strace s3  }
0x95: {  	s3 =	sld [smem:$0x3FFD];
	_ =	sdelay $0x3  }
0x96: {  	_ =	strace s3  }
0x97: {  	_ =	strace $0x8FFFFFFF  }
0x98: {  	s19 =	sld [smem:$0x3FDB];
	_ =	sdelay $0x1  }
0x99: {  	s4 =	simm.s32 $_scs_section_size  }
0x9a: {  	s5 =	simm.s32 $_size__tile_overlayer_lowered;
	s6 =	simm.s32 $_tile_overlayer_lowered  }
0x9b: {  	s22 =	simm.s32 $0x1BFF;
	s21 =	sshll.u32 s6, $0x1;
	s3 =	sadd.s32 s4, s19  }
0x9c: {  	s7 =	simm.s32 $0x0;
	s20 =	sshll.u32 s5, $0x1;
	s5 =	sadd.s32 s21, s3  }
0x9d: {  	[timem:s7], [sflag:s22] =	dma.local [hbm:s5], s20  }
0x9e: {  	_ =	swait.ge [sflag:s22], s20  }
0x9f: {  	s4 =	ssub.s32 $0x0, s20;
	[sflag:s22] =	ssyncset.done $0x0  }
0xa0: {  	[sflag:s22] =	ssyncadd.s32 s4;
	_ =	sdelay $0x1  }
0xa1: {  	s23 =	simm.s32 $0x1B8B  }
0xa2: {  	_ =	swait.ge [sflag:s23], $0x1  }
0xa3: {  	[sflag:s23] =	ssyncset.done $0x0  }
0xa4: {  	s25 =	simm.s32 $0x1B8E;
	s24 =	sld [smem:$0x3FFE];
	[sflag:s23] =	ssyncadd.s32 $0xFFFFFFFF  }
0xa5: {  	s26 =	simm.s32 $execute0_lowered;
	[smem:$0x3FD2] =	sst s25  }
0xa6: {  	s5 =	sshll.u32 s26, $0x1;
	_ =	strace $0x8000004F;
	[dreg:$0x1] =	wrdreg $0xFFFFFFFF  }
0xa7: {  	s28 =	simm.s32 $_size_execute0_lowered;
	s3 =	sadd.s32 s3, s5;
	[dreg:$0x0] =	wrdreg $0x0  }
0xa8: {  	s5 =	sshll.u32 s28, $0x1;
	[dreg:$0x2] =	wrdreg s3  }
0xa9: {  	[dreg:$0x3] =	wrdreg s5  }
0xaa: {  	[dreg:$0x4] =	wrdreg $0xC0  }
0xab: {  	_ =	task [dreg:s7], $0x5FFFF  }
0xac: {  	[dreg:$0x1] =	wrdreg $0xFFFFFFFF  }
0xad: {  	[dreg:$0x0] =	wrdreg $0x60  }
0xae: {  	[dreg:$0x2] =	wrdreg s24  }
0xaf: {  	[dreg:$0x3] =	wrdreg s2  }
0xb0: {  	[dreg:$0x4] =	wrdreg $0xBC000  }
0xb1: {  	[dreg:$0x5] =	wrdreg $0x9  }
0xb2: {  	_ =	task.clear_ibuf [dreg:s7], $0x6FFFF;
	_ =	strace $0x9000004F  }
0xb3: {  	s29 =	simm.s32 $0x9;
	_ =	strace $0x80000051  }
0xb4: {  	_ =	swait.ge [sflag:s29], $0x1  }
0xb5: {  	[sflag:s29] =	ssyncadd.s32 $0xFFFFFFFF  }
0xb6: {  	_ =	strace $0x90000051  }
0xb7: {  	_ =	sfence  }
0xb8: {  	s30 =	sld [smem:$0x0];
	_ =	sdelay $0x2  }
0xb9: {  	s31 =	sshll.u32 s1, $0xD;
	s1 =	sshrl.u32 s1, $0x2  }
0xba: {  	s3 =	sand.u32 $0x4000, s31;
	s1 =	sadd.s32 s1, s30  }
0xbb: {  	s0 =	sor.u32 s3, s0;
	s1 =	sshll.u32 s1, $0x11  }
0xbc: {  	s0 =	sor.u32 s1, s0  }
0xbd: {  	s0 =	sadd.s32 $0x8F2B, s0  }
0xbe: {  	[sflag:s0] =	ssyncadd.remote.s32 $0x1  }
0xbf: {  	_ =	sfence.sel $0xFFFF  }
0xc0: {  	[dreg:$0x0] =	wrdreg $0xFFFFFFFF;
	(pc) =	sbr.abs _section_cstart, $3  }
0xc1: {  	[dreg:$0x1] =	wrdreg $0xFFFFFFFF  }
0xc2: {  	_ =	task.clear_ibuf [dreg:s7], $0x2FFFF;
	_ =	strace $0x9FFFFFFF  }
0xc3: {  	(tm) =	ssettm $0x7FFFFFFF  }
tec
execute0_lowered:
.L_overlay_start_1:
0x0: {  	(tag) =	ssettag $0x1  }
0x1: {  	s4 =	rddreg [dreg:$0x0]  }
0x2: {  	s6 =	rddreg [dreg:$0x1]  }
0x3: {  	s2 =	rddreg [dreg:$0x2]  }
0x4: {  	s0 =	rddreg [dreg:$0x3];
	s3 =	simm.s32 $0x0;
	s1 =	stileid.u32  }
0x5: {  	s7 =	srdreg.scid;
	s16 =	simm.s32 $0x40;
	s17 =	simm.s32 $0x7C00  }
0x6: {  	s18 =	simm.s32 $0x9C00;
	s19 =	simm.s32 $0x1;
	s5 =	smul.u32 $0x580, s1  }
0x7: {  	s20 =	simm.s32 $0x2;
	s21 =	simm.s32 $0x0;
	s8 =	smul.u32 $0xA00, s1  }
0x8: {  	[smem:$0x7FF] =	sst s3;
	s7 =	sand.u32 $0x1, s7;
	s12 =	smul.u32 $0x50000, s1  }
0x9: {  	s9 =	sadd.s32 $0xBC200, s4;
	s13 =	sadd.s32 $0x15C200, s4;
	s24 =	smul.u32 $0x14000, s1  }
0xa: {  	s31 =	sshll.u32 s1, $0x6;
	_ =	strace $0x80000050;
	s10 =	ssub.s32 $0x2, s7  }
0xb: {  	s14 =	smul.u32 $0x280000, s7;
	s5 =	sadd.s32 s5, s4;
	s8 =	sadd.s32 s8, s4  }
0xc: {  	s11 =	sshrl.u32 s10, $0x1;
	s12 =	sshrl.u32 s12, $0x2;
	s25 =	sshrl.u32 s24, $0x3  }
0xd: {  	s11 =	ssub.s32 s10, s11;
	s4 =	sadd.s32 $0xB6A00, s5;
	s5 =	sadd.s32 $0xACA00, s8  }
0xe: {  	s15 =	sadd.s32 s12, s2;
	s6 =	sadd.s32 s6, s25;
	s26 =	sshrl.u32 s14, $0x3  }
0xf: {  	s28 =	sadd.s32 $0x140000, s14;
	s29 =	sadd.s32 s24, s14;
	s14 =	sor.u32 $0x1C03, s31  }
0x10: {  	s7 =	sadd.s32 s9, s26;
	s10 =	sadd.s32 s24, s28;
	s12 =	sshrl.u32 s29, $0x3  }
0x11: {  	s30 =	sshrl.u32 s28, $0x3;
	s11 =	smax.u32 s11, $0x1;
	s15 =	sshrl.u32 s15, $0x3  }
0x12: {  	s10 =	sshrl.u32 s10, $0x3;
	s8 =	sadd.s32 s13, s12;
	s9 =	sadd.s32 s9, s30  }
0x13: {  	s12 =	simm.s32 $0x3;
	s10 =	sadd.s32 s13, s10;
	s13 =	simm.s32 $0x2C00  }
.LBB2_1:
0x14: {  	[tilespmem:s3], [sflag:$0x3] =	stream.linear.gather [hbm4b:s4+s3], $0x2900, $0x38;
	[tilespmem:$0x1FC00] =	vst v63  }
0x15: {  	_ =	swait.ge [sflag:s12], $0x2900  }
0x16: {  	[sflag:s12] =	ssyncset.done $0x0  }
0x17: {  	[sflag:s12] =	ssyncadd.s32 $0xFFFFD700  }
0x18: {  	[tilespmem:s13], [sflag:$0x3] =	stream.linear.gather [hbm4b:s5+s3], $0x5000, $0x38;
	[tilespmem:$0x1FC00] =	vst v63  }
0x19: {  	_ =	swait.ge [sflag:s12], $0x5000  }
0x1a: {  	[sflag:s12] =	ssyncset.done $0x0  }
0x1b: {  	[sflag:s12] =	ssyncadd.s32 $0xFFFFB000  }
0x1c: {  	[spmem:s15], [sflag:s14] =	dma.local [hbm:s6], $0x2800  }
0x1d: {  	_ =	swait.ge [sflag:s12], $0x2800  }
0x1e: {  	[sflag:s12] =	ssyncset.done $0x0  }
0x1f: {  	[sflag:s12] =	ssyncadd.s32 $0xFFFFD800  }
0x20: {  	[bflag:$0x0] =	sbarrier.arrive $0xFFFF  }
0x21: {  	[tilespmem:s17], [sflag:$0x1] =	stream.indirect.gather [hbm4b:s7+s16], $0x80, s3, s16, $0xb8;
	[tilespmem:$0x1FC00] =	vst v63  }
0x22: {  	_ = 	snop  }
0x23: {  	[tilespmem:s18], [sflag:$0x2] =	stream.indirect.gather [hbm4b:s7+s16], $0x80, s16, s16, $0xb8;
	[tilespmem:$0x1FC00] =	vst v63  }
0x24: {  	_ =	swait.ge [sflag:s19], $0x2000  }
0x25: {  	[sflag:s19] =	ssyncset.done $0x0  }
0x26: {  	s22 =	simm.s32 $0x2C00;
	[sflag:s19] =	ssyncadd.s32 $0xFFFFE000  }
0x27: {  	[spmem:s2] =	stream.indirect.scatter.add.f32 [tilespmem:s17], [sflag:$0x3], $0x80, s22, s16, $0xb8;
	[tilespmem:$0x1FC00] =	vst v63  }
0x28: {  	_ =	swait.ge [sflag:s12], $0x2000  }
0x29: {  	[sflag:s12] =	ssyncset.done $0x0  }
0x2a: {  	s30 =	simm.s32 $0x80;
	[sflag:s12] =	ssyncadd.s32 $0xFFFFE000  }
0x2b: {  	[tilespmem:s17], [sflag:$0x1] =	stream.indirect.gather [hbm4b:s7+s16], $0x80, s30, s16, $0xb8;
	[tilespmem:$0x1FC00] =	vst v63  }
0x2c: {  	_ =	swait.ge [sflag:s20], $0x2000  }
0x2d: {  	[sflag:s20] =	ssyncset.done $0x0  }
0x2e: {  	s31 =	simm.s32 $0x2C80;
	[sflag:s20] =	ssyncadd.s32 $0xFFFFE000  }
0x2f: {  	[spmem:s2] =	stream.indirect.scatter.add.f32 [tilespmem:s18], [sflag:$0x3], $0x80, s31, s16, $0xb8;
	[tilespmem:$0x1FC00] =	vst v63  }
0x30: {  	_ =	swait.ge [sflag:s12], $0x2000  }
0x31: {  	s24 =	simm.s32 $0xC0;
	[sflag:s12] =	ssyncset.done $0x0  }
0x32: {  	s23 =	simm.s32 $0x100;
	s22 =	simm.s32 $0x400;
	[sflag:s12] =	ssyncadd.s32 $0xFFFFE000  }
.LBB2_2:
0x33: {  	[tilespmem:s18], [sflag:$0x2] =	stream.indirect.gather [hbm4b:s7+s16], $0x80, s24, s16, $0xb8;
	[tilespmem:$0x1FC00] =	vst v63  }
0x34: {  	s24 =	smov.u32 s22  }
0x35: {  	p0 =	sne.s32 s22, $0x13C00;
	s22 =	sadd.s32 $0x400, s22;
	_ =	swait.ge [sflag:s19], $0x2000  }
0x36: {  	s24 =	sshra.s32 s24, $0x2;
	[sflag:s19] =	ssyncset.done $0x0  }
0x37: {  	s25 =	sadd.s32 $0x2C00, s24;
	[sflag:s19] =	ssyncadd.s32 $0xFFFFE000  }
0x38: {  	[spmem:s2] =	stream.indirect.scatter.add.f32 [tilespmem:s17], [sflag:$0x3], $0x80, s25, s16, $0xb8;
	[tilespmem:$0x1FC00] =	vst v63  }
0x39: {  	_ =	swait.ge [sflag:s12], $0x2000  }
0x3a: {  	[sflag:s12] =	ssyncset.done $0x0  }
0x3b: {  	[sflag:s12] =	ssyncadd.s32 $0xFFFFE000  }
0x3c: {  	[tilespmem:s17], [sflag:$0x1] =	stream.indirect.gather [hbm4b:s7+s16], $0x80, s23, s16, $0xb8;
	[tilespmem:$0x1FC00] =	vst v63  }
0x3d: {  	_ =	swait.ge [sflag:s20], $0x2000  }
0x3e: {  	[sflag:s20] =	ssyncset.done $0x0  }
.Ltmp0:
0x3f: {  	s24 =	sadd.s32 $0x2C80, s24;
	[sflag:s20] =	ssyncadd.s32 $0xFFFFE000;
	(pc) =	sbr.rel @p0 .LBB2_2-.Ltmp0, $4  }
0x40: {  	[spmem:s2] =	stream.indirect.scatter.add.f32 [tilespmem:s18], [sflag:$0x3], $0x80, s24, s16, $0xb8;
	[tilespmem:$0x1FC00] =	vst v63  }
0x41: {  	_ =	swait.ge [sflag:s12], $0x2000  }
0x42: {  	[sflag:s12] =	ssyncset.done $0x0  }
0x43: {  	s24 =	sadd.s32 $0x40, s23;
	s23 =	sadd.s32 $0x80, s23;
	[sflag:s12] =	ssyncadd.s32 $0xFFFFE000  }
0x44: {  	[tilespmem:s18], [sflag:$0x2] =	stream.indirect.gather [hbm4b:s7+s16], $0x80, s24, s16, $0xb8;
	[tilespmem:$0x1FC00] =	vst v63  }
0x45: {  	_ =	swait.ge [sflag:s19], $0x2000  }
0x46: {  	[sflag:s19] =	ssyncset.done $0x0  }
0x47: {  	[sflag:s19] =	ssyncadd.s32 $0xFFFFE000  }
0x48: {  	_ =	swait.ge [sflag:s20], $0x2000  }
0x49: {  	[sflag:s20] =	ssyncset.done $0x0  }
0x4a: {  	[sflag:s20] =	ssyncadd.s32 $0xFFFFE000  }
0x4b: {  	[bflag:$0x0] =	sbarrier.arrive $0xFFFF  }
0x4c: {  	[hbm:s8], [sflag:s14] =	dma.local [spmem:s15], $0x2800  }
0x4d: {  	_ =	swait.ge [sflag:s12], $0x2800  }
0x4e: {  	[sflag:s12] =	ssyncset.done $0x0  }
0x4f: {  	[sflag:s12] =	ssyncadd.s32 $0xFFFFD800  }
0x50: {  	[bflag:$0x0] =	sbarrier.arrive $0xFFFF  }
0x51: {  	[spmem:s15], [sflag:s14] =	dma.local [hbm:s6], $0x2800  }
0x52: {  	_ =	swait.ge [sflag:s12], $0x2800  }
0x53: {  	[sflag:s12] =	ssyncset.done $0x0  }
0x54: {  	[sflag:s12] =	ssyncadd.s32 $0xFFFFD800  }
0x55: {  	s22 =	simm.s32 $0x0;
	[bflag:$0x0] =	sbarrier.arrive $0xFFFF  }
0x56: {  	[tilespmem:s17], [sflag:$0x1] =	stream.indirect.gather [hbm4b:s9+s16], $0x80, s22, s16, $0xb8;
	[tilespmem:$0x1FC00] =	vst v63  }
0x57: {  	_ = 	snop  }
0x58: {  	[tilespmem:s18], [sflag:$0x2] =	stream.indirect.gather [hbm4b:s9+s16], $0x80, s16, s16, $0xb8;
	[tilespmem:$0x1FC00] =	vst v63  }
0x59: {  	_ =	swait.ge [sflag:s19], $0x2000  }
0x5a: {  	[sflag:s19] =	ssyncset.done $0x0  }
0x5b: {  	s29 =	simm.s32 $0x2C00;
	[sflag:s19] =	ssyncadd.s32 $0xFFFFE000  }
0x5c: {  	[spmem:s2] =	stream.indirect.scatter.add.f32 [tilespmem:s17], [sflag:$0x3], $0x80, s29, s16, $0xb8;
	[tilespmem:$0x1FC00] =	vst v63  }
0x5d: {  	_ =	swait.ge [sflag:s12], $0x2000  }
0x5e: {  	[sflag:s12] =	ssyncset.done $0x0  }
0x5f: {  	s30 =	simm.s32 $0x80;
	[sflag:s12] =	ssyncadd.s32 $0xFFFFE000  }
0x60: {  	[tilespmem:s17], [sflag:$0x1] =	stream.indirect.gather [hbm4b:s9+s16], $0x80, s30, s16, $0xb8;
	[tilespmem:$0x1FC00] =	vst v63  }
0x61: {  	_ =	swait.ge [sflag:s20], $0x2000  }
0x62: {  	[sflag:s20] =	ssyncset.done $0x0  }
0x63: {  	s31 =	simm.s32 $0x2C80;
	[sflag:s20] =	ssyncadd.s32 $0xFFFFE000  }
0x64: {  	[spmem:s2] =	stream.indirect.scatter.add.f32 [tilespmem:s18], [sflag:$0x3], $0x80, s31, s16, $0xb8;
	[tilespmem:$0x1FC00] =	vst v63  }
0x65: {  	_ =	swait.ge [sflag:s12], $0x2000  }
0x66: {  	s24 =	simm.s32 $0xC0;
	[sflag:s12] =	ssyncset.done $0x0  }
0x67: {  	s23 =	simm.s32 $0x100;
	s22 =	simm.s32 $0x400;
	[sflag:s12] =	ssyncadd.s32 $0xFFFFE000  }
.LBB2_4:
0x68: {  	[tilespmem:s18], [sflag:$0x2] =	stream.indirect.gather [hbm4b:s9+s16], $0x80, s24, s16, $0xb8;
	[tilespmem:$0x1FC00] =	vst v63  }
0x69: {  	s24 =	smov.u32 s22  }
0x6a: {  	p0 =	sne.s32 s22, $0x13C00;
	s22 =	sadd.s32 $0x400, s22;
	_ =	swait.ge [sflag:s19], $0x2000  }
0x6b: {  	s24 =	sshra.s32 s24, $0x2;
	[sflag:s19] =	ssyncset.done $0x0  }
0x6c: {  	s25 =	sadd.s32 $0x2C00, s24;
	[sflag:s19] =	ssyncadd.s32 $0xFFFFE000  }
0x6d: {  	[spmem:s2] =	stream.indirect.scatter.add.f32 [tilespmem:s17], [sflag:$0x3], $0x80, s25, s16, $0xb8;
	[tilespmem:$0x1FC00] =	vst v63  }
0x6e: {  	_ =	swait.ge [sflag:s12], $0x2000  }
0x6f: {  	[sflag:s12] =	ssyncset.done $0x0  }
0x70: {  	[sflag:s12] =	ssyncadd.s32 $0xFFFFE000  }
0x71: {  	[tilespmem:s17], [sflag:$0x1] =	stream.indirect.gather [hbm4b:s9+s16], $0x80, s23, s16, $0xb8;
	[tilespmem:$0x1FC00] =	vst v63  }
0x72: {  	_ =	swait.ge [sflag:s20], $0x2000  }
0x73: {  	[sflag:s20] =	ssyncset.done $0x0  }
.Ltmp1:
0x74: {  	s24 =	sadd.s32 $0x2C80, s24;
	[sflag:s20] =	ssyncadd.s32 $0xFFFFE000;
	(pc) =	sbr.rel @p0 .LBB2_4-.Ltmp1, $4  }
0x75: {  	[spmem:s2] =	stream.indirect.scatter.add.f32 [tilespmem:s18], [sflag:$0x3], $0x80, s24, s16, $0xb8;
	[tilespmem:$0x1FC00] =	vst v63  }
0x76: {  	_ =	swait.ge [sflag:s12], $0x2000  }
0x77: {  	[sflag:s12] =	ssyncset.done $0x0  }
0x78: {  	s24 =	sadd.s32 $0x40, s23;
	s23 =	sadd.s32 $0x80, s23;
	[sflag:s12] =	ssyncadd.s32 $0xFFFFE000  }
0x79: {  	[tilespmem:s18], [sflag:$0x2] =	stream.indirect.gather [hbm4b:s9+s16], $0x80, s24, s16, $0xb8;
	[tilespmem:$0x1FC00] =	vst v63  }
0x7a: {  	_ =	swait.ge [sflag:s19], $0x2000  }
0x7b: {  	[sflag:s19] =	ssyncset.done $0x0  }
0x7c: {  	[sflag:s19] =	ssyncadd.s32 $0xFFFFE000  }
0x7d: {  	_ =	swait.ge [sflag:s20], $0x2000  }
0x7e: {  	[sflag:s20] =	ssyncset.done $0x0  }
0x7f: {  	s21 =	sadd.s32 $0x1, s21;
	[sflag:s20] =	ssyncadd.s32 $0xFFFFE000  }
0x80: {  	p0 =	sne.s32 s21, s11;
	[bflag:$0x0] =	sbarrier.arrive $0xFFFF  }
0x81: {  	[hbm:s10], [sflag:s14] =	dma.local [spmem:s15], $0x2800  }
.Ltmp2:
0x82: {  	_ =	swait.ge [sflag:s12], $0x2800;
	(pc) =	sbr.rel @p0 .LBB2_1-.Ltmp2, $3  }
0x83: {  	[sflag:s12] =	ssyncset.done $0x0  }
0x84: {  	[sflag:s12] =	ssyncadd.s32 $0xFFFFD800  }
0x85: {  	[bflag:$0x0] =	sbarrier.arrive $0xFFFF;
	_ =	sdelay $0x1  }
0x86: {  	_ =	sfence.sel $0x180000  }
0x87: {  	[bflag:$0x0] =	sbarrier.arrive $0xFFFF  }
0x88: {  	p0 =	sne.s32 s1, $0x0;
	_ =	strace $0x90000050  }
0x89: {  	s0 =	sadd.s32 @!p0 $0x100000, s0;
	[bflag:$0x2] =	sbarrier.arrive $0xFFFF  }
0x8a: {  	[sflag:s0] =	ssyncadd.tile.s32 @!p0 $0x1;
	_ =	shalt  }
.Lfunc_end2:
_tile_overlayer_lowered:
.L_overlay_start_2:
0x8b: {  	(tag) =	ssettag $0x2  }
0x8c: {  	s0 =	rddreg [dreg:$0x0];
	s2 =	stileid.u32  }
0x8d: {  	s1 =	rddreg [dreg:$0x1];
	p0 =	sne.s32 s2, $0x0  }
0x8e: {  	s3 =	rddreg [dreg:$0x2];
	[bflag:$0x3] =	sbarrier.arrive $0xFFFF;
	s2 =	simm.s32 @!p0 $0x1C03  }
0x8f: {  	[timem:s3], [sflag:s2] =	dma.local @!p0 [hbm:s0], s1  }
0x90: {  	s0 =	simm.s32 @!p0 $0x3  }
0x91: {  	_ =	swait.ge @!p0 [sflag:s0], s1  }
0x92: {  	s1 =	ssub.s32 @!p0 $0x0, s1;
	[sflag:s0] =	ssyncset.done @!p0 $0x0  }
0x93: {  	[sflag:s0] =	ssyncadd.s32 @!p0 s1  }
0x94: {  	[bflag:$0x3] =	sbarrier.arrive $0xFFFF  }
0x95: {  	_ =	shalt  }

// kernel: kernel.24.cloned.1.call-start
scs
__scs_entry_jumppad:
0x0: {  	(pc) =	sbr.rel $0x88, $3  }
0x1: {  	(tag) =	ssettag $0x0;
	lr =	simm.s32 $0x1  }
0x2: {  	[smem:$0x3F9B] =	sst lr;
	_ =	strace $0xD0000000  }
0x3: {  	_ = 	snop  }
0x4: {  	_ = 	snop  }
0x5: {  	_ = 	snop  }
0x6: {  	_ = 	snop  }
0x7: {  	_ = 	snop  }
__scs_overlays_trampoline_lowered:
0x8: {  	[smem:$0x3FAA] =	sst s0  }
0x9: {  	[smem:$0x3FAB] =	sst s1  }
0xa: {  	[smem:$0x3FAC] =	sst s2  }
0xb: {  	[smem:$0x3FAD] =	sst s3  }
0xc: {  	[smem:$0x3FAE] =	sst s4  }
0xd: {  	[smem:$0x3FAF] =	sst s5  }
0xe: {  	[smem:$0x3FB0] =	sst s6  }
0xf: {  	[smem:$0x3FB1] =	sst s7  }
0x10: {  	[smem:$0x3FB2] =	sst s8  }
0x11: {  	[smem:$0x3FB3] =	sst s9;
	s0 =	simm.s32 @!p0 $0x0  }
0x12: {  	s1 =	sld [smem:$0x3F99];
	s0 =	simm.s32 @p0 $0x1  }
0x13: {  	[smem:$0x3FB4] =	sst s0;
	s0 =	simm.s32 @!p1 $0x0  }
0x14: {  	s2 =	sld [smem:$0x3F98];
	s0 =	simm.s32 @p1 $0x1  }
0x15: {  	[smem:$0x3FB5] =	sst s0;
	s0 =	simm.s32 @!p2 $0x0  }
0x16: {  	s3 =	sld [smem:$0x3FDB];
	s0 =	simm.s32 @p2 $0x1  }
0x17: {  	s4 =	simm.s32 $0x1BF5;
	[smem:$0x3FB7] =	sst s0  }
0x18: {  	s0 =	sld [smem:$0x3F9A];
	_ =	swait.ge [sflag:s4], $0x0  }
0x19: {  	s7 =	sld [smem:$0x3F9B]  }
0x1a: {  	s8 =	sadd.s32 $0xFFFFE003, lr  }
0x1b: {  	s9 =	sadd.s32 $0xFFFFFEF7, lr;
	s5 =	simm.s32 $0xFFFFFFFF;
	p2 =	slt.u32 s8, $0xFFFFF086  }
0x1c: {  	p1 =	slt.u32 s9, $0xF7A;
	s5 =	simm.s32 @!p2 $0x0  }
0x1d: {  	s5 =	simm.s32 @p1 $0x1;
	p0 =	seq.s32 s7, s2  }
0x1e: {  	s7 =	smul.u32 @!p0 $0xF7A, s2;
	p2 =	seq.s32 @!p0 s5, $0x0  }
0x1f: {  	s9 =	smul.u32 $0xF7A, s1;
	s8 =	simm.s32 @!p0 $0x1BF5;
	p2 =	por !p2, p0  }
0x20: {  	[sflag:s8] =	ssyncset.s32 @!p0 $0xFFFFF086;
	s6 =	sadd.s32 @!p0 s3, s7;
	s7 =	simm.s32 @!p0 $0x108  }
0x21: {  	s3 =	sadd.s32 s3, s9;
	s6 =	sadd.s32 @!p0 $0x88, s6;
	s7 =	simm.s32 @p2 $0x1082  }
0x22: {  	[simem:s7], [sflag:s8] =	dma.local @!p0 [hbm:s6], $0xF7A  }
0x23: {  	s9 =	sor.u32 $0xD0000000, s2;
	s6 =	simm.s32 $0x108;
	_ =	swait.ge @!p0 [sflag:s8], $0x0  }
0x24: {  	s3 =	sadd.s32 $0x88, s3;
	s6 =	simm.s32 @!p1 $0x1082;
	[sflag:s4] =	ssyncset.s32 $0xFFFFF086  }
0x25: {  	[simem:s6], [sflag:s4] =	dma.local [hbm:s3], $0xF7A  }
0x26: {  	[smem:$0x3F9B] =	sst s1;
	(tag) =	ssettag s2;
	_ =	strace s9  }
0x27: {  	s1 =	sld [smem:$0x3FAB]  }
0x28: {  	s2 =	sld [smem:$0x3FAC]  }
0x29: {  	s4 =	sld [smem:$0x3FAE]  }
0x2a: {  	p0 =	seq.s32 s5, $0x0;
	s5 =	sld [smem:$0x3FAF]  }
0x2b: {  	s6 =	sld [smem:$0x3FB0]  }
0x2c: {  	s7 =	sld [smem:$0x3FB1]  }
0x2d: {  	s3 =	simm.s32 $0x108;
	s8 =	sld [smem:$0x3FB2]  }
0x2e: {  	s3 =	simm.s32 @!p0 $0x1082;
	s9 =	sld [smem:$0x3FB3]  }
0x2f: {  	lr =	sadd.s32 s0, s3;
	s0 =	sld [smem:$0x3FAA]  }
0x30: {  	s3 =	sld [smem:$0x3FAD]  }
0x31: {  	[smem:$0x3FB6] =	sst s10  }
0x32: {  	s10 =	sld [smem:$0x3FB4];
	_ =	sdelay $0x3  }
0x33: {  	p0 =	seq.s32 s10, $0x1;
	s10 =	sld [smem:$0x3FB6];
	_ =	sdelay $0x3  }
0x34: {  	[smem:$0x3FB6] =	sst s10  }
0x35: {  	s10 =	sld [smem:$0x3FB5];
	_ =	sdelay $0x3  }
0x36: {  	p1 =	seq.s32 s10, $0x1;
	s10 =	sld [smem:$0x3FB6];
	_ =	sdelay $0x3  }
0x37: {  	[smem:$0x3FB6] =	sst s10  }
0x38: {  	s10 =	sld [smem:$0x3FB7]  }
0x39: {  	_ = 	snop;
	(pc) =	sbr.ind lr, $3  }
0x3a: {  	_ = 	snop  }
0x3b: {  	_ = 	snop  }
0x3c: {  	p2 =	seq.s32 s10, $0x1;
	s10 =	sld [smem:$0x3FB6]  }
0x3d: {  	_ =	shalt  }
0x3e: {  	_ =	shalt  }
0x3f: {  	_ =	shalt  }
0x40: {  	_ =	shalt  }
0x41: {  	_ =	shalt  }
0x42: {  	_ =	shalt  }
0x43: {  	_ =	shalt  }
0x44: {  	_ =	shalt  }
0x45: {  	_ =	shalt  }
0x46: {  	_ =	shalt  }
0x47: {  	_ =	shalt  }
0x48: {  	_ =	shalt  }
0x49: {  	_ =	shalt  }
0x4a: {  	_ =	shalt  }
0x4b: {  	_ =	shalt  }
0x4c: {  	_ =	shalt  }
0x4d: {  	_ =	shalt  }
0x4e: {  	_ =	shalt  }
0x4f: {  	_ =	shalt  }
0x50: {  	_ =	shalt  }
0x51: {  	_ =	shalt  }
0x52: {  	_ =	shalt  }
0x53: {  	_ =	shalt  }
0x54: {  	_ =	shalt  }
0x55: {  	_ =	shalt  }
0x56: {  	_ =	shalt  }
0x57: {  	_ =	shalt  }
0x58: {  	_ =	shalt  }
0x59: {  	_ =	shalt  }
0x5a: {  	_ =	shalt  }
0x5b: {  	_ =	shalt  }
0x5c: {  	_ =	shalt  }
0x5d: {  	_ =	shalt  }
0x5e: {  	_ =	shalt  }
0x5f: {  	_ =	shalt  }
0x60: {  	_ =	shalt  }
0x61: {  	_ =	shalt  }
0x62: {  	_ =	shalt  }
0x63: {  	_ =	shalt  }
0x64: {  	_ =	shalt  }
0x65: {  	_ =	shalt  }
0x66: {  	_ =	shalt  }
0x67: {  	_ =	shalt  }
0x68: {  	_ =	shalt  }
0x69: {  	_ =	shalt  }
0x6a: {  	_ =	shalt  }
0x6b: {  	_ =	shalt  }
0x6c: {  	_ =	shalt  }
0x6d: {  	_ =	shalt  }
0x6e: {  	_ =	shalt  }
0x6f: {  	_ =	shalt  }
0x70: {  	_ =	shalt  }
0x71: {  	_ =	shalt  }
0x72: {  	_ =	shalt  }
0x73: {  	_ =	shalt  }
0x74: {  	_ =	shalt  }
0x75: {  	_ =	shalt  }
0x76: {  	_ =	shalt  }
0x77: {  	_ =	shalt  }
0x78: {  	_ =	shalt  }
0x79: {  	_ =	shalt  }
0x7a: {  	_ =	shalt  }
0x7b: {  	_ =	shalt  }
0x7c: {  	_ =	shalt  }
0x7d: {  	_ =	shalt  }
0x7e: {  	_ =	shalt  }
0x7f: {  	_ =	shalt  }
0x80: {  	_ =	shalt  }
0x81: {  	_ =	shalt  }
0x82: {  	_ =	shalt  }
0x83: {  	_ =	shalt  }
0x84: {  	_ =	shalt  }
0x85: {  	_ =	shalt  }
0x86: {  	_ =	shalt  }
0x87: {  	_ =	shalt  }
.Lfunc_end0:
.L_simem_size_0:
called_computation.4_lowered:
.L_overlay_start_0:
0x88: {  	s2 =	sld [smem:$0x3FD9]  }
0x89: {  	s3 =	sld [smem:$0x3FFE];
	_ =	sdelay $0x1  }
0x8a: {  	s1 =	srdreg.scid  }
0x8b: {  	s0 =	sand.u32 $0x1, s1  }
0x8c: {  	s17 =	sshll.u32 s0, $0xA;
	s2 =	sadd.s32 s3, s2  }
0x8d: {  	s2 =	sadd.s32 s2, s17  }
0x8e: {  	[smem:$0x3FC2] =	sst s2  }
0x8f: {  	_ = 	snop  }
0x90: {  	s2 =	sld [smem:$0x3FD0];
	(tm) =	ssettm $0x1  }
0x91: {  	s18 =	sld [smem:$0x3FFB];
	_ =	sdelay $0x3  }
0x92: {  	_ =	strace s18  }
0x93: {  	s3 =	sld [smem:$0x3FFC];
	_ =	sdelay $0x3  }
0x94: {  	_ =	strace s3  }
0x95: {  	s3 =	sld [smem:$0x3FFD];
	_ =	sdelay $0x3  }
0x96: {  	_ =	strace s3  }
0x97: {  	_ =	strace $0x8FFFFFFF  }
0x98: {  	s19 =	sld [smem:$0x3FDB];
	_ =	sdelay $0x1  }
0x99: {  	s4 =	simm.s32 $_scs_section_size  }
0x9a: {  	s5 =	simm.s32 $_size__tile_overlayer_lowered;
	s6 =	simm.s32 $_tile_overlayer_lowered  }
0x9b: {  	s22 =	simm.s32 $0x1BFF;
	s21 =	sshll.u32 s6, $0x1;
	s3 =	sadd.s32 s4, s19  }
0x9c: {  	s7 =	simm.s32 $0x0;
	s20 =	sshll.u32 s5, $0x1;
	s5 =	sadd.s32 s21, s3  }
0x9d: {  	[timem:s7], [sflag:s22] =	dma.local [hbm:s5], s20  }
0x9e: {  	_ =	swait.ge [sflag:s22], s20  }
0x9f: {  	s4 =	ssub.s32 $0x0, s20;
	[sflag:s22] =	ssyncset.done $0x0  }
0xa0: {  	[sflag:s22] =	ssyncadd.s32 s4;
	_ =	sdelay $0x1  }
0xa1: {  	s23 =	simm.s32 $0x1B8B  }
0xa2: {  	_ =	swait.ge [sflag:s23], $0x1  }
0xa3: {  	[sflag:s23] =	ssyncset.done $0x0  }
0xa4: {  	s25 =	simm.s32 $0x1B8E;
	s24 =	sld [smem:$0x3FFE];
	[sflag:s23] =	ssyncadd.s32 $0xFFFFFFFF  }
0xa5: {  	s26 =	simm.s32 $execute0_lowered;
	[smem:$0x3FD2] =	sst s25  }
0xa6: {  	s5 =	sshll.u32 s26, $0x1;
	_ =	strace $0x80000052;
	[dreg:$0x1] =	wrdreg $0xFFFFFFFF  }
0xa7: {  	s28 =	simm.s32 $_size_execute0_lowered;
	s3 =	sadd.s32 s3, s5;
	[dreg:$0x0] =	wrdreg $0x0  }
0xa8: {  	s5 =	sshll.u32 s28, $0x1;
	[dreg:$0x2] =	wrdreg s3  }
0xa9: {  	[dreg:$0x3] =	wrdreg s5  }
0xaa: {  	[dreg:$0x4] =	wrdreg $0xC0  }
0xab: {  	_ =	task [dreg:s7], $0x5FFFF  }
0xac: {  	[dreg:$0x1] =	wrdreg $0xFFFFFFFF  }
0xad: {  	[dreg:$0x0] =	wrdreg $0x60  }
0xae: {  	[dreg:$0x2] =	wrdreg s24  }
0xaf: {  	[dreg:$0x3] =	wrdreg s2  }
0xb0: {  	[dreg:$0x4] =	wrdreg $0xBC000  }
0xb1: {  	[dreg:$0x5] =	wrdreg $0x9  }
0xb2: {  	_ =	task.clear_ibuf [dreg:s7], $0x6FFFF;
	_ =	strace $0x90000052  }
0xb3: {  	s29 =	simm.s32 $0x9;
	_ =	strace $0x80000054  }
0xb4: {  	_ =	swait.ge [sflag:s29], $0x1  }
0xb5: {  	[sflag:s29] =	ssyncadd.s32 $0xFFFFFFFF  }
0xb6: {  	_ =	strace $0x90000054  }
0xb7: {  	_ =	sfence  }
0xb8: {  	s30 =	sld [smem:$0x0];
	_ =	sdelay $0x2  }
0xb9: {  	s31 =	sshll.u32 s1, $0xD;
	s1 =	sshrl.u32 s1, $0x2  }
0xba: {  	s3 =	sand.u32 $0x4000, s31;
	s1 =	sadd.s32 s1, s30  }
0xbb: {  	s0 =	sor.u32 s3, s0;
	s1 =	sshll.u32 s1, $0x11  }
0xbc: {  	s0 =	sor.u32 s1, s0  }
0xbd: {  	s0 =	sadd.s32 $0x8F2B, s0  }
0xbe: {  	[sflag:s0] =	ssyncadd.remote.s32 $0x1  }
0xbf: {  	_ =	sfence.sel $0xFFFF  }
0xc0: {  	[dreg:$0x0] =	wrdreg $0xFFFFFFFF;
	(pc) =	sbr.abs _section_cstart, $3  }
0xc1: {  	[dreg:$0x1] =	wrdreg $0xFFFFFFFF  }
0xc2: {  	_ =	task.clear_ibuf [dreg:s7], $0x2FFFF;
	_ =	strace $0x9FFFFFFF  }
0xc3: {  	(tm) =	ssettm $0x7FFFFFFF  }
tec
execute0_lowered:
.L_overlay_start_1:
0x0: {  	(tag) =	ssettag $0x1  }
0x1: {  	s4 =	rddreg [dreg:$0x0]  }
0x2: {  	s6 =	rddreg [dreg:$0x1]  }
0x3: {  	s2 =	rddreg [dreg:$0x2]  }
0x4: {  	s0 =	rddreg [dreg:$0x3];
	s3 =	simm.s32 $0x0;
	s1 =	stileid.u32  }
0x5: {  	s7 =	srdreg.scid;
	s16 =	simm.s32 $0x40;
	s17 =	simm.s32 $0x7C00  }
0x6: {  	s18 =	simm.s32 $0x9C00;
	s19 =	simm.s32 $0x1;
	s5 =	smul.u32 $0x580, s1  }
0x7: {  	s20 =	simm.s32 $0x2;
	s21 =	simm.s32 $0x0;
	s8 =	smul.u32 $0xA00, s1  }
0x8: {  	[smem:$0x7FF] =	sst s3;
	s7 =	sand.u32 $0x1, s7;
	s12 =	smul.u32 $0x50000, s1  }
0x9: {  	s9 =	sadd.s32 $0x2200, s4;
	s13 =	sadd.s32 $0xA2200, s4;
	s24 =	smul.u32 $0x14000, s1  }
0xa: {  	s31 =	sshll.u32 s1, $0x6;
	_ =	strace $0x80000053;
	s10 =	ssub.s32 $0x2, s7  }
0xb: {  	s14 =	smul.u32 $0x280000, s7;
	s5 =	sadd.s32 s5, s4;
	s8 =	sadd.s32 s8, s4  }
0xc: {  	s11 =	sshrl.u32 s10, $0x1;
	s12 =	sshrl.u32 s12, $0x2;
	s25 =	sshrl.u32 s24, $0x3  }
0xd: {  	s11 =	ssub.s32 s10, s11;
	s4 =	sadd.s32 $0x206200, s5;
	s5 =	sadd.s32 $0x1FC200, s8  }
0xe: {  	s15 =	sadd.s32 s12, s2;
	s6 =	sadd.s32 s6, s25;
	s26 =	sshrl.u32 s14, $0x3  }
0xf: {  	s28 =	sadd.s32 $0x140000, s14;
	s29 =	sadd.s32 s24, s14;
	s14 =	sor.u32 $0x1C03, s31  }
0x10: {  	s7 =	sadd.s32 s9, s26;
	s10 =	sadd.s32 s24, s28;
	s12 =	sshrl.u32 s29, $0x3  }
0x11: {  	s30 =	sshrl.u32 s28, $0x3;
	s11 =	smax.u32 s11, $0x1;
	s15 =	sshrl.u32 s15, $0x3  }
0x12: {  	s10 =	sshrl.u32 s10, $0x3;
	s8 =	sadd.s32 s13, s12;
	s9 =	sadd.s32 s9, s30  }
0x13: {  	s12 =	simm.s32 $0x3;
	s10 =	sadd.s32 s13, s10;
	s13 =	simm.s32 $0x2C00  }
.LBB2_1:
0x14: {  	[tilespmem:s3], [sflag:$0x3] =	stream.linear.gather [hbm4b:s4+s3], $0x2900, $0x38;
	[tilespmem:$0x1FC00] =	vst v63  }
0x15: {  	_ =	swait.ge [sflag:s12], $0x2900  }
0x16: {  	[sflag:s12] =	ssyncset.done $0x0  }
0x17: {  	[sflag:s12] =	ssyncadd.s32 $0xFFFFD700  }
0x18: {  	[tilespmem:s13], [sflag:$0x3] =	stream.linear.gather [hbm4b:s5+s3], $0x5000, $0x38;
	[tilespmem:$0x1FC00] =	vst v63  }
0x19: {  	_ =	swait.ge [sflag:s12], $0x5000  }
0x1a: {  	[sflag:s12] =	ssyncset.done $0x0  }
0x1b: {  	[sflag:s12] =	ssyncadd.s32 $0xFFFFB000  }
0x1c: {  	[spmem:s15], [sflag:s14] =	dma.local [hbm:s6], $0x2800  }
0x1d: {  	_ =	swait.ge [sflag:s12], $0x2800  }
0x1e: {  	[sflag:s12] =	ssyncset.done $0x0  }
0x1f: {  	[sflag:s12] =	ssyncadd.s32 $0xFFFFD800  }
0x20: {  	[bflag:$0x0] =	sbarrier.arrive $0xFFFF  }
0x21: {  	[tilespmem:s17], [sflag:$0x1] =	stream.indirect.gather [hbm4b:s7+s16], $0x80, s3, s16, $0xb8;
	[tilespmem:$0x1FC00] =	vst v63  }
0x22: {  	_ = 	snop  }
0x23: {  	[tilespmem:s18], [sflag:$0x2] =	stream.indirect.gather [hbm4b:s7+s16], $0x80, s16, s16, $0xb8;
	[tilespmem:$0x1FC00] =	vst v63  }
0x24: {  	_ =	swait.ge [sflag:s19], $0x2000  }
0x25: {  	[sflag:s19] =	ssyncset.done $0x0  }
0x26: {  	s22 =	simm.s32 $0x2C00;
	[sflag:s19] =	ssyncadd.s32 $0xFFFFE000  }
0x27: {  	[spmem:s2] =	stream.indirect.scatter.add.f32 [tilespmem:s17], [sflag:$0x3], $0x80, s22, s16, $0xb8;
	[tilespmem:$0x1FC00] =	vst v63  }
0x28: {  	_ =	swait.ge [sflag:s12], $0x2000  }
0x29: {  	[sflag:s12] =	ssyncset.done $0x0  }
0x2a: {  	s30 =	simm.s32 $0x80;
	[sflag:s12] =	ssyncadd.s32 $0xFFFFE000  }
0x2b: {  	[tilespmem:s17], [sflag:$0x1] =	stream.indirect.gather [hbm4b:s7+s16], $0x80, s30, s16, $0xb8;
	[tilespmem:$0x1FC00] =	vst v63  }
0x2c: {  	_ =	swait.ge [sflag:s20], $0x2000  }
0x2d: {  	[sflag:s20] =	ssyncset.done $0x0  }
0x2e: {  	s31 =	simm.s32 $0x2C80;
	[sflag:s20] =	ssyncadd.s32 $0xFFFFE000  }
0x2f: {  	[spmem:s2] =	stream.indirect.scatter.add.f32 [tilespmem:s18], [sflag:$0x3], $0x80, s31, s16, $0xb8;
	[tilespmem:$0x1FC00] =	vst v63  }
0x30: {  	_ =	swait.ge [sflag:s12], $0x2000  }
0x31: {  	s24 =	simm.s32 $0xC0;
	[sflag:s12] =	ssyncset.done $0x0  }
0x32: {  	s23 =	simm.s32 $0x100;
	s22 =	simm.s32 $0x400;
	[sflag:s12] =	ssyncadd.s32 $0xFFFFE000  }
.LBB2_2:
0x33: {  	[tilespmem:s18], [sflag:$0x2] =	stream.indirect.gather [hbm4b:s7+s16], $0x80, s24, s16, $0xb8;
	[tilespmem:$0x1FC00] =	vst v63  }
0x34: {  	s24 =	smov.u32 s22  }
0x35: {  	p0 =	sne.s32 s22, $0x13C00;
	s22 =	sadd.s32 $0x400, s22;
	_ =	swait.ge [sflag:s19], $0x2000  }
0x36: {  	s24 =	sshra.s32 s24, $0x2;
	[sflag:s19] =	ssyncset.done $0x0  }
0x37: {  	s25 =	sadd.s32 $0x2C00, s24;
	[sflag:s19] =	ssyncadd.s32 $0xFFFFE000  }
0x38: {  	[spmem:s2] =	stream.indirect.scatter.add.f32 [tilespmem:s17], [sflag:$0x3], $0x80, s25, s16, $0xb8;
	[tilespmem:$0x1FC00] =	vst v63  }
0x39: {  	_ =	swait.ge [sflag:s12], $0x2000  }
0x3a: {  	[sflag:s12] =	ssyncset.done $0x0  }
0x3b: {  	[sflag:s12] =	ssyncadd.s32 $0xFFFFE000  }
0x3c: {  	[tilespmem:s17], [sflag:$0x1] =	stream.indirect.gather [hbm4b:s7+s16], $0x80, s23, s16, $0xb8;
	[tilespmem:$0x1FC00] =	vst v63  }
0x3d: {  	_ =	swait.ge [sflag:s20], $0x2000  }
0x3e: {  	[sflag:s20] =	ssyncset.done $0x0  }
.Ltmp0:
0x3f: {  	s24 =	sadd.s32 $0x2C80, s24;
	[sflag:s20] =	ssyncadd.s32 $0xFFFFE000;
	(pc) =	sbr.rel @p0 .LBB2_2-.Ltmp0, $4  }
0x40: {  	[spmem:s2] =	stream.indirect.scatter.add.f32 [tilespmem:s18], [sflag:$0x3], $0x80, s24, s16, $0xb8;
	[tilespmem:$0x1FC00] =	vst v63  }
0x41: {  	_ =	swait.ge [sflag:s12], $0x2000  }
0x42: {  	[sflag:s12] =	ssyncset.done $0x0  }
0x43: {  	s24 =	sadd.s32 $0x40, s23;
	s23 =	sadd.s32 $0x80, s23;
	[sflag:s12] =	ssyncadd.s32 $0xFFFFE000  }
0x44: {  	[tilespmem:s18], [sflag:$0x2] =	stream.indirect.gather [hbm4b:s7+s16], $0x80, s24, s16, $0xb8;
	[tilespmem:$0x1FC00] =	vst v63  }
0x45: {  	_ =	swait.ge [sflag:s19], $0x2000  }
0x46: {  	[sflag:s19] =	ssyncset.done $0x0  }
0x47: {  	[sflag:s19] =	ssyncadd.s32 $0xFFFFE000  }
0x48: {  	_ =	swait.ge [sflag:s20], $0x2000  }
0x49: {  	[sflag:s20] =	ssyncset.done $0x0  }
0x4a: {  	[sflag:s20] =	ssyncadd.s32 $0xFFFFE000  }
0x4b: {  	[bflag:$0x0] =	sbarrier.arrive $0xFFFF  }
0x4c: {  	[hbm:s8], [sflag:s14] =	dma.local [spmem:s15], $0x2800  }
0x4d: {  	_ =	swait.ge [sflag:s12], $0x2800  }
0x4e: {  	[sflag:s12] =	ssyncset.done $0x0  }
0x4f: {  	[sflag:s12] =	ssyncadd.s32 $0xFFFFD800  }
0x50: {  	[bflag:$0x0] =	sbarrier.arrive $0xFFFF  }
0x51: {  	[spmem:s15], [sflag:s14] =	dma.local [hbm:s6], $0x2800  }
0x52: {  	_ =	swait.ge [sflag:s12], $0x2800  }
0x53: {  	[sflag:s12] =	ssyncset.done $0x0  }
0x54: {  	[sflag:s12] =	ssyncadd.s32 $0xFFFFD800  }
0x55: {  	s22 =	simm.s32 $0x0;
	[bflag:$0x0] =	sbarrier.arrive $0xFFFF  }
0x56: {  	[tilespmem:s17], [sflag:$0x1] =	stream.indirect.gather [hbm4b:s9+s16], $0x80, s22, s16, $0xb8;
	[tilespmem:$0x1FC00] =	vst v63  }
0x57: {  	_ = 	snop  }
0x58: {  	[tilespmem:s18], [sflag:$0x2] =	stream.indirect.gather [hbm4b:s9+s16], $0x80, s16, s16, $0xb8;
	[tilespmem:$0x1FC00] =	vst v63  }
0x59: {  	_ =	swait.ge [sflag:s19], $0x2000  }
0x5a: {  	[sflag:s19] =	ssyncset.done $0x0  }
0x5b: {  	s29 =	simm.s32 $0x2C00;
	[sflag:s19] =	ssyncadd.s32 $0xFFFFE000  }
0x5c: {  	[spmem:s2] =	stream.indirect.scatter.add.f32 [tilespmem:s17], [sflag:$0x3], $0x80, s29, s16, $0xb8;
	[tilespmem:$0x1FC00] =	vst v63  }
0x5d: {  	_ =	swait.ge [sflag:s12], $0x2000  }
0x5e: {  	[sflag:s12] =	ssyncset.done $0x0  }
0x5f: {  	s30 =	simm.s32 $0x80;
	[sflag:s12] =	ssyncadd.s32 $0xFFFFE000  }
0x60: {  	[tilespmem:s17], [sflag:$0x1] =	stream.indirect.gather [hbm4b:s9+s16], $0x80, s30, s16, $0xb8;
	[tilespmem:$0x1FC00] =	vst v63  }
0x61: {  	_ =	swait.ge [sflag:s20], $0x2000  }
0x62: {  	[sflag:s20] =	ssyncset.done $0x0  }
0x63: {  	s31 =	simm.s32 $0x2C80;
	[sflag:s20] =	ssyncadd.s32 $0xFFFFE000  }
0x64: {  	[spmem:s2] =	stream.indirect.scatter.add.f32 [tilespmem:s18], [sflag:$0x3], $0x80, s31, s16, $0xb8;
	[tilespmem:$0x1FC00] =	vst v63  }
0x65: {  	_ =	swait.ge [sflag:s12], $0x2000  }
0x66: {  	s24 =	simm.s32 $0xC0;
	[sflag:s12] =	ssyncset.done $0x0  }
0x67: {  	s23 =	simm.s32 $0x100;
	s22 =	simm.s32 $0x400;
	[sflag:s12] =	ssyncadd.s32 $0xFFFFE000  }
.LBB2_4:
0x68: {  	[tilespmem:s18], [sflag:$0x2] =	stream.indirect.gather [hbm4b:s9+s16], $0x80, s24, s16, $0xb8;
	[tilespmem:$0x1FC00] =	vst v63  }
0x69: {  	s24 =	smov.u32 s22  }
0x6a: {  	p0 =	sne.s32 s22, $0x13C00;
	s22 =	sadd.s32 $0x400, s22;
	_ =	swait.ge [sflag:s19], $0x2000  }
0x6b: {  	s24 =	sshra.s32 s24, $0x2;
	[sflag:s19] =	ssyncset.done $0x0  }
0x6c: {  	s25 =	sadd.s32 $0x2C00, s24;
	[sflag:s19] =	ssyncadd.s32 $0xFFFFE000  }
0x6d: {  	[spmem:s2] =	stream.indirect.scatter.add.f32 [tilespmem:s17], [sflag:$0x3], $0x80, s25, s16, $0xb8;
	[tilespmem:$0x1FC00] =	vst v63  }
0x6e: {  	_ =	swait.ge [sflag:s12], $0x2000  }
0x6f: {  	[sflag:s12] =	ssyncset.done $0x0  }
0x70: {  	[sflag:s12] =	ssyncadd.s32 $0xFFFFE000  }
0x71: {  	[tilespmem:s17], [sflag:$0x1] =	stream.indirect.gather [hbm4b:s9+s16], $0x80, s23, s16, $0xb8;
	[tilespmem:$0x1FC00] =	vst v63  }
0x72: {  	_ =	swait.ge [sflag:s20], $0x2000  }
0x73: {  	[sflag:s20] =	ssyncset.done $0x0  }
.Ltmp1:
0x74: {  	s24 =	sadd.s32 $0x2C80, s24;
	[sflag:s20] =	ssyncadd.s32 $0xFFFFE000;
	(pc) =	sbr.rel @p0 .LBB2_4-.Ltmp1, $4  }
0x75: {  	[spmem:s2] =	stream.indirect.scatter.add.f32 [tilespmem:s18], [sflag:$0x3], $0x80, s24, s16, $0xb8;
	[tilespmem:$0x1FC00] =	vst v63  }
0x76: {  	_ =	swait.ge [sflag:s12], $0x2000  }
0x77: {  	[sflag:s12] =	ssyncset.done $0x0  }
0x78: {  	s24 =	sadd.s32 $0x40, s23;
	s23 =	sadd.s32 $0x80, s23;
	[sflag:s12] =	ssyncadd.s32 $0xFFFFE000  }
0x79: {  	[tilespmem:s18], [sflag:$0x2] =	stream.indirect.gather [hbm4b:s9+s16], $0x80, s24, s16, $0xb8;
	[tilespmem:$0x1FC00] =	vst v63  }
0x7a: {  	_ =	swait.ge [sflag:s19], $0x2000  }
0x7b: {  	[sflag:s19] =	ssyncset.done $0x0  }
0x7c: {  	[sflag:s19] =	ssyncadd.s32 $0xFFFFE000  }
0x7d: {  	_ =	swait.ge [sflag:s20], $0x2000  }
0x7e: {  	[sflag:s20] =	ssyncset.done $0x0  }
0x7f: {  	s21 =	sadd.s32 $0x1, s21;
	[sflag:s20] =	ssyncadd.s32 $0xFFFFE000  }
0x80: {  	p0 =	sne.s32 s21, s11;
	[bflag:$0x0] =	sbarrier.arrive $0xFFFF  }
0x81: {  	[hbm:s10], [sflag:s14] =	dma.local [spmem:s15], $0x2800  }
.Ltmp2:
0x82: {  	_ =	swait.ge [sflag:s12], $0x2800;
	(pc) =	sbr.rel @p0 .LBB2_1-.Ltmp2, $3  }
0x83: {  	[sflag:s12] =	ssyncset.done $0x0  }
0x84: {  	[sflag:s12] =	ssyncadd.s32 $0xFFFFD800  }
0x85: {  	[bflag:$0x0] =	sbarrier.arrive $0xFFFF;
	_ =	sdelay $0x1  }
0x86: {  	_ =	sfence.sel $0x180000  }
0x87: {  	[bflag:$0x0] =	sbarrier.arrive $0xFFFF  }
0x88: {  	p0 =	sne.s32 s1, $0x0;
	_ =	strace $0x90000053  }
0x89: {  	s0 =	sadd.s32 @!p0 $0x100000, s0;
	[bflag:$0x2] =	sbarrier.arrive $0xFFFF  }
0x8a: {  	[sflag:s0] =	ssyncadd.tile.s32 @!p0 $0x1;
	_ =	shalt  }
.Lfunc_end2:
_tile_overlayer_lowered:
.L_overlay_start_2:
0x8b: {  	(tag) =	ssettag $0x2  }
0x8c: {  	s0 =	rddreg [dreg:$0x0];
	s2 =	stileid.u32  }
0x8d: {  	s1 =	rddreg [dreg:$0x1];
	p0 =	sne.s32 s2, $0x0  }
0x8e: {  	s3 =	rddreg [dreg:$0x2];
	[bflag:$0x3] =	sbarrier.arrive $0xFFFF;
	s2 =	simm.s32 @!p0 $0x1C03  }
0x8f: {  	[timem:s3], [sflag:s2] =	dma.local @!p0 [hbm:s0], s1  }
0x90: {  	s0 =	simm.s32 @!p0 $0x3  }
0x91: {  	_ =	swait.ge @!p0 [sflag:s0], s1  }
0x92: {  	s1 =	ssub.s32 @!p0 $0x0, s1;
	[sflag:s0] =	ssyncset.done @!p0 $0x0  }
0x93: {  	[sflag:s0] =	ssyncadd.s32 @!p0 s1  }
0x94: {  	[bflag:$0x3] =	sbarrier.arrive $0xFFFF  }
0x95: {  	_ =	shalt  }

</sc_bundles>
